<compile_context>
chip_gen: v7x
topology: tpu7x:2x2x1
jax: 0.10.2.dev20260603
libtpu: 0.0.44.dev20260713+nightly
codegen_flags: <defaults>
</compile_context>

<pallas_src>
import functools

import jax
import jax.numpy as jnp
from jax import lax
from jax.experimental import pallas as pl
from jax.experimental.pallas import tpu as pltpu
from jax.experimental.pallas import tpu_sc as plsc

L = 16
NC = 2
NS = 16
NW = NC * NS
GROUP = 128


def _elu_body(x_ref, w_ref, o_ref):
    x = x_ref[...] * w_ref[...]
    o_ref[...] = jnp.where(x > 0, x, jnp.exp(jnp.minimum(x, 0.0)) - 1.0)


def _add_body(p_ref, o_ref):
    o_ref[...] = p_ref[0] + p_ref[1]


def _make_sc_call(n_nodes, d, gpt0, gpt1, acc_rows, trash):
    icg = 16
    cbuf_len = (icg + 1) * GROUP + L
    wrows = -(-n_nodes // (NS * 8)) * 8
    wlast = n_nodes - (NS - 1) * wrows
    zper = acc_rows // NS
    mesh = plsc.VectorSubcoreMesh(core_axis_name="c", subcore_axis_name="s")

    @functools.partial(
        pl.kernel,
        out_type=jax.ShapeDtypeStruct((NC, n_nodes, d), jnp.float32),
        mesh=mesh,
        compiler_params=pltpu.CompilerParams(needs_layout_passes=False),
        scratch_types=[
            pltpu.VMEM((icg, GROUP), jnp.int32),
            pltpu.VMEM((icg, GROUP), jnp.int32),
            pltpu.VMEM((icg, GROUP), jnp.int32),
            pltpu.VMEM((cbuf_len,), jnp.int32),
            pltpu.VMEM((cbuf_len,), jnp.int32),
            pltpu.VMEM((2, GROUP), jnp.int32),
            pltpu.VMEM((GROUP,), jnp.float32),
            pltpu.VMEM((GROUP, d), jnp.float32),
            pltpu.VMEM((GROUP, d), jnp.float32),
            pltpu.VMEM_SHARED((acc_rows, d), jnp.float32),
            pltpu.SemaphoreType.DMA,
            pltpu.SemaphoreType.DMA,
            pltpu.SemaphoreType.DMA,
            pltpu.SemaphoreType.DMA,
        ],
    )
    def sc_kernel(emb_h, src1_h, dst1_h, src2_h, dst2_h, ef_h, out_h,
                  idx_src, idx_dst, idx_e, csrc, cdst, hrow, scale_v,
                  rows0, rows1, acc, gsem0, gsem1, ssem0, ssem1):
        rows_bufs = (rows0, rows1)
        gsems = (gsem0, gsem1)
        ssems = (ssem0, ssem1)
        c = lax.axis_index("c")
        s = lax.axis_index("s")

        def zrow(r, carry):
            for k in range(d // L):
                rows0[r, pl.ds(k * L, L)] = jnp.zeros((L,), jnp.float32)
            return carry
        lax.fori_loop(0, GROUP, zrow, 0)
        zbase = s * zper
        def zcp(i, carry):
            pltpu.sync_copy(rows0, acc.at[pl.ds(zbase + i * GROUP, GROUP)])
            return carry
        lax.fori_loop(0, zper // GROUP, zcp, 0)
        plsc.subcore_barrier()

        my_gpt = jnp.where(c == 0, gpt0, gpt1)
        row_base = jnp.where(c == 0, s * gpt0, NS * gpt0 + s * gpt1)

        tvec = jnp.full((L,), trash, jnp.int32) + s

        def run_compacted(off):
            for k in range(GROUP // L):
                csrc[pl.ds(off + k * L, L)] = jnp.zeros((L,), jnp.int32)
                cdst[pl.ds(off + k * L, L)] = tvec
            ng = off // GROUP + 1

            pltpu.async_copy(emb_h.at[csrc.at[pl.ds(0, GROUP)]], rows0,
                             gsem0)

            def pair2(gg, carry2):
                for b in range(2):
                    g2 = gg * 2 + b

                    @pl.when(g2 < ng)
                    def _():
                        rb, rnb = rows_bufs[b], rows_bufs[1 - b]

                        @pl.when(g2 + 1 < ng)
                        def _():
                            @pl.when(g2 >= 1)
                            def _():
                                pltpu.make_async_copy(
                                    rnb, acc.at[hrow.at[1 - b]],
                                    ssems[1 - b]).wait()
                            pltpu.async_copy(
                                emb_h.at[
                                    csrc.at[pl.ds((g2 + 1) * GROUP, GROUP)]],
                                rnb, gsems[1 - b])

                        pltpu.make_async_copy(
                            emb_h.at[csrc.at[pl.ds(0, GROUP)]], rb,
                            gsems[b]).wait()

                        for k in range(GROUP // L):
                            hrow[b, pl.ds(k * L, L)] = cdst[
                                pl.ds(g2 * GROUP + k * L, L)]

                        pltpu.async_copy(rb, acc.at[hrow.at[b]], ssems[b],
                                         add=True)
                return carry2
            lax.fori_loop(0, (icg + 2) // 2, pair2, 0)

            nm = ng % 2

            @pl.when(ng >= 2)
            def _():
                @pl.when(nm == 0)
                def _():
                    pltpu.make_async_copy(
                        rows0, acc.at[hrow.at[0]], ssem0).wait()

                @pl.when(nm == 1)
                def _():
                    pltpu.make_async_copy(
                        rows1, acc.at[hrow.at[1]], ssem1).wait()

            @pl.when(nm == 1)
            def _():
                pltpu.make_async_copy(
                    rows0, acc.at[hrow.at[0]], ssem0).wait()

            @pl.when(nm == 0)
            def _():
                pltpu.make_async_copy(
                    rows1, acc.at[hrow.at[1]], ssem1).wait()

        def ichunk1(ic, carry):
            ib = row_base + ic * icg
            pltpu.async_copy(src1_h.at[pl.ds(ib, icg)], idx_src, gsem0)
            pltpu.async_copy(dst1_h.at[pl.ds(ib, icg)], idx_dst, gsem1)
            pltpu.async_copy(ef_h.at[pl.ds(ib, icg)], idx_e, ssem0)
            pltpu.make_async_copy(src1_h.at[pl.ds(ib, icg)], idx_src,
                                  gsem0).wait()
            pltpu.make_async_copy(dst1_h.at[pl.ds(ib, icg)], idx_dst,
                                  gsem1).wait()
            pltpu.make_async_copy(ef_h.at[pl.ds(ib, icg)], idx_e,
                                  ssem0).wait()

            pltpu.async_copy(emb_h.at[idx_src.at[0]], rows0, gsem0)

            def pair(gg, carry2):
                for b in range(2):
                    g = gg * 2 + b
                    rb, rnb = rows_bufs[b], rows_bufs[1 - b]

                    @pl.when(g + 1 < icg)
                    def _():
                        @pl.when(g >= 1)
                        def _():
                            pltpu.make_async_copy(
                                rnb, acc.at[idx_dst.at[0]],
                                ssems[1 - b]).wait()
                        pltpu.async_copy(
                            emb_h.at[idx_src.at[g + 1]], rnb, gsems[1 - b])

                    pltpu.make_async_copy(
                        emb_h.at[idx_src.at[g]], rb, gsems[b]).wait()

                    for j in range(GROUP // L):
                        ev = idx_e[g, pl.ds(j * L, L)]
                        m = (ev >= 0) & (ev <= 4)
                        scale_v[pl.ds(j * L, L)] = jnp.where(
                            m, jnp.float32(2.0), jnp.float32(1.0))

                    def mule(t, carry3):
                        sp = plsc.load_gather(
                            scale_v, [jnp.full((L,), t, jnp.int32)])
                        for k in range(d // L):
                            rb[t, pl.ds(k * L, L)] = (
                                rb[t, pl.ds(k * L, L)] * sp)
                        return carry3
                    lax.fori_loop(0, GROUP, mule, 0)

                    pltpu.async_copy(rb, acc.at[idx_dst.at[g]], ssems[b],
                                     add=True)
                return carry2
            lax.fori_loop(0, icg // 2, pair, 0)

            pltpu.make_async_copy(rows0, acc.at[idx_dst.at[0]],
                                  ssem0).wait()
            pltpu.make_async_copy(rows1, acc.at[idx_dst.at[0]],
                                  ssem1).wait()
            return carry
        lax.fori_loop(0, my_gpt // icg, ichunk1, 0)

        def ichunk2(ic, carry):
            ib = row_base + ic * icg
            pltpu.async_copy(src2_h.at[pl.ds(ib, icg)], idx_src, gsem0)
            pltpu.async_copy(dst2_h.at[pl.ds(ib, icg)], idx_dst, gsem1)
            pltpu.async_copy(ef_h.at[pl.ds(ib, icg)], idx_e, ssem0)
            pltpu.make_async_copy(src2_h.at[pl.ds(ib, icg)], idx_src,
                                  gsem0).wait()
            pltpu.make_async_copy(dst2_h.at[pl.ds(ib, icg)], idx_dst,
                                  gsem1).wait()
            pltpu.make_async_copy(ef_h.at[pl.ds(ib, icg)], idx_e,
                                  ssem0).wait()

            def comp(g, off):
                for j in range(GROUP // L):
                    ev = idx_e[g, pl.ds(j * L, L)]
                    m = (ev == 6) | (ev == 14) | (ev == 30)
                    plsc.store_compressed(
                        csrc.at[pl.ds(off, L)],
                        idx_src[g, pl.ds(j * L, L)], mask=m)
                    plsc.store_compressed(
                        cdst.at[pl.ds(off, L)],
                        idx_dst[g, pl.ds(j * L, L)], mask=m)
                    off = off + jnp.sum(m.astype(jnp.int32))
                return off
            off = lax.fori_loop(0, icg, comp, jnp.int32(0))
            run_compacted(off)
            return carry
        lax.fori_loop(0, my_gpt // icg, ichunk2, 0)

        plsc.subcore_barrier()
        @pl.when(s < NS - 1)
        def _():
            pltpu.sync_copy(acc.at[pl.ds(s * wrows, wrows)],
                            out_h.at[c, pl.ds(s * wrows, wrows)])

        @pl.when(s == NS - 1)
        def _():
            pltpu.sync_copy(acc.at[pl.ds((NS - 1) * wrows, wlast)],
                            out_h.at[c, pl.ds((NS - 1) * wrows, wlast)])

    return sc_kernel


def kernel(graph, trans_graph, graph_embedding, e_feat, weight):
    n_nodes, d = graph_embedding.shape
    e = graph.shape[1]

    bn = 1000
    emb = pl.pallas_call(
        _elu_body,
        out_shape=jax.ShapeDtypeStruct((n_nodes, d), jnp.float32),
        grid=(n_nodes // bn,),
        in_specs=[
            pl.BlockSpec((bn, d), lambda i: (i, 0)),
            pl.BlockSpec((1, d), lambda i: (0, 0)),
        ],
        out_specs=pl.BlockSpec((bn, d), lambda i: (i, 0)),
    )(graph_embedding, weight)

    gpt = -(-e // (NW * GROUP))
    gpt = -(-gpt // 16) * 16
    frac0 = 0.90
    gpt0 = int(round(2 * gpt * frac0 / 16)) * 16
    gpt1 = 2 * gpt - gpt0
    e_pad = NS * (gpt0 + gpt1) * GROUP
    pad = e_pad - e
    trash = n_nodes
    acc_rows = -(-(n_nodes + NS) // (NS * GROUP)) * (NS * GROUP)

    def prep(idx, padval):
        if pad:
            idx = jnp.concatenate(
                [idx, jnp.full((pad,), padval, jnp.int32)])
        return idx.reshape(-1, GROUP)

    src1 = prep(graph[0], 0)
    dst1 = prep(graph[1], trash)
    src2 = prep(trans_graph[0], 0)
    dst2 = prep(trans_graph[1], trash)
    ef = prep(e_feat, 5)

    sc_call = _make_sc_call(n_nodes, d, gpt0, gpt1, acc_rows, trash)
    partials = sc_call(emb, src1, dst1, src2, dst2, ef)

    out = pl.pallas_call(
        _add_body,
        out_shape=jax.ShapeDtypeStruct((n_nodes, d), jnp.float32),
        grid=(n_nodes // bn,),
        in_specs=[pl.BlockSpec((NC, bn, d), lambda i: (0, i, 0))],
        out_specs=pl.BlockSpec((bn, d), lambda i: (i, 0)),
    )(partials)
    return out

# --- scband reference (transcript-rebuilt; emitter-appended) ---
"""Pipeline reference for scband-freebase-bidirection-hnode-prompt-layer-feature-weighted-sum-21534966022309 (READ-ONLY COPY).

The authoritative reference and input builder live on the scoring server;
editing this copy changes nothing except your own understanding.
"""

import jax, jax.numpy as jnp
import numpy as np

N = 10000
E = 320000
D = 128


def setup_inputs(seed: int = 0) -> dict:
    key = jax.random.key(seed)
    k1, k2, k3, k4, k5 = jax.random.split(key, 5)
    graph_embedding = jax.random.normal(k1, (N, D), dtype=jnp.float32)
    graph = jax.random.randint(k2, (2, E), 0, N, dtype=jnp.int32)
    trans_graph = jax.random.randint(k3, (2, E), 0, N, dtype=jnp.int32)
    e_feat = jax.random.randint(k4, (E,), 0, 31, dtype=jnp.int32)
    # xavier_uniform for weight of shape (1, D): fan_in=D, fan_out=1
    limit = float(np.sqrt(6.0 / (D + 1)))
    weight = jax.random.uniform(k5, (1, D), minval=-limit, maxval=limit, dtype=jnp.float32)
    return {
        'graph': graph,
        'trans_graph': trans_graph,
        'graph_embedding': graph_embedding,
        'e_feat': e_feat,
        'weight': weight,
    }


def reference(graph, trans_graph, graph_embedding, e_feat, weight):
    n_nodes = graph_embedding.shape[0]
    # e_feat.reshape(-1, 1).float()
    e = e_feat.reshape(-1, 1).astype(jnp.float32)
    # emb = F.elu(graph_embedding * self.weight); all ft variants share it
    emb = jax.nn.elu(graph_embedding * weight)

    # --- graph.update_all(message_func, fn.sum('m', 'ft')) ---
    src, dst = graph[0], graph[1]
    ft_src = jnp.take(emb, src, axis=0)
    res = ft_src
    for v in (0.0, 1.0, 2.0, 3.0, 4.0):
        mask = jnp.broadcast_to(e == v, ft_src.shape)
        msg = jnp.where(mask, ft_src, jnp.zeros_like(ft_src))
        res = res + msg
    agg = jax.ops.segment_sum(res, dst, num_segments=n_nodes)

    # --- trans_graph.update_all(message_func0, fn.sum('m', 'ft')) ---
    src2, dst2 = trans_graph[0], trans_graph[1]
    ft_src2 = jnp.take(emb, src2, axis=0)
    res2 = jnp.zeros_like(ft_src2)
    for v in (6.0, 14.0, 30.0):
        mask = jnp.broadcast_to(e == v, ft_src2.shape)
        msg = jnp.where(mask, ft_src2, jnp.zeros_like(ft_src2))
        res2 = res2 + msg
    agg2 = jax.ops.segment_sum(res2, dst2, num_segments=n_nodes)

    return agg + agg2

if __name__ == "__main__":
    import jax
    _d = setup_inputs()
    print(jax.jit(kernel)(*tuple(_d.values())))

</pallas_src>

<mosaic_0001>
#map = affine_map<(d0, d1) -> (0, 0)>
#map1 = affine_map<(d0, d1) -> (0, 0, 0)>
module attributes {stable_mosaic.version = 14 : i64} {
  func.func @sc_kernel(%arg0: i32, %arg1: i32, %arg2: memref<10000x128xf32, #tpu.memory_space<hbm>>, %arg3: memref<2560x128xi32, #tpu.memory_space<hbm>>, %arg4: memref<2560x128xi32, #tpu.memory_space<hbm>>, %arg5: memref<2560x128xi32, #tpu.memory_space<hbm>>, %arg6: memref<2560x128xi32, #tpu.memory_space<hbm>>, %arg7: memref<2560x128xi32, #tpu.memory_space<hbm>>, %arg8: memref<2x10000x128xf32, #tpu.memory_space<hbm>>, %arg9: memref<16x128xi32, #tpu.memory_space<vmem>>, %arg10: memref<16x128xi32, #tpu.memory_space<vmem>>, %arg11: memref<16x128xi32, #tpu.memory_space<vmem>>, %arg12: memref<2192xi32, #tpu.memory_space<vmem>>, %arg13: memref<2192xi32, #tpu.memory_space<vmem>>, %arg14: memref<2x128xi32, #tpu.memory_space<vmem>>, %arg15: memref<128xf32, #tpu.memory_space<vmem>>, %arg16: memref<128x128xf32, #tpu.memory_space<vmem>>, %arg17: memref<128x128xf32, #tpu.memory_space<vmem>>, %arg18: memref<10240x128xf32, #tpu.memory_space<vmem_shared>>, %arg19: memref<!tpu.dma_semaphore, #tpu.memory_space<semaphore_mem>>, %arg20: memref<!tpu.dma_semaphore, #tpu.memory_space<semaphore_mem>>, %arg21: memref<!tpu.dma_semaphore, #tpu.memory_space<semaphore_mem>>, %arg22: memref<!tpu.dma_semaphore, #tpu.memory_space<semaphore_mem>>) attributes {dimension_semantics = [#tpu.dimension_semantics<core_parallel>, #tpu.dimension_semantics<subcore_parallel>], iteration_bounds = array<i64: 2, 16>, scalar_prefetch = 0 : i64, scratch_operands = 14 : i64, tpu.core_type = #tpu.core_type<sc_vector_subcore>, window_params = [{transform_indices = #map}, {transform_indices = #map}, {transform_indices = #map}, {transform_indices = #map}, {transform_indices = #map}, {transform_indices = #map}, {transform_indices = #map1}]} {
    %scan3A = arith.constant 0 : i32
    %scan3A_0 = arith.constant 0 : i32
    %scan3A_1 = arith.constant 128 : i32
    %scan3A_2 = arith.addi %scan3A_0, %scan3A_1 : i32
    %scan3A_3 = arith.constant 1 : i32
    scf.for %scan3A_94 = %scan3A_0 to %scan3A_2 step %scan3A_3  : i32 {
      %broadcast_in_dim3A_95 = arith.constant 0.000000e+00 : f32
      %broadcast_in_dim3A_96 = vector.broadcast %broadcast_in_dim3A_95 : f32 to vector<16xf32>
      %swap3A = arith.index_cast %scan3A_94 : i32 to index
      %swap3A_97 = arith.constant 0 : index
      %swap3A_98 = tpu.vector_load %arg16[%swap3A, %swap3A_97] {strides = array<i32>} : memref<128x128xf32, #tpu.memory_space<vmem>>, vector<16xf32>,
      tpu.vector_store %arg16[%swap3A, %swap3A_97], %broadcast_in_dim3A_96 {strides = array<i32>} : memref<128x128xf32, #tpu.memory_space<vmem>>, vector<16xf32>,
      %broadcast_in_dim3A_99 = arith.constant 0.000000e+00 : f32
      %broadcast_in_dim3A_100 = vector.broadcast %broadcast_in_dim3A_99 : f32 to vector<16xf32>
      %swap3A_101 = arith.index_cast %scan3A_94 : i32 to index
      %swap3A_102 = arith.constant 16 : index
      %swap3A_103 = tpu.vector_load %arg16[%swap3A_101, %swap3A_102] {strides = array<i32>} : memref<128x128xf32, #tpu.memory_space<vmem>>, vector<16xf32>,
      tpu.vector_store %arg16[%swap3A_101, %swap3A_102], %broadcast_in_dim3A_100 {strides = array<i32>} : memref<128x128xf32, #tpu.memory_space<vmem>>, vector<16xf32>,
      %broadcast_in_dim3A_104 = arith.constant 0.000000e+00 : f32
      %broadcast_in_dim3A_105 = vector.broadcast %broadcast_in_dim3A_104 : f32 to vector<16xf32>
      %swap3A_106 = arith.index_cast %scan3A_94 : i32 to index
      %swap3A_107 = arith.constant 32 : index
      %swap3A_108 = tpu.vector_load %arg16[%swap3A_106, %swap3A_107] {strides = array<i32>} : memref<128x128xf32, #tpu.memory_space<vmem>>, vector<16xf32>,
      tpu.vector_store %arg16[%swap3A_106, %swap3A_107], %broadcast_in_dim3A_105 {strides = array<i32>} : memref<128x128xf32, #tpu.memory_space<vmem>>, vector<16xf32>,
      %broadcast_in_dim3A_109 = arith.constant 0.000000e+00 : f32
      %broadcast_in_dim3A_110 = vector.broadcast %broadcast_in_dim3A_109 : f32 to vector<16xf32>
      %swap3A_111 = arith.index_cast %scan3A_94 : i32 to index
      %swap3A_112 = arith.constant 48 : index
      %swap3A_113 = tpu.vector_load %arg16[%swap3A_111, %swap3A_112] {strides = array<i32>} : memref<128x128xf32, #tpu.memory_space<vmem>>, vector<16xf32>,
      tpu.vector_store %arg16[%swap3A_111, %swap3A_112], %broadcast_in_dim3A_110 {strides = array<i32>} : memref<128x128xf32, #tpu.memory_space<vmem>>, vector<16xf32>,
      %broadcast_in_dim3A_114 = arith.constant 0.000000e+00 : f32
      %broadcast_in_dim3A_115 = vector.broadcast %broadcast_in_dim3A_114 : f32 to vector<16xf32>
      %swap3A_116 = arith.index_cast %scan3A_94 : i32 to index
      %swap3A_117 = arith.constant 64 : index
      %swap3A_118 = tpu.vector_load %arg16[%swap3A_116, %swap3A_117] {strides = array<i32>} : memref<128x128xf32, #tpu.memory_space<vmem>>, vector<16xf32>,
      tpu.vector_store %arg16[%swap3A_116, %swap3A_117], %broadcast_in_dim3A_115 {strides = array<i32>} : memref<128x128xf32, #tpu.memory_space<vmem>>, vector<16xf32>,
      %broadcast_in_dim3A_119 = arith.constant 0.000000e+00 : f32
      %broadcast_in_dim3A_120 = vector.broadcast %broadcast_in_dim3A_119 : f32 to vector<16xf32>
      %swap3A_121 = arith.index_cast %scan3A_94 : i32 to index
      %swap3A_122 = arith.constant 80 : index
      %swap3A_123 = tpu.vector_load %arg16[%swap3A_121, %swap3A_122] {strides = array<i32>} : memref<128x128xf32, #tpu.memory_space<vmem>>, vector<16xf32>,
      tpu.vector_store %arg16[%swap3A_121, %swap3A_122], %broadcast_in_dim3A_120 {strides = array<i32>} : memref<128x128xf32, #tpu.memory_space<vmem>>, vector<16xf32>,
      %broadcast_in_dim3A_124 = arith.constant 0.000000e+00 : f32
      %broadcast_in_dim3A_125 = vector.broadcast %broadcast_in_dim3A_124 : f32 to vector<16xf32>
      %swap3A_126 = arith.index_cast %scan3A_94 : i32 to index
      %swap3A_127 = arith.constant 96 : index
      %swap3A_128 = tpu.vector_load %arg16[%swap3A_126, %swap3A_127] {strides = array<i32>} : memref<128x128xf32, #tpu.memory_space<vmem>>, vector<16xf32>,
      tpu.vector_store %arg16[%swap3A_126, %swap3A_127], %broadcast_in_dim3A_125 {strides = array<i32>} : memref<128x128xf32, #tpu.memory_space<vmem>>, vector<16xf32>,
      %broadcast_in_dim3A_129 = arith.constant 0.000000e+00 : f32
      %broadcast_in_dim3A_130 = vector.broadcast %broadcast_in_dim3A_129 : f32 to vector<16xf32>
      %swap3A_131 = arith.index_cast %scan3A_94 : i32 to index
      %swap3A_132 = arith.constant 112 : index
      %swap3A_133 = tpu.vector_load %arg16[%swap3A_131, %swap3A_132] {strides = array<i32>} : memref<128x128xf32, #tpu.memory_space<vmem>>, vector<16xf32>,
      tpu.vector_store %arg16[%swap3A_131, %swap3A_132], %broadcast_in_dim3A_130 {strides = array<i32>} : memref<128x128xf32, #tpu.memory_space<vmem>>, vector<16xf32>,
    }
    %scan3A_4 = arith.constant 128 : i32
    %mul3A = arith.constant 640 : i32
    %mul3A_5 = arith.muli %arg1, %mul3A : i32
    %scan3A_6 = arith.constant 0 : i32
    %scan3A_7 = arith.constant 0 : i32
    %scan3A_8 = arith.constant 5 : i32
    %scan3A_9 = arith.addi %scan3A_7, %scan3A_8 : i32
    %scan3A_10 = arith.constant 1 : i32
    scf.for %scan3A_94 = %scan3A_7 to %scan3A_9 step %scan3A_10  : i32 {
      %mul3A_95 = arith.constant 128 : i32
      %mul3A_96 = arith.muli %scan3A_94, %mul3A_95 : i32
      %add3A_97 = arith.addi %mul3A_5, %mul3A_96 : i32
      "tpu.region"() ({
        %run_scoped3A = tpu.sem_alloc : memref<!tpu.dma_semaphore, #tpu.memory_space<semaphore_mem>>
        %dma_start3A = arith.constant 0 : i32
        %dma_start3A_98 = tpu.memref_slice %arg18[%add3A_97, %dma_start3A] : memref<10240x128xf32, #tpu.memory_space<vmem_shared>> -> memref<128x128xf32, #tpu.memory_space<vmem_shared>>
        %dma_start3A_99 = arith.constant 0 : i32
        %dma_start3A_100 = tpu.memref_slice %arg18[%add3A_97, %dma_start3A_99] : memref<10240x128xf32, #tpu.memory_space<vmem_shared>> -> memref<128x128xf32, #tpu.memory_space<vmem_shared>>
        tpu.enqueue_dma source(%arg16 : memref<128x128xf32, #tpu.memory_space<vmem>>) target(%dma_start3A_100 : memref<128x128xf32, #tpu.memory_space<vmem_shared>>) target_semaphore(%run_scoped3A : memref<!tpu.dma_semaphore, #tpu.memory_space<semaphore_mem>>)
        %dma_wait3A = arith.constant 0 : i32
        %dma_wait3A_101 = tpu.memref_slice %arg18[%add3A_97, %dma_wait3A] : memref<10240x128xf32, #tpu.memory_space<vmem_shared>> -> memref<128x128xf32, #tpu.memory_space<vmem_shared>>
        %dma_wait3A_102 = arith.constant 0 : i32
        %dma_wait3A_103 = tpu.memref_slice %arg18[%add3A_97, %dma_wait3A_102] : memref<10240x128xf32, #tpu.memory_space<vmem_shared>> -> memref<128x128xf32, #tpu.memory_space<vmem_shared>>
        tpu.wait_dma2 semaphore(%run_scoped3A : memref<!tpu.dma_semaphore, #tpu.memory_space<semaphore_mem>>) src(%arg16 : memref<128x128xf32, #tpu.memory_space<vmem>>) dst(%dma_wait3A_103 : memref<128x128xf32, #tpu.memory_space<vmem_shared>>)
        tpu.yield
      }) : () -> ()
    }
    %scan3A_11 = arith.constant 5 : i32
    %barrier3A = arith.constant 0 : index
    tpu.barrier barrier_id(%barrier3A)
    %eq3A = arith.constant 0 : i32
    %eq3A_12 = arith.cmpi eq, %arg0, %eq3A : i32
    %jit3A = arith.constant 144 : i32
    %jit3A_13 = arith.constant 16 : i32
    %select_n3A = arith.select %eq3A_12, %jit3A, %jit3A_13 : i32
    %eq3A_14 = arith.constant 0 : i32
    %eq3A_15 = arith.cmpi eq, %arg0, %eq3A_14 : i32
    %mul3A_16 = arith.constant 144 : i32
    %mul3A_17 = arith.muli %arg1, %mul3A_16 : i32
    %mul3A_18 = arith.constant 16 : i32
    %mul3A_19 = arith.muli %arg1, %mul3A_18 : i32
    %add3A = arith.constant 2304 : i32
    %add3A_20 = arith.addi %add3A, %mul3A_19 : i32
    %select_n3A_21 = arith.select %eq3A_15, %mul3A_17, %add3A_20 : i32
    %broadcast_in_dim3A = arith.constant 10000 : i32
    %broadcast_in_dim3A_22 = vector.broadcast %broadcast_in_dim3A : i32 to vector<16xi32>
    %add3A_23 = vector.broadcast %arg1 : i32 to vector<16xi32>
    %add3A_24 = arith.addi %broadcast_in_dim3A_22, %add3A_23 : vector<16xi32>
    %jit3A_25 = arith.constant 16 : i32
    %div3A = arith.divsi %select_n3A, %jit3A_25 : i32
    %sign3A = arith.constant 0 : i32
    %sign3A_26 = arith.cmpi sgt, %select_n3A, %sign3A : i32
    %sign3A_27 = arith.extui %sign3A_26 : i1 to i32
    %sign3A_28 = arith.constant 0 : i32
    %sign3A_29 = arith.cmpi slt, %select_n3A, %sign3A_28 : i32
    %sign3A_30 = arith.extui %sign3A_29 : i1 to i32
    %sign3A_31 = arith.subi %sign3A_27, %sign3A_30 : i32
    %sign3A_32 = arith.constant 0 : i32
    %sign3A_33 = arith.cmpi sgt, %jit3A_25, %sign3A_32 : i32
    %sign3A_34 = arith.extui %sign3A_33 : i1 to i32
    %sign3A_35 = arith.constant 0 : i32
    %sign3A_36 = arith.cmpi slt, %jit3A_25, %sign3A_35 : i32
    %sign3A_37 = arith.extui %sign3A_36 : i1 to i32
    %sign3A_38 = arith.subi %sign3A_34, %sign3A_37 : i32
    %ne3A = arith.cmpi ne, %sign3A_31, %sign3A_38 : i32
    %rem3A = arith.remsi %select_n3A, %jit3A_25 : i32
    %ne3A_39 = arith.constant 0 : i32
    %ne3A_40 = arith.cmpi ne, %rem3A, %ne3A_39 : i32
    %and3A = arith.andi %ne3A, %ne3A_40 : i1
    %sub3A = arith.constant 1 : i32
    %sub3A_41 = arith.subi %div3A, %sub3A : i32
    %select_n3A_42 = arith.select %and3A, %sub3A_41, %div3A : i32
    %while3A = arith.constant 0 : i32
    %while3A_43 = arith.constant 0 : i32
    %while3A_44 = arith.subi %select_n3A_42, %while3A_43 : i32
    %while3A_45 = arith.addi %while3A_43, %while3A_44 : i32
    %while3A_46 = arith.constant 1 : i32
    %while3A_47 = arith.divsi %while3A_44, %while3A_46 : i32
    %while3A_48 = arith.muli %while3A_47, %while3A_46 : i32
    %while3A_49 = arith.addi %while3A_43, %while3A_48 : i32
    %while3A_50 = arith.constant 1 : i32
    scf.for %while3A_94 = %while3A_43 to %while3A_49 step %while3A_50  : i32 {
      %mul3A_95 = arith.constant 16 : i32
      %mul3A_96 = arith.muli %while3A_94, %mul3A_95 : i32
      %add3A_97 = arith.addi %select_n3A_21, %mul3A_96 : i32
      %dma_start3A = arith.constant 0 : i32
      %dma_start3A_98 = tpu.memref_slice %arg3[%add3A_97, %dma_start3A] : memref<2560x128xi32, #tpu.memory_space<hbm>> -> memref<16x128xi32, #tpu.memory_space<hbm>>
      %dma_start3A_99 = arith.constant 0 : i32
      %dma_start3A_100 = tpu.memref_slice %arg3[%add3A_97, %dma_start3A_99] : memref<2560x128xi32, #tpu.memory_space<hbm>> -> memref<16x128xi32, #tpu.memory_space<hbm>>
      tpu.enqueue_dma source(%dma_start3A_100 : memref<16x128xi32, #tpu.memory_space<hbm>>) target(%arg9 : memref<16x128xi32, #tpu.memory_space<vmem>>) target_semaphore(%arg19 : memref<!tpu.dma_semaphore, #tpu.memory_space<semaphore_mem>>)
      %dma_start3A_101 = arith.constant 0 : i32
      %dma_start3A_102 = tpu.memref_slice %arg4[%add3A_97, %dma_start3A_101] : memref<2560x128xi32, #tpu.memory_space<hbm>> -> memref<16x128xi32, #tpu.memory_space<hbm>>
      %dma_start3A_103 = arith.constant 0 : i32
      %dma_start3A_104 = tpu.memref_slice %arg4[%add3A_97, %dma_start3A_103] : memref<2560x128xi32, #tpu.memory_space<hbm>> -> memref<16x128xi32, #tpu.memory_space<hbm>>
      tpu.enqueue_dma source(%dma_start3A_104 : memref<16x128xi32, #tpu.memory_space<hbm>>) target(%arg10 : memref<16x128xi32, #tpu.memory_space<vmem>>) target_semaphore(%arg20 : memref<!tpu.dma_semaphore, #tpu.memory_space<semaphore_mem>>)
      %dma_start3A_105 = arith.constant 0 : i32
      %dma_start3A_106 = tpu.memref_slice %arg7[%add3A_97, %dma_start3A_105] : memref<2560x128xi32, #tpu.memory_space<hbm>> -> memref<16x128xi32, #tpu.memory_space<hbm>>
      %dma_start3A_107 = arith.constant 0 : i32
      %dma_start3A_108 = tpu.memref_slice %arg7[%add3A_97, %dma_start3A_107] : memref<2560x128xi32, #tpu.memory_space<hbm>> -> memref<16x128xi32, #tpu.memory_space<hbm>>
      tpu.enqueue_dma source(%dma_start3A_108 : memref<16x128xi32, #tpu.memory_space<hbm>>) target(%arg11 : memref<16x128xi32, #tpu.memory_space<vmem>>) target_semaphore(%arg21 : memref<!tpu.dma_semaphore, #tpu.memory_space<semaphore_mem>>)
      %dma_wait3A = arith.constant 0 : i32
      %dma_wait3A_109 = tpu.memref_slice %arg3[%add3A_97, %dma_wait3A] : memref<2560x128xi32, #tpu.memory_space<hbm>> -> memref<16x128xi32, #tpu.memory_space<hbm>>
      %dma_wait3A_110 = arith.constant 0 : i32
      %dma_wait3A_111 = tpu.memref_slice %arg3[%add3A_97, %dma_wait3A_110] : memref<2560x128xi32, #tpu.memory_space<hbm>> -> memref<16x128xi32, #tpu.memory_space<hbm>>
      tpu.wait_dma2 semaphore(%arg19 : memref<!tpu.dma_semaphore, #tpu.memory_space<semaphore_mem>>) src(%dma_wait3A_111 : memref<16x128xi32, #tpu.memory_space<hbm>>) dst(%arg9 : memref<16x128xi32, #tpu.memory_space<vmem>>)
      %dma_wait3A_112 = arith.constant 0 : i32
      %dma_wait3A_113 = tpu.memref_slice %arg4[%add3A_97, %dma_wait3A_112] : memref<2560x128xi32, #tpu.memory_space<hbm>> -> memref<16x128xi32, #tpu.memory_space<hbm>>
      %dma_wait3A_114 = arith.constant 0 : i32
      %dma_wait3A_115 = tpu.memref_slice %arg4[%add3A_97, %dma_wait3A_114] : memref<2560x128xi32, #tpu.memory_space<hbm>> -> memref<16x128xi32, #tpu.memory_space<hbm>>
      tpu.wait_dma2 semaphore(%arg20 : memref<!tpu.dma_semaphore, #tpu.memory_space<semaphore_mem>>) src(%dma_wait3A_115 : memref<16x128xi32, #tpu.memory_space<hbm>>) dst(%arg10 : memref<16x128xi32, #tpu.memory_space<vmem>>)
      %dma_wait3A_116 = arith.constant 0 : i32
      %dma_wait3A_117 = tpu.memref_slice %arg7[%add3A_97, %dma_wait3A_116] : memref<2560x128xi32, #tpu.memory_space<hbm>> -> memref<16x128xi32, #tpu.memory_space<hbm>>
      %dma_wait3A_118 = arith.constant 0 : i32
      %dma_wait3A_119 = tpu.memref_slice %arg7[%add3A_97, %dma_wait3A_118] : memref<2560x128xi32, #tpu.memory_space<hbm>> -> memref<16x128xi32, #tpu.memory_space<hbm>>
      tpu.wait_dma2 semaphore(%arg21 : memref<!tpu.dma_semaphore, #tpu.memory_space<semaphore_mem>>) src(%dma_wait3A_119 : memref<16x128xi32, #tpu.memory_space<hbm>>) dst(%arg11 : memref<16x128xi32, #tpu.memory_space<vmem>>)
      %dma_start3A_120 = arith.constant 0 : i32
      %dma_start3A_121 = arith.constant 0 : i32
      %dma_start3A_122 = tpu.memref_slice %arg9[%dma_start3A_120, %dma_start3A_121] : memref<16x128xi32, #tpu.memory_space<vmem>> -> memref<1x128xi32, #tpu.memory_space<vmem>>
      %dma_start3A_123 = tpu.memref_squeeze %dma_start3A_122 : memref<1x128xi32, #tpu.memory_space<vmem>> -> memref<128xi32, #tpu.memory_space<vmem>>
      %dma_start3A_124 = arith.constant 0 : i32
      %dma_start3A_125 = arith.constant 0 : i32
      %dma_start3A_126 = tpu.memref_slice %arg2[%dma_start3A_124, %dma_start3A_125] : memref<10000x128xf32, #tpu.memory_space<hbm>> -> memref<10000x128xf32, #tpu.memory_space<hbm>>
      tpu.enqueue_indirect_dma source(%dma_start3A_126 : memref<10000x128xf32, #tpu.memory_space<hbm>>) target(%arg16 : memref<128x128xf32, #tpu.memory_space<vmem>>) offsets(%dma_start3A_123 : memref<128xi32, #tpu.memory_space<vmem>>) semaphore(%arg19 : memref<!tpu.dma_semaphore, #tpu.memory_space<semaphore_mem>>)
      %scan3A_127 = arith.constant 0 : i32
      %scan3A_128 = arith.constant 0 : i32
      %scan3A_129 = arith.constant 8 : i32
      %scan3A_130 = arith.addi %scan3A_128, %scan3A_129 : i32
      %scan3A_131 = arith.constant 1 : i32
      scf.for %scan3A_147 = %scan3A_128 to %scan3A_130 step %scan3A_131  : i32 {
        %mul3A_148 = arith.constant 2 : i32
        %mul3A_149 = arith.muli %scan3A_147, %mul3A_148 : i32
        %add3A_150 = arith.constant 0 : i32
        %add3A_151 = arith.addi %mul3A_149, %add3A_150 : i32
        %add3A_152 = arith.constant 1 : i32
        %add3A_153 = arith.addi %add3A_151, %add3A_152 : i32
        %lt3A_154 = arith.constant 16 : i32
        %lt3A_155 = arith.cmpi slt, %add3A_153, %lt3A_154 : i32
        %convert_element_type3A_156 = arith.extui %lt3A_155 : i1 to i32
        %cond3A_157 = arith.constant 0 : i32
        %cond3A_158 = arith.cmpi ne, %convert_element_type3A_156, %cond3A_157 : i32
        scf.if %cond3A_158 {
          %ge3A_474 = arith.constant 1 : i32
          %ge3A_475 = arith.cmpi sge, %add3A_151, %ge3A_474 : i32
          %convert_element_type3A_476 = arith.extui %ge3A_475 : i1 to i32
          %cond3A_477 = arith.constant 0 : i32
          %cond3A_478 = arith.cmpi ne, %convert_element_type3A_476, %cond3A_477 : i32
          scf.if %cond3A_478 {
            %dma_wait3A_487 = arith.constant 0 : i32
            %dma_wait3A_488 = arith.constant 0 : i32
            %dma_wait3A_489 = tpu.memref_slice %arg10[%dma_wait3A_487, %dma_wait3A_488] : memref<16x128xi32, #tpu.memory_space<vmem>> -> memref<1x128xi32, #tpu.memory_space<vmem>>
            %dma_wait3A_490 = tpu.memref_squeeze %dma_wait3A_489 : memref<1x128xi32, #tpu.memory_space<vmem>> -> memref<128xi32, #tpu.memory_space<vmem>>
            %dma_wait3A_491 = arith.constant 0 : i32
            %dma_wait3A_492 = arith.constant 0 : i32
            %dma_wait3A_493 = tpu.memref_slice %arg18[%dma_wait3A_491, %dma_wait3A_492] : memref<10240x128xf32, #tpu.memory_space<vmem_shared>> -> memref<10240x128xf32, #tpu.memory_space<vmem_shared>>
            tpu.wait_indirect_dma semaphore(%arg22 : memref<!tpu.dma_semaphore, #tpu.memory_space<semaphore_mem>>) src(%arg17 : memref<128x128xf32, #tpu.memory_space<vmem>>) dst(%dma_wait3A_493 : memref<10240x128xf32, #tpu.memory_space<vmem_shared>>)
          } else {
          }
          %add3A_479 = arith.constant 1 : i32
          %add3A_480 = arith.addi %add3A_151, %add3A_479 : i32
          %dma_start3A_481 = arith.constant 0 : i32
          %dma_start3A_482 = tpu.memref_slice %arg9[%add3A_480, %dma_start3A_481] : memref<16x128xi32, #tpu.memory_space<vmem>> -> memref<1x128xi32, #tpu.memory_space<vmem>>
          %dma_start3A_483 = tpu.memref_squeeze %dma_start3A_482 : memref<1x128xi32, #tpu.memory_space<vmem>> -> memref<128xi32, #tpu.memory_space<vmem>>
          %dma_start3A_484 = arith.constant 0 : i32
          %dma_start3A_485 = arith.constant 0 : i32
          %dma_start3A_486 = tpu.memref_slice %arg2[%dma_start3A_484, %dma_start3A_485] : memref<10000x128xf32, #tpu.memory_space<hbm>> -> memref<10000x128xf32, #tpu.memory_space<hbm>>
          tpu.enqueue_indirect_dma source(%dma_start3A_486 : memref<10000x128xf32, #tpu.memory_space<hbm>>) target(%arg17 : memref<128x128xf32, #tpu.memory_space<vmem>>) offsets(%dma_start3A_483 : memref<128xi32, #tpu.memory_space<vmem>>) semaphore(%arg20 : memref<!tpu.dma_semaphore, #tpu.memory_space<semaphore_mem>>)
        } else {
        }
        %dma_wait3A_159 = arith.constant 0 : i32
        %dma_wait3A_160 = tpu.memref_slice %arg9[%add3A_151, %dma_wait3A_159] : memref<16x128xi32, #tpu.memory_space<vmem>> -> memref<1x128xi32, #tpu.memory_space<vmem>>
        %dma_wait3A_161 = tpu.memref_squeeze %dma_wait3A_160 : memref<1x128xi32, #tpu.memory_space<vmem>> -> memref<128xi32, #tpu.memory_space<vmem>>
        %dma_wait3A_162 = arith.constant 0 : i32
        %dma_wait3A_163 = arith.constant 0 : i32
        %dma_wait3A_164 = tpu.memref_slice %arg2[%dma_wait3A_162, %dma_wait3A_163] : memref<10000x128xf32, #tpu.memory_space<hbm>> -> memref<10000x128xf32, #tpu.memory_space<hbm>>
        tpu.wait_indirect_dma semaphore(%arg19 : memref<!tpu.dma_semaphore, #tpu.memory_space<semaphore_mem>>) src(%dma_wait3A_164 : memref<10000x128xf32, #tpu.memory_space<hbm>>) dst(%arg16 : memref<128x128xf32, #tpu.memory_space<vmem>>)
        %get3A = arith.index_cast %add3A_151 : i32 to index
        %get3A_165 = arith.constant 0 : index
        %get3A_166 = tpu.vector_load %arg11[%get3A, %get3A_165] {strides = array<i32>} : memref<16x128xi32, #tpu.memory_space<vmem>>, vector<16xi32>,
        %ge3A = arith.constant 0 : i32
        %ge3A_167 = vector.broadcast %ge3A : i32 to vector<16xi32>
        %ge3A_168 = arith.cmpi sge, %get3A_166, %ge3A_167 : vector<16xi32>
        %le3A = arith.constant 4 : i32
        %le3A_169 = vector.broadcast %le3A : i32 to vector<16xi32>
        %le3A_170 = arith.cmpi sle, %get3A_166, %le3A_169 : vector<16xi32>
        %and3A_171 = arith.andi %ge3A_168, %le3A_170 : vector<16xi1>
        %jit3A_172 = arith.constant 2.000000e+00 : f32
        %jit3A_173 = arith.constant 1.000000e+00 : f32
        %broadcast_in_dim3A_174 = vector.broadcast %jit3A_172 : f32 to vector<16xf32>
        %broadcast_in_dim3A_175 = vector.broadcast %jit3A_173 : f32 to vector<16xf32>
        %select_n3A_176 = arith.select %and3A_171, %broadcast_in_dim3A_174, %broadcast_in_dim3A_175 : vector<16xi1>, vector<16xf32>
        %swap3A = arith.constant 0 : index
        %swap3A_177 = tpu.vector_load %arg15[%swap3A] {strides = array<i32>} : memref<128xf32, #tpu.memory_space<vmem>>, vector<16xf32>,
        tpu.vector_store %arg15[%swap3A], %select_n3A_176 {strides = array<i32>} : memref<128xf32, #tpu.memory_space<vmem>>, vector<16xf32>,
        %get3A_178 = arith.index_cast %add3A_151 : i32 to index
        %get3A_179 = arith.constant 16 : index
        %get3A_180 = tpu.vector_load %arg11[%get3A_178, %get3A_179] {strides = array<i32>} : memref<16x128xi32, #tpu.memory_space<vmem>>, vector<16xi32>,
        %ge3A_181 = arith.constant 0 : i32
        %ge3A_182 = vector.broadcast %ge3A_181 : i32 to vector<16xi32>
        %ge3A_183 = arith.cmpi sge, %get3A_180, %ge3A_182 : vector<16xi32>
        %le3A_184 = arith.constant 4 : i32
        %le3A_185 = vector.broadcast %le3A_184 : i32 to vector<16xi32>
        %le3A_186 = arith.cmpi sle, %get3A_180, %le3A_185 : vector<16xi32>
        %and3A_187 = arith.andi %ge3A_183, %le3A_186 : vector<16xi1>
        %jit3A_188 = arith.constant 2.000000e+00 : f32
        %jit3A_189 = arith.constant 1.000000e+00 : f32
        %broadcast_in_dim3A_190 = vector.broadcast %jit3A_188 : f32 to vector<16xf32>
        %broadcast_in_dim3A_191 = vector.broadcast %jit3A_189 : f32 to vector<16xf32>
        %select_n3A_192 = arith.select %and3A_187, %broadcast_in_dim3A_190, %broadcast_in_dim3A_191 : vector<16xi1>, vector<16xf32>
        %swap3A_193 = arith.constant 16 : index
        %swap3A_194 = tpu.vector_load %arg15[%swap3A_193] {strides = array<i32>} : memref<128xf32, #tpu.memory_space<vmem>>, vector<16xf32>,
        tpu.vector_store %arg15[%swap3A_193], %select_n3A_192 {strides = array<i32>} : memref<128xf32, #tpu.memory_space<vmem>>, vector<16xf32>,
        %get3A_195 = arith.index_cast %add3A_151 : i32 to index
        %get3A_196 = arith.constant 32 : index
        %get3A_197 = tpu.vector_load %arg11[%get3A_195, %get3A_196] {strides = array<i32>} : memref<16x128xi32, #tpu.memory_space<vmem>>, vector<16xi32>,
        %ge3A_198 = arith.constant 0 : i32
        %ge3A_199 = vector.broadcast %ge3A_198 : i32 to vector<16xi32>
        %ge3A_200 = arith.cmpi sge, %get3A_197, %ge3A_199 : vector<16xi32>
        %le3A_201 = arith.constant 4 : i32
        %le3A_202 = vector.broadcast %le3A_201 : i32 to vector<16xi32>
        %le3A_203 = arith.cmpi sle, %get3A_197, %le3A_202 : vector<16xi32>
        %and3A_204 = arith.andi %ge3A_200, %le3A_203 : vector<16xi1>
        %jit3A_205 = arith.constant 2.000000e+00 : f32
        %jit3A_206 = arith.constant 1.000000e+00 : f32
        %broadcast_in_dim3A_207 = vector.broadcast %jit3A_205 : f32 to vector<16xf32>
        %broadcast_in_dim3A_208 = vector.broadcast %jit3A_206 : f32 to vector<16xf32>
        %select_n3A_209 = arith.select %and3A_204, %broadcast_in_dim3A_207, %broadcast_in_dim3A_208 : vector<16xi1>, vector<16xf32>
        %swap3A_210 = arith.constant 32 : index
        %swap3A_211 = tpu.vector_load %arg15[%swap3A_210] {strides = array<i32>} : memref<128xf32, #tpu.memory_space<vmem>>, vector<16xf32>,
        tpu.vector_store %arg15[%swap3A_210], %select_n3A_209 {strides = array<i32>} : memref<128xf32, #tpu.memory_space<vmem>>, vector<16xf32>,
        %get3A_212 = arith.index_cast %add3A_151 : i32 to index
        %get3A_213 = arith.constant 48 : index
        %get3A_214 = tpu.vector_load %arg11[%get3A_212, %get3A_213] {strides = array<i32>} : memref<16x128xi32, #tpu.memory_space<vmem>>, vector<16xi32>,
        %ge3A_215 = arith.constant 0 : i32
        %ge3A_216 = vector.broadcast %ge3A_215 : i32 to vector<16xi32>
        %ge3A_217 = arith.cmpi sge, %get3A_214, %ge3A_216 : vector<16xi32>
        %le3A_218 = arith.constant 4 : i32
        %le3A_219 = vector.broadcast %le3A_218 : i32 to vector<16xi32>
        %le3A_220 = arith.cmpi sle, %get3A_214, %le3A_219 : vector<16xi32>
        %and3A_221 = arith.andi %ge3A_217, %le3A_220 : vector<16xi1>
        %jit3A_222 = arith.constant 2.000000e+00 : f32
        %jit3A_223 = arith.constant 1.000000e+00 : f32
        %broadcast_in_dim3A_224 = vector.broadcast %jit3A_222 : f32 to vector<16xf32>
        %broadcast_in_dim3A_225 = vector.broadcast %jit3A_223 : f32 to vector<16xf32>
        %select_n3A_226 = arith.select %and3A_221, %broadcast_in_dim3A_224, %broadcast_in_dim3A_225 : vector<16xi1>, vector<16xf32>
        %swap3A_227 = arith.constant 48 : index
        %swap3A_228 = tpu.vector_load %arg15[%swap3A_227] {strides = array<i32>} : memref<128xf32, #tpu.memory_space<vmem>>, vector<16xf32>,
        tpu.vector_store %arg15[%swap3A_227], %select_n3A_226 {strides = array<i32>} : memref<128xf32, #tpu.memory_space<vmem>>, vector<16xf32>,
        %get3A_229 = arith.index_cast %add3A_151 : i32 to index
        %get3A_230 = arith.constant 64 : index
        %get3A_231 = tpu.vector_load %arg11[%get3A_229, %get3A_230] {strides = array<i32>} : memref<16x128xi32, #tpu.memory_space<vmem>>, vector<16xi32>,
        %ge3A_232 = arith.constant 0 : i32
        %ge3A_233 = vector.broadcast %ge3A_232 : i32 to vector<16xi32>
        %ge3A_234 = arith.cmpi sge, %get3A_231, %ge3A_233 : vector<16xi32>
        %le3A_235 = arith.constant 4 : i32
        %le3A_236 = vector.broadcast %le3A_235 : i32 to vector<16xi32>
        %le3A_237 = arith.cmpi sle, %get3A_231, %le3A_236 : vector<16xi32>
        %and3A_238 = arith.andi %ge3A_234, %le3A_237 : vector<16xi1>
        %jit3A_239 = arith.constant 2.000000e+00 : f32
        %jit3A_240 = arith.constant 1.000000e+00 : f32
        %broadcast_in_dim3A_241 = vector.broadcast %jit3A_239 : f32 to vector<16xf32>
        %broadcast_in_dim3A_242 = vector.broadcast %jit3A_240 : f32 to vector<16xf32>
        %select_n3A_243 = arith.select %and3A_238, %broadcast_in_dim3A_241, %broadcast_in_dim3A_242 : vector<16xi1>, vector<16xf32>
        %swap3A_244 = arith.constant 64 : index
        %swap3A_245 = tpu.vector_load %arg15[%swap3A_244] {strides = array<i32>} : memref<128xf32, #tpu.memory_space<vmem>>, vector<16xf32>,
        tpu.vector_store %arg15[%swap3A_244], %select_n3A_243 {strides = array<i32>} : memref<128xf32, #tpu.memory_space<vmem>>, vector<16xf32>,
        %get3A_246 = arith.index_cast %add3A_151 : i32 to index
        %get3A_247 = arith.constant 80 : index
        %get3A_248 = tpu.vector_load %arg11[%get3A_246, %get3A_247] {strides = array<i32>} : memref<16x128xi32, #tpu.memory_space<vmem>>, vector<16xi32>,
        %ge3A_249 = arith.constant 0 : i32
        %ge3A_250 = vector.broadcast %ge3A_249 : i32 to vector<16xi32>
        %ge3A_251 = arith.cmpi sge, %get3A_248, %ge3A_250 : vector<16xi32>
        %le3A_252 = arith.constant 4 : i32
        %le3A_253 = vector.broadcast %le3A_252 : i32 to vector<16xi32>
        %le3A_254 = arith.cmpi sle, %get3A_248, %le3A_253 : vector<16xi32>
        %and3A_255 = arith.andi %ge3A_251, %le3A_254 : vector<16xi1>
        %jit3A_256 = arith.constant 2.000000e+00 : f32
        %jit3A_257 = arith.constant 1.000000e+00 : f32
        %broadcast_in_dim3A_258 = vector.broadcast %jit3A_256 : f32 to vector<16xf32>
        %broadcast_in_dim3A_259 = vector.broadcast %jit3A_257 : f32 to vector<16xf32>
        %select_n3A_260 = arith.select %and3A_255, %broadcast_in_dim3A_258, %broadcast_in_dim3A_259 : vector<16xi1>, vector<16xf32>
        %swap3A_261 = arith.constant 80 : index
        %swap3A_262 = tpu.vector_load %arg15[%swap3A_261] {strides = array<i32>} : memref<128xf32, #tpu.memory_space<vmem>>, vector<16xf32>,
        tpu.vector_store %arg15[%swap3A_261], %select_n3A_260 {strides = array<i32>} : memref<128xf32, #tpu.memory_space<vmem>>, vector<16xf32>,
        %get3A_263 = arith.index_cast %add3A_151 : i32 to index
        %get3A_264 = arith.constant 96 : index
        %get3A_265 = tpu.vector_load %arg11[%get3A_263, %get3A_264] {strides = array<i32>} : memref<16x128xi32, #tpu.memory_space<vmem>>, vector<16xi32>,
        %ge3A_266 = arith.constant 0 : i32
        %ge3A_267 = vector.broadcast %ge3A_266 : i32 to vector<16xi32>
        %ge3A_268 = arith.cmpi sge, %get3A_265, %ge3A_267 : vector<16xi32>
        %le3A_269 = arith.constant 4 : i32
        %le3A_270 = vector.broadcast %le3A_269 : i32 to vector<16xi32>
        %le3A_271 = arith.cmpi sle, %get3A_265, %le3A_270 : vector<16xi32>
        %and3A_272 = arith.andi %ge3A_268, %le3A_271 : vector<16xi1>
        %jit3A_273 = arith.constant 2.000000e+00 : f32
        %jit3A_274 = arith.constant 1.000000e+00 : f32
        %broadcast_in_dim3A_275 = vector.broadcast %jit3A_273 : f32 to vector<16xf32>
        %broadcast_in_dim3A_276 = vector.broadcast %jit3A_274 : f32 to vector<16xf32>
        %select_n3A_277 = arith.select %and3A_272, %broadcast_in_dim3A_275, %broadcast_in_dim3A_276 : vector<16xi1>, vector<16xf32>
        %swap3A_278 = arith.constant 96 : index
        %swap3A_279 = tpu.vector_load %arg15[%swap3A_278] {strides = array<i32>} : memref<128xf32, #tpu.memory_space<vmem>>, vector<16xf32>,
        tpu.vector_store %arg15[%swap3A_278], %select_n3A_277 {strides = array<i32>} : memref<128xf32, #tpu.memory_space<vmem>>, vector<16xf32>,
        %get3A_280 = arith.index_cast %add3A_151 : i32 to index
        %get3A_281 = arith.constant 112 : index
        %get3A_282 = tpu.vector_load %arg11[%get3A_280, %get3A_281] {strides = array<i32>} : memref<16x128xi32, #tpu.memory_space<vmem>>, vector<16xi32>,
        %ge3A_283 = arith.constant 0 : i32
        %ge3A_284 = vector.broadcast %ge3A_283 : i32 to vector<16xi32>
        %ge3A_285 = arith.cmpi sge, %get3A_282, %ge3A_284 : vector<16xi32>
        %le3A_286 = arith.constant 4 : i32
        %le3A_287 = vector.broadcast %le3A_286 : i32 to vector<16xi32>
        %le3A_288 = arith.cmpi sle, %get3A_282, %le3A_287 : vector<16xi32>
        %and3A_289 = arith.andi %ge3A_285, %le3A_288 : vector<16xi1>
        %jit3A_290 = arith.constant 2.000000e+00 : f32
        %jit3A_291 = arith.constant 1.000000e+00 : f32
        %broadcast_in_dim3A_292 = vector.broadcast %jit3A_290 : f32 to vector<16xf32>
        %broadcast_in_dim3A_293 = vector.broadcast %jit3A_291 : f32 to vector<16xf32>
        %select_n3A_294 = arith.select %and3A_289, %broadcast_in_dim3A_292, %broadcast_in_dim3A_293 : vector<16xi1>, vector<16xf32>
        %swap3A_295 = arith.constant 112 : index
        %swap3A_296 = tpu.vector_load %arg15[%swap3A_295] {strides = array<i32>} : memref<128xf32, #tpu.memory_space<vmem>>, vector<16xf32>,
        tpu.vector_store %arg15[%swap3A_295], %select_n3A_294 {strides = array<i32>} : memref<128xf32, #tpu.memory_space<vmem>>, vector<16xf32>,
        %scan3A_297 = arith.constant 0 : i32
        %scan3A_298 = arith.constant 0 : i32
        %scan3A_299 = arith.constant 128 : i32
        %scan3A_300 = arith.addi %scan3A_298, %scan3A_299 : i32
        %scan3A_301 = arith.constant 1 : i32
        scf.for %scan3A_474 = %scan3A_298 to %scan3A_300 step %scan3A_301  : i32 {
          %broadcast_in_dim3A_475 = vector.broadcast %scan3A_474 : i32 to vector<16xi32>
          %gather3A = tpu.vector_load_idx %arg15[%broadcast_in_dim3A_475] : memref<128xf32, #tpu.memory_space<vmem>>[vector<16xi32>], vector<16xf32>,
          %get3A_476 = arith.index_cast %scan3A_474 : i32 to index
          %get3A_477 = arith.constant 0 : index
          %get3A_478 = tpu.vector_load %arg16[%get3A_476, %get3A_477] {strides = array<i32>} : memref<128x128xf32, #tpu.memory_space<vmem>>, vector<16xf32>,
          %mul3A_479 = arith.mulf %get3A_478, %gather3A : vector<16xf32>
          %swap3A_480 = arith.index_cast %scan3A_474 : i32 to index
          %swap3A_481 = arith.constant 0 : index
          %swap3A_482 = tpu.vector_load %arg16[%swap3A_480, %swap3A_481] {strides = array<i32>} : memref<128x128xf32, #tpu.memory_space<vmem>>, vector<16xf32>,
          tpu.vector_store %arg16[%swap3A_480, %swap3A_481], %mul3A_479 {strides = array<i32>} : memref<128x128xf32, #tpu.memory_space<vmem>>, vector<16xf32>,
          %get3A_483 = arith.index_cast %scan3A_474 : i32 to index
          %get3A_484 = arith.constant 16 : index
          %get3A_485 = tpu.vector_load %arg16[%get3A_483, %get3A_484] {strides = array<i32>} : memref<128x128xf32, #tpu.memory_space<vmem>>, vector<16xf32>,
          %mul3A_486 = arith.mulf %get3A_485, %gather3A : vector<16xf32>
          %swap3A_487 = arith.index_cast %scan3A_474 : i32 to index
          %swap3A_488 = arith.constant 16 : index
          %swap3A_489 = tpu.vector_load %arg16[%swap3A_487, %swap3A_488] {strides = array<i32>} : memref<128x128xf32, #tpu.memory_space<vmem>>, vector<16xf32>,
          tpu.vector_store %arg16[%swap3A_487, %swap3A_488], %mul3A_486 {strides = array<i32>} : memref<128x128xf32, #tpu.memory_space<vmem>>, vector<16xf32>,
          %get3A_490 = arith.index_cast %scan3A_474 : i32 to index
          %get3A_491 = arith.constant 32 : index
          %get3A_492 = tpu.vector_load %arg16[%get3A_490, %get3A_491] {strides = array<i32>} : memref<128x128xf32, #tpu.memory_space<vmem>>, vector<16xf32>,
          %mul3A_493 = arith.mulf %get3A_492, %gather3A : vector<16xf32>
          %swap3A_494 = arith.index_cast %scan3A_474 : i32 to index
          %swap3A_495 = arith.constant 32 : index
          %swap3A_496 = tpu.vector_load %arg16[%swap3A_494, %swap3A_495] {strides = array<i32>} : memref<128x128xf32, #tpu.memory_space<vmem>>, vector<16xf32>,
          tpu.vector_store %arg16[%swap3A_494, %swap3A_495], %mul3A_493 {strides = array<i32>} : memref<128x128xf32, #tpu.memory_space<vmem>>, vector<16xf32>,
          %get3A_497 = arith.index_cast %scan3A_474 : i32 to index
          %get3A_498 = arith.constant 48 : index
          %get3A_499 = tpu.vector_load %arg16[%get3A_497, %get3A_498] {strides = array<i32>} : memref<128x128xf32, #tpu.memory_space<vmem>>, vector<16xf32>,
          %mul3A_500 = arith.mulf %get3A_499, %gather3A : vector<16xf32>
          %swap3A_501 = arith.index_cast %scan3A_474 : i32 to index
          %swap3A_502 = arith.constant 48 : index
          %swap3A_503 = tpu.vector_load %arg16[%swap3A_501, %swap3A_502] {strides = array<i32>} : memref<128x128xf32, #tpu.memory_space<vmem>>, vector<16xf32>,
          tpu.vector_store %arg16[%swap3A_501, %swap3A_502], %mul3A_500 {strides = array<i32>} : memref<128x128xf32, #tpu.memory_space<vmem>>, vector<16xf32>,
          %get3A_504 = arith.index_cast %scan3A_474 : i32 to index
          %get3A_505 = arith.constant 64 : index
          %get3A_506 = tpu.vector_load %arg16[%get3A_504, %get3A_505] {strides = array<i32>} : memref<128x128xf32, #tpu.memory_space<vmem>>, vector<16xf32>,
          %mul3A_507 = arith.mulf %get3A_506, %gather3A : vector<16xf32>
          %swap3A_508 = arith.index_cast %scan3A_474 : i32 to index
          %swap3A_509 = arith.constant 64 : index
          %swap3A_510 = tpu.vector_load %arg16[%swap3A_508, %swap3A_509] {strides = array<i32>} : memref<128x128xf32, #tpu.memory_space<vmem>>, vector<16xf32>,
          tpu.vector_store %arg16[%swap3A_508, %swap3A_509], %mul3A_507 {strides = array<i32>} : memref<128x128xf32, #tpu.memory_space<vmem>>, vector<16xf32>,
          %get3A_511 = arith.index_cast %scan3A_474 : i32 to index
          %get3A_512 = arith.constant 80 : index
          %get3A_513 = tpu.vector_load %arg16[%get3A_511, %get3A_512] {strides = array<i32>} : memref<128x128xf32, #tpu.memory_space<vmem>>, vector<16xf32>,
          %mul3A_514 = arith.mulf %get3A_513, %gather3A : vector<16xf32>
          %swap3A_515 = arith.index_cast %scan3A_474 : i32 to index
          %swap3A_516 = arith.constant 80 : index
          %swap3A_517 = tpu.vector_load %arg16[%swap3A_515, %swap3A_516] {strides = array<i32>} : memref<128x128xf32, #tpu.memory_space<vmem>>, vector<16xf32>,
          tpu.vector_store %arg16[%swap3A_515, %swap3A_516], %mul3A_514 {strides = array<i32>} : memref<128x128xf32, #tpu.memory_space<vmem>>, vector<16xf32>,
          %get3A_518 = arith.index_cast %scan3A_474 : i32 to index
          %get3A_519 = arith.constant 96 : index
          %get3A_520 = tpu.vector_load %arg16[%get3A_518, %get3A_519] {strides = array<i32>} : memref<128x128xf32, #tpu.memory_space<vmem>>, vector<16xf32>,
          %mul3A_521 = arith.mulf %get3A_520, %gather3A : vector<16xf32>
          %swap3A_522 = arith.index_cast %scan3A_474 : i32 to index
          %swap3A_523 = arith.constant 96 : index
          %swap3A_524 = tpu.vector_load %arg16[%swap3A_522, %swap3A_523] {strides = array<i32>} : memref<128x128xf32, #tpu.memory_space<vmem>>, vector<16xf32>,
          tpu.vector_store %arg16[%swap3A_522, %swap3A_523], %mul3A_521 {strides = array<i32>} : memref<128x128xf32, #tpu.memory_space<vmem>>, vector<16xf32>,
          %get3A_525 = arith.index_cast %scan3A_474 : i32 to index
          %get3A_526 = arith.constant 112 : index
          %get3A_527 = tpu.vector_load %arg16[%get3A_525, %get3A_526] {strides = array<i32>} : memref<128x128xf32, #tpu.memory_space<vmem>>, vector<16xf32>,
          %mul3A_528 = arith.mulf %get3A_527, %gather3A : vector<16xf32>
          %swap3A_529 = arith.index_cast %scan3A_474 : i32 to index
          %swap3A_530 = arith.constant 112 : index
          %swap3A_531 = tpu.vector_load %arg16[%swap3A_529, %swap3A_530] {strides = array<i32>} : memref<128x128xf32, #tpu.memory_space<vmem>>, vector<16xf32>,
          tpu.vector_store %arg16[%swap3A_529, %swap3A_530], %mul3A_528 {strides = array<i32>} : memref<128x128xf32, #tpu.memory_space<vmem>>, vector<16xf32>,
        }
        %scan3A_302 = arith.constant 128 : i32
        %dma_start3A_303 = arith.constant 0 : i32
        %dma_start3A_304 = tpu.memref_slice %arg10[%add3A_151, %dma_start3A_303] : memref<16x128xi32, #tpu.memory_space<vmem>> -> memref<1x128xi32, #tpu.memory_space<vmem>>
        %dma_start3A_305 = tpu.memref_squeeze %dma_start3A_304 : memref<1x128xi32, #tpu.memory_space<vmem>> -> memref<128xi32, #tpu.memory_space<vmem>>
        %dma_start3A_306 = arith.constant 0 : i32
        %dma_start3A_307 = arith.constant 0 : i32
        %dma_start3A_308 = tpu.memref_slice %arg18[%dma_start3A_306, %dma_start3A_307] : memref<10240x128xf32, #tpu.memory_space<vmem_shared>> -> memref<10240x128xf32, #tpu.memory_space<vmem_shared>>
        tpu.enqueue_indirect_dma source(%arg16 : memref<128x128xf32, #tpu.memory_space<vmem>>) target(%dma_start3A_308 : memref<10240x128xf32, #tpu.memory_space<vmem_shared>>) offsets(%dma_start3A_305 : memref<128xi32, #tpu.memory_space<vmem>>) semaphore(%arg21 : memref<!tpu.dma_semaphore, #tpu.memory_space<semaphore_mem>>) {add = true}
        %mul3A_309 = arith.constant 2 : i32
        %mul3A_310 = arith.muli %scan3A_147, %mul3A_309 : i32
        %add3A_311 = arith.constant 1 : i32
        %add3A_312 = arith.addi %mul3A_310, %add3A_311 : i32
        %add3A_313 = arith.constant 1 : i32
        %add3A_314 = arith.addi %add3A_312, %add3A_313 : i32
        %lt3A_315 = arith.constant 16 : i32
        %lt3A_316 = arith.cmpi slt, %add3A_314, %lt3A_315 : i32
        %convert_element_type3A_317 = arith.extui %lt3A_316 : i1 to i32
        %cond3A_318 = arith.constant 0 : i32
        %cond3A_319 = arith.cmpi ne, %convert_element_type3A_317, %cond3A_318 : i32
        scf.if %cond3A_319 {
          %ge3A_474 = arith.constant 1 : i32
          %ge3A_475 = arith.cmpi sge, %add3A_312, %ge3A_474 : i32
          %convert_element_type3A_476 = arith.extui %ge3A_475 : i1 to i32
          %cond3A_477 = arith.constant 0 : i32
          %cond3A_478 = arith.cmpi ne, %convert_element_type3A_476, %cond3A_477 : i32
          scf.if %cond3A_478 {
            %dma_wait3A_487 = arith.constant 0 : i32
            %dma_wait3A_488 = arith.constant 0 : i32
            %dma_wait3A_489 = tpu.memref_slice %arg10[%dma_wait3A_487, %dma_wait3A_488] : memref<16x128xi32, #tpu.memory_space<vmem>> -> memref<1x128xi32, #tpu.memory_space<vmem>>
            %dma_wait3A_490 = tpu.memref_squeeze %dma_wait3A_489 : memref<1x128xi32, #tpu.memory_space<vmem>> -> memref<128xi32, #tpu.memory_space<vmem>>
            %dma_wait3A_491 = arith.constant 0 : i32
            %dma_wait3A_492 = arith.constant 0 : i32
            %dma_wait3A_493 = tpu.memref_slice %arg18[%dma_wait3A_491, %dma_wait3A_492] : memref<10240x128xf32, #tpu.memory_space<vmem_shared>> -> memref<10240x128xf32, #tpu.memory_space<vmem_shared>>
            tpu.wait_indirect_dma semaphore(%arg21 : memref<!tpu.dma_semaphore, #tpu.memory_space<semaphore_mem>>) src(%arg16 : memref<128x128xf32, #tpu.memory_space<vmem>>) dst(%dma_wait3A_493 : memref<10240x128xf32, #tpu.memory_space<vmem_shared>>)
          } else {
          }
          %add3A_479 = arith.constant 1 : i32
          %add3A_480 = arith.addi %add3A_312, %add3A_479 : i32
          %dma_start3A_481 = arith.constant 0 : i32
          %dma_start3A_482 = tpu.memref_slice %arg9[%add3A_480, %dma_start3A_481] : memref<16x128xi32, #tpu.memory_space<vmem>> -> memref<1x128xi32, #tpu.memory_space<vmem>>
          %dma_start3A_483 = tpu.memref_squeeze %dma_start3A_482 : memref<1x128xi32, #tpu.memory_space<vmem>> -> memref<128xi32, #tpu.memory_space<vmem>>
          %dma_start3A_484 = arith.constant 0 : i32
          %dma_start3A_485 = arith.constant 0 : i32
          %dma_start3A_486 = tpu.memref_slice %arg2[%dma_start3A_484, %dma_start3A_485] : memref<10000x128xf32, #tpu.memory_space<hbm>> -> memref<10000x128xf32, #tpu.memory_space<hbm>>
          tpu.enqueue_indirect_dma source(%dma_start3A_486 : memref<10000x128xf32, #tpu.memory_space<hbm>>) target(%arg16 : memref<128x128xf32, #tpu.memory_space<vmem>>) offsets(%dma_start3A_483 : memref<128xi32, #tpu.memory_space<vmem>>) semaphore(%arg19 : memref<!tpu.dma_semaphore, #tpu.memory_space<semaphore_mem>>)
        } else {
        }
        %dma_wait3A_320 = arith.constant 0 : i32
        %dma_wait3A_321 = tpu.memref_slice %arg9[%add3A_312, %dma_wait3A_320] : memref<16x128xi32, #tpu.memory_space<vmem>> -> memref<1x128xi32, #tpu.memory_space<vmem>>
        %dma_wait3A_322 = tpu.memref_squeeze %dma_wait3A_321 : memref<1x128xi32, #tpu.memory_space<vmem>> -> memref<128xi32, #tpu.memory_space<vmem>>
        %dma_wait3A_323 = arith.constant 0 : i32
        %dma_wait3A_324 = arith.constant 0 : i32
        %dma_wait3A_325 = tpu.memref_slice %arg2[%dma_wait3A_323, %dma_wait3A_324] : memref<10000x128xf32, #tpu.memory_space<hbm>> -> memref<10000x128xf32, #tpu.memory_space<hbm>>
        tpu.wait_indirect_dma semaphore(%arg20 : memref<!tpu.dma_semaphore, #tpu.memory_space<semaphore_mem>>) src(%dma_wait3A_325 : memref<10000x128xf32, #tpu.memory_space<hbm>>) dst(%arg17 : memref<128x128xf32, #tpu.memory_space<vmem>>)
        %get3A_326 = arith.index_cast %add3A_312 : i32 to index
        %get3A_327 = arith.constant 0 : index
        %get3A_328 = tpu.vector_load %arg11[%get3A_326, %get3A_327] {strides = array<i32>} : memref<16x128xi32, #tpu.memory_space<vmem>>, vector<16xi32>,
        %ge3A_329 = arith.constant 0 : i32
        %ge3A_330 = vector.broadcast %ge3A_329 : i32 to vector<16xi32>
        %ge3A_331 = arith.cmpi sge, %get3A_328, %ge3A_330 : vector<16xi32>
        %le3A_332 = arith.constant 4 : i32
        %le3A_333 = vector.broadcast %le3A_332 : i32 to vector<16xi32>
        %le3A_334 = arith.cmpi sle, %get3A_328, %le3A_333 : vector<16xi32>
        %and3A_335 = arith.andi %ge3A_331, %le3A_334 : vector<16xi1>
        %jit3A_336 = arith.constant 2.000000e+00 : f32
        %jit3A_337 = arith.constant 1.000000e+00 : f32
        %broadcast_in_dim3A_338 = vector.broadcast %jit3A_336 : f32 to vector<16xf32>
        %broadcast_in_dim3A_339 = vector.broadcast %jit3A_337 : f32 to vector<16xf32>
        %select_n3A_340 = arith.select %and3A_335, %broadcast_in_dim3A_338, %broadcast_in_dim3A_339 : vector<16xi1>, vector<16xf32>
        %swap3A_341 = arith.constant 0 : index
        %swap3A_342 = tpu.vector_load %arg15[%swap3A_341] {strides = array<i32>} : memref<128xf32, #tpu.memory_space<vmem>>, vector<16xf32>,
        tpu.vector_store %arg15[%swap3A_341], %select_n3A_340 {strides = array<i32>} : memref<128xf32, #tpu.memory_space<vmem>>, vector<16xf32>,
        %get3A_343 = arith.index_cast %add3A_312 : i32 to index
        %get3A_344 = arith.constant 16 : index
        %get3A_345 = tpu.vector_load %arg11[%get3A_343, %get3A_344] {strides = array<i32>} : memref<16x128xi32, #tpu.memory_space<vmem>>, vector<16xi32>,
        %ge3A_346 = arith.constant 0 : i32
        %ge3A_347 = vector.broadcast %ge3A_346 : i32 to vector<16xi32>
        %ge3A_348 = arith.cmpi sge, %get3A_345, %ge3A_347 : vector<16xi32>
        %le3A_349 = arith.constant 4 : i32
        %le3A_350 = vector.broadcast %le3A_349 : i32 to vector<16xi32>
        %le3A_351 = arith.cmpi sle, %get3A_345, %le3A_350 : vector<16xi32>
        %and3A_352 = arith.andi %ge3A_348, %le3A_351 : vector<16xi1>
        %jit3A_353 = arith.constant 2.000000e+00 : f32
        %jit3A_354 = arith.constant 1.000000e+00 : f32
        %broadcast_in_dim3A_355 = vector.broadcast %jit3A_353 : f32 to vector<16xf32>
        %broadcast_in_dim3A_356 = vector.broadcast %jit3A_354 : f32 to vector<16xf32>
        %select_n3A_357 = arith.select %and3A_352, %broadcast_in_dim3A_355, %broadcast_in_dim3A_356 : vector<16xi1>, vector<16xf32>
        %swap3A_358 = arith.constant 16 : index
        %swap3A_359 = tpu.vector_load %arg15[%swap3A_358] {strides = array<i32>} : memref<128xf32, #tpu.memory_space<vmem>>, vector<16xf32>,
        tpu.vector_store %arg15[%swap3A_358], %select_n3A_357 {strides = array<i32>} : memref<128xf32, #tpu.memory_space<vmem>>, vector<16xf32>,
        %get3A_360 = arith.index_cast %add3A_312 : i32 to index
        %get3A_361 = arith.constant 32 : index
        %get3A_362 = tpu.vector_load %arg11[%get3A_360, %get3A_361] {strides = array<i32>} : memref<16x128xi32, #tpu.memory_space<vmem>>, vector<16xi32>,
        %ge3A_363 = arith.constant 0 : i32
        %ge3A_364 = vector.broadcast %ge3A_363 : i32 to vector<16xi32>
        %ge3A_365 = arith.cmpi sge, %get3A_362, %ge3A_364 : vector<16xi32>
        %le3A_366 = arith.constant 4 : i32
        %le3A_367 = vector.broadcast %le3A_366 : i32 to vector<16xi32>
        %le3A_368 = arith.cmpi sle, %get3A_362, %le3A_367 : vector<16xi32>
        %and3A_369 = arith.andi %ge3A_365, %le3A_368 : vector<16xi1>
        %jit3A_370 = arith.constant 2.000000e+00 : f32
        %jit3A_371 = arith.constant 1.000000e+00 : f32
        %broadcast_in_dim3A_372 = vector.broadcast %jit3A_370 : f32 to vector<16xf32>
        %broadcast_in_dim3A_373 = vector.broadcast %jit3A_371 : f32 to vector<16xf32>
        %select_n3A_374 = arith.select %and3A_369, %broadcast_in_dim3A_372, %broadcast_in_dim3A_373 : vector<16xi1>, vector<16xf32>
        %swap3A_375 = arith.constant 32 : index
        %swap3A_376 = tpu.vector_load %arg15[%swap3A_375] {strides = array<i32>} : memref<128xf32, #tpu.memory_space<vmem>>, vector<16xf32>,
        tpu.vector_store %arg15[%swap3A_375], %select_n3A_374 {strides = array<i32>} : memref<128xf32, #tpu.memory_space<vmem>>, vector<16xf32>,
        %get3A_377 = arith.index_cast %add3A_312 : i32 to index
        %get3A_378 = arith.constant 48 : index
        %get3A_379 = tpu.vector_load %arg11[%get3A_377, %get3A_378] {strides = array<i32>} : memref<16x128xi32, #tpu.memory_space<vmem>>, vector<16xi32>,
        %ge3A_380 = arith.constant 0 : i32
        %ge3A_381 = vector.broadcast %ge3A_380 : i32 to vector<16xi32>
        %ge3A_382 = arith.cmpi sge, %get3A_379, %ge3A_381 : vector<16xi32>
        %le3A_383 = arith.constant 4 : i32
        %le3A_384 = vector.broadcast %le3A_383 : i32 to vector<16xi32>
        %le3A_385 = arith.cmpi sle, %get3A_379, %le3A_384 : vector<16xi32>
        %and3A_386 = arith.andi %ge3A_382, %le3A_385 : vector<16xi1>
        %jit3A_387 = arith.constant 2.000000e+00 : f32
        %jit3A_388 = arith.constant 1.000000e+00 : f32
        %broadcast_in_dim3A_389 = vector.broadcast %jit3A_387 : f32 to vector<16xf32>
        %broadcast_in_dim3A_390 = vector.broadcast %jit3A_388 : f32 to vector<16xf32>
        %select_n3A_391 = arith.select %and3A_386, %broadcast_in_dim3A_389, %broadcast_in_dim3A_390 : vector<16xi1>, vector<16xf32>
        %swap3A_392 = arith.constant 48 : index
        %swap3A_393 = tpu.vector_load %arg15[%swap3A_392] {strides = array<i32>} : memref<128xf32, #tpu.memory_space<vmem>>, vector<16xf32>,
        tpu.vector_store %arg15[%swap3A_392], %select_n3A_391 {strides = array<i32>} : memref<128xf32, #tpu.memory_space<vmem>>, vector<16xf32>,
        %get3A_394 = arith.index_cast %add3A_312 : i32 to index
        %get3A_395 = arith.constant 64 : index
        %get3A_396 = tpu.vector_load %arg11[%get3A_394, %get3A_395] {strides = array<i32>} : memref<16x128xi32, #tpu.memory_space<vmem>>, vector<16xi32>,
        %ge3A_397 = arith.constant 0 : i32
        %ge3A_398 = vector.broadcast %ge3A_397 : i32 to vector<16xi32>
        %ge3A_399 = arith.cmpi sge, %get3A_396, %ge3A_398 : vector<16xi32>
        %le3A_400 = arith.constant 4 : i32
        %le3A_401 = vector.broadcast %le3A_400 : i32 to vector<16xi32>
        %le3A_402 = arith.cmpi sle, %get3A_396, %le3A_401 : vector<16xi32>
        %and3A_403 = arith.andi %ge3A_399, %le3A_402 : vector<16xi1>
        %jit3A_404 = arith.constant 2.000000e+00 : f32
        %jit3A_405 = arith.constant 1.000000e+00 : f32
        %broadcast_in_dim3A_406 = vector.broadcast %jit3A_404 : f32 to vector<16xf32>
        %broadcast_in_dim3A_407 = vector.broadcast %jit3A_405 : f32 to vector<16xf32>
        %select_n3A_408 = arith.select %and3A_403, %broadcast_in_dim3A_406, %broadcast_in_dim3A_407 : vector<16xi1>, vector<16xf32>
        %swap3A_409 = arith.constant 64 : index
        %swap3A_410 = tpu.vector_load %arg15[%swap3A_409] {strides = array<i32>} : memref<128xf32, #tpu.memory_space<vmem>>, vector<16xf32>,
        tpu.vector_store %arg15[%swap3A_409], %select_n3A_408 {strides = array<i32>} : memref<128xf32, #tpu.memory_space<vmem>>, vector<16xf32>,
        %get3A_411 = arith.index_cast %add3A_312 : i32 to index
        %get3A_412 = arith.constant 80 : index
        %get3A_413 = tpu.vector_load %arg11[%get3A_411, %get3A_412] {strides = array<i32>} : memref<16x128xi32, #tpu.memory_space<vmem>>, vector<16xi32>,
        %ge3A_414 = arith.constant 0 : i32
        %ge3A_415 = vector.broadcast %ge3A_414 : i32 to vector<16xi32>
        %ge3A_416 = arith.cmpi sge, %get3A_413, %ge3A_415 : vector<16xi32>
        %le3A_417 = arith.constant 4 : i32
        %le3A_418 = vector.broadcast %le3A_417 : i32 to vector<16xi32>
        %le3A_419 = arith.cmpi sle, %get3A_413, %le3A_418 : vector<16xi32>
        %and3A_420 = arith.andi %ge3A_416, %le3A_419 : vector<16xi1>
        %jit3A_421 = arith.constant 2.000000e+00 : f32
        %jit3A_422 = arith.constant 1.000000e+00 : f32
        %broadcast_in_dim3A_423 = vector.broadcast %jit3A_421 : f32 to vector<16xf32>
        %broadcast_in_dim3A_424 = vector.broadcast %jit3A_422 : f32 to vector<16xf32>
        %select_n3A_425 = arith.select %and3A_420, %broadcast_in_dim3A_423, %broadcast_in_dim3A_424 : vector<16xi1>, vector<16xf32>
        %swap3A_426 = arith.constant 80 : index
        %swap3A_427 = tpu.vector_load %arg15[%swap3A_426] {strides = array<i32>} : memref<128xf32, #tpu.memory_space<vmem>>, vector<16xf32>,
        tpu.vector_store %arg15[%swap3A_426], %select_n3A_425 {strides = array<i32>} : memref<128xf32, #tpu.memory_space<vmem>>, vector<16xf32>,
        %get3A_428 = arith.index_cast %add3A_312 : i32 to index
        %get3A_429 = arith.constant 96 : index
        %get3A_430 = tpu.vector_load %arg11[%get3A_428, %get3A_429] {strides = array<i32>} : memref<16x128xi32, #tpu.memory_space<vmem>>, vector<16xi32>,
        %ge3A_431 = arith.constant 0 : i32
        %ge3A_432 = vector.broadcast %ge3A_431 : i32 to vector<16xi32>
        %ge3A_433 = arith.cmpi sge, %get3A_430, %ge3A_432 : vector<16xi32>
        %le3A_434 = arith.constant 4 : i32
        %le3A_435 = vector.broadcast %le3A_434 : i32 to vector<16xi32>
        %le3A_436 = arith.cmpi sle, %get3A_430, %le3A_435 : vector<16xi32>
        %and3A_437 = arith.andi %ge3A_433, %le3A_436 : vector<16xi1>
        %jit3A_438 = arith.constant 2.000000e+00 : f32
        %jit3A_439 = arith.constant 1.000000e+00 : f32
        %broadcast_in_dim3A_440 = vector.broadcast %jit3A_438 : f32 to vector<16xf32>
        %broadcast_in_dim3A_441 = vector.broadcast %jit3A_439 : f32 to vector<16xf32>
        %select_n3A_442 = arith.select %and3A_437, %broadcast_in_dim3A_440, %broadcast_in_dim3A_441 : vector<16xi1>, vector<16xf32>
        %swap3A_443 = arith.constant 96 : index
        %swap3A_444 = tpu.vector_load %arg15[%swap3A_443] {strides = array<i32>} : memref<128xf32, #tpu.memory_space<vmem>>, vector<16xf32>,
        tpu.vector_store %arg15[%swap3A_443], %select_n3A_442 {strides = array<i32>} : memref<128xf32, #tpu.memory_space<vmem>>, vector<16xf32>,
        %get3A_445 = arith.index_cast %add3A_312 : i32 to index
        %get3A_446 = arith.constant 112 : index
        %get3A_447 = tpu.vector_load %arg11[%get3A_445, %get3A_446] {strides = array<i32>} : memref<16x128xi32, #tpu.memory_space<vmem>>, vector<16xi32>,
        %ge3A_448 = arith.constant 0 : i32
        %ge3A_449 = vector.broadcast %ge3A_448 : i32 to vector<16xi32>
        %ge3A_450 = arith.cmpi sge, %get3A_447, %ge3A_449 : vector<16xi32>
        %le3A_451 = arith.constant 4 : i32
        %le3A_452 = vector.broadcast %le3A_451 : i32 to vector<16xi32>
        %le3A_453 = arith.cmpi sle, %get3A_447, %le3A_452 : vector<16xi32>
        %and3A_454 = arith.andi %ge3A_450, %le3A_453 : vector<16xi1>
        %jit3A_455 = arith.constant 2.000000e+00 : f32
        %jit3A_456 = arith.constant 1.000000e+00 : f32
        %broadcast_in_dim3A_457 = vector.broadcast %jit3A_455 : f32 to vector<16xf32>
        %broadcast_in_dim3A_458 = vector.broadcast %jit3A_456 : f32 to vector<16xf32>
        %select_n3A_459 = arith.select %and3A_454, %broadcast_in_dim3A_457, %broadcast_in_dim3A_458 : vector<16xi1>, vector<16xf32>
        %swap3A_460 = arith.constant 112 : index
        %swap3A_461 = tpu.vector_load %arg15[%swap3A_460] {strides = array<i32>} : memref<128xf32, #tpu.memory_space<vmem>>, vector<16xf32>,
        tpu.vector_store %arg15[%swap3A_460], %select_n3A_459 {strides = array<i32>} : memref<128xf32, #tpu.memory_space<vmem>>, vector<16xf32>,
        %scan3A_462 = arith.constant 0 : i32
        %scan3A_463 = arith.constant 0 : i32
        %scan3A_464 = arith.constant 128 : i32
        %scan3A_465 = arith.addi %scan3A_463, %scan3A_464 : i32
        %scan3A_466 = arith.constant 1 : i32
        scf.for %scan3A_474 = %scan3A_463 to %scan3A_465 step %scan3A_466  : i32 {
          %broadcast_in_dim3A_475 = vector.broadcast %scan3A_474 : i32 to vector<16xi32>
          %gather3A = tpu.vector_load_idx %arg15[%broadcast_in_dim3A_475] : memref<128xf32, #tpu.memory_space<vmem>>[vector<16xi32>], vector<16xf32>,
          %get3A_476 = arith.index_cast %scan3A_474 : i32 to index
          %get3A_477 = arith.constant 0 : index
          %get3A_478 = tpu.vector_load %arg17[%get3A_476, %get3A_477] {strides = array<i32>} : memref<128x128xf32, #tpu.memory_space<vmem>>, vector<16xf32>,
          %mul3A_479 = arith.mulf %get3A_478, %gather3A : vector<16xf32>
          %swap3A_480 = arith.index_cast %scan3A_474 : i32 to index
          %swap3A_481 = arith.constant 0 : index
          %swap3A_482 = tpu.vector_load %arg17[%swap3A_480, %swap3A_481] {strides = array<i32>} : memref<128x128xf32, #tpu.memory_space<vmem>>, vector<16xf32>,
          tpu.vector_store %arg17[%swap3A_480, %swap3A_481], %mul3A_479 {strides = array<i32>} : memref<128x128xf32, #tpu.memory_space<vmem>>, vector<16xf32>,
          %get3A_483 = arith.index_cast %scan3A_474 : i32 to index
          %get3A_484 = arith.constant 16 : index
          %get3A_485 = tpu.vector_load %arg17[%get3A_483, %get3A_484] {strides = array<i32>} : memref<128x128xf32, #tpu.memory_space<vmem>>, vector<16xf32>,
          %mul3A_486 = arith.mulf %get3A_485, %gather3A : vector<16xf32>
          %swap3A_487 = arith.index_cast %scan3A_474 : i32 to index
          %swap3A_488 = arith.constant 16 : index
          %swap3A_489 = tpu.vector_load %arg17[%swap3A_487, %swap3A_488] {strides = array<i32>} : memref<128x128xf32, #tpu.memory_space<vmem>>, vector<16xf32>,
          tpu.vector_store %arg17[%swap3A_487, %swap3A_488], %mul3A_486 {strides = array<i32>} : memref<128x128xf32, #tpu.memory_space<vmem>>, vector<16xf32>,
          %get3A_490 = arith.index_cast %scan3A_474 : i32 to index
          %get3A_491 = arith.constant 32 : index
          %get3A_492 = tpu.vector_load %arg17[%get3A_490, %get3A_491] {strides = array<i32>} : memref<128x128xf32, #tpu.memory_space<vmem>>, vector<16xf32>,
          %mul3A_493 = arith.mulf %get3A_492, %gather3A : vector<16xf32>
          %swap3A_494 = arith.index_cast %scan3A_474 : i32 to index
          %swap3A_495 = arith.constant 32 : index
          %swap3A_496 = tpu.vector_load %arg17[%swap3A_494, %swap3A_495] {strides = array<i32>} : memref<128x128xf32, #tpu.memory_space<vmem>>, vector<16xf32>,
          tpu.vector_store %arg17[%swap3A_494, %swap3A_495], %mul3A_493 {strides = array<i32>} : memref<128x128xf32, #tpu.memory_space<vmem>>, vector<16xf32>,
          %get3A_497 = arith.index_cast %scan3A_474 : i32 to index
          %get3A_498 = arith.constant 48 : index
          %get3A_499 = tpu.vector_load %arg17[%get3A_497, %get3A_498] {strides = array<i32>} : memref<128x128xf32, #tpu.memory_space<vmem>>, vector<16xf32>,
          %mul3A_500 = arith.mulf %get3A_499, %gather3A : vector<16xf32>
          %swap3A_501 = arith.index_cast %scan3A_474 : i32 to index
          %swap3A_502 = arith.constant 48 : index
          %swap3A_503 = tpu.vector_load %arg17[%swap3A_501, %swap3A_502] {strides = array<i32>} : memref<128x128xf32, #tpu.memory_space<vmem>>, vector<16xf32>,
          tpu.vector_store %arg17[%swap3A_501, %swap3A_502], %mul3A_500 {strides = array<i32>} : memref<128x128xf32, #tpu.memory_space<vmem>>, vector<16xf32>,
          %get3A_504 = arith.index_cast %scan3A_474 : i32 to index
          %get3A_505 = arith.constant 64 : index
          %get3A_506 = tpu.vector_load %arg17[%get3A_504, %get3A_505] {strides = array<i32>} : memref<128x128xf32, #tpu.memory_space<vmem>>, vector<16xf32>,
          %mul3A_507 = arith.mulf %get3A_506, %gather3A : vector<16xf32>
          %swap3A_508 = arith.index_cast %scan3A_474 : i32 to index
          %swap3A_509 = arith.constant 64 : index
          %swap3A_510 = tpu.vector_load %arg17[%swap3A_508, %swap3A_509] {strides = array<i32>} : memref<128x128xf32, #tpu.memory_space<vmem>>, vector<16xf32>,
          tpu.vector_store %arg17[%swap3A_508, %swap3A_509], %mul3A_507 {strides = array<i32>} : memref<128x128xf32, #tpu.memory_space<vmem>>, vector<16xf32>,
          %get3A_511 = arith.index_cast %scan3A_474 : i32 to index
          %get3A_512 = arith.constant 80 : index
          %get3A_513 = tpu.vector_load %arg17[%get3A_511, %get3A_512] {strides = array<i32>} : memref<128x128xf32, #tpu.memory_space<vmem>>, vector<16xf32>,
          %mul3A_514 = arith.mulf %get3A_513, %gather3A : vector<16xf32>
          %swap3A_515 = arith.index_cast %scan3A_474 : i32 to index
          %swap3A_516 = arith.constant 80 : index
          %swap3A_517 = tpu.vector_load %arg17[%swap3A_515, %swap3A_516] {strides = array<i32>} : memref<128x128xf32, #tpu.memory_space<vmem>>, vector<16xf32>,
          tpu.vector_store %arg17[%swap3A_515, %swap3A_516], %mul3A_514 {strides = array<i32>} : memref<128x128xf32, #tpu.memory_space<vmem>>, vector<16xf32>,
          %get3A_518 = arith.index_cast %scan3A_474 : i32 to index
          %get3A_519 = arith.constant 96 : index
          %get3A_520 = tpu.vector_load %arg17[%get3A_518, %get3A_519] {strides = array<i32>} : memref<128x128xf32, #tpu.memory_space<vmem>>, vector<16xf32>,
          %mul3A_521 = arith.mulf %get3A_520, %gather3A : vector<16xf32>
          %swap3A_522 = arith.index_cast %scan3A_474 : i32 to index
          %swap3A_523 = arith.constant 96 : index
          %swap3A_524 = tpu.vector_load %arg17[%swap3A_522, %swap3A_523] {strides = array<i32>} : memref<128x128xf32, #tpu.memory_space<vmem>>, vector<16xf32>,
          tpu.vector_store %arg17[%swap3A_522, %swap3A_523], %mul3A_521 {strides = array<i32>} : memref<128x128xf32, #tpu.memory_space<vmem>>, vector<16xf32>,
          %get3A_525 = arith.index_cast %scan3A_474 : i32 to index
          %get3A_526 = arith.constant 112 : index
          %get3A_527 = tpu.vector_load %arg17[%get3A_525, %get3A_526] {strides = array<i32>} : memref<128x128xf32, #tpu.memory_space<vmem>>, vector<16xf32>,
          %mul3A_528 = arith.mulf %get3A_527, %gather3A : vector<16xf32>
          %swap3A_529 = arith.index_cast %scan3A_474 : i32 to index
          %swap3A_530 = arith.constant 112 : index
          %swap3A_531 = tpu.vector_load %arg17[%swap3A_529, %swap3A_530] {strides = array<i32>} : memref<128x128xf32, #tpu.memory_space<vmem>>, vector<16xf32>,
          tpu.vector_store %arg17[%swap3A_529, %swap3A_530], %mul3A_528 {strides = array<i32>} : memref<128x128xf32, #tpu.memory_space<vmem>>, vector<16xf32>,
        }
        %scan3A_467 = arith.constant 128 : i32
        %dma_start3A_468 = arith.constant 0 : i32
        %dma_start3A_469 = tpu.memref_slice %arg10[%add3A_312, %dma_start3A_468] : memref<16x128xi32, #tpu.memory_space<vmem>> -> memref<1x128xi32, #tpu.memory_space<vmem>>
        %dma_start3A_470 = tpu.memref_squeeze %dma_start3A_469 : memref<1x128xi32, #tpu.memory_space<vmem>> -> memref<128xi32, #tpu.memory_space<vmem>>
        %dma_start3A_471 = arith.constant 0 : i32
        %dma_start3A_472 = arith.constant 0 : i32
        %dma_start3A_473 = tpu.memref_slice %arg18[%dma_start3A_471, %dma_start3A_472] : memref<10240x128xf32, #tpu.memory_space<vmem_shared>> -> memref<10240x128xf32, #tpu.memory_space<vmem_shared>>
        tpu.enqueue_indirect_dma source(%arg17 : memref<128x128xf32, #tpu.memory_space<vmem>>) target(%dma_start3A_473 : memref<10240x128xf32, #tpu.memory_space<vmem_shared>>) offsets(%dma_start3A_470 : memref<128xi32, #tpu.memory_space<vmem>>) semaphore(%arg22 : memref<!tpu.dma_semaphore, #tpu.memory_space<semaphore_mem>>) {add = true}
      }
      %scan3A_132 = arith.constant 8 : i32
      %dma_wait3A_133 = arith.constant 0 : i32
      %dma_wait3A_134 = arith.constant 0 : i32
      %dma_wait3A_135 = tpu.memref_slice %arg10[%dma_wait3A_133, %dma_wait3A_134] : memref<16x128xi32, #tpu.memory_space<vmem>> -> memref<1x128xi32, #tpu.memory_space<vmem>>
      %dma_wait3A_136 = tpu.memref_squeeze %dma_wait3A_135 : memref<1x128xi32, #tpu.memory_space<vmem>> -> memref<128xi32, #tpu.memory_space<vmem>>
      %dma_wait3A_137 = arith.constant 0 : i32
      %dma_wait3A_138 = arith.constant 0 : i32
      %dma_wait3A_139 = tpu.memref_slice %arg18[%dma_wait3A_137, %dma_wait3A_138] : memref<10240x128xf32, #tpu.memory_space<vmem_shared>> -> memref<10240x128xf32, #tpu.memory_space<vmem_shared>>
      tpu.wait_indirect_dma semaphore(%arg21 : memref<!tpu.dma_semaphore, #tpu.memory_space<semaphore_mem>>) src(%arg16 : memref<128x128xf32, #tpu.memory_space<vmem>>) dst(%dma_wait3A_139 : memref<10240x128xf32, #tpu.memory_space<vmem_shared>>)
      %dma_wait3A_140 = arith.constant 0 : i32
      %dma_wait3A_141 = arith.constant 0 : i32
      %dma_wait3A_142 = tpu.memref_slice %arg10[%dma_wait3A_140, %dma_wait3A_141] : memref<16x128xi32, #tpu.memory_space<vmem>> -> memref<1x128xi32, #tpu.memory_space<vmem>>
      %dma_wait3A_143 = tpu.memref_squeeze %dma_wait3A_142 : memref<1x128xi32, #tpu.memory_space<vmem>> -> memref<128xi32, #tpu.memory_space<vmem>>
      %dma_wait3A_144 = arith.constant 0 : i32
      %dma_wait3A_145 = arith.constant 0 : i32
      %dma_wait3A_146 = tpu.memref_slice %arg18[%dma_wait3A_144, %dma_wait3A_145] : memref<10240x128xf32, #tpu.memory_space<vmem_shared>> -> memref<10240x128xf32, #tpu.memory_space<vmem_shared>>
      tpu.wait_indirect_dma semaphore(%arg22 : memref<!tpu.dma_semaphore, #tpu.memory_space<semaphore_mem>>) src(%arg17 : memref<128x128xf32, #tpu.memory_space<vmem>>) dst(%dma_wait3A_146 : memref<10240x128xf32, #tpu.memory_space<vmem_shared>>)
    }
    %while3A_51 = arith.constant 1 : i32
    scf.for %while3A_94 = %while3A_49 to %while3A_45 step %while3A_51  : i32 {
      %mul3A_95 = arith.constant 16 : i32
      %mul3A_96 = arith.muli %while3A_94, %mul3A_95 : i32
      %add3A_97 = arith.addi %select_n3A_21, %mul3A_96 : i32
      %dma_start3A = arith.constant 0 : i32
      %dma_start3A_98 = tpu.memref_slice %arg3[%add3A_97, %dma_start3A] : memref<2560x128xi32, #tpu.memory_space<hbm>> -> memref<16x128xi32, #tpu.memory_space<hbm>>
      %dma_start3A_99 = arith.constant 0 : i32
      %dma_start3A_100 = tpu.memref_slice %arg3[%add3A_97, %dma_start3A_99] : memref<2560x128xi32, #tpu.memory_space<hbm>> -> memref<16x128xi32, #tpu.memory_space<hbm>>
      tpu.enqueue_dma source(%dma_start3A_100 : memref<16x128xi32, #tpu.memory_space<hbm>>) target(%arg9 : memref<16x128xi32, #tpu.memory_space<vmem>>) target_semaphore(%arg19 : memref<!tpu.dma_semaphore, #tpu.memory_space<semaphore_mem>>)
      %dma_start3A_101 = arith.constant 0 : i32
      %dma_start3A_102 = tpu.memref_slice %arg4[%add3A_97, %dma_start3A_101] : memref<2560x128xi32, #tpu.memory_space<hbm>> -> memref<16x128xi32, #tpu.memory_space<hbm>>
      %dma_start3A_103 = arith.constant 0 : i32
      %dma_start3A_104 = tpu.memref_slice %arg4[%add3A_97, %dma_start3A_103] : memref<2560x128xi32, #tpu.memory_space<hbm>> -> memref<16x128xi32, #tpu.memory_space<hbm>>
      tpu.enqueue_dma source(%dma_start3A_104 : memref<16x128xi32, #tpu.memory_space<hbm>>) target(%arg10 : memref<16x128xi32, #tpu.memory_space<vmem>>) target_semaphore(%arg20 : memref<!tpu.dma_semaphore, #tpu.memory_space<semaphore_mem>>)
      %dma_start3A_105 = arith.constant 0 : i32
      %dma_start3A_106 = tpu.memref_slice %arg7[%add3A_97, %dma_start3A_105] : memref<2560x128xi32, #tpu.memory_space<hbm>> -> memref<16x128xi32, #tpu.memory_space<hbm>>
      %dma_start3A_107 = arith.constant 0 : i32
      %dma_start3A_108 = tpu.memref_slice %arg7[%add3A_97, %dma_start3A_107] : memref<2560x128xi32, #tpu.memory_space<hbm>> -> memref<16x128xi32, #tpu.memory_space<hbm>>
      tpu.enqueue_dma source(%dma_start3A_108 : memref<16x128xi32, #tpu.memory_space<hbm>>) target(%arg11 : memref<16x128xi32, #tpu.memory_space<vmem>>) target_semaphore(%arg21 : memref<!tpu.dma_semaphore, #tpu.memory_space<semaphore_mem>>)
      %dma_wait3A = arith.constant 0 : i32
      %dma_wait3A_109 = tpu.memref_slice %arg3[%add3A_97, %dma_wait3A] : memref<2560x128xi32, #tpu.memory_space<hbm>> -> memref<16x128xi32, #tpu.memory_space<hbm>>
      %dma_wait3A_110 = arith.constant 0 : i32
      %dma_wait3A_111 = tpu.memref_slice %arg3[%add3A_97, %dma_wait3A_110] : memref<2560x128xi32, #tpu.memory_space<hbm>> -> memref<16x128xi32, #tpu.memory_space<hbm>>
      tpu.wait_dma2 semaphore(%arg19 : memref<!tpu.dma_semaphore, #tpu.memory_space<semaphore_mem>>) src(%dma_wait3A_111 : memref<16x128xi32, #tpu.memory_space<hbm>>) dst(%arg9 : memref<16x128xi32, #tpu.memory_space<vmem>>)
      %dma_wait3A_112 = arith.constant 0 : i32
      %dma_wait3A_113 = tpu.memref_slice %arg4[%add3A_97, %dma_wait3A_112] : memref<2560x128xi32, #tpu.memory_space<hbm>> -> memref<16x128xi32, #tpu.memory_space<hbm>>
      %dma_wait3A_114 = arith.constant 0 : i32
      %dma_wait3A_115 = tpu.memref_slice %arg4[%add3A_97, %dma_wait3A_114] : memref<2560x128xi32, #tpu.memory_space<hbm>> -> memref<16x128xi32, #tpu.memory_space<hbm>>
      tpu.wait_dma2 semaphore(%arg20 : memref<!tpu.dma_semaphore, #tpu.memory_space<semaphore_mem>>) src(%dma_wait3A_115 : memref<16x128xi32, #tpu.memory_space<hbm>>) dst(%arg10 : memref<16x128xi32, #tpu.memory_space<vmem>>)
      %dma_wait3A_116 = arith.constant 0 : i32
      %dma_wait3A_117 = tpu.memref_slice %arg7[%add3A_97, %dma_wait3A_116] : memref<2560x128xi32, #tpu.memory_space<hbm>> -> memref<16x128xi32, #tpu.memory_space<hbm>>
      %dma_wait3A_118 = arith.constant 0 : i32
      %dma_wait3A_119 = tpu.memref_slice %arg7[%add3A_97, %dma_wait3A_118] : memref<2560x128xi32, #tpu.memory_space<hbm>> -> memref<16x128xi32, #tpu.memory_space<hbm>>
      tpu.wait_dma2 semaphore(%arg21 : memref<!tpu.dma_semaphore, #tpu.memory_space<semaphore_mem>>) src(%dma_wait3A_119 : memref<16x128xi32, #tpu.memory_space<hbm>>) dst(%arg11 : memref<16x128xi32, #tpu.memory_space<vmem>>)
      %dma_start3A_120 = arith.constant 0 : i32
      %dma_start3A_121 = arith.constant 0 : i32
      %dma_start3A_122 = tpu.memref_slice %arg9[%dma_start3A_120, %dma_start3A_121] : memref<16x128xi32, #tpu.memory_space<vmem>> -> memref<1x128xi32, #tpu.memory_space<vmem>>
      %dma_start3A_123 = tpu.memref_squeeze %dma_start3A_122 : memref<1x128xi32, #tpu.memory_space<vmem>> -> memref<128xi32, #tpu.memory_space<vmem>>
      %dma_start3A_124 = arith.constant 0 : i32
      %dma_start3A_125 = arith.constant 0 : i32
      %dma_start3A_126 = tpu.memref_slice %arg2[%dma_start3A_124, %dma_start3A_125] : memref<10000x128xf32, #tpu.memory_space<hbm>> -> memref<10000x128xf32, #tpu.memory_space<hbm>>
      tpu.enqueue_indirect_dma source(%dma_start3A_126 : memref<10000x128xf32, #tpu.memory_space<hbm>>) target(%arg16 : memref<128x128xf32, #tpu.memory_space<vmem>>) offsets(%dma_start3A_123 : memref<128xi32, #tpu.memory_space<vmem>>) semaphore(%arg19 : memref<!tpu.dma_semaphore, #tpu.memory_space<semaphore_mem>>)
      %scan3A_127 = arith.constant 0 : i32
      %scan3A_128 = arith.constant 0 : i32
      %scan3A_129 = arith.constant 8 : i32
      %scan3A_130 = arith.addi %scan3A_128, %scan3A_129 : i32
      %scan3A_131 = arith.constant 1 : i32
      scf.for %scan3A_147 = %scan3A_128 to %scan3A_130 step %scan3A_131  : i32 {
        %mul3A_148 = arith.constant 2 : i32
        %mul3A_149 = arith.muli %scan3A_147, %mul3A_148 : i32
        %add3A_150 = arith.constant 0 : i32
        %add3A_151 = arith.addi %mul3A_149, %add3A_150 : i32
        %add3A_152 = arith.constant 1 : i32
        %add3A_153 = arith.addi %add3A_151, %add3A_152 : i32
        %lt3A_154 = arith.constant 16 : i32
        %lt3A_155 = arith.cmpi slt, %add3A_153, %lt3A_154 : i32
        %convert_element_type3A_156 = arith.extui %lt3A_155 : i1 to i32
        %cond3A_157 = arith.constant 0 : i32
        %cond3A_158 = arith.cmpi ne, %convert_element_type3A_156, %cond3A_157 : i32
        scf.if %cond3A_158 {
          %ge3A_474 = arith.constant 1 : i32
          %ge3A_475 = arith.cmpi sge, %add3A_151, %ge3A_474 : i32
          %convert_element_type3A_476 = arith.extui %ge3A_475 : i1 to i32
          %cond3A_477 = arith.constant 0 : i32
          %cond3A_478 = arith.cmpi ne, %convert_element_type3A_476, %cond3A_477 : i32
          scf.if %cond3A_478 {
            %dma_wait3A_487 = arith.constant 0 : i32
            %dma_wait3A_488 = arith.constant 0 : i32
            %dma_wait3A_489 = tpu.memref_slice %arg10[%dma_wait3A_487, %dma_wait3A_488] : memref<16x128xi32, #tpu.memory_space<vmem>> -> memref<1x128xi32, #tpu.memory_space<vmem>>
            %dma_wait3A_490 = tpu.memref_squeeze %dma_wait3A_489 : memref<1x128xi32, #tpu.memory_space<vmem>> -> memref<128xi32, #tpu.memory_space<vmem>>
            %dma_wait3A_491 = arith.constant 0 : i32
            %dma_wait3A_492 = arith.constant 0 : i32
            %dma_wait3A_493 = tpu.memref_slice %arg18[%dma_wait3A_491, %dma_wait3A_492] : memref<10240x128xf32, #tpu.memory_space<vmem_shared>> -> memref<10240x128xf32, #tpu.memory_space<vmem_shared>>
            tpu.wait_indirect_dma semaphore(%arg22 : memref<!tpu.dma_semaphore, #tpu.memory_space<semaphore_mem>>) src(%arg17 : memref<128x128xf32, #tpu.memory_space<vmem>>) dst(%dma_wait3A_493 : memref<10240x128xf32, #tpu.memory_space<vmem_shared>>)
          } else {
          }
          %add3A_479 = arith.constant 1 : i32
          %add3A_480 = arith.addi %add3A_151, %add3A_479 : i32
          %dma_start3A_481 = arith.constant 0 : i32
          %dma_start3A_482 = tpu.memref_slice %arg9[%add3A_480, %dma_start3A_481] : memref<16x128xi32, #tpu.memory_space<vmem>> -> memref<1x128xi32, #tpu.memory_space<vmem>>
          %dma_start3A_483 = tpu.memref_squeeze %dma_start3A_482 : memref<1x128xi32, #tpu.memory_space<vmem>> -> memref<128xi32, #tpu.memory_space<vmem>>
          %dma_start3A_484 = arith.constant 0 : i32
          %dma_start3A_485 = arith.constant 0 : i32
          %dma_start3A_486 = tpu.memref_slice %arg2[%dma_start3A_484, %dma_start3A_485] : memref<10000x128xf32, #tpu.memory_space<hbm>> -> memref<10000x128xf32, #tpu.memory_space<hbm>>
          tpu.enqueue_indirect_dma source(%dma_start3A_486 : memref<10000x128xf32, #tpu.memory_space<hbm>>) target(%arg17 : memref<128x128xf32, #tpu.memory_space<vmem>>) offsets(%dma_start3A_483 : memref<128xi32, #tpu.memory_space<vmem>>) semaphore(%arg20 : memref<!tpu.dma_semaphore, #tpu.memory_space<semaphore_mem>>)
        } else {
        }
        %dma_wait3A_159 = arith.constant 0 : i32
        %dma_wait3A_160 = tpu.memref_slice %arg9[%add3A_151, %dma_wait3A_159] : memref<16x128xi32, #tpu.memory_space<vmem>> -> memref<1x128xi32, #tpu.memory_space<vmem>>
        %dma_wait3A_161 = tpu.memref_squeeze %dma_wait3A_160 : memref<1x128xi32, #tpu.memory_space<vmem>> -> memref<128xi32, #tpu.memory_space<vmem>>
        %dma_wait3A_162 = arith.constant 0 : i32
        %dma_wait3A_163 = arith.constant 0 : i32
        %dma_wait3A_164 = tpu.memref_slice %arg2[%dma_wait3A_162, %dma_wait3A_163] : memref<10000x128xf32, #tpu.memory_space<hbm>> -> memref<10000x128xf32, #tpu.memory_space<hbm>>
        tpu.wait_indirect_dma semaphore(%arg19 : memref<!tpu.dma_semaphore, #tpu.memory_space<semaphore_mem>>) src(%dma_wait3A_164 : memref<10000x128xf32, #tpu.memory_space<hbm>>) dst(%arg16 : memref<128x128xf32, #tpu.memory_space<vmem>>)
        %get3A = arith.index_cast %add3A_151 : i32 to index
        %get3A_165 = arith.constant 0 : index
        %get3A_166 = tpu.vector_load %arg11[%get3A, %get3A_165] {strides = array<i32>} : memref<16x128xi32, #tpu.memory_space<vmem>>, vector<16xi32>,
        %ge3A = arith.constant 0 : i32
        %ge3A_167 = vector.broadcast %ge3A : i32 to vector<16xi32>
        %ge3A_168 = arith.cmpi sge, %get3A_166, %ge3A_167 : vector<16xi32>
        %le3A = arith.constant 4 : i32
        %le3A_169 = vector.broadcast %le3A : i32 to vector<16xi32>
        %le3A_170 = arith.cmpi sle, %get3A_166, %le3A_169 : vector<16xi32>
        %and3A_171 = arith.andi %ge3A_168, %le3A_170 : vector<16xi1>
        %jit3A_172 = arith.constant 2.000000e+00 : f32
        %jit3A_173 = arith.constant 1.000000e+00 : f32
        %broadcast_in_dim3A_174 = vector.broadcast %jit3A_172 : f32 to vector<16xf32>
        %broadcast_in_dim3A_175 = vector.broadcast %jit3A_173 : f32 to vector<16xf32>
        %select_n3A_176 = arith.select %and3A_171, %broadcast_in_dim3A_174, %broadcast_in_dim3A_175 : vector<16xi1>, vector<16xf32>
        %swap3A = arith.constant 0 : index
        %swap3A_177 = tpu.vector_load %arg15[%swap3A] {strides = array<i32>} : memref<128xf32, #tpu.memory_space<vmem>>, vector<16xf32>,
        tpu.vector_store %arg15[%swap3A], %select_n3A_176 {strides = array<i32>} : memref<128xf32, #tpu.memory_space<vmem>>, vector<16xf32>,
        %get3A_178 = arith.index_cast %add3A_151 : i32 to index
        %get3A_179 = arith.constant 16 : index
        %get3A_180 = tpu.vector_load %arg11[%get3A_178, %get3A_179] {strides = array<i32>} : memref<16x128xi32, #tpu.memory_space<vmem>>, vector<16xi32>,
        %ge3A_181 = arith.constant 0 : i32
        %ge3A_182 = vector.broadcast %ge3A_181 : i32 to vector<16xi32>
        %ge3A_183 = arith.cmpi sge, %get3A_180, %ge3A_182 : vector<16xi32>
        %le3A_184 = arith.constant 4 : i32
        %le3A_185 = vector.broadcast %le3A_184 : i32 to vector<16xi32>
        %le3A_186 = arith.cmpi sle, %get3A_180, %le3A_185 : vector<16xi32>
        %and3A_187 = arith.andi %ge3A_183, %le3A_186 : vector<16xi1>
        %jit3A_188 = arith.constant 2.000000e+00 : f32
        %jit3A_189 = arith.constant 1.000000e+00 : f32
        %broadcast_in_dim3A_190 = vector.broadcast %jit3A_188 : f32 to vector<16xf32>
        %broadcast_in_dim3A_191 = vector.broadcast %jit3A_189 : f32 to vector<16xf32>
        %select_n3A_192 = arith.select %and3A_187, %broadcast_in_dim3A_190, %broadcast_in_dim3A_191 : vector<16xi1>, vector<16xf32>
        %swap3A_193 = arith.constant 16 : index
        %swap3A_194 = tpu.vector_load %arg15[%swap3A_193] {strides = array<i32>} : memref<128xf32, #tpu.memory_space<vmem>>, vector<16xf32>,
        tpu.vector_store %arg15[%swap3A_193], %select_n3A_192 {strides = array<i32>} : memref<128xf32, #tpu.memory_space<vmem>>, vector<16xf32>,
        %get3A_195 = arith.index_cast %add3A_151 : i32 to index
        %get3A_196 = arith.constant 32 : index
        %get3A_197 = tpu.vector_load %arg11[%get3A_195, %get3A_196] {strides = array<i32>} : memref<16x128xi32, #tpu.memory_space<vmem>>, vector<16xi32>,
        %ge3A_198 = arith.constant 0 : i32
        %ge3A_199 = vector.broadcast %ge3A_198 : i32 to vector<16xi32>
        %ge3A_200 = arith.cmpi sge, %get3A_197, %ge3A_199 : vector<16xi32>
        %le3A_201 = arith.constant 4 : i32
        %le3A_202 = vector.broadcast %le3A_201 : i32 to vector<16xi32>
        %le3A_203 = arith.cmpi sle, %get3A_197, %le3A_202 : vector<16xi32>
        %and3A_204 = arith.andi %ge3A_200, %le3A_203 : vector<16xi1>
        %jit3A_205 = arith.constant 2.000000e+00 : f32
        %jit3A_206 = arith.constant 1.000000e+00 : f32
        %broadcast_in_dim3A_207 = vector.broadcast %jit3A_205 : f32 to vector<16xf32>
        %broadcast_in_dim3A_208 = vector.broadcast %jit3A_206 : f32 to vector<16xf32>
        %select_n3A_209 = arith.select %and3A_204, %broadcast_in_dim3A_207, %broadcast_in_dim3A_208 : vector<16xi1>, vector<16xf32>
        %swap3A_210 = arith.constant 32 : index
        %swap3A_211 = tpu.vector_load %arg15[%swap3A_210] {strides = array<i32>} : memref<128xf32, #tpu.memory_space<vmem>>, vector<16xf32>,
        tpu.vector_store %arg15[%swap3A_210], %select_n3A_209 {strides = array<i32>} : memref<128xf32, #tpu.memory_space<vmem>>, vector<16xf32>,
        %get3A_212 = arith.index_cast %add3A_151 : i32 to index
        %get3A_213 = arith.constant 48 : index
        %get3A_214 = tpu.vector_load %arg11[%get3A_212, %get3A_213] {strides = array<i32>} : memref<16x128xi32, #tpu.memory_space<vmem>>, vector<16xi32>,
        %ge3A_215 = arith.constant 0 : i32
        %ge3A_216 = vector.broadcast %ge3A_215 : i32 to vector<16xi32>
        %ge3A_217 = arith.cmpi sge, %get3A_214, %ge3A_216 : vector<16xi32>
        %le3A_218 = arith.constant 4 : i32
        %le3A_219 = vector.broadcast %le3A_218 : i32 to vector<16xi32>
        %le3A_220 = arith.cmpi sle, %get3A_214, %le3A_219 : vector<16xi32>
        %and3A_221 = arith.andi %ge3A_217, %le3A_220 : vector<16xi1>
        %jit3A_222 = arith.constant 2.000000e+00 : f32
        %jit3A_223 = arith.constant 1.000000e+00 : f32
        %broadcast_in_dim3A_224 = vector.broadcast %jit3A_222 : f32 to vector<16xf32>
        %broadcast_in_dim3A_225 = vector.broadcast %jit3A_223 : f32 to vector<16xf32>
        %select_n3A_226 = arith.select %and3A_221, %broadcast_in_dim3A_224, %broadcast_in_dim3A_225 : vector<16xi1>, vector<16xf32>
        %swap3A_227 = arith.constant 48 : index
        %swap3A_228 = tpu.vector_load %arg15[%swap3A_227] {strides = array<i32>} : memref<128xf32, #tpu.memory_space<vmem>>, vector<16xf32>,
        tpu.vector_store %arg15[%swap3A_227], %select_n3A_226 {strides = array<i32>} : memref<128xf32, #tpu.memory_space<vmem>>, vector<16xf32>,
        %get3A_229 = arith.index_cast %add3A_151 : i32 to index
        %get3A_230 = arith.constant 64 : index
        %get3A_231 = tpu.vector_load %arg11[%get3A_229, %get3A_230] {strides = array<i32>} : memref<16x128xi32, #tpu.memory_space<vmem>>, vector<16xi32>,
        %ge3A_232 = arith.constant 0 : i32
        %ge3A_233 = vector.broadcast %ge3A_232 : i32 to vector<16xi32>
        %ge3A_234 = arith.cmpi sge, %get3A_231, %ge3A_233 : vector<16xi32>
        %le3A_235 = arith.constant 4 : i32
        %le3A_236 = vector.broadcast %le3A_235 : i32 to vector<16xi32>
        %le3A_237 = arith.cmpi sle, %get3A_231, %le3A_236 : vector<16xi32>
        %and3A_238 = arith.andi %ge3A_234, %le3A_237 : vector<16xi1>
        %jit3A_239 = arith.constant 2.000000e+00 : f32
        %jit3A_240 = arith.constant 1.000000e+00 : f32
        %broadcast_in_dim3A_241 = vector.broadcast %jit3A_239 : f32 to vector<16xf32>
        %broadcast_in_dim3A_242 = vector.broadcast %jit3A_240 : f32 to vector<16xf32>
        %select_n3A_243 = arith.select %and3A_238, %broadcast_in_dim3A_241, %broadcast_in_dim3A_242 : vector<16xi1>, vector<16xf32>
        %swap3A_244 = arith.constant 64 : index
        %swap3A_245 = tpu.vector_load %arg15[%swap3A_244] {strides = array<i32>} : memref<128xf32, #tpu.memory_space<vmem>>, vector<16xf32>,
        tpu.vector_store %arg15[%swap3A_244], %select_n3A_243 {strides = array<i32>} : memref<128xf32, #tpu.memory_space<vmem>>, vector<16xf32>,
        %get3A_246 = arith.index_cast %add3A_151 : i32 to index
        %get3A_247 = arith.constant 80 : index
        %get3A_248 = tpu.vector_load %arg11[%get3A_246, %get3A_247] {strides = array<i32>} : memref<16x128xi32, #tpu.memory_space<vmem>>, vector<16xi32>,
        %ge3A_249 = arith.constant 0 : i32
        %ge3A_250 = vector.broadcast %ge3A_249 : i32 to vector<16xi32>
        %ge3A_251 = arith.cmpi sge, %get3A_248, %ge3A_250 : vector<16xi32>
        %le3A_252 = arith.constant 4 : i32
        %le3A_253 = vector.broadcast %le3A_252 : i32 to vector<16xi32>
        %le3A_254 = arith.cmpi sle, %get3A_248, %le3A_253 : vector<16xi32>
        %and3A_255 = arith.andi %ge3A_251, %le3A_254 : vector<16xi1>
        %jit3A_256 = arith.constant 2.000000e+00 : f32
        %jit3A_257 = arith.constant 1.000000e+00 : f32
        %broadcast_in_dim3A_258 = vector.broadcast %jit3A_256 : f32 to vector<16xf32>
        %broadcast_in_dim3A_259 = vector.broadcast %jit3A_257 : f32 to vector<16xf32>
        %select_n3A_260 = arith.select %and3A_255, %broadcast_in_dim3A_258, %broadcast_in_dim3A_259 : vector<16xi1>, vector<16xf32>
        %swap3A_261 = arith.constant 80 : index
        %swap3A_262 = tpu.vector_load %arg15[%swap3A_261] {strides = array<i32>} : memref<128xf32, #tpu.memory_space<vmem>>, vector<16xf32>,
        tpu.vector_store %arg15[%swap3A_261], %select_n3A_260 {strides = array<i32>} : memref<128xf32, #tpu.memory_space<vmem>>, vector<16xf32>,
        %get3A_263 = arith.index_cast %add3A_151 : i32 to index
        %get3A_264 = arith.constant 96 : index
        %get3A_265 = tpu.vector_load %arg11[%get3A_263, %get3A_264] {strides = array<i32>} : memref<16x128xi32, #tpu.memory_space<vmem>>, vector<16xi32>,
        %ge3A_266 = arith.constant 0 : i32
        %ge3A_267 = vector.broadcast %ge3A_266 : i32 to vector<16xi32>
        %ge3A_268 = arith.cmpi sge, %get3A_265, %ge3A_267 : vector<16xi32>
        %le3A_269 = arith.constant 4 : i32
        %le3A_270 = vector.broadcast %le3A_269 : i32 to vector<16xi32>
        %le3A_271 = arith.cmpi sle, %get3A_265, %le3A_270 : vector<16xi32>
        %and3A_272 = arith.andi %ge3A_268, %le3A_271 : vector<16xi1>
        %jit3A_273 = arith.constant 2.000000e+00 : f32
        %jit3A_274 = arith.constant 1.000000e+00 : f32
        %broadcast_in_dim3A_275 = vector.broadcast %jit3A_273 : f32 to vector<16xf32>
        %broadcast_in_dim3A_276 = vector.broadcast %jit3A_274 : f32 to vector<16xf32>
        %select_n3A_277 = arith.select %and3A_272, %broadcast_in_dim3A_275, %broadcast_in_dim3A_276 : vector<16xi1>, vector<16xf32>
        %swap3A_278 = arith.constant 96 : index
        %swap3A_279 = tpu.vector_load %arg15[%swap3A_278] {strides = array<i32>} : memref<128xf32, #tpu.memory_space<vmem>>, vector<16xf32>,
        tpu.vector_store %arg15[%swap3A_278], %select_n3A_277 {strides = array<i32>} : memref<128xf32, #tpu.memory_space<vmem>>, vector<16xf32>,
        %get3A_280 = arith.index_cast %add3A_151 : i32 to index
        %get3A_281 = arith.constant 112 : index
        %get3A_282 = tpu.vector_load %arg11[%get3A_280, %get3A_281] {strides = array<i32>} : memref<16x128xi32, #tpu.memory_space<vmem>>, vector<16xi32>,
        %ge3A_283 = arith.constant 0 : i32
        %ge3A_284 = vector.broadcast %ge3A_283 : i32 to vector<16xi32>
        %ge3A_285 = arith.cmpi sge, %get3A_282, %ge3A_284 : vector<16xi32>
        %le3A_286 = arith.constant 4 : i32
        %le3A_287 = vector.broadcast %le3A_286 : i32 to vector<16xi32>
        %le3A_288 = arith.cmpi sle, %get3A_282, %le3A_287 : vector<16xi32>
        %and3A_289 = arith.andi %ge3A_285, %le3A_288 : vector<16xi1>
        %jit3A_290 = arith.constant 2.000000e+00 : f32
        %jit3A_291 = arith.constant 1.000000e+00 : f32
        %broadcast_in_dim3A_292 = vector.broadcast %jit3A_290 : f32 to vector<16xf32>
        %broadcast_in_dim3A_293 = vector.broadcast %jit3A_291 : f32 to vector<16xf32>
        %select_n3A_294 = arith.select %and3A_289, %broadcast_in_dim3A_292, %broadcast_in_dim3A_293 : vector<16xi1>, vector<16xf32>
        %swap3A_295 = arith.constant 112 : index
        %swap3A_296 = tpu.vector_load %arg15[%swap3A_295] {strides = array<i32>} : memref<128xf32, #tpu.memory_space<vmem>>, vector<16xf32>,
        tpu.vector_store %arg15[%swap3A_295], %select_n3A_294 {strides = array<i32>} : memref<128xf32, #tpu.memory_space<vmem>>, vector<16xf32>,
        %scan3A_297 = arith.constant 0 : i32
        %scan3A_298 = arith.constant 0 : i32
        %scan3A_299 = arith.constant 128 : i32
        %scan3A_300 = arith.addi %scan3A_298, %scan3A_299 : i32
        %scan3A_301 = arith.constant 1 : i32
        scf.for %scan3A_474 = %scan3A_298 to %scan3A_300 step %scan3A_301  : i32 {
          %broadcast_in_dim3A_475 = vector.broadcast %scan3A_474 : i32 to vector<16xi32>
          %gather3A = tpu.vector_load_idx %arg15[%broadcast_in_dim3A_475] : memref<128xf32, #tpu.memory_space<vmem>>[vector<16xi32>], vector<16xf32>,
          %get3A_476 = arith.index_cast %scan3A_474 : i32 to index
          %get3A_477 = arith.constant 0 : index
          %get3A_478 = tpu.vector_load %arg16[%get3A_476, %get3A_477] {strides = array<i32>} : memref<128x128xf32, #tpu.memory_space<vmem>>, vector<16xf32>,
          %mul3A_479 = arith.mulf %get3A_478, %gather3A : vector<16xf32>
          %swap3A_480 = arith.index_cast %scan3A_474 : i32 to index
          %swap3A_481 = arith.constant 0 : index
          %swap3A_482 = tpu.vector_load %arg16[%swap3A_480, %swap3A_481] {strides = array<i32>} : memref<128x128xf32, #tpu.memory_space<vmem>>, vector<16xf32>,
          tpu.vector_store %arg16[%swap3A_480, %swap3A_481], %mul3A_479 {strides = array<i32>} : memref<128x128xf32, #tpu.memory_space<vmem>>, vector<16xf32>,
          %get3A_483 = arith.index_cast %scan3A_474 : i32 to index
          %get3A_484 = arith.constant 16 : index
          %get3A_485 = tpu.vector_load %arg16[%get3A_483, %get3A_484] {strides = array<i32>} : memref<128x128xf32, #tpu.memory_space<vmem>>, vector<16xf32>,
          %mul3A_486 = arith.mulf %get3A_485, %gather3A : vector<16xf32>
          %swap3A_487 = arith.index_cast %scan3A_474 : i32 to index
          %swap3A_488 = arith.constant 16 : index
          %swap3A_489 = tpu.vector_load %arg16[%swap3A_487, %swap3A_488] {strides = array<i32>} : memref<128x128xf32, #tpu.memory_space<vmem>>, vector<16xf32>,
          tpu.vector_store %arg16[%swap3A_487, %swap3A_488], %mul3A_486 {strides = array<i32>} : memref<128x128xf32, #tpu.memory_space<vmem>>, vector<16xf32>,
          %get3A_490 = arith.index_cast %scan3A_474 : i32 to index
          %get3A_491 = arith.constant 32 : index
          %get3A_492 = tpu.vector_load %arg16[%get3A_490, %get3A_491] {strides = array<i32>} : memref<128x128xf32, #tpu.memory_space<vmem>>, vector<16xf32>,
          %mul3A_493 = arith.mulf %get3A_492, %gather3A : vector<16xf32>
          %swap3A_494 = arith.index_cast %scan3A_474 : i32 to index
          %swap3A_495 = arith.constant 32 : index
          %swap3A_496 = tpu.vector_load %arg16[%swap3A_494, %swap3A_495] {strides = array<i32>} : memref<128x128xf32, #tpu.memory_space<vmem>>, vector<16xf32>,
          tpu.vector_store %arg16[%swap3A_494, %swap3A_495], %mul3A_493 {strides = array<i32>} : memref<128x128xf32, #tpu.memory_space<vmem>>, vector<16xf32>,
          %get3A_497 = arith.index_cast %scan3A_474 : i32 to index
          %get3A_498 = arith.constant 48 : index
          %get3A_499 = tpu.vector_load %arg16[%get3A_497, %get3A_498] {strides = array<i32>} : memref<128x128xf32, #tpu.memory_space<vmem>>, vector<16xf32>,
          %mul3A_500 = arith.mulf %get3A_499, %gather3A : vector<16xf32>
          %swap3A_501 = arith.index_cast %scan3A_474 : i32 to index
          %swap3A_502 = arith.constant 48 : index
          %swap3A_503 = tpu.vector_load %arg16[%swap3A_501, %swap3A_502] {strides = array<i32>} : memref<128x128xf32, #tpu.memory_space<vmem>>, vector<16xf32>,
          tpu.vector_store %arg16[%swap3A_501, %swap3A_502], %mul3A_500 {strides = array<i32>} : memref<128x128xf32, #tpu.memory_space<vmem>>, vector<16xf32>,
          %get3A_504 = arith.index_cast %scan3A_474 : i32 to index
          %get3A_505 = arith.constant 64 : index
          %get3A_506 = tpu.vector_load %arg16[%get3A_504, %get3A_505] {strides = array<i32>} : memref<128x128xf32, #tpu.memory_space<vmem>>, vector<16xf32>,
          %mul3A_507 = arith.mulf %get3A_506, %gather3A : vector<16xf32>
          %swap3A_508 = arith.index_cast %scan3A_474 : i32 to index
          %swap3A_509 = arith.constant 64 : index
          %swap3A_510 = tpu.vector_load %arg16[%swap3A_508, %swap3A_509] {strides = array<i32>} : memref<128x128xf32, #tpu.memory_space<vmem>>, vector<16xf32>,
          tpu.vector_store %arg16[%swap3A_508, %swap3A_509], %mul3A_507 {strides = array<i32>} : memref<128x128xf32, #tpu.memory_space<vmem>>, vector<16xf32>,
          %get3A_511 = arith.index_cast %scan3A_474 : i32 to index
          %get3A_512 = arith.constant 80 : index
          %get3A_513 = tpu.vector_load %arg16[%get3A_511, %get3A_512] {strides = array<i32>} : memref<128x128xf32, #tpu.memory_space<vmem>>, vector<16xf32>,
          %mul3A_514 = arith.mulf %get3A_513, %gather3A : vector<16xf32>
          %swap3A_515 = arith.index_cast %scan3A_474 : i32 to index
          %swap3A_516 = arith.constant 80 : index
          %swap3A_517 = tpu.vector_load %arg16[%swap3A_515, %swap3A_516] {strides = array<i32>} : memref<128x128xf32, #tpu.memory_space<vmem>>, vector<16xf32>,
          tpu.vector_store %arg16[%swap3A_515, %swap3A_516], %mul3A_514 {strides = array<i32>} : memref<128x128xf32, #tpu.memory_space<vmem>>, vector<16xf32>,
          %get3A_518 = arith.index_cast %scan3A_474 : i32 to index
          %get3A_519 = arith.constant 96 : index
          %get3A_520 = tpu.vector_load %arg16[%get3A_518, %get3A_519] {strides = array<i32>} : memref<128x128xf32, #tpu.memory_space<vmem>>, vector<16xf32>,
          %mul3A_521 = arith.mulf %get3A_520, %gather3A : vector<16xf32>
          %swap3A_522 = arith.index_cast %scan3A_474 : i32 to index
          %swap3A_523 = arith.constant 96 : index
          %swap3A_524 = tpu.vector_load %arg16[%swap3A_522, %swap3A_523] {strides = array<i32>} : memref<128x128xf32, #tpu.memory_space<vmem>>, vector<16xf32>,
          tpu.vector_store %arg16[%swap3A_522, %swap3A_523], %mul3A_521 {strides = array<i32>} : memref<128x128xf32, #tpu.memory_space<vmem>>, vector<16xf32>,
          %get3A_525 = arith.index_cast %scan3A_474 : i32 to index
          %get3A_526 = arith.constant 112 : index
          %get3A_527 = tpu.vector_load %arg16[%get3A_525, %get3A_526] {strides = array<i32>} : memref<128x128xf32, #tpu.memory_space<vmem>>, vector<16xf32>,
          %mul3A_528 = arith.mulf %get3A_527, %gather3A : vector<16xf32>
          %swap3A_529 = arith.index_cast %scan3A_474 : i32 to index
          %swap3A_530 = arith.constant 112 : index
          %swap3A_531 = tpu.vector_load %arg16[%swap3A_529, %swap3A_530] {strides = array<i32>} : memref<128x128xf32, #tpu.memory_space<vmem>>, vector<16xf32>,
          tpu.vector_store %arg16[%swap3A_529, %swap3A_530], %mul3A_528 {strides = array<i32>} : memref<128x128xf32, #tpu.memory_space<vmem>>, vector<16xf32>,
        }
        %scan3A_302 = arith.constant 128 : i32
        %dma_start3A_303 = arith.constant 0 : i32
        %dma_start3A_304 = tpu.memref_slice %arg10[%add3A_151, %dma_start3A_303] : memref<16x128xi32, #tpu.memory_space<vmem>> -> memref<1x128xi32, #tpu.memory_space<vmem>>
        %dma_start3A_305 = tpu.memref_squeeze %dma_start3A_304 : memref<1x128xi32, #tpu.memory_space<vmem>> -> memref<128xi32, #tpu.memory_space<vmem>>
        %dma_start3A_306 = arith.constant 0 : i32
        %dma_start3A_307 = arith.constant 0 : i32
        %dma_start3A_308 = tpu.memref_slice %arg18[%dma_start3A_306, %dma_start3A_307] : memref<10240x128xf32, #tpu.memory_space<vmem_shared>> -> memref<10240x128xf32, #tpu.memory_space<vmem_shared>>
        tpu.enqueue_indirect_dma source(%arg16 : memref<128x128xf32, #tpu.memory_space<vmem>>) target(%dma_start3A_308 : memref<10240x128xf32, #tpu.memory_space<vmem_shared>>) offsets(%dma_start3A_305 : memref<128xi32, #tpu.memory_space<vmem>>) semaphore(%arg21 : memref<!tpu.dma_semaphore, #tpu.memory_space<semaphore_mem>>) {add = true}
        %mul3A_309 = arith.constant 2 : i32
        %mul3A_310 = arith.muli %scan3A_147, %mul3A_309 : i32
        %add3A_311 = arith.constant 1 : i32
        %add3A_312 = arith.addi %mul3A_310, %add3A_311 : i32
        %add3A_313 = arith.constant 1 : i32
        %add3A_314 = arith.addi %add3A_312, %add3A_313 : i32
        %lt3A_315 = arith.constant 16 : i32
        %lt3A_316 = arith.cmpi slt, %add3A_314, %lt3A_315 : i32
        %convert_element_type3A_317 = arith.extui %lt3A_316 : i1 to i32
        %cond3A_318 = arith.constant 0 : i32
        %cond3A_319 = arith.cmpi ne, %convert_element_type3A_317, %cond3A_318 : i32
        scf.if %cond3A_319 {
          %ge3A_474 = arith.constant 1 : i32
          %ge3A_475 = arith.cmpi sge, %add3A_312, %ge3A_474 : i32
          %convert_element_type3A_476 = arith.extui %ge3A_475 : i1 to i32
          %cond3A_477 = arith.constant 0 : i32
          %cond3A_478 = arith.cmpi ne, %convert_element_type3A_476, %cond3A_477 : i32
          scf.if %cond3A_478 {
            %dma_wait3A_487 = arith.constant 0 : i32
            %dma_wait3A_488 = arith.constant 0 : i32
            %dma_wait3A_489 = tpu.memref_slice %arg10[%dma_wait3A_487, %dma_wait3A_488] : memref<16x128xi32, #tpu.memory_space<vmem>> -> memref<1x128xi32, #tpu.memory_space<vmem>>
            %dma_wait3A_490 = tpu.memref_squeeze %dma_wait3A_489 : memref<1x128xi32, #tpu.memory_space<vmem>> -> memref<128xi32, #tpu.memory_space<vmem>>
            %dma_wait3A_491 = arith.constant 0 : i32
            %dma_wait3A_492 = arith.constant 0 : i32
            %dma_wait3A_493 = tpu.memref_slice %arg18[%dma_wait3A_491, %dma_wait3A_492] : memref<10240x128xf32, #tpu.memory_space<vmem_shared>> -> memref<10240x128xf32, #tpu.memory_space<vmem_shared>>
            tpu.wait_indirect_dma semaphore(%arg21 : memref<!tpu.dma_semaphore, #tpu.memory_space<semaphore_mem>>) src(%arg16 : memref<128x128xf32, #tpu.memory_space<vmem>>) dst(%dma_wait3A_493 : memref<10240x128xf32, #tpu.memory_space<vmem_shared>>)
          } else {
          }
          %add3A_479 = arith.constant 1 : i32
          %add3A_480 = arith.addi %add3A_312, %add3A_479 : i32
          %dma_start3A_481 = arith.constant 0 : i32
          %dma_start3A_482 = tpu.memref_slice %arg9[%add3A_480, %dma_start3A_481] : memref<16x128xi32, #tpu.memory_space<vmem>> -> memref<1x128xi32, #tpu.memory_space<vmem>>
          %dma_start3A_483 = tpu.memref_squeeze %dma_start3A_482 : memref<1x128xi32, #tpu.memory_space<vmem>> -> memref<128xi32, #tpu.memory_space<vmem>>
          %dma_start3A_484 = arith.constant 0 : i32
          %dma_start3A_485 = arith.constant 0 : i32
          %dma_start3A_486 = tpu.memref_slice %arg2[%dma_start3A_484, %dma_start3A_485] : memref<10000x128xf32, #tpu.memory_space<hbm>> -> memref<10000x128xf32, #tpu.memory_space<hbm>>
          tpu.enqueue_indirect_dma source(%dma_start3A_486 : memref<10000x128xf32, #tpu.memory_space<hbm>>) target(%arg16 : memref<128x128xf32, #tpu.memory_space<vmem>>) offsets(%dma_start3A_483 : memref<128xi32, #tpu.memory_space<vmem>>) semaphore(%arg19 : memref<!tpu.dma_semaphore, #tpu.memory_space<semaphore_mem>>)
        } else {
        }
        %dma_wait3A_320 = arith.constant 0 : i32
        %dma_wait3A_321 = tpu.memref_slice %arg9[%add3A_312, %dma_wait3A_320] : memref<16x128xi32, #tpu.memory_space<vmem>> -> memref<1x128xi32, #tpu.memory_space<vmem>>
        %dma_wait3A_322 = tpu.memref_squeeze %dma_wait3A_321 : memref<1x128xi32, #tpu.memory_space<vmem>> -> memref<128xi32, #tpu.memory_space<vmem>>
        %dma_wait3A_323 = arith.constant 0 : i32
        %dma_wait3A_324 = arith.constant 0 : i32
        %dma_wait3A_325 = tpu.memref_slice %arg2[%dma_wait3A_323, %dma_wait3A_324] : memref<10000x128xf32, #tpu.memory_space<hbm>> -> memref<10000x128xf32, #tpu.memory_space<hbm>>
        tpu.wait_indirect_dma semaphore(%arg20 : memref<!tpu.dma_semaphore, #tpu.memory_space<semaphore_mem>>) src(%dma_wait3A_325 : memref<10000x128xf32, #tpu.memory_space<hbm>>) dst(%arg17 : memref<128x128xf32, #tpu.memory_space<vmem>>)
        %get3A_326 = arith.index_cast %add3A_312 : i32 to index
        %get3A_327 = arith.constant 0 : index
        %get3A_328 = tpu.vector_load %arg11[%get3A_326, %get3A_327] {strides = array<i32>} : memref<16x128xi32, #tpu.memory_space<vmem>>, vector<16xi32>,
        %ge3A_329 = arith.constant 0 : i32
        %ge3A_330 = vector.broadcast %ge3A_329 : i32 to vector<16xi32>
        %ge3A_331 = arith.cmpi sge, %get3A_328, %ge3A_330 : vector<16xi32>
        %le3A_332 = arith.constant 4 : i32
        %le3A_333 = vector.broadcast %le3A_332 : i32 to vector<16xi32>
        %le3A_334 = arith.cmpi sle, %get3A_328, %le3A_333 : vector<16xi32>
        %and3A_335 = arith.andi %ge3A_331, %le3A_334 : vector<16xi1>
        %jit3A_336 = arith.constant 2.000000e+00 : f32
        %jit3A_337 = arith.constant 1.000000e+00 : f32
        %broadcast_in_dim3A_338 = vector.broadcast %jit3A_336 : f32 to vector<16xf32>
        %broadcast_in_dim3A_339 = vector.broadcast %jit3A_337 : f32 to vector<16xf32>
        %select_n3A_340 = arith.select %and3A_335, %broadcast_in_dim3A_338, %broadcast_in_dim3A_339 : vector<16xi1>, vector<16xf32>
        %swap3A_341 = arith.constant 0 : index
        %swap3A_342 = tpu.vector_load %arg15[%swap3A_341] {strides = array<i32>} : memref<128xf32, #tpu.memory_space<vmem>>, vector<16xf32>,
        tpu.vector_store %arg15[%swap3A_341], %select_n3A_340 {strides = array<i32>} : memref<128xf32, #tpu.memory_space<vmem>>, vector<16xf32>,
        %get3A_343 = arith.index_cast %add3A_312 : i32 to index
        %get3A_344 = arith.constant 16 : index
        %get3A_345 = tpu.vector_load %arg11[%get3A_343, %get3A_344] {strides = array<i32>} : memref<16x128xi32, #tpu.memory_space<vmem>>, vector<16xi32>,
        %ge3A_346 = arith.constant 0 : i32
        %ge3A_347 = vector.broadcast %ge3A_346 : i32 to vector<16xi32>
        %ge3A_348 = arith.cmpi sge, %get3A_345, %ge3A_347 : vector<16xi32>
        %le3A_349 = arith.constant 4 : i32
        %le3A_350 = vector.broadcast %le3A_349 : i32 to vector<16xi32>
        %le3A_351 = arith.cmpi sle, %get3A_345, %le3A_350 : vector<16xi32>
        %and3A_352 = arith.andi %ge3A_348, %le3A_351 : vector<16xi1>
        %jit3A_353 = arith.constant 2.000000e+00 : f32
        %jit3A_354 = arith.constant 1.000000e+00 : f32
        %broadcast_in_dim3A_355 = vector.broadcast %jit3A_353 : f32 to vector<16xf32>
        %broadcast_in_dim3A_356 = vector.broadcast %jit3A_354 : f32 to vector<16xf32>
        %select_n3A_357 = arith.select %and3A_352, %broadcast_in_dim3A_355, %broadcast_in_dim3A_356 : vector<16xi1>, vector<16xf32>
        %swap3A_358 = arith.constant 16 : index
        %swap3A_359 = tpu.vector_load %arg15[%swap3A_358] {strides = array<i32>} : memref<128xf32, #tpu.memory_space<vmem>>, vector<16xf32>,
        tpu.vector_store %arg15[%swap3A_358], %select_n3A_357 {strides = array<i32>} : memref<128xf32, #tpu.memory_space<vmem>>, vector<16xf32>,
        %get3A_360 = arith.index_cast %add3A_312 : i32 to index
        %get3A_361 = arith.constant 32 : index
        %get3A_362 = tpu.vector_load %arg11[%get3A_360, %get3A_361] {strides = array<i32>} : memref<16x128xi32, #tpu.memory_space<vmem>>, vector<16xi32>,
        %ge3A_363 = arith.constant 0 : i32
        %ge3A_364 = vector.broadcast %ge3A_363 : i32 to vector<16xi32>
        %ge3A_365 = arith.cmpi sge, %get3A_362, %ge3A_364 : vector<16xi32>
        %le3A_366 = arith.constant 4 : i32
        %le3A_367 = vector.broadcast %le3A_366 : i32 to vector<16xi32>
        %le3A_368 = arith.cmpi sle, %get3A_362, %le3A_367 : vector<16xi32>
        %and3A_369 = arith.andi %ge3A_365, %le3A_368 : vector<16xi1>
        %jit3A_370 = arith.constant 2.000000e+00 : f32
        %jit3A_371 = arith.constant 1.000000e+00 : f32
        %broadcast_in_dim3A_372 = vector.broadcast %jit3A_370 : f32 to vector<16xf32>
        %broadcast_in_dim3A_373 = vector.broadcast %jit3A_371 : f32 to vector<16xf32>
        %select_n3A_374 = arith.select %and3A_369, %broadcast_in_dim3A_372, %broadcast_in_dim3A_373 : vector<16xi1>, vector<16xf32>
        %swap3A_375 = arith.constant 32 : index
        %swap3A_376 = tpu.vector_load %arg15[%swap3A_375] {strides = array<i32>} : memref<128xf32, #tpu.memory_space<vmem>>, vector<16xf32>,
        tpu.vector_store %arg15[%swap3A_375], %select_n3A_374 {strides = array<i32>} : memref<128xf32, #tpu.memory_space<vmem>>, vector<16xf32>,
        %get3A_377 = arith.index_cast %add3A_312 : i32 to index
        %get3A_378 = arith.constant 48 : index
        %get3A_379 = tpu.vector_load %arg11[%get3A_377, %get3A_378] {strides = array<i32>} : memref<16x128xi32, #tpu.memory_space<vmem>>, vector<16xi32>,
        %ge3A_380 = arith.constant 0 : i32
        %ge3A_381 = vector.broadcast %ge3A_380 : i32 to vector<16xi32>
        %ge3A_382 = arith.cmpi sge, %get3A_379, %ge3A_381 : vector<16xi32>
        %le3A_383 = arith.constant 4 : i32
        %le3A_384 = vector.broadcast %le3A_383 : i32 to vector<16xi32>
        %le3A_385 = arith.cmpi sle, %get3A_379, %le3A_384 : vector<16xi32>
        %and3A_386 = arith.andi %ge3A_382, %le3A_385 : vector<16xi1>
        %jit3A_387 = arith.constant 2.000000e+00 : f32
        %jit3A_388 = arith.constant 1.000000e+00 : f32
        %broadcast_in_dim3A_389 = vector.broadcast %jit3A_387 : f32 to vector<16xf32>
        %broadcast_in_dim3A_390 = vector.broadcast %jit3A_388 : f32 to vector<16xf32>
        %select_n3A_391 = arith.select %and3A_386, %broadcast_in_dim3A_389, %broadcast_in_dim3A_390 : vector<16xi1>, vector<16xf32>
        %swap3A_392 = arith.constant 48 : index
        %swap3A_393 = tpu.vector_load %arg15[%swap3A_392] {strides = array<i32>} : memref<128xf32, #tpu.memory_space<vmem>>, vector<16xf32>,
        tpu.vector_store %arg15[%swap3A_392], %select_n3A_391 {strides = array<i32>} : memref<128xf32, #tpu.memory_space<vmem>>, vector<16xf32>,
        %get3A_394 = arith.index_cast %add3A_312 : i32 to index
        %get3A_395 = arith.constant 64 : index
        %get3A_396 = tpu.vector_load %arg11[%get3A_394, %get3A_395] {strides = array<i32>} : memref<16x128xi32, #tpu.memory_space<vmem>>, vector<16xi32>,
        %ge3A_397 = arith.constant 0 : i32
        %ge3A_398 = vector.broadcast %ge3A_397 : i32 to vector<16xi32>
        %ge3A_399 = arith.cmpi sge, %get3A_396, %ge3A_398 : vector<16xi32>
        %le3A_400 = arith.constant 4 : i32
        %le3A_401 = vector.broadcast %le3A_400 : i32 to vector<16xi32>
        %le3A_402 = arith.cmpi sle, %get3A_396, %le3A_401 : vector<16xi32>
        %and3A_403 = arith.andi %ge3A_399, %le3A_402 : vector<16xi1>
        %jit3A_404 = arith.constant 2.000000e+00 : f32
        %jit3A_405 = arith.constant 1.000000e+00 : f32
        %broadcast_in_dim3A_406 = vector.broadcast %jit3A_404 : f32 to vector<16xf32>
        %broadcast_in_dim3A_407 = vector.broadcast %jit3A_405 : f32 to vector<16xf32>
        %select_n3A_408 = arith.select %and3A_403, %broadcast_in_dim3A_406, %broadcast_in_dim3A_407 : vector<16xi1>, vector<16xf32>
        %swap3A_409 = arith.constant 64 : index
        %swap3A_410 = tpu.vector_load %arg15[%swap3A_409] {strides = array<i32>} : memref<128xf32, #tpu.memory_space<vmem>>, vector<16xf32>,
        tpu.vector_store %arg15[%swap3A_409], %select_n3A_408 {strides = array<i32>} : memref<128xf32, #tpu.memory_space<vmem>>, vector<16xf32>,
        %get3A_411 = arith.index_cast %add3A_312 : i32 to index
        %get3A_412 = arith.constant 80 : index
        %get3A_413 = tpu.vector_load %arg11[%get3A_411, %get3A_412] {strides = array<i32>} : memref<16x128xi32, #tpu.memory_space<vmem>>, vector<16xi32>,
        %ge3A_414 = arith.constant 0 : i32
        %ge3A_415 = vector.broadcast %ge3A_414 : i32 to vector<16xi32>
        %ge3A_416 = arith.cmpi sge, %get3A_413, %ge3A_415 : vector<16xi32>
        %le3A_417 = arith.constant 4 : i32
        %le3A_418 = vector.broadcast %le3A_417 : i32 to vector<16xi32>
        %le3A_419 = arith.cmpi sle, %get3A_413, %le3A_418 : vector<16xi32>
        %and3A_420 = arith.andi %ge3A_416, %le3A_419 : vector<16xi1>
        %jit3A_421 = arith.constant 2.000000e+00 : f32
        %jit3A_422 = arith.constant 1.000000e+00 : f32
        %broadcast_in_dim3A_423 = vector.broadcast %jit3A_421 : f32 to vector<16xf32>
        %broadcast_in_dim3A_424 = vector.broadcast %jit3A_422 : f32 to vector<16xf32>
        %select_n3A_425 = arith.select %and3A_420, %broadcast_in_dim3A_423, %broadcast_in_dim3A_424 : vector<16xi1>, vector<16xf32>
        %swap3A_426 = arith.constant 80 : index
        %swap3A_427 = tpu.vector_load %arg15[%swap3A_426] {strides = array<i32>} : memref<128xf32, #tpu.memory_space<vmem>>, vector<16xf32>,
        tpu.vector_store %arg15[%swap3A_426], %select_n3A_425 {strides = array<i32>} : memref<128xf32, #tpu.memory_space<vmem>>, vector<16xf32>,
        %get3A_428 = arith.index_cast %add3A_312 : i32 to index
        %get3A_429 = arith.constant 96 : index
        %get3A_430 = tpu.vector_load %arg11[%get3A_428, %get3A_429] {strides = array<i32>} : memref<16x128xi32, #tpu.memory_space<vmem>>, vector<16xi32>,
        %ge3A_431 = arith.constant 0 : i32
        %ge3A_432 = vector.broadcast %ge3A_431 : i32 to vector<16xi32>
        %ge3A_433 = arith.cmpi sge, %get3A_430, %ge3A_432 : vector<16xi32>
        %le3A_434 = arith.constant 4 : i32
        %le3A_435 = vector.broadcast %le3A_434 : i32 to vector<16xi32>
        %le3A_436 = arith.cmpi sle, %get3A_430, %le3A_435 : vector<16xi32>
        %and3A_437 = arith.andi %ge3A_433, %le3A_436 : vector<16xi1>
        %jit3A_438 = arith.constant 2.000000e+00 : f32
        %jit3A_439 = arith.constant 1.000000e+00 : f32
        %broadcast_in_dim3A_440 = vector.broadcast %jit3A_438 : f32 to vector<16xf32>
        %broadcast_in_dim3A_441 = vector.broadcast %jit3A_439 : f32 to vector<16xf32>
        %select_n3A_442 = arith.select %and3A_437, %broadcast_in_dim3A_440, %broadcast_in_dim3A_441 : vector<16xi1>, vector<16xf32>
        %swap3A_443 = arith.constant 96 : index
        %swap3A_444 = tpu.vector_load %arg15[%swap3A_443] {strides = array<i32>} : memref<128xf32, #tpu.memory_space<vmem>>, vector<16xf32>,
        tpu.vector_store %arg15[%swap3A_443], %select_n3A_442 {strides = array<i32>} : memref<128xf32, #tpu.memory_space<vmem>>, vector<16xf32>,
        %get3A_445 = arith.index_cast %add3A_312 : i32 to index
        %get3A_446 = arith.constant 112 : index
        %get3A_447 = tpu.vector_load %arg11[%get3A_445, %get3A_446] {strides = array<i32>} : memref<16x128xi32, #tpu.memory_space<vmem>>, vector<16xi32>,
        %ge3A_448 = arith.constant 0 : i32
        %ge3A_449 = vector.broadcast %ge3A_448 : i32 to vector<16xi32>
        %ge3A_450 = arith.cmpi sge, %get3A_447, %ge3A_449 : vector<16xi32>
        %le3A_451 = arith.constant 4 : i32
        %le3A_452 = vector.broadcast %le3A_451 : i32 to vector<16xi32>
        %le3A_453 = arith.cmpi sle, %get3A_447, %le3A_452 : vector<16xi32>
        %and3A_454 = arith.andi %ge3A_450, %le3A_453 : vector<16xi1>
        %jit3A_455 = arith.constant 2.000000e+00 : f32
        %jit3A_456 = arith.constant 1.000000e+00 : f32
        %broadcast_in_dim3A_457 = vector.broadcast %jit3A_455 : f32 to vector<16xf32>
        %broadcast_in_dim3A_458 = vector.broadcast %jit3A_456 : f32 to vector<16xf32>
        %select_n3A_459 = arith.select %and3A_454, %broadcast_in_dim3A_457, %broadcast_in_dim3A_458 : vector<16xi1>, vector<16xf32>
        %swap3A_460 = arith.constant 112 : index
        %swap3A_461 = tpu.vector_load %arg15[%swap3A_460] {strides = array<i32>} : memref<128xf32, #tpu.memory_space<vmem>>, vector<16xf32>,
        tpu.vector_store %arg15[%swap3A_460], %select_n3A_459 {strides = array<i32>} : memref<128xf32, #tpu.memory_space<vmem>>, vector<16xf32>,
        %scan3A_462 = arith.constant 0 : i32
        %scan3A_463 = arith.constant 0 : i32
        %scan3A_464 = arith.constant 128 : i32
        %scan3A_465 = arith.addi %scan3A_463, %scan3A_464 : i32
        %scan3A_466 = arith.constant 1 : i32
        scf.for %scan3A_474 = %scan3A_463 to %scan3A_465 step %scan3A_466  : i32 {
          %broadcast_in_dim3A_475 = vector.broadcast %scan3A_474 : i32 to vector<16xi32>
          %gather3A = tpu.vector_load_idx %arg15[%broadcast_in_dim3A_475] : memref<128xf32, #tpu.memory_space<vmem>>[vector<16xi32>], vector<16xf32>,
          %get3A_476 = arith.index_cast %scan3A_474 : i32 to index
          %get3A_477 = arith.constant 0 : index
          %get3A_478 = tpu.vector_load %arg17[%get3A_476, %get3A_477] {strides = array<i32>} : memref<128x128xf32, #tpu.memory_space<vmem>>, vector<16xf32>,
          %mul3A_479 = arith.mulf %get3A_478, %gather3A : vector<16xf32>
          %swap3A_480 = arith.index_cast %scan3A_474 : i32 to index
          %swap3A_481 = arith.constant 0 : index
          %swap3A_482 = tpu.vector_load %arg17[%swap3A_480, %swap3A_481] {strides = array<i32>} : memref<128x128xf32, #tpu.memory_space<vmem>>, vector<16xf32>,
          tpu.vector_store %arg17[%swap3A_480, %swap3A_481], %mul3A_479 {strides = array<i32>} : memref<128x128xf32, #tpu.memory_space<vmem>>, vector<16xf32>,
          %get3A_483 = arith.index_cast %scan3A_474 : i32 to index
          %get3A_484 = arith.constant 16 : index
          %get3A_485 = tpu.vector_load %arg17[%get3A_483, %get3A_484] {strides = array<i32>} : memref<128x128xf32, #tpu.memory_space<vmem>>, vector<16xf32>,
          %mul3A_486 = arith.mulf %get3A_485, %gather3A : vector<16xf32>
          %swap3A_487 = arith.index_cast %scan3A_474 : i32 to index
          %swap3A_488 = arith.constant 16 : index
          %swap3A_489 = tpu.vector_load %arg17[%swap3A_487, %swap3A_488] {strides = array<i32>} : memref<128x128xf32, #tpu.memory_space<vmem>>, vector<16xf32>,
          tpu.vector_store %arg17[%swap3A_487, %swap3A_488], %mul3A_486 {strides = array<i32>} : memref<128x128xf32, #tpu.memory_space<vmem>>, vector<16xf32>,
          %get3A_490 = arith.index_cast %scan3A_474 : i32 to index
          %get3A_491 = arith.constant 32 : index
          %get3A_492 = tpu.vector_load %arg17[%get3A_490, %get3A_491] {strides = array<i32>} : memref<128x128xf32, #tpu.memory_space<vmem>>, vector<16xf32>,
          %mul3A_493 = arith.mulf %get3A_492, %gather3A : vector<16xf32>
          %swap3A_494 = arith.index_cast %scan3A_474 : i32 to index
          %swap3A_495 = arith.constant 32 : index
          %swap3A_496 = tpu.vector_load %arg17[%swap3A_494, %swap3A_495] {strides = array<i32>} : memref<128x128xf32, #tpu.memory_space<vmem>>, vector<16xf32>,
          tpu.vector_store %arg17[%swap3A_494, %swap3A_495], %mul3A_493 {strides = array<i32>} : memref<128x128xf32, #tpu.memory_space<vmem>>, vector<16xf32>,
          %get3A_497 = arith.index_cast %scan3A_474 : i32 to index
          %get3A_498 = arith.constant 48 : index
          %get3A_499 = tpu.vector_load %arg17[%get3A_497, %get3A_498] {strides = array<i32>} : memref<128x128xf32, #tpu.memory_space<vmem>>, vector<16xf32>,
          %mul3A_500 = arith.mulf %get3A_499, %gather3A : vector<16xf32>
          %swap3A_501 = arith.index_cast %scan3A_474 : i32 to index
          %swap3A_502 = arith.constant 48 : index
          %swap3A_503 = tpu.vector_load %arg17[%swap3A_501, %swap3A_502] {strides = array<i32>} : memref<128x128xf32, #tpu.memory_space<vmem>>, vector<16xf32>,
          tpu.vector_store %arg17[%swap3A_501, %swap3A_502], %mul3A_500 {strides = array<i32>} : memref<128x128xf32, #tpu.memory_space<vmem>>, vector<16xf32>,
          %get3A_504 = arith.index_cast %scan3A_474 : i32 to index
          %get3A_505 = arith.constant 64 : index
          %get3A_506 = tpu.vector_load %arg17[%get3A_504, %get3A_505] {strides = array<i32>} : memref<128x128xf32, #tpu.memory_space<vmem>>, vector<16xf32>,
          %mul3A_507 = arith.mulf %get3A_506, %gather3A : vector<16xf32>
          %swap3A_508 = arith.index_cast %scan3A_474 : i32 to index
          %swap3A_509 = arith.constant 64 : index
          %swap3A_510 = tpu.vector_load %arg17[%swap3A_508, %swap3A_509] {strides = array<i32>} : memref<128x128xf32, #tpu.memory_space<vmem>>, vector<16xf32>,
          tpu.vector_store %arg17[%swap3A_508, %swap3A_509], %mul3A_507 {strides = array<i32>} : memref<128x128xf32, #tpu.memory_space<vmem>>, vector<16xf32>,
          %get3A_511 = arith.index_cast %scan3A_474 : i32 to index
          %get3A_512 = arith.constant 80 : index
          %get3A_513 = tpu.vector_load %arg17[%get3A_511, %get3A_512] {strides = array<i32>} : memref<128x128xf32, #tpu.memory_space<vmem>>, vector<16xf32>,
          %mul3A_514 = arith.mulf %get3A_513, %gather3A : vector<16xf32>
          %swap3A_515 = arith.index_cast %scan3A_474 : i32 to index
          %swap3A_516 = arith.constant 80 : index
          %swap3A_517 = tpu.vector_load %arg17[%swap3A_515, %swap3A_516] {strides = array<i32>} : memref<128x128xf32, #tpu.memory_space<vmem>>, vector<16xf32>,
          tpu.vector_store %arg17[%swap3A_515, %swap3A_516], %mul3A_514 {strides = array<i32>} : memref<128x128xf32, #tpu.memory_space<vmem>>, vector<16xf32>,
          %get3A_518 = arith.index_cast %scan3A_474 : i32 to index
          %get3A_519 = arith.constant 96 : index
          %get3A_520 = tpu.vector_load %arg17[%get3A_518, %get3A_519] {strides = array<i32>} : memref<128x128xf32, #tpu.memory_space<vmem>>, vector<16xf32>,
          %mul3A_521 = arith.mulf %get3A_520, %gather3A : vector<16xf32>
          %swap3A_522 = arith.index_cast %scan3A_474 : i32 to index
          %swap3A_523 = arith.constant 96 : index
          %swap3A_524 = tpu.vector_load %arg17[%swap3A_522, %swap3A_523] {strides = array<i32>} : memref<128x128xf32, #tpu.memory_space<vmem>>, vector<16xf32>,
          tpu.vector_store %arg17[%swap3A_522, %swap3A_523], %mul3A_521 {strides = array<i32>} : memref<128x128xf32, #tpu.memory_space<vmem>>, vector<16xf32>,
          %get3A_525 = arith.index_cast %scan3A_474 : i32 to index
          %get3A_526 = arith.constant 112 : index
          %get3A_527 = tpu.vector_load %arg17[%get3A_525, %get3A_526] {strides = array<i32>} : memref<128x128xf32, #tpu.memory_space<vmem>>, vector<16xf32>,
          %mul3A_528 = arith.mulf %get3A_527, %gather3A : vector<16xf32>
          %swap3A_529 = arith.index_cast %scan3A_474 : i32 to index
          %swap3A_530 = arith.constant 112 : index
          %swap3A_531 = tpu.vector_load %arg17[%swap3A_529, %swap3A_530] {strides = array<i32>} : memref<128x128xf32, #tpu.memory_space<vmem>>, vector<16xf32>,
          tpu.vector_store %arg17[%swap3A_529, %swap3A_530], %mul3A_528 {strides = array<i32>} : memref<128x128xf32, #tpu.memory_space<vmem>>, vector<16xf32>,
        }
        %scan3A_467 = arith.constant 128 : i32
        %dma_start3A_468 = arith.constant 0 : i32
        %dma_start3A_469 = tpu.memref_slice %arg10[%add3A_312, %dma_start3A_468] : memref<16x128xi32, #tpu.memory_space<vmem>> -> memref<1x128xi32, #tpu.memory_space<vmem>>
        %dma_start3A_470 = tpu.memref_squeeze %dma_start3A_469 : memref<1x128xi32, #tpu.memory_space<vmem>> -> memref<128xi32, #tpu.memory_space<vmem>>
        %dma_start3A_471 = arith.constant 0 : i32
        %dma_start3A_472 = arith.constant 0 : i32
        %dma_start3A_473 = tpu.memref_slice %arg18[%dma_start3A_471, %dma_start3A_472] : memref<10240x128xf32, #tpu.memory_space<vmem_shared>> -> memref<10240x128xf32, #tpu.memory_space<vmem_shared>>
        tpu.enqueue_indirect_dma source(%arg17 : memref<128x128xf32, #tpu.memory_space<vmem>>) target(%dma_start3A_473 : memref<10240x128xf32, #tpu.memory_space<vmem_shared>>) offsets(%dma_start3A_470 : memref<128xi32, #tpu.memory_space<vmem>>) semaphore(%arg22 : memref<!tpu.dma_semaphore, #tpu.memory_space<semaphore_mem>>) {add = true}
      }
      %scan3A_132 = arith.constant 8 : i32
      %dma_wait3A_133 = arith.constant 0 : i32
      %dma_wait3A_134 = arith.constant 0 : i32
      %dma_wait3A_135 = tpu.memref_slice %arg10[%dma_wait3A_133, %dma_wait3A_134] : memref<16x128xi32, #tpu.memory_space<vmem>> -> memref<1x128xi32, #tpu.memory_space<vmem>>
      %dma_wait3A_136 = tpu.memref_squeeze %dma_wait3A_135 : memref<1x128xi32, #tpu.memory_space<vmem>> -> memref<128xi32, #tpu.memory_space<vmem>>
      %dma_wait3A_137 = arith.constant 0 : i32
      %dma_wait3A_138 = arith.constant 0 : i32
      %dma_wait3A_139 = tpu.memref_slice %arg18[%dma_wait3A_137, %dma_wait3A_138] : memref<10240x128xf32, #tpu.memory_space<vmem_shared>> -> memref<10240x128xf32, #tpu.memory_space<vmem_shared>>
      tpu.wait_indirect_dma semaphore(%arg21 : memref<!tpu.dma_semaphore, #tpu.memory_space<semaphore_mem>>) src(%arg16 : memref<128x128xf32, #tpu.memory_space<vmem>>) dst(%dma_wait3A_139 : memref<10240x128xf32, #tpu.memory_space<vmem_shared>>)
      %dma_wait3A_140 = arith.constant 0 : i32
      %dma_wait3A_141 = arith.constant 0 : i32
      %dma_wait3A_142 = tpu.memref_slice %arg10[%dma_wait3A_140, %dma_wait3A_141] : memref<16x128xi32, #tpu.memory_space<vmem>> -> memref<1x128xi32, #tpu.memory_space<vmem>>
      %dma_wait3A_143 = tpu.memref_squeeze %dma_wait3A_142 : memref<1x128xi32, #tpu.memory_space<vmem>> -> memref<128xi32, #tpu.memory_space<vmem>>
      %dma_wait3A_144 = arith.constant 0 : i32
      %dma_wait3A_145 = arith.constant 0 : i32
      %dma_wait3A_146 = tpu.memref_slice %arg18[%dma_wait3A_144, %dma_wait3A_145] : memref<10240x128xf32, #tpu.memory_space<vmem_shared>> -> memref<10240x128xf32, #tpu.memory_space<vmem_shared>>
      tpu.wait_indirect_dma semaphore(%arg22 : memref<!tpu.dma_semaphore, #tpu.memory_space<semaphore_mem>>) src(%arg17 : memref<128x128xf32, #tpu.memory_space<vmem>>) dst(%dma_wait3A_146 : memref<10240x128xf32, #tpu.memory_space<vmem_shared>>)
    }
    %jit3A_52 = arith.constant 16 : i32
    %div3A_53 = arith.divsi %select_n3A, %jit3A_52 : i32
    %sign3A_54 = arith.constant 0 : i32
    %sign3A_55 = arith.cmpi sgt, %select_n3A, %sign3A_54 : i32
    %sign3A_56 = arith.extui %sign3A_55 : i1 to i32
    %sign3A_57 = arith.constant 0 : i32
    %sign3A_58 = arith.cmpi slt, %select_n3A, %sign3A_57 : i32
    %sign3A_59 = arith.extui %sign3A_58 : i1 to i32
    %sign3A_60 = arith.subi %sign3A_56, %sign3A_59 : i32
    %sign3A_61 = arith.constant 0 : i32
    %sign3A_62 = arith.cmpi sgt, %jit3A_52, %sign3A_61 : i32
    %sign3A_63 = arith.extui %sign3A_62 : i1 to i32
    %sign3A_64 = arith.constant 0 : i32
    %sign3A_65 = arith.cmpi slt, %jit3A_52, %sign3A_64 : i32
    %sign3A_66 = arith.extui %sign3A_65 : i1 to i32
    %sign3A_67 = arith.subi %sign3A_63, %sign3A_66 : i32
    %ne3A_68 = arith.cmpi ne, %sign3A_60, %sign3A_67 : i32
    %rem3A_69 = arith.remsi %select_n3A, %jit3A_52 : i32
    %ne3A_70 = arith.constant 0 : i32
    %ne3A_71 = arith.cmpi ne, %rem3A_69, %ne3A_70 : i32
    %and3A_72 = arith.andi %ne3A_68, %ne3A_71 : i1
    %sub3A_73 = arith.constant 1 : i32
    %sub3A_74 = arith.subi %div3A_53, %sub3A_73 : i32
    %select_n3A_75 = arith.select %and3A_72, %sub3A_74, %div3A_53 : i32
    %while3A_76 = arith.constant 0 : i32
    %while3A_77 = arith.constant 0 : i32
    %while3A_78 = arith.subi %select_n3A_75, %while3A_77 : i32
    %while3A_79 = arith.addi %while3A_77, %while3A_78 : i32
    %while3A_80 = arith.constant 1 : i32
    %while3A_81 = arith.divsi %while3A_78, %while3A_80 : i32
    %while3A_82 = arith.muli %while3A_81, %while3A_80 : i32
    %while3A_83 = arith.addi %while3A_77, %while3A_82 : i32
    %while3A_84 = arith.constant 1 : i32
    scf.for %while3A_94 = %while3A_77 to %while3A_83 step %while3A_84  : i32 {
      %mul3A_95 = arith.constant 16 : i32
      %mul3A_96 = arith.muli %while3A_94, %mul3A_95 : i32
      %add3A_97 = arith.addi %select_n3A_21, %mul3A_96 : i32
      %dma_start3A = arith.constant 0 : i32
      %dma_start3A_98 = tpu.memref_slice %arg5[%add3A_97, %dma_start3A] : memref<2560x128xi32, #tpu.memory_space<hbm>> -> memref<16x128xi32, #tpu.memory_space<hbm>>
      %dma_start3A_99 = arith.constant 0 : i32
      %dma_start3A_100 = tpu.memref_slice %arg5[%add3A_97, %dma_start3A_99] : memref<2560x128xi32, #tpu.memory_space<hbm>> -> memref<16x128xi32, #tpu.memory_space<hbm>>
      tpu.enqueue_dma source(%dma_start3A_100 : memref<16x128xi32, #tpu.memory_space<hbm>>) target(%arg9 : memref<16x128xi32, #tpu.memory_space<vmem>>) target_semaphore(%arg19 : memref<!tpu.dma_semaphore, #tpu.memory_space<semaphore_mem>>)
      %dma_start3A_101 = arith.constant 0 : i32
      %dma_start3A_102 = tpu.memref_slice %arg6[%add3A_97, %dma_start3A_101] : memref<2560x128xi32, #tpu.memory_space<hbm>> -> memref<16x128xi32, #tpu.memory_space<hbm>>
      %dma_start3A_103 = arith.constant 0 : i32
      %dma_start3A_104 = tpu.memref_slice %arg6[%add3A_97, %dma_start3A_103] : memref<2560x128xi32, #tpu.memory_space<hbm>> -> memref<16x128xi32, #tpu.memory_space<hbm>>
      tpu.enqueue_dma source(%dma_start3A_104 : memref<16x128xi32, #tpu.memory_space<hbm>>) target(%arg10 : memref<16x128xi32, #tpu.memory_space<vmem>>) target_semaphore(%arg20 : memref<!tpu.dma_semaphore, #tpu.memory_space<semaphore_mem>>)
      %dma_start3A_105 = arith.constant 0 : i32
      %dma_start3A_106 = tpu.memref_slice %arg7[%add3A_97, %dma_start3A_105] : memref<2560x128xi32, #tpu.memory_space<hbm>> -> memref<16x128xi32, #tpu.memory_space<hbm>>
      %dma_start3A_107 = arith.constant 0 : i32
      %dma_start3A_108 = tpu.memref_slice %arg7[%add3A_97, %dma_start3A_107] : memref<2560x128xi32, #tpu.memory_space<hbm>> -> memref<16x128xi32, #tpu.memory_space<hbm>>
      tpu.enqueue_dma source(%dma_start3A_108 : memref<16x128xi32, #tpu.memory_space<hbm>>) target(%arg11 : memref<16x128xi32, #tpu.memory_space<vmem>>) target_semaphore(%arg21 : memref<!tpu.dma_semaphore, #tpu.memory_space<semaphore_mem>>)
      %dma_wait3A = arith.constant 0 : i32
      %dma_wait3A_109 = tpu.memref_slice %arg5[%add3A_97, %dma_wait3A] : memref<2560x128xi32, #tpu.memory_space<hbm>> -> memref<16x128xi32, #tpu.memory_space<hbm>>
      %dma_wait3A_110 = arith.constant 0 : i32
      %dma_wait3A_111 = tpu.memref_slice %arg5[%add3A_97, %dma_wait3A_110] : memref<2560x128xi32, #tpu.memory_space<hbm>> -> memref<16x128xi32, #tpu.memory_space<hbm>>
      tpu.wait_dma2 semaphore(%arg19 : memref<!tpu.dma_semaphore, #tpu.memory_space<semaphore_mem>>) src(%dma_wait3A_111 : memref<16x128xi32, #tpu.memory_space<hbm>>) dst(%arg9 : memref<16x128xi32, #tpu.memory_space<vmem>>)
      %dma_wait3A_112 = arith.constant 0 : i32
      %dma_wait3A_113 = tpu.memref_slice %arg6[%add3A_97, %dma_wait3A_112] : memref<2560x128xi32, #tpu.memory_space<hbm>> -> memref<16x128xi32, #tpu.memory_space<hbm>>
      %dma_wait3A_114 = arith.constant 0 : i32
      %dma_wait3A_115 = tpu.memref_slice %arg6[%add3A_97, %dma_wait3A_114] : memref<2560x128xi32, #tpu.memory_space<hbm>> -> memref<16x128xi32, #tpu.memory_space<hbm>>
      tpu.wait_dma2 semaphore(%arg20 : memref<!tpu.dma_semaphore, #tpu.memory_space<semaphore_mem>>) src(%dma_wait3A_115 : memref<16x128xi32, #tpu.memory_space<hbm>>) dst(%arg10 : memref<16x128xi32, #tpu.memory_space<vmem>>)
      %dma_wait3A_116 = arith.constant 0 : i32
      %dma_wait3A_117 = tpu.memref_slice %arg7[%add3A_97, %dma_wait3A_116] : memref<2560x128xi32, #tpu.memory_space<hbm>> -> memref<16x128xi32, #tpu.memory_space<hbm>>
      %dma_wait3A_118 = arith.constant 0 : i32
      %dma_wait3A_119 = tpu.memref_slice %arg7[%add3A_97, %dma_wait3A_118] : memref<2560x128xi32, #tpu.memory_space<hbm>> -> memref<16x128xi32, #tpu.memory_space<hbm>>
      tpu.wait_dma2 semaphore(%arg21 : memref<!tpu.dma_semaphore, #tpu.memory_space<semaphore_mem>>) src(%dma_wait3A_119 : memref<16x128xi32, #tpu.memory_space<hbm>>) dst(%arg11 : memref<16x128xi32, #tpu.memory_space<vmem>>)
      %scan3A_120 = arith.constant 0 : i32
      %scan3A_121 = arith.constant 0 : i32
      %scan3A_122 = arith.constant 16 : i32
      %scan3A_123 = arith.addi %scan3A_121, %scan3A_122 : i32
      %scan3A_124 = arith.constant 1 : i32
      %scan3A_125 = scf.for %scan3A_273 = %scan3A_121 to %scan3A_123 step %scan3A_124 iter_args(%scan3A_274 = %scan3A_120) -> (i32)  : i32 {
        %get3A = arith.index_cast %scan3A_273 : i32 to index
        %get3A_275 = arith.constant 0 : index
        %get3A_276 = tpu.vector_load %arg11[%get3A, %get3A_275] {strides = array<i32>} : memref<16x128xi32, #tpu.memory_space<vmem>>, vector<16xi32>,
        %eq3A_277 = arith.constant 6 : i32
        %eq3A_278 = vector.broadcast %eq3A_277 : i32 to vector<16xi32>
        %eq3A_279 = arith.cmpi eq, %get3A_276, %eq3A_278 : vector<16xi32>
        %eq3A_280 = arith.constant 14 : i32
        %eq3A_281 = vector.broadcast %eq3A_280 : i32 to vector<16xi32>
        %eq3A_282 = arith.cmpi eq, %get3A_276, %eq3A_281 : vector<16xi32>
        %or3A = arith.ori %eq3A_279, %eq3A_282 : vector<16xi1>
        %eq3A_283 = arith.constant 30 : i32
        %eq3A_284 = vector.broadcast %eq3A_283 : i32 to vector<16xi32>
        %eq3A_285 = arith.cmpi eq, %get3A_276, %eq3A_284 : vector<16xi32>
        %or3A_286 = arith.ori %or3A, %eq3A_285 : vector<16xi1>
        %get3A_287 = arith.index_cast %scan3A_273 : i32 to index
        %get3A_288 = arith.constant 0 : index
        %get3A_289 = tpu.vector_load %arg9[%get3A_287, %get3A_288] {strides = array<i32>} : memref<16x128xi32, #tpu.memory_space<vmem>>, vector<16xi32>,
        %swap3A_290 = arith.index_cast %scan3A_274 : i32 to index
        %swap3A_291 = tpu.vector_load %arg12[%swap3A_290] masked %or3A_286 {strides = array<i32>} : memref<2192xi32, #tpu.memory_space<vmem>>, vector<16xi32>, vector<16xi1>
        tpu.vector_store %arg12[%swap3A_290], %get3A_289 masked %or3A_286 {strides = array<i32>} : memref<2192xi32, #tpu.memory_space<vmem>>, vector<16xi32>, vector<16xi1>
        %get3A_292 = arith.index_cast %scan3A_273 : i32 to index
        %get3A_293 = arith.constant 0 : index
        %get3A_294 = tpu.vector_load %arg10[%get3A_292, %get3A_293] {strides = array<i32>} : memref<16x128xi32, #tpu.memory_space<vmem>>, vector<16xi32>,
        %swap3A_295 = arith.index_cast %scan3A_274 : i32 to index
        %swap3A_296 = tpu.vector_load %arg13[%swap3A_295] masked %or3A_286 {strides = array<i32>} : memref<2192xi32, #tpu.memory_space<vmem>>, vector<16xi32>, vector<16xi1>
        tpu.vector_store %arg13[%swap3A_295], %get3A_294 masked %or3A_286 {strides = array<i32>} : memref<2192xi32, #tpu.memory_space<vmem>>, vector<16xi32>, vector<16xi1>
        %convert_element_type3A_297 = arith.extui %or3A_286 : vector<16xi1> to vector<16xi32>
        %reduce_sum3A = arith.constant true
        %reduce_sum3A_298 = vector.broadcast %reduce_sum3A : i1 to vector<16xi1>
        %reduce_sum3A_299 = tpu.scan <sum>, %convert_element_type3A_297 masked %reduce_sum3A_298 : vector<16xi32>, vector<16xi1> -> vector<16xi32>
        %reduce_sum3A_300 = vector.extract %reduce_sum3A_299[15] : i32 from vector<16xi32>
        %add3A_301 = arith.addi %scan3A_274, %reduce_sum3A_300 : i32
        %get3A_302 = arith.index_cast %scan3A_273 : i32 to index
        %get3A_303 = arith.constant 16 : index
        %get3A_304 = tpu.vector_load %arg11[%get3A_302, %get3A_303] {strides = array<i32>} : memref<16x128xi32, #tpu.memory_space<vmem>>, vector<16xi32>,
        %eq3A_305 = arith.constant 6 : i32
        %eq3A_306 = vector.broadcast %eq3A_305 : i32 to vector<16xi32>
        %eq3A_307 = arith.cmpi eq, %get3A_304, %eq3A_306 : vector<16xi32>
        %eq3A_308 = arith.constant 14 : i32
        %eq3A_309 = vector.broadcast %eq3A_308 : i32 to vector<16xi32>
        %eq3A_310 = arith.cmpi eq, %get3A_304, %eq3A_309 : vector<16xi32>
        %or3A_311 = arith.ori %eq3A_307, %eq3A_310 : vector<16xi1>
        %eq3A_312 = arith.constant 30 : i32
        %eq3A_313 = vector.broadcast %eq3A_312 : i32 to vector<16xi32>
        %eq3A_314 = arith.cmpi eq, %get3A_304, %eq3A_313 : vector<16xi32>
        %or3A_315 = arith.ori %or3A_311, %eq3A_314 : vector<16xi1>
        %get3A_316 = arith.index_cast %scan3A_273 : i32 to index
        %get3A_317 = arith.constant 16 : index
        %get3A_318 = tpu.vector_load %arg9[%get3A_316, %get3A_317] {strides = array<i32>} : memref<16x128xi32, #tpu.memory_space<vmem>>, vector<16xi32>,
        %swap3A_319 = arith.index_cast %add3A_301 : i32 to index
        %swap3A_320 = tpu.vector_load %arg12[%swap3A_319] masked %or3A_315 {strides = array<i32>} : memref<2192xi32, #tpu.memory_space<vmem>>, vector<16xi32>, vector<16xi1>
        tpu.vector_store %arg12[%swap3A_319], %get3A_318 masked %or3A_315 {strides = array<i32>} : memref<2192xi32, #tpu.memory_space<vmem>>, vector<16xi32>, vector<16xi1>
        %get3A_321 = arith.index_cast %scan3A_273 : i32 to index
        %get3A_322 = arith.constant 16 : index
        %get3A_323 = tpu.vector_load %arg10[%get3A_321, %get3A_322] {strides = array<i32>} : memref<16x128xi32, #tpu.memory_space<vmem>>, vector<16xi32>,
        %swap3A_324 = arith.index_cast %add3A_301 : i32 to index
        %swap3A_325 = tpu.vector_load %arg13[%swap3A_324] masked %or3A_315 {strides = array<i32>} : memref<2192xi32, #tpu.memory_space<vmem>>, vector<16xi32>, vector<16xi1>
        tpu.vector_store %arg13[%swap3A_324], %get3A_323 masked %or3A_315 {strides = array<i32>} : memref<2192xi32, #tpu.memory_space<vmem>>, vector<16xi32>, vector<16xi1>
        %convert_element_type3A_326 = arith.extui %or3A_315 : vector<16xi1> to vector<16xi32>
        %reduce_sum3A_327 = arith.constant true
        %reduce_sum3A_328 = vector.broadcast %reduce_sum3A_327 : i1 to vector<16xi1>
        %reduce_sum3A_329 = tpu.scan <sum>, %convert_element_type3A_326 masked %reduce_sum3A_328 : vector<16xi32>, vector<16xi1> -> vector<16xi32>
        %reduce_sum3A_330 = vector.extract %reduce_sum3A_329[15] : i32 from vector<16xi32>
        %add3A_331 = arith.addi %add3A_301, %reduce_sum3A_330 : i32
        %get3A_332 = arith.index_cast %scan3A_273 : i32 to index
        %get3A_333 = arith.constant 32 : index
        %get3A_334 = tpu.vector_load %arg11[%get3A_332, %get3A_333] {strides = array<i32>} : memref<16x128xi32, #tpu.memory_space<vmem>>, vector<16xi32>,
        %eq3A_335 = arith.constant 6 : i32
        %eq3A_336 = vector.broadcast %eq3A_335 : i32 to vector<16xi32>
        %eq3A_337 = arith.cmpi eq, %get3A_334, %eq3A_336 : vector<16xi32>
        %eq3A_338 = arith.constant 14 : i32
        %eq3A_339 = vector.broadcast %eq3A_338 : i32 to vector<16xi32>
        %eq3A_340 = arith.cmpi eq, %get3A_334, %eq3A_339 : vector<16xi32>
        %or3A_341 = arith.ori %eq3A_337, %eq3A_340 : vector<16xi1>
        %eq3A_342 = arith.constant 30 : i32
        %eq3A_343 = vector.broadcast %eq3A_342 : i32 to vector<16xi32>
        %eq3A_344 = arith.cmpi eq, %get3A_334, %eq3A_343 : vector<16xi32>
        %or3A_345 = arith.ori %or3A_341, %eq3A_344 : vector<16xi1>
        %get3A_346 = arith.index_cast %scan3A_273 : i32 to index
        %get3A_347 = arith.constant 32 : index
        %get3A_348 = tpu.vector_load %arg9[%get3A_346, %get3A_347] {strides = array<i32>} : memref<16x128xi32, #tpu.memory_space<vmem>>, vector<16xi32>,
        %swap3A_349 = arith.index_cast %add3A_331 : i32 to index
        %swap3A_350 = tpu.vector_load %arg12[%swap3A_349] masked %or3A_345 {strides = array<i32>} : memref<2192xi32, #tpu.memory_space<vmem>>, vector<16xi32>, vector<16xi1>
        tpu.vector_store %arg12[%swap3A_349], %get3A_348 masked %or3A_345 {strides = array<i32>} : memref<2192xi32, #tpu.memory_space<vmem>>, vector<16xi32>, vector<16xi1>
        %get3A_351 = arith.index_cast %scan3A_273 : i32 to index
        %get3A_352 = arith.constant 32 : index
        %get3A_353 = tpu.vector_load %arg10[%get3A_351, %get3A_352] {strides = array<i32>} : memref<16x128xi32, #tpu.memory_space<vmem>>, vector<16xi32>,
        %swap3A_354 = arith.index_cast %add3A_331 : i32 to index
        %swap3A_355 = tpu.vector_load %arg13[%swap3A_354] masked %or3A_345 {strides = array<i32>} : memref<2192xi32, #tpu.memory_space<vmem>>, vector<16xi32>, vector<16xi1>
        tpu.vector_store %arg13[%swap3A_354], %get3A_353 masked %or3A_345 {strides = array<i32>} : memref<2192xi32, #tpu.memory_space<vmem>>, vector<16xi32>, vector<16xi1>
        %convert_element_type3A_356 = arith.extui %or3A_345 : vector<16xi1> to vector<16xi32>
        %reduce_sum3A_357 = arith.constant true
        %reduce_sum3A_358 = vector.broadcast %reduce_sum3A_357 : i1 to vector<16xi1>
        %reduce_sum3A_359 = tpu.scan <sum>, %convert_element_type3A_356 masked %reduce_sum3A_358 : vector<16xi32>, vector<16xi1> -> vector<16xi32>
        %reduce_sum3A_360 = vector.extract %reduce_sum3A_359[15] : i32 from vector<16xi32>
        %add3A_361 = arith.addi %add3A_331, %reduce_sum3A_360 : i32
        %get3A_362 = arith.index_cast %scan3A_273 : i32 to index
        %get3A_363 = arith.constant 48 : index
        %get3A_364 = tpu.vector_load %arg11[%get3A_362, %get3A_363] {strides = array<i32>} : memref<16x128xi32, #tpu.memory_space<vmem>>, vector<16xi32>,
        %eq3A_365 = arith.constant 6 : i32
        %eq3A_366 = vector.broadcast %eq3A_365 : i32 to vector<16xi32>
        %eq3A_367 = arith.cmpi eq, %get3A_364, %eq3A_366 : vector<16xi32>
        %eq3A_368 = arith.constant 14 : i32
        %eq3A_369 = vector.broadcast %eq3A_368 : i32 to vector<16xi32>
        %eq3A_370 = arith.cmpi eq, %get3A_364, %eq3A_369 : vector<16xi32>
        %or3A_371 = arith.ori %eq3A_367, %eq3A_370 : vector<16xi1>
        %eq3A_372 = arith.constant 30 : i32
        %eq3A_373 = vector.broadcast %eq3A_372 : i32 to vector<16xi32>
        %eq3A_374 = arith.cmpi eq, %get3A_364, %eq3A_373 : vector<16xi32>
        %or3A_375 = arith.ori %or3A_371, %eq3A_374 : vector<16xi1>
        %get3A_376 = arith.index_cast %scan3A_273 : i32 to index
        %get3A_377 = arith.constant 48 : index
        %get3A_378 = tpu.vector_load %arg9[%get3A_376, %get3A_377] {strides = array<i32>} : memref<16x128xi32, #tpu.memory_space<vmem>>, vector<16xi32>,
        %swap3A_379 = arith.index_cast %add3A_361 : i32 to index
        %swap3A_380 = tpu.vector_load %arg12[%swap3A_379] masked %or3A_375 {strides = array<i32>} : memref<2192xi32, #tpu.memory_space<vmem>>, vector<16xi32>, vector<16xi1>
        tpu.vector_store %arg12[%swap3A_379], %get3A_378 masked %or3A_375 {strides = array<i32>} : memref<2192xi32, #tpu.memory_space<vmem>>, vector<16xi32>, vector<16xi1>
        %get3A_381 = arith.index_cast %scan3A_273 : i32 to index
        %get3A_382 = arith.constant 48 : index
        %get3A_383 = tpu.vector_load %arg10[%get3A_381, %get3A_382] {strides = array<i32>} : memref<16x128xi32, #tpu.memory_space<vmem>>, vector<16xi32>,
        %swap3A_384 = arith.index_cast %add3A_361 : i32 to index
        %swap3A_385 = tpu.vector_load %arg13[%swap3A_384] masked %or3A_375 {strides = array<i32>} : memref<2192xi32, #tpu.memory_space<vmem>>, vector<16xi32>, vector<16xi1>
        tpu.vector_store %arg13[%swap3A_384], %get3A_383 masked %or3A_375 {strides = array<i32>} : memref<2192xi32, #tpu.memory_space<vmem>>, vector<16xi32>, vector<16xi1>
        %convert_element_type3A_386 = arith.extui %or3A_375 : vector<16xi1> to vector<16xi32>
        %reduce_sum3A_387 = arith.constant true
        %reduce_sum3A_388 = vector.broadcast %reduce_sum3A_387 : i1 to vector<16xi1>
        %reduce_sum3A_389 = tpu.scan <sum>, %convert_element_type3A_386 masked %reduce_sum3A_388 : vector<16xi32>, vector<16xi1> -> vector<16xi32>
        %reduce_sum3A_390 = vector.extract %reduce_sum3A_389[15] : i32 from vector<16xi32>
        %add3A_391 = arith.addi %add3A_361, %reduce_sum3A_390 : i32
        %get3A_392 = arith.index_cast %scan3A_273 : i32 to index
        %get3A_393 = arith.constant 64 : index
        %get3A_394 = tpu.vector_load %arg11[%get3A_392, %get3A_393] {strides = array<i32>} : memref<16x128xi32, #tpu.memory_space<vmem>>, vector<16xi32>,
        %eq3A_395 = arith.constant 6 : i32
        %eq3A_396 = vector.broadcast %eq3A_395 : i32 to vector<16xi32>
        %eq3A_397 = arith.cmpi eq, %get3A_394, %eq3A_396 : vector<16xi32>
        %eq3A_398 = arith.constant 14 : i32
        %eq3A_399 = vector.broadcast %eq3A_398 : i32 to vector<16xi32>
        %eq3A_400 = arith.cmpi eq, %get3A_394, %eq3A_399 : vector<16xi32>
        %or3A_401 = arith.ori %eq3A_397, %eq3A_400 : vector<16xi1>
        %eq3A_402 = arith.constant 30 : i32
        %eq3A_403 = vector.broadcast %eq3A_402 : i32 to vector<16xi32>
        %eq3A_404 = arith.cmpi eq, %get3A_394, %eq3A_403 : vector<16xi32>
        %or3A_405 = arith.ori %or3A_401, %eq3A_404 : vector<16xi1>
        %get3A_406 = arith.index_cast %scan3A_273 : i32 to index
        %get3A_407 = arith.constant 64 : index
        %get3A_408 = tpu.vector_load %arg9[%get3A_406, %get3A_407] {strides = array<i32>} : memref<16x128xi32, #tpu.memory_space<vmem>>, vector<16xi32>,
        %swap3A_409 = arith.index_cast %add3A_391 : i32 to index
        %swap3A_410 = tpu.vector_load %arg12[%swap3A_409] masked %or3A_405 {strides = array<i32>} : memref<2192xi32, #tpu.memory_space<vmem>>, vector<16xi32>, vector<16xi1>
        tpu.vector_store %arg12[%swap3A_409], %get3A_408 masked %or3A_405 {strides = array<i32>} : memref<2192xi32, #tpu.memory_space<vmem>>, vector<16xi32>, vector<16xi1>
        %get3A_411 = arith.index_cast %scan3A_273 : i32 to index
        %get3A_412 = arith.constant 64 : index
        %get3A_413 = tpu.vector_load %arg10[%get3A_411, %get3A_412] {strides = array<i32>} : memref<16x128xi32, #tpu.memory_space<vmem>>, vector<16xi32>,
        %swap3A_414 = arith.index_cast %add3A_391 : i32 to index
        %swap3A_415 = tpu.vector_load %arg13[%swap3A_414] masked %or3A_405 {strides = array<i32>} : memref<2192xi32, #tpu.memory_space<vmem>>, vector<16xi32>, vector<16xi1>
        tpu.vector_store %arg13[%swap3A_414], %get3A_413 masked %or3A_405 {strides = array<i32>} : memref<2192xi32, #tpu.memory_space<vmem>>, vector<16xi32>, vector<16xi1>
        %convert_element_type3A_416 = arith.extui %or3A_405 : vector<16xi1> to vector<16xi32>
        %reduce_sum3A_417 = arith.constant true
        %reduce_sum3A_418 = vector.broadcast %reduce_sum3A_417 : i1 to vector<16xi1>
        %reduce_sum3A_419 = tpu.scan <sum>, %convert_element_type3A_416 masked %reduce_sum3A_418 : vector<16xi32>, vector<16xi1> -> vector<16xi32>
        %reduce_sum3A_420 = vector.extract %reduce_sum3A_419[15] : i32 from vector<16xi32>
        %add3A_421 = arith.addi %add3A_391, %reduce_sum3A_420 : i32
        %get3A_422 = arith.index_cast %scan3A_273 : i32 to index
        %get3A_423 = arith.constant 80 : index
        %get3A_424 = tpu.vector_load %arg11[%get3A_422, %get3A_423] {strides = array<i32>} : memref<16x128xi32, #tpu.memory_space<vmem>>, vector<16xi32>,
        %eq3A_425 = arith.constant 6 : i32
        %eq3A_426 = vector.broadcast %eq3A_425 : i32 to vector<16xi32>
        %eq3A_427 = arith.cmpi eq, %get3A_424, %eq3A_426 : vector<16xi32>
        %eq3A_428 = arith.constant 14 : i32
        %eq3A_429 = vector.broadcast %eq3A_428 : i32 to vector<16xi32>
        %eq3A_430 = arith.cmpi eq, %get3A_424, %eq3A_429 : vector<16xi32>
        %or3A_431 = arith.ori %eq3A_427, %eq3A_430 : vector<16xi1>
        %eq3A_432 = arith.constant 30 : i32
        %eq3A_433 = vector.broadcast %eq3A_432 : i32 to vector<16xi32>
        %eq3A_434 = arith.cmpi eq, %get3A_424, %eq3A_433 : vector<16xi32>
        %or3A_435 = arith.ori %or3A_431, %eq3A_434 : vector<16xi1>
        %get3A_436 = arith.index_cast %scan3A_273 : i32 to index
        %get3A_437 = arith.constant 80 : index
        %get3A_438 = tpu.vector_load %arg9[%get3A_436, %get3A_437] {strides = array<i32>} : memref<16x128xi32, #tpu.memory_space<vmem>>, vector<16xi32>,
        %swap3A_439 = arith.index_cast %add3A_421 : i32 to index
        %swap3A_440 = tpu.vector_load %arg12[%swap3A_439] masked %or3A_435 {strides = array<i32>} : memref<2192xi32, #tpu.memory_space<vmem>>, vector<16xi32>, vector<16xi1>
        tpu.vector_store %arg12[%swap3A_439], %get3A_438 masked %or3A_435 {strides = array<i32>} : memref<2192xi32, #tpu.memory_space<vmem>>, vector<16xi32>, vector<16xi1>
        %get3A_441 = arith.index_cast %scan3A_273 : i32 to index
        %get3A_442 = arith.constant 80 : index
        %get3A_443 = tpu.vector_load %arg10[%get3A_441, %get3A_442] {strides = array<i32>} : memref<16x128xi32, #tpu.memory_space<vmem>>, vector<16xi32>,
        %swap3A_444 = arith.index_cast %add3A_421 : i32 to index
        %swap3A_445 = tpu.vector_load %arg13[%swap3A_444] masked %or3A_435 {strides = array<i32>} : memref<2192xi32, #tpu.memory_space<vmem>>, vector<16xi32>, vector<16xi1>
        tpu.vector_store %arg13[%swap3A_444], %get3A_443 masked %or3A_435 {strides = array<i32>} : memref<2192xi32, #tpu.memory_space<vmem>>, vector<16xi32>, vector<16xi1>
        %convert_element_type3A_446 = arith.extui %or3A_435 : vector<16xi1> to vector<16xi32>
        %reduce_sum3A_447 = arith.constant true
        %reduce_sum3A_448 = vector.broadcast %reduce_sum3A_447 : i1 to vector<16xi1>
        %reduce_sum3A_449 = tpu.scan <sum>, %convert_element_type3A_446 masked %reduce_sum3A_448 : vector<16xi32>, vector<16xi1> -> vector<16xi32>
        %reduce_sum3A_450 = vector.extract %reduce_sum3A_449[15] : i32 from vector<16xi32>
        %add3A_451 = arith.addi %add3A_421, %reduce_sum3A_450 : i32
        %get3A_452 = arith.index_cast %scan3A_273 : i32 to index
        %get3A_453 = arith.constant 96 : index
        %get3A_454 = tpu.vector_load %arg11[%get3A_452, %get3A_453] {strides = array<i32>} : memref<16x128xi32, #tpu.memory_space<vmem>>, vector<16xi32>,
        %eq3A_455 = arith.constant 6 : i32
        %eq3A_456 = vector.broadcast %eq3A_455 : i32 to vector<16xi32>
        %eq3A_457 = arith.cmpi eq, %get3A_454, %eq3A_456 : vector<16xi32>
        %eq3A_458 = arith.constant 14 : i32
        %eq3A_459 = vector.broadcast %eq3A_458 : i32 to vector<16xi32>
        %eq3A_460 = arith.cmpi eq, %get3A_454, %eq3A_459 : vector<16xi32>
        %or3A_461 = arith.ori %eq3A_457, %eq3A_460 : vector<16xi1>
        %eq3A_462 = arith.constant 30 : i32
        %eq3A_463 = vector.broadcast %eq3A_462 : i32 to vector<16xi32>
        %eq3A_464 = arith.cmpi eq, %get3A_454, %eq3A_463 : vector<16xi32>
        %or3A_465 = arith.ori %or3A_461, %eq3A_464 : vector<16xi1>
        %get3A_466 = arith.index_cast %scan3A_273 : i32 to index
        %get3A_467 = arith.constant 96 : index
        %get3A_468 = tpu.vector_load %arg9[%get3A_466, %get3A_467] {strides = array<i32>} : memref<16x128xi32, #tpu.memory_space<vmem>>, vector<16xi32>,
        %swap3A_469 = arith.index_cast %add3A_451 : i32 to index
        %swap3A_470 = tpu.vector_load %arg12[%swap3A_469] masked %or3A_465 {strides = array<i32>} : memref<2192xi32, #tpu.memory_space<vmem>>, vector<16xi32>, vector<16xi1>
        tpu.vector_store %arg12[%swap3A_469], %get3A_468 masked %or3A_465 {strides = array<i32>} : memref<2192xi32, #tpu.memory_space<vmem>>, vector<16xi32>, vector<16xi1>
        %get3A_471 = arith.index_cast %scan3A_273 : i32 to index
        %get3A_472 = arith.constant 96 : index
        %get3A_473 = tpu.vector_load %arg10[%get3A_471, %get3A_472] {strides = array<i32>} : memref<16x128xi32, #tpu.memory_space<vmem>>, vector<16xi32>,
        %swap3A_474 = arith.index_cast %add3A_451 : i32 to index
        %swap3A_475 = tpu.vector_load %arg13[%swap3A_474] masked %or3A_465 {strides = array<i32>} : memref<2192xi32, #tpu.memory_space<vmem>>, vector<16xi32>, vector<16xi1>
        tpu.vector_store %arg13[%swap3A_474], %get3A_473 masked %or3A_465 {strides = array<i32>} : memref<2192xi32, #tpu.memory_space<vmem>>, vector<16xi32>, vector<16xi1>
        %convert_element_type3A_476 = arith.extui %or3A_465 : vector<16xi1> to vector<16xi32>
        %reduce_sum3A_477 = arith.constant true
        %reduce_sum3A_478 = vector.broadcast %reduce_sum3A_477 : i1 to vector<16xi1>
        %reduce_sum3A_479 = tpu.scan <sum>, %convert_element_type3A_476 masked %reduce_sum3A_478 : vector<16xi32>, vector<16xi1> -> vector<16xi32>
        %reduce_sum3A_480 = vector.extract %reduce_sum3A_479[15] : i32 from vector<16xi32>
        %add3A_481 = arith.addi %add3A_451, %reduce_sum3A_480 : i32
        %get3A_482 = arith.index_cast %scan3A_273 : i32 to index
        %get3A_483 = arith.constant 112 : index
        %get3A_484 = tpu.vector_load %arg11[%get3A_482, %get3A_483] {strides = array<i32>} : memref<16x128xi32, #tpu.memory_space<vmem>>, vector<16xi32>,
        %eq3A_485 = arith.constant 6 : i32
        %eq3A_486 = vector.broadcast %eq3A_485 : i32 to vector<16xi32>
        %eq3A_487 = arith.cmpi eq, %get3A_484, %eq3A_486 : vector<16xi32>
        %eq3A_488 = arith.constant 14 : i32
        %eq3A_489 = vector.broadcast %eq3A_488 : i32 to vector<16xi32>
        %eq3A_490 = arith.cmpi eq, %get3A_484, %eq3A_489 : vector<16xi32>
        %or3A_491 = arith.ori %eq3A_487, %eq3A_490 : vector<16xi1>
        %eq3A_492 = arith.constant 30 : i32
        %eq3A_493 = vector.broadcast %eq3A_492 : i32 to vector<16xi32>
        %eq3A_494 = arith.cmpi eq, %get3A_484, %eq3A_493 : vector<16xi32>
        %or3A_495 = arith.ori %or3A_491, %eq3A_494 : vector<16xi1>
        %get3A_496 = arith.index_cast %scan3A_273 : i32 to index
        %get3A_497 = arith.constant 112 : index
        %get3A_498 = tpu.vector_load %arg9[%get3A_496, %get3A_497] {strides = array<i32>} : memref<16x128xi32, #tpu.memory_space<vmem>>, vector<16xi32>,
        %swap3A_499 = arith.index_cast %add3A_481 : i32 to index
        %swap3A_500 = tpu.vector_load %arg12[%swap3A_499] masked %or3A_495 {strides = array<i32>} : memref<2192xi32, #tpu.memory_space<vmem>>, vector<16xi32>, vector<16xi1>
        tpu.vector_store %arg12[%swap3A_499], %get3A_498 masked %or3A_495 {strides = array<i32>} : memref<2192xi32, #tpu.memory_space<vmem>>, vector<16xi32>, vector<16xi1>
        %get3A_501 = arith.index_cast %scan3A_273 : i32 to index
        %get3A_502 = arith.constant 112 : index
        %get3A_503 = tpu.vector_load %arg10[%get3A_501, %get3A_502] {strides = array<i32>} : memref<16x128xi32, #tpu.memory_space<vmem>>, vector<16xi32>,
        %swap3A_504 = arith.index_cast %add3A_481 : i32 to index
        %swap3A_505 = tpu.vector_load %arg13[%swap3A_504] masked %or3A_495 {strides = array<i32>} : memref<2192xi32, #tpu.memory_space<vmem>>, vector<16xi32>, vector<16xi1>
        tpu.vector_store %arg13[%swap3A_504], %get3A_503 masked %or3A_495 {strides = array<i32>} : memref<2192xi32, #tpu.memory_space<vmem>>, vector<16xi32>, vector<16xi1>
        %convert_element_type3A_506 = arith.extui %or3A_495 : vector<16xi1> to vector<16xi32>
        %reduce_sum3A_507 = arith.constant true
        %reduce_sum3A_508 = vector.broadcast %reduce_sum3A_507 : i1 to vector<16xi1>
        %reduce_sum3A_509 = tpu.scan <sum>, %convert_element_type3A_506 masked %reduce_sum3A_508 : vector<16xi32>, vector<16xi1> -> vector<16xi32>
        %reduce_sum3A_510 = vector.extract %reduce_sum3A_509[15] : i32 from vector<16xi32>
        %add3A_511 = arith.addi %add3A_481, %reduce_sum3A_510 : i32
        scf.yield %add3A_511 : i32
      }
      %scan3A_126 = arith.constant 16 : i32
      %broadcast_in_dim3A_127 = arith.constant 0 : i32
      %broadcast_in_dim3A_128 = vector.broadcast %broadcast_in_dim3A_127 : i32 to vector<16xi32>
      %add3A_129 = arith.constant 0 : i32
      %add3A_130 = arith.addi %scan3A_125, %add3A_129 : i32
      %swap3A = arith.index_cast %add3A_130 : i32 to index
      %swap3A_131 = tpu.vector_load %arg12[%swap3A] {strides = array<i32>} : memref<2192xi32, #tpu.memory_space<vmem>>, vector<16xi32>,
      tpu.vector_store %arg12[%swap3A], %broadcast_in_dim3A_128 {strides = array<i32>} : memref<2192xi32, #tpu.memory_space<vmem>>, vector<16xi32>,
      %add3A_132 = arith.constant 0 : i32
      %add3A_133 = arith.addi %scan3A_125, %add3A_132 : i32
      %swap3A_134 = arith.index_cast %add3A_133 : i32 to index
      %swap3A_135 = tpu.vector_load %arg13[%swap3A_134] {strides = array<i32>} : memref<2192xi32, #tpu.memory_space<vmem>>, vector<16xi32>,
      tpu.vector_store %arg13[%swap3A_134], %add3A_24 {strides = array<i32>} : memref<2192xi32, #tpu.memory_space<vmem>>, vector<16xi32>,
      %broadcast_in_dim3A_136 = arith.constant 0 : i32
      %broadcast_in_dim3A_137 = vector.broadcast %broadcast_in_dim3A_136 : i32 to vector<16xi32>
      %add3A_138 = arith.constant 16 : i32
      %add3A_139 = arith.addi %scan3A_125, %add3A_138 : i32
      %swap3A_140 = arith.index_cast %add3A_139 : i32 to index
      %swap3A_141 = tpu.vector_load %arg12[%swap3A_140] {strides = array<i32>} : memref<2192xi32, #tpu.memory_space<vmem>>, vector<16xi32>,
      tpu.vector_store %arg12[%swap3A_140], %broadcast_in_dim3A_137 {strides = array<i32>} : memref<2192xi32, #tpu.memory_space<vmem>>, vector<16xi32>,
      %add3A_142 = arith.constant 16 : i32
      %add3A_143 = arith.addi %scan3A_125, %add3A_142 : i32
      %swap3A_144 = arith.index_cast %add3A_143 : i32 to index
      %swap3A_145 = tpu.vector_load %arg13[%swap3A_144] {strides = array<i32>} : memref<2192xi32, #tpu.memory_space<vmem>>, vector<16xi32>,
      tpu.vector_store %arg13[%swap3A_144], %add3A_24 {strides = array<i32>} : memref<2192xi32, #tpu.memory_space<vmem>>, vector<16xi32>,
      %broadcast_in_dim3A_146 = arith.constant 0 : i32
      %broadcast_in_dim3A_147 = vector.broadcast %broadcast_in_dim3A_146 : i32 to vector<16xi32>
      %add3A_148 = arith.constant 32 : i32
      %add3A_149 = arith.addi %scan3A_125, %add3A_148 : i32
      %swap3A_150 = arith.index_cast %add3A_149 : i32 to index
      %swap3A_151 = tpu.vector_load %arg12[%swap3A_150] {strides = array<i32>} : memref<2192xi32, #tpu.memory_space<vmem>>, vector<16xi32>,
      tpu.vector_store %arg12[%swap3A_150], %broadcast_in_dim3A_147 {strides = array<i32>} : memref<2192xi32, #tpu.memory_space<vmem>>, vector<16xi32>,
      %add3A_152 = arith.constant 32 : i32
      %add3A_153 = arith.addi %scan3A_125, %add3A_152 : i32
      %swap3A_154 = arith.index_cast %add3A_153 : i32 to index
      %swap3A_155 = tpu.vector_load %arg13[%swap3A_154] {strides = array<i32>} : memref<2192xi32, #tpu.memory_space<vmem>>, vector<16xi32>,
      tpu.vector_store %arg13[%swap3A_154], %add3A_24 {strides = array<i32>} : memref<2192xi32, #tpu.memory_space<vmem>>, vector<16xi32>,
      %broadcast_in_dim3A_156 = arith.constant 0 : i32
      %broadcast_in_dim3A_157 = vector.broadcast %broadcast_in_dim3A_156 : i32 to vector<16xi32>
      %add3A_158 = arith.constant 48 : i32
      %add3A_159 = arith.addi %scan3A_125, %add3A_158 : i32
      %swap3A_160 = arith.index_cast %add3A_159 : i32 to index
      %swap3A_161 = tpu.vector_load %arg12[%swap3A_160] {strides = array<i32>} : memref<2192xi32, #tpu.memory_space<vmem>>, vector<16xi32>,
      tpu.vector_store %arg12[%swap3A_160], %broadcast_in_dim3A_157 {strides = array<i32>} : memref<2192xi32, #tpu.memory_space<vmem>>, vector<16xi32>,
      %add3A_162 = arith.constant 48 : i32
      %add3A_163 = arith.addi %scan3A_125, %add3A_162 : i32
      %swap3A_164 = arith.index_cast %add3A_163 : i32 to index
      %swap3A_165 = tpu.vector_load %arg13[%swap3A_164] {strides = array<i32>} : memref<2192xi32, #tpu.memory_space<vmem>>, vector<16xi32>,
      tpu.vector_store %arg13[%swap3A_164], %add3A_24 {strides = array<i32>} : memref<2192xi32, #tpu.memory_space<vmem>>, vector<16xi32>,
      %broadcast_in_dim3A_166 = arith.constant 0 : i32
      %broadcast_in_dim3A_167 = vector.broadcast %broadcast_in_dim3A_166 : i32 to vector<16xi32>
      %add3A_168 = arith.constant 64 : i32
      %add3A_169 = arith.addi %scan3A_125, %add3A_168 : i32
      %swap3A_170 = arith.index_cast %add3A_169 : i32 to index
      %swap3A_171 = tpu.vector_load %arg12[%swap3A_170] {strides = array<i32>} : memref<2192xi32, #tpu.memory_space<vmem>>, vector<16xi32>,
      tpu.vector_store %arg12[%swap3A_170], %broadcast_in_dim3A_167 {strides = array<i32>} : memref<2192xi32, #tpu.memory_space<vmem>>, vector<16xi32>,
      %add3A_172 = arith.constant 64 : i32
      %add3A_173 = arith.addi %scan3A_125, %add3A_172 : i32
      %swap3A_174 = arith.index_cast %add3A_173 : i32 to index
      %swap3A_175 = tpu.vector_load %arg13[%swap3A_174] {strides = array<i32>} : memref<2192xi32, #tpu.memory_space<vmem>>, vector<16xi32>,
      tpu.vector_store %arg13[%swap3A_174], %add3A_24 {strides = array<i32>} : memref<2192xi32, #tpu.memory_space<vmem>>, vector<16xi32>,
      %broadcast_in_dim3A_176 = arith.constant 0 : i32
      %broadcast_in_dim3A_177 = vector.broadcast %broadcast_in_dim3A_176 : i32 to vector<16xi32>
      %add3A_178 = arith.constant 80 : i32
      %add3A_179 = arith.addi %scan3A_125, %add3A_178 : i32
      %swap3A_180 = arith.index_cast %add3A_179 : i32 to index
      %swap3A_181 = tpu.vector_load %arg12[%swap3A_180] {strides = array<i32>} : memref<2192xi32, #tpu.memory_space<vmem>>, vector<16xi32>,
      tpu.vector_store %arg12[%swap3A_180], %broadcast_in_dim3A_177 {strides = array<i32>} : memref<2192xi32, #tpu.memory_space<vmem>>, vector<16xi32>,
      %add3A_182 = arith.constant 80 : i32
      %add3A_183 = arith.addi %scan3A_125, %add3A_182 : i32
      %swap3A_184 = arith.index_cast %add3A_183 : i32 to index
      %swap3A_185 = tpu.vector_load %arg13[%swap3A_184] {strides = array<i32>} : memref<2192xi32, #tpu.memory_space<vmem>>, vector<16xi32>,
      tpu.vector_store %arg13[%swap3A_184], %add3A_24 {strides = array<i32>} : memref<2192xi32, #tpu.memory_space<vmem>>, vector<16xi32>,
      %broadcast_in_dim3A_186 = arith.constant 0 : i32
      %broadcast_in_dim3A_187 = vector.broadcast %broadcast_in_dim3A_186 : i32 to vector<16xi32>
      %add3A_188 = arith.constant 96 : i32
      %add3A_189 = arith.addi %scan3A_125, %add3A_188 : i32
      %swap3A_190 = arith.index_cast %add3A_189 : i32 to index
      %swap3A_191 = tpu.vector_load %arg12[%swap3A_190] {strides = array<i32>} : memref<2192xi32, #tpu.memory_space<vmem>>, vector<16xi32>,
      tpu.vector_store %arg12[%swap3A_190], %broadcast_in_dim3A_187 {strides = array<i32>} : memref<2192xi32, #tpu.memory_space<vmem>>, vector<16xi32>,
      %add3A_192 = arith.constant 96 : i32
      %add3A_193 = arith.addi %scan3A_125, %add3A_192 : i32
      %swap3A_194 = arith.index_cast %add3A_193 : i32 to index
      %swap3A_195 = tpu.vector_load %arg13[%swap3A_194] {strides = array<i32>} : memref<2192xi32, #tpu.memory_space<vmem>>, vector<16xi32>,
      tpu.vector_store %arg13[%swap3A_194], %add3A_24 {strides = array<i32>} : memref<2192xi32, #tpu.memory_space<vmem>>, vector<16xi32>,
      %broadcast_in_dim3A_196 = arith.constant 0 : i32
      %broadcast_in_dim3A_197 = vector.broadcast %broadcast_in_dim3A_196 : i32 to vector<16xi32>
      %add3A_198 = arith.constant 112 : i32
      %add3A_199 = arith.addi %scan3A_125, %add3A_198 : i32
      %swap3A_200 = arith.index_cast %add3A_199 : i32 to index
      %swap3A_201 = tpu.vector_load %arg12[%swap3A_200] {strides = array<i32>} : memref<2192xi32, #tpu.memory_space<vmem>>, vector<16xi32>,
      tpu.vector_store %arg12[%swap3A_200], %broadcast_in_dim3A_197 {strides = array<i32>} : memref<2192xi32, #tpu.memory_space<vmem>>, vector<16xi32>,
      %add3A_202 = arith.constant 112 : i32
      %add3A_203 = arith.addi %scan3A_125, %add3A_202 : i32
      %swap3A_204 = arith.index_cast %add3A_203 : i32 to index
      %swap3A_205 = tpu.vector_load %arg13[%swap3A_204] {strides = array<i32>} : memref<2192xi32, #tpu.memory_space<vmem>>, vector<16xi32>,
      tpu.vector_store %arg13[%swap3A_204], %add3A_24 {strides = array<i32>} : memref<2192xi32, #tpu.memory_space<vmem>>, vector<16xi32>,
      %jit3A_206 = arith.constant 128 : i32
      %div3A_207 = arith.divsi %scan3A_125, %jit3A_206 : i32
      %sign3A_208 = arith.constant 0 : i32
      %sign3A_209 = arith.cmpi sgt, %scan3A_125, %sign3A_208 : i32
      %sign3A_210 = arith.extui %sign3A_209 : i1 to i32
      %sign3A_211 = arith.constant 0 : i32
      %sign3A_212 = arith.cmpi slt, %scan3A_125, %sign3A_211 : i32
      %sign3A_213 = arith.extui %sign3A_212 : i1 to i32
      %sign3A_214 = arith.subi %sign3A_210, %sign3A_213 : i32
      %sign3A_215 = arith.constant 0 : i32
      %sign3A_216 = arith.cmpi sgt, %jit3A_206, %sign3A_215 : i32
      %sign3A_217 = arith.extui %sign3A_216 : i1 to i32
      %sign3A_218 = arith.constant 0 : i32
      %sign3A_219 = arith.cmpi slt, %jit3A_206, %sign3A_218 : i32
      %sign3A_220 = arith.extui %sign3A_219 : i1 to i32
      %sign3A_221 = arith.subi %sign3A_217, %sign3A_220 : i32
      %ne3A_222 = arith.cmpi ne, %sign3A_214, %sign3A_221 : i32
      %rem3A_223 = arith.remsi %scan3A_125, %jit3A_206 : i32
      %ne3A_224 = arith.constant 0 : i32
      %ne3A_225 = arith.cmpi ne, %rem3A_223, %ne3A_224 : i32
      %and3A_226 = arith.andi %ne3A_222, %ne3A_225 : i1
      %sub3A_227 = arith.constant 1 : i32
      %sub3A_228 = arith.subi %div3A_207, %sub3A_227 : i32
      %select_n3A_229 = arith.select %and3A_226, %sub3A_228, %div3A_207 : i32
      %add3A_230 = arith.constant 1 : i32
      %add3A_231 = arith.addi %select_n3A_229, %add3A_230 : i32
      %dma_start3A_232 = arith.constant 0 : i32
      %dma_start3A_233 = tpu.memref_slice %arg12[%dma_start3A_232] : memref<2192xi32, #tpu.memory_space<vmem>> -> memref<128xi32, #tpu.memory_space<vmem>>
      %dma_start3A_234 = arith.constant 0 : i32
      %dma_start3A_235 = arith.constant 0 : i32
      %dma_start3A_236 = tpu.memref_slice %arg2[%dma_start3A_234, %dma_start3A_235] : memref<10000x128xf32, #tpu.memory_space<hbm>> -> memref<10000x128xf32, #tpu.memory_space<hbm>>
      tpu.enqueue_indirect_dma source(%dma_start3A_236 : memref<10000x128xf32, #tpu.memory_space<hbm>>) target(%arg16 : memref<128x128xf32, #tpu.memory_space<vmem>>) offsets(%dma_start3A_233 : memref<128xi32, #tpu.memory_space<vmem>>) semaphore(%arg19 : memref<!tpu.dma_semaphore, #tpu.memory_space<semaphore_mem>>)
      %scan3A_237 = arith.constant 0 : i32
      %scan3A_238 = arith.constant 0 : i32
      %scan3A_239 = arith.constant 9 : i32
      %scan3A_240 = arith.addi %scan3A_238, %scan3A_239 : i32
      %scan3A_241 = arith.constant 1 : i32
      scf.for %scan3A_273 = %scan3A_238 to %scan3A_240 step %scan3A_241  : i32 {
        %mul3A_274 = arith.constant 2 : i32
        %mul3A_275 = arith.muli %scan3A_273, %mul3A_274 : i32
        %add3A_276 = arith.constant 0 : i32
        %add3A_277 = arith.addi %mul3A_275, %add3A_276 : i32
        %lt3A_278 = arith.cmpi slt, %add3A_277, %add3A_231 : i32
        %convert_element_type3A_279 = arith.extui %lt3A_278 : i1 to i32
        %cond3A_280 = arith.constant 0 : i32
        %cond3A_281 = arith.cmpi ne, %convert_element_type3A_279, %cond3A_280 : i32
        scf.if %cond3A_281 {
          %add3A_290 = arith.constant 1 : i32
          %add3A_291 = arith.addi %add3A_277, %add3A_290 : i32
          %lt3A_292 = arith.cmpi slt, %add3A_291, %add3A_231 : i32
          %convert_element_type3A_293 = arith.extui %lt3A_292 : i1 to i32
          %cond3A_294 = arith.constant 0 : i32
          %cond3A_295 = arith.cmpi ne, %convert_element_type3A_293, %cond3A_294 : i32
          scf.if %cond3A_295 {
            %ge3A_387 = arith.constant 1 : i32
            %ge3A_388 = arith.cmpi sge, %add3A_277, %ge3A_387 : i32
            %convert_element_type3A_389 = arith.extui %ge3A_388 : i1 to i32
            %cond3A_390 = arith.constant 0 : i32
            %cond3A_391 = arith.cmpi ne, %convert_element_type3A_389, %cond3A_390 : i32
            scf.if %cond3A_391 {
              %dma_wait3A_400 = arith.constant 1 : i32
              %dma_wait3A_401 = arith.constant 0 : i32
              %dma_wait3A_402 = tpu.memref_slice %arg14[%dma_wait3A_400, %dma_wait3A_401] : memref<2x128xi32, #tpu.memory_space<vmem>> -> memref<1x128xi32, #tpu.memory_space<vmem>>
              %dma_wait3A_403 = tpu.memref_squeeze %dma_wait3A_402 : memref<1x128xi32, #tpu.memory_space<vmem>> -> memref<128xi32, #tpu.memory_space<vmem>>
              %dma_wait3A_404 = arith.constant 0 : i32
              %dma_wait3A_405 = arith.constant 0 : i32
              %dma_wait3A_406 = tpu.memref_slice %arg18[%dma_wait3A_404, %dma_wait3A_405] : memref<10240x128xf32, #tpu.memory_space<vmem_shared>> -> memref<10240x128xf32, #tpu.memory_space<vmem_shared>>
              tpu.wait_indirect_dma semaphore(%arg22 : memref<!tpu.dma_semaphore, #tpu.memory_space<semaphore_mem>>) src(%arg17 : memref<128x128xf32, #tpu.memory_space<vmem>>) dst(%dma_wait3A_406 : memref<10240x128xf32, #tpu.memory_space<vmem_shared>>)
            } else {
            }
            %add3A_392 = arith.constant 1 : i32
            %add3A_393 = arith.addi %add3A_277, %add3A_392 : i32
            %mul3A_394 = arith.constant 128 : i32
            %mul3A_395 = arith.muli %add3A_393, %mul3A_394 : i32
            %dma_start3A_396 = tpu.memref_slice %arg12[%mul3A_395] : memref<2192xi32, #tpu.memory_space<vmem>> -> memref<128xi32, #tpu.memory_space<vmem>>
            %dma_start3A_397 = arith.constant 0 : i32
            %dma_start3A_398 = arith.constant 0 : i32
            %dma_start3A_399 = tpu.memref_slice %arg2[%dma_start3A_397, %dma_start3A_398] : memref<10000x128xf32, #tpu.memory_space<hbm>> -> memref<10000x128xf32, #tpu.memory_space<hbm>>
            tpu.enqueue_indirect_dma source(%dma_start3A_399 : memref<10000x128xf32, #tpu.memory_space<hbm>>) target(%arg17 : memref<128x128xf32, #tpu.memory_space<vmem>>) offsets(%dma_start3A_396 : memref<128xi32, #tpu.memory_space<vmem>>) semaphore(%arg20 : memref<!tpu.dma_semaphore, #tpu.memory_space<semaphore_mem>>)
          } else {
          }
          %dma_wait3A_296 = arith.constant 0 : i32
          %dma_wait3A_297 = tpu.memref_slice %arg12[%dma_wait3A_296] : memref<2192xi32, #tpu.memory_space<vmem>> -> memref<128xi32, #tpu.memory_space<vmem>>
          %dma_wait3A_298 = arith.constant 0 : i32
          %dma_wait3A_299 = arith.constant 0 : i32
          %dma_wait3A_300 = tpu.memref_slice %arg2[%dma_wait3A_298, %dma_wait3A_299] : memref<10000x128xf32, #tpu.memory_space<hbm>> -> memref<10000x128xf32, #tpu.memory_space<hbm>>
          tpu.wait_indirect_dma semaphore(%arg19 : memref<!tpu.dma_semaphore, #tpu.memory_space<semaphore_mem>>) src(%dma_wait3A_300 : memref<10000x128xf32, #tpu.memory_space<hbm>>) dst(%arg16 : memref<128x128xf32, #tpu.memory_space<vmem>>)
          %mul3A_301 = arith.constant 128 : i32
          %mul3A_302 = arith.muli %add3A_277, %mul3A_301 : i32
          %add3A_303 = arith.constant 0 : i32
          %add3A_304 = arith.addi %mul3A_302, %add3A_303 : i32
          %get3A = arith.index_cast %add3A_304 : i32 to index
          %get3A_305 = tpu.vector_load %arg13[%get3A] {strides = array<i32>} : memref<2192xi32, #tpu.memory_space<vmem>>, vector<16xi32>,
          %swap3A_306 = arith.constant 0 : i32
          %swap3A_307 = arith.index_cast %swap3A_306 : i32 to index
          %swap3A_308 = arith.constant 0 : index
          %swap3A_309 = tpu.vector_load %arg14[%swap3A_307, %swap3A_308] {strides = array<i32>} : memref<2x128xi32, #tpu.memory_space<vmem>>, vector<16xi32>,
          tpu.vector_store %arg14[%swap3A_307, %swap3A_308], %get3A_305 {strides = array<i32>} : memref<2x128xi32, #tpu.memory_space<vmem>>, vector<16xi32>,
          %mul3A_310 = arith.constant 128 : i32
          %mul3A_311 = arith.muli %add3A_277, %mul3A_310 : i32
          %add3A_312 = arith.constant 16 : i32
          %add3A_313 = arith.addi %mul3A_311, %add3A_312 : i32
          %get3A_314 = arith.index_cast %add3A_313 : i32 to index
          %get3A_315 = tpu.vector_load %arg13[%get3A_314] {strides = array<i32>} : memref<2192xi32, #tpu.memory_space<vmem>>, vector<16xi32>,
          %swap3A_316 = arith.constant 0 : i32
          %swap3A_317 = arith.index_cast %swap3A_316 : i32 to index
          %swap3A_318 = arith.constant 16 : index
          %swap3A_319 = tpu.vector_load %arg14[%swap3A_317, %swap3A_318] {strides = array<i32>} : memref<2x128xi32, #tpu.memory_space<vmem>>, vector<16xi32>,
          tpu.vector_store %arg14[%swap3A_317, %swap3A_318], %get3A_315 {strides = array<i32>} : memref<2x128xi32, #tpu.memory_space<vmem>>, vector<16xi32>,
          %mul3A_320 = arith.constant 128 : i32
          %mul3A_321 = arith.muli %add3A_277, %mul3A_320 : i32
          %add3A_322 = arith.constant 32 : i32
          %add3A_323 = arith.addi %mul3A_321, %add3A_322 : i32
          %get3A_324 = arith.index_cast %add3A_323 : i32 to index
          %get3A_325 = tpu.vector_load %arg13[%get3A_324] {strides = array<i32>} : memref<2192xi32, #tpu.memory_space<vmem>>, vector<16xi32>,
          %swap3A_326 = arith.constant 0 : i32
          %swap3A_327 = arith.index_cast %swap3A_326 : i32 to index
          %swap3A_328 = arith.constant 32 : index
          %swap3A_329 = tpu.vector_load %arg14[%swap3A_327, %swap3A_328] {strides = array<i32>} : memref<2x128xi32, #tpu.memory_space<vmem>>, vector<16xi32>,
          tpu.vector_store %arg14[%swap3A_327, %swap3A_328], %get3A_325 {strides = array<i32>} : memref<2x128xi32, #tpu.memory_space<vmem>>, vector<16xi32>,
          %mul3A_330 = arith.constant 128 : i32
          %mul3A_331 = arith.muli %add3A_277, %mul3A_330 : i32
          %add3A_332 = arith.constant 48 : i32
          %add3A_333 = arith.addi %mul3A_331, %add3A_332 : i32
          %get3A_334 = arith.index_cast %add3A_333 : i32 to index
          %get3A_335 = tpu.vector_load %arg13[%get3A_334] {strides = array<i32>} : memref<2192xi32, #tpu.memory_space<vmem>>, vector<16xi32>,
          %swap3A_336 = arith.constant 0 : i32
          %swap3A_337 = arith.index_cast %swap3A_336 : i32 to index
          %swap3A_338 = arith.constant 48 : index
          %swap3A_339 = tpu.vector_load %arg14[%swap3A_337, %swap3A_338] {strides = array<i32>} : memref<2x128xi32, #tpu.memory_space<vmem>>, vector<16xi32>,
          tpu.vector_store %arg14[%swap3A_337, %swap3A_338], %get3A_335 {strides = array<i32>} : memref<2x128xi32, #tpu.memory_space<vmem>>, vector<16xi32>,
          %mul3A_340 = arith.constant 128 : i32
          %mul3A_341 = arith.muli %add3A_277, %mul3A_340 : i32
          %add3A_342 = arith.constant 64 : i32
          %add3A_343 = arith.addi %mul3A_341, %add3A_342 : i32
          %get3A_344 = arith.index_cast %add3A_343 : i32 to index
          %get3A_345 = tpu.vector_load %arg13[%get3A_344] {strides = array<i32>} : memref<2192xi32, #tpu.memory_space<vmem>>, vector<16xi32>,
          %swap3A_346 = arith.constant 0 : i32
          %swap3A_347 = arith.index_cast %swap3A_346 : i32 to index
          %swap3A_348 = arith.constant 64 : index
          %swap3A_349 = tpu.vector_load %arg14[%swap3A_347, %swap3A_348] {strides = array<i32>} : memref<2x128xi32, #tpu.memory_space<vmem>>, vector<16xi32>,
          tpu.vector_store %arg14[%swap3A_347, %swap3A_348], %get3A_345 {strides = array<i32>} : memref<2x128xi32, #tpu.memory_space<vmem>>, vector<16xi32>,
          %mul3A_350 = arith.constant 128 : i32
          %mul3A_351 = arith.muli %add3A_277, %mul3A_350 : i32
          %add3A_352 = arith.constant 80 : i32
          %add3A_353 = arith.addi %mul3A_351, %add3A_352 : i32
          %get3A_354 = arith.index_cast %add3A_353 : i32 to index
          %get3A_355 = tpu.vector_load %arg13[%get3A_354] {strides = array<i32>} : memref<2192xi32, #tpu.memory_space<vmem>>, vector<16xi32>,
          %swap3A_356 = arith.constant 0 : i32
          %swap3A_357 = arith.index_cast %swap3A_356 : i32 to index
          %swap3A_358 = arith.constant 80 : index
          %swap3A_359 = tpu.vector_load %arg14[%swap3A_357, %swap3A_358] {strides = array<i32>} : memref<2x128xi32, #tpu.memory_space<vmem>>, vector<16xi32>,
          tpu.vector_store %arg14[%swap3A_357, %swap3A_358], %get3A_355 {strides = array<i32>} : memref<2x128xi32, #tpu.memory_space<vmem>>, vector<16xi32>,
          %mul3A_360 = arith.constant 128 : i32
          %mul3A_361 = arith.muli %add3A_277, %mul3A_360 : i32
          %add3A_362 = arith.constant 96 : i32
          %add3A_363 = arith.addi %mul3A_361, %add3A_362 : i32
          %get3A_364 = arith.index_cast %add3A_363 : i32 to index
          %get3A_365 = tpu.vector_load %arg13[%get3A_364] {strides = array<i32>} : memref<2192xi32, #tpu.memory_space<vmem>>, vector<16xi32>,
          %swap3A_366 = arith.constant 0 : i32
          %swap3A_367 = arith.index_cast %swap3A_366 : i32 to index
          %swap3A_368 = arith.constant 96 : index
          %swap3A_369 = tpu.vector_load %arg14[%swap3A_367, %swap3A_368] {strides = array<i32>} : memref<2x128xi32, #tpu.memory_space<vmem>>, vector<16xi32>,
          tpu.vector_store %arg14[%swap3A_367, %swap3A_368], %get3A_365 {strides = array<i32>} : memref<2x128xi32, #tpu.memory_space<vmem>>, vector<16xi32>,
          %mul3A_370 = arith.constant 128 : i32
          %mul3A_371 = arith.muli %add3A_277, %mul3A_370 : i32
          %add3A_372 = arith.constant 112 : i32
          %add3A_373 = arith.addi %mul3A_371, %add3A_372 : i32
          %get3A_374 = arith.index_cast %add3A_373 : i32 to index
          %get3A_375 = tpu.vector_load %arg13[%get3A_374] {strides = array<i32>} : memref<2192xi32, #tpu.memory_space<vmem>>, vector<16xi32>,
          %swap3A_376 = arith.constant 0 : i32
          %swap3A_377 = arith.index_cast %swap3A_376 : i32 to index
          %swap3A_378 = arith.constant 112 : index
          %swap3A_379 = tpu.vector_load %arg14[%swap3A_377, %swap3A_378] {strides = array<i32>} : memref<2x128xi32, #tpu.memory_space<vmem>>, vector<16xi32>,
          tpu.vector_store %arg14[%swap3A_377, %swap3A_378], %get3A_375 {strides = array<i32>} : memref<2x128xi32, #tpu.memory_space<vmem>>, vector<16xi32>,
          %dma_start3A_380 = arith.constant 0 : i32
          %dma_start3A_381 = arith.constant 0 : i32
          %dma_start3A_382 = tpu.memref_slice %arg14[%dma_start3A_380, %dma_start3A_381] : memref<2x128xi32, #tpu.memory_space<vmem>> -> memref<1x128xi32, #tpu.memory_space<vmem>>
          %dma_start3A_383 = tpu.memref_squeeze %dma_start3A_382 : memref<1x128xi32, #tpu.memory_space<vmem>> -> memref<128xi32, #tpu.memory_space<vmem>>
          %dma_start3A_384 = arith.constant 0 : i32
          %dma_start3A_385 = arith.constant 0 : i32
          %dma_start3A_386 = tpu.memref_slice %arg18[%dma_start3A_384, %dma_start3A_385] : memref<10240x128xf32, #tpu.memory_space<vmem_shared>> -> memref<10240x128xf32, #tpu.memory_space<vmem_shared>>
          tpu.enqueue_indirect_dma source(%arg16 : memref<128x128xf32, #tpu.memory_space<vmem>>) target(%dma_start3A_386 : memref<10240x128xf32, #tpu.memory_space<vmem_shared>>) offsets(%dma_start3A_383 : memref<128xi32, #tpu.memory_space<vmem>>) semaphore(%arg21 : memref<!tpu.dma_semaphore, #tpu.memory_space<semaphore_mem>>) {add = true}
        } else {
        }
        %mul3A_282 = arith.constant 2 : i32
        %mul3A_283 = arith.muli %scan3A_273, %mul3A_282 : i32
        %add3A_284 = arith.constant 1 : i32
        %add3A_285 = arith.addi %mul3A_283, %add3A_284 : i32
        %lt3A_286 = arith.cmpi slt, %add3A_285, %add3A_231 : i32
        %convert_element_type3A_287 = arith.extui %lt3A_286 : i1 to i32
        %cond3A_288 = arith.constant 0 : i32
        %cond3A_289 = arith.cmpi ne, %convert_element_type3A_287, %cond3A_288 : i32
        scf.if %cond3A_289 {
          %add3A_290 = arith.constant 1 : i32
          %add3A_291 = arith.addi %add3A_285, %add3A_290 : i32
          %lt3A_292 = arith.cmpi slt, %add3A_291, %add3A_231 : i32
          %convert_element_type3A_293 = arith.extui %lt3A_292 : i1 to i32
          %cond3A_294 = arith.constant 0 : i32
          %cond3A_295 = arith.cmpi ne, %convert_element_type3A_293, %cond3A_294 : i32
          scf.if %cond3A_295 {
            %ge3A_387 = arith.constant 1 : i32
            %ge3A_388 = arith.cmpi sge, %add3A_285, %ge3A_387 : i32
            %convert_element_type3A_389 = arith.extui %ge3A_388 : i1 to i32
            %cond3A_390 = arith.constant 0 : i32
            %cond3A_391 = arith.cmpi ne, %convert_element_type3A_389, %cond3A_390 : i32
            scf.if %cond3A_391 {
              %dma_wait3A_400 = arith.constant 0 : i32
              %dma_wait3A_401 = arith.constant 0 : i32
              %dma_wait3A_402 = tpu.memref_slice %arg14[%dma_wait3A_400, %dma_wait3A_401] : memref<2x128xi32, #tpu.memory_space<vmem>> -> memref<1x128xi32, #tpu.memory_space<vmem>>
              %dma_wait3A_403 = tpu.memref_squeeze %dma_wait3A_402 : memref<1x128xi32, #tpu.memory_space<vmem>> -> memref<128xi32, #tpu.memory_space<vmem>>
              %dma_wait3A_404 = arith.constant 0 : i32
              %dma_wait3A_405 = arith.constant 0 : i32
              %dma_wait3A_406 = tpu.memref_slice %arg18[%dma_wait3A_404, %dma_wait3A_405] : memref<10240x128xf32, #tpu.memory_space<vmem_shared>> -> memref<10240x128xf32, #tpu.memory_space<vmem_shared>>
              tpu.wait_indirect_dma semaphore(%arg21 : memref<!tpu.dma_semaphore, #tpu.memory_space<semaphore_mem>>) src(%arg16 : memref<128x128xf32, #tpu.memory_space<vmem>>) dst(%dma_wait3A_406 : memref<10240x128xf32, #tpu.memory_space<vmem_shared>>)
            } else {
            }
            %add3A_392 = arith.constant 1 : i32
            %add3A_393 = arith.addi %add3A_285, %add3A_392 : i32
            %mul3A_394 = arith.constant 128 : i32
            %mul3A_395 = arith.muli %add3A_393, %mul3A_394 : i32
            %dma_start3A_396 = tpu.memref_slice %arg12[%mul3A_395] : memref<2192xi32, #tpu.memory_space<vmem>> -> memref<128xi32, #tpu.memory_space<vmem>>
            %dma_start3A_397 = arith.constant 0 : i32
            %dma_start3A_398 = arith.constant 0 : i32
            %dma_start3A_399 = tpu.memref_slice %arg2[%dma_start3A_397, %dma_start3A_398] : memref<10000x128xf32, #tpu.memory_space<hbm>> -> memref<10000x128xf32, #tpu.memory_space<hbm>>
            tpu.enqueue_indirect_dma source(%dma_start3A_399 : memref<10000x128xf32, #tpu.memory_space<hbm>>) target(%arg16 : memref<128x128xf32, #tpu.memory_space<vmem>>) offsets(%dma_start3A_396 : memref<128xi32, #tpu.memory_space<vmem>>) semaphore(%arg19 : memref<!tpu.dma_semaphore, #tpu.memory_space<semaphore_mem>>)
          } else {
          }
          %dma_wait3A_296 = arith.constant 0 : i32
          %dma_wait3A_297 = tpu.memref_slice %arg12[%dma_wait3A_296] : memref<2192xi32, #tpu.memory_space<vmem>> -> memref<128xi32, #tpu.memory_space<vmem>>
          %dma_wait3A_298 = arith.constant 0 : i32
          %dma_wait3A_299 = arith.constant 0 : i32
          %dma_wait3A_300 = tpu.memref_slice %arg2[%dma_wait3A_298, %dma_wait3A_299] : memref<10000x128xf32, #tpu.memory_space<hbm>> -> memref<10000x128xf32, #tpu.memory_space<hbm>>
          tpu.wait_indirect_dma semaphore(%arg20 : memref<!tpu.dma_semaphore, #tpu.memory_space<semaphore_mem>>) src(%dma_wait3A_300 : memref<10000x128xf32, #tpu.memory_space<hbm>>) dst(%arg17 : memref<128x128xf32, #tpu.memory_space<vmem>>)
          %mul3A_301 = arith.constant 128 : i32
          %mul3A_302 = arith.muli %add3A_285, %mul3A_301 : i32
          %add3A_303 = arith.constant 0 : i32
          %add3A_304 = arith.addi %mul3A_302, %add3A_303 : i32
          %get3A = arith.index_cast %add3A_304 : i32 to index
          %get3A_305 = tpu.vector_load %arg13[%get3A] {strides = array<i32>} : memref<2192xi32, #tpu.memory_space<vmem>>, vector<16xi32>,
          %swap3A_306 = arith.constant 1 : i32
          %swap3A_307 = arith.index_cast %swap3A_306 : i32 to index
          %swap3A_308 = arith.constant 0 : index
          %swap3A_309 = tpu.vector_load %arg14[%swap3A_307, %swap3A_308] {strides = array<i32>} : memref<2x128xi32, #tpu.memory_space<vmem>>, vector<16xi32>,
          tpu.vector_store %arg14[%swap3A_307, %swap3A_308], %get3A_305 {strides = array<i32>} : memref<2x128xi32, #tpu.memory_space<vmem>>, vector<16xi32>,
          %mul3A_310 = arith.constant 128 : i32
          %mul3A_311 = arith.muli %add3A_285, %mul3A_310 : i32
          %add3A_312 = arith.constant 16 : i32
          %add3A_313 = arith.addi %mul3A_311, %add3A_312 : i32
          %get3A_314 = arith.index_cast %add3A_313 : i32 to index
          %get3A_315 = tpu.vector_load %arg13[%get3A_314] {strides = array<i32>} : memref<2192xi32, #tpu.memory_space<vmem>>, vector<16xi32>,
          %swap3A_316 = arith.constant 1 : i32
          %swap3A_317 = arith.index_cast %swap3A_316 : i32 to index
          %swap3A_318 = arith.constant 16 : index
          %swap3A_319 = tpu.vector_load %arg14[%swap3A_317, %swap3A_318] {strides = array<i32>} : memref<2x128xi32, #tpu.memory_space<vmem>>, vector<16xi32>,
          tpu.vector_store %arg14[%swap3A_317, %swap3A_318], %get3A_315 {strides = array<i32>} : memref<2x128xi32, #tpu.memory_space<vmem>>, vector<16xi32>,
          %mul3A_320 = arith.constant 128 : i32
          %mul3A_321 = arith.muli %add3A_285, %mul3A_320 : i32
          %add3A_322 = arith.constant 32 : i32
          %add3A_323 = arith.addi %mul3A_321, %add3A_322 : i32
          %get3A_324 = arith.index_cast %add3A_323 : i32 to index
          %get3A_325 = tpu.vector_load %arg13[%get3A_324] {strides = array<i32>} : memref<2192xi32, #tpu.memory_space<vmem>>, vector<16xi32>,
          %swap3A_326 = arith.constant 1 : i32
          %swap3A_327 = arith.index_cast %swap3A_326 : i32 to index
          %swap3A_328 = arith.constant 32 : index
          %swap3A_329 = tpu.vector_load %arg14[%swap3A_327, %swap3A_328] {strides = array<i32>} : memref<2x128xi32, #tpu.memory_space<vmem>>, vector<16xi32>,
          tpu.vector_store %arg14[%swap3A_327, %swap3A_328], %get3A_325 {strides = array<i32>} : memref<2x128xi32, #tpu.memory_space<vmem>>, vector<16xi32>,
          %mul3A_330 = arith.constant 128 : i32
          %mul3A_331 = arith.muli %add3A_285, %mul3A_330 : i32
          %add3A_332 = arith.constant 48 : i32
          %add3A_333 = arith.addi %mul3A_331, %add3A_332 : i32
          %get3A_334 = arith.index_cast %add3A_333 : i32 to index
          %get3A_335 = tpu.vector_load %arg13[%get3A_334] {strides = array<i32>} : memref<2192xi32, #tpu.memory_space<vmem>>, vector<16xi32>,
          %swap3A_336 = arith.constant 1 : i32
          %swap3A_337 = arith.index_cast %swap3A_336 : i32 to index
          %swap3A_338 = arith.constant 48 : index
          %swap3A_339 = tpu.vector_load %arg14[%swap3A_337, %swap3A_338] {strides = array<i32>} : memref<2x128xi32, #tpu.memory_space<vmem>>, vector<16xi32>,
          tpu.vector_store %arg14[%swap3A_337, %swap3A_338], %get3A_335 {strides = array<i32>} : memref<2x128xi32, #tpu.memory_space<vmem>>, vector<16xi32>,
          %mul3A_340 = arith.constant 128 : i32
          %mul3A_341 = arith.muli %add3A_285, %mul3A_340 : i32
          %add3A_342 = arith.constant 64 : i32
          %add3A_343 = arith.addi %mul3A_341, %add3A_342 : i32
          %get3A_344 = arith.index_cast %add3A_343 : i32 to index
          %get3A_345 = tpu.vector_load %arg13[%get3A_344] {strides = array<i32>} : memref<2192xi32, #tpu.memory_space<vmem>>, vector<16xi32>,
          %swap3A_346 = arith.constant 1 : i32
          %swap3A_347 = arith.index_cast %swap3A_346 : i32 to index
          %swap3A_348 = arith.constant 64 : index
          %swap3A_349 = tpu.vector_load %arg14[%swap3A_347, %swap3A_348] {strides = array<i32>} : memref<2x128xi32, #tpu.memory_space<vmem>>, vector<16xi32>,
          tpu.vector_store %arg14[%swap3A_347, %swap3A_348], %get3A_345 {strides = array<i32>} : memref<2x128xi32, #tpu.memory_space<vmem>>, vector<16xi32>,
          %mul3A_350 = arith.constant 128 : i32
          %mul3A_351 = arith.muli %add3A_285, %mul3A_350 : i32
          %add3A_352 = arith.constant 80 : i32
          %add3A_353 = arith.addi %mul3A_351, %add3A_352 : i32
          %get3A_354 = arith.index_cast %add3A_353 : i32 to index
          %get3A_355 = tpu.vector_load %arg13[%get3A_354] {strides = array<i32>} : memref<2192xi32, #tpu.memory_space<vmem>>, vector<16xi32>,
          %swap3A_356 = arith.constant 1 : i32
          %swap3A_357 = arith.index_cast %swap3A_356 : i32 to index
          %swap3A_358 = arith.constant 80 : index
          %swap3A_359 = tpu.vector_load %arg14[%swap3A_357, %swap3A_358] {strides = array<i32>} : memref<2x128xi32, #tpu.memory_space<vmem>>, vector<16xi32>,
          tpu.vector_store %arg14[%swap3A_357, %swap3A_358], %get3A_355 {strides = array<i32>} : memref<2x128xi32, #tpu.memory_space<vmem>>, vector<16xi32>,
          %mul3A_360 = arith.constant 128 : i32
          %mul3A_361 = arith.muli %add3A_285, %mul3A_360 : i32
          %add3A_362 = arith.constant 96 : i32
          %add3A_363 = arith.addi %mul3A_361, %add3A_362 : i32
          %get3A_364 = arith.index_cast %add3A_363 : i32 to index
          %get3A_365 = tpu.vector_load %arg13[%get3A_364] {strides = array<i32>} : memref<2192xi32, #tpu.memory_space<vmem>>, vector<16xi32>,
          %swap3A_366 = arith.constant 1 : i32
          %swap3A_367 = arith.index_cast %swap3A_366 : i32 to index
          %swap3A_368 = arith.constant 96 : index
          %swap3A_369 = tpu.vector_load %arg14[%swap3A_367, %swap3A_368] {strides = array<i32>} : memref<2x128xi32, #tpu.memory_space<vmem>>, vector<16xi32>,
          tpu.vector_store %arg14[%swap3A_367, %swap3A_368], %get3A_365 {strides = array<i32>} : memref<2x128xi32, #tpu.memory_space<vmem>>, vector<16xi32>,
          %mul3A_370 = arith.constant 128 : i32
          %mul3A_371 = arith.muli %add3A_285, %mul3A_370 : i32
          %add3A_372 = arith.constant 112 : i32
          %add3A_373 = arith.addi %mul3A_371, %add3A_372 : i32
          %get3A_374 = arith.index_cast %add3A_373 : i32 to index
          %get3A_375 = tpu.vector_load %arg13[%get3A_374] {strides = array<i32>} : memref<2192xi32, #tpu.memory_space<vmem>>, vector<16xi32>,
          %swap3A_376 = arith.constant 1 : i32
          %swap3A_377 = arith.index_cast %swap3A_376 : i32 to index
          %swap3A_378 = arith.constant 112 : index
          %swap3A_379 = tpu.vector_load %arg14[%swap3A_377, %swap3A_378] {strides = array<i32>} : memref<2x128xi32, #tpu.memory_space<vmem>>, vector<16xi32>,
          tpu.vector_store %arg14[%swap3A_377, %swap3A_378], %get3A_375 {strides = array<i32>} : memref<2x128xi32, #tpu.memory_space<vmem>>, vector<16xi32>,
          %dma_start3A_380 = arith.constant 1 : i32
          %dma_start3A_381 = arith.constant 0 : i32
          %dma_start3A_382 = tpu.memref_slice %arg14[%dma_start3A_380, %dma_start3A_381] : memref<2x128xi32, #tpu.memory_space<vmem>> -> memref<1x128xi32, #tpu.memory_space<vmem>>
          %dma_start3A_383 = tpu.memref_squeeze %dma_start3A_382 : memref<1x128xi32, #tpu.memory_space<vmem>> -> memref<128xi32, #tpu.memory_space<vmem>>
          %dma_start3A_384 = arith.constant 0 : i32
          %dma_start3A_385 = arith.constant 0 : i32
          %dma_start3A_386 = tpu.memref_slice %arg18[%dma_start3A_384, %dma_start3A_385] : memref<10240x128xf32, #tpu.memory_space<vmem_shared>> -> memref<10240x128xf32, #tpu.memory_space<vmem_shared>>
          tpu.enqueue_indirect_dma source(%arg17 : memref<128x128xf32, #tpu.memory_space<vmem>>) target(%dma_start3A_386 : memref<10240x128xf32, #tpu.memory_space<vmem_shared>>) offsets(%dma_start3A_383 : memref<128xi32, #tpu.memory_space<vmem>>) semaphore(%arg22 : memref<!tpu.dma_semaphore, #tpu.memory_space<semaphore_mem>>) {add = true}
        } else {
        }
      }
      %scan3A_242 = arith.constant 9 : i32
      %jit3A_243 = arith.constant 2 : i32
      %eq3A_244 = arith.constant 0 : i32
      %eq3A_245 = arith.cmpi eq, %jit3A_243, %eq3A_244 : i32
      %jit3A_246 = arith.constant 1 : i32
      %select_n3A_247 = arith.select %eq3A_245, %jit3A_246, %jit3A_243 : i32
      %rem3A_248 = arith.remsi %add3A_231, %select_n3A_247 : i32
      %ne3A_249 = arith.constant 0 : i32
      %ne3A_250 = arith.cmpi ne, %rem3A_248, %ne3A_249 : i32
      %lt3A_251 = arith.constant 0 : i32
      %lt3A_252 = arith.cmpi slt, %rem3A_248, %lt3A_251 : i32
      %lt3A_253 = arith.constant 0 : i32
      %lt3A_254 = arith.cmpi slt, %select_n3A_247, %lt3A_253 : i32
      %ne3A_255 = arith.xori %lt3A_252, %lt3A_254 : i1
      %and3A_256 = arith.andi %ne3A_255, %ne3A_250 : i1
      %add3A_257 = arith.addi %rem3A_248, %select_n3A_247 : i32
      %select_n3A_258 = arith.select %and3A_256, %add3A_257, %rem3A_248 : i32
      %ge3A = arith.constant 2 : i32
      %ge3A_259 = arith.cmpi sge, %add3A_231, %ge3A : i32
      %convert_element_type3A_260 = arith.extui %ge3A_259 : i1 to i32
      %cond3A_261 = arith.constant 0 : i32
      %cond3A_262 = arith.cmpi ne, %convert_element_type3A_260, %cond3A_261 : i32
      scf.if %cond3A_262 {
        %eq3A_273 = arith.constant 0 : i32
        %eq3A_274 = arith.cmpi eq, %select_n3A_258, %eq3A_273 : i32
        %convert_element_type3A_275 = arith.extui %eq3A_274 : i1 to i32
        %cond3A_276 = arith.constant 0 : i32
        %cond3A_277 = arith.cmpi ne, %convert_element_type3A_275, %cond3A_276 : i32
        scf.if %cond3A_277 {
          %dma_wait3A_283 = arith.constant 0 : i32
          %dma_wait3A_284 = arith.constant 0 : i32
          %dma_wait3A_285 = tpu.memref_slice %arg14[%dma_wait3A_283, %dma_wait3A_284] : memref<2x128xi32, #tpu.memory_space<vmem>> -> memref<1x128xi32, #tpu.memory_space<vmem>>
          %dma_wait3A_286 = tpu.memref_squeeze %dma_wait3A_285 : memref<1x128xi32, #tpu.memory_space<vmem>> -> memref<128xi32, #tpu.memory_space<vmem>>
          %dma_wait3A_287 = arith.constant 0 : i32
          %dma_wait3A_288 = arith.constant 0 : i32
          %dma_wait3A_289 = tpu.memref_slice %arg18[%dma_wait3A_287, %dma_wait3A_288] : memref<10240x128xf32, #tpu.memory_space<vmem_shared>> -> memref<10240x128xf32, #tpu.memory_space<vmem_shared>>
          tpu.wait_indirect_dma semaphore(%arg21 : memref<!tpu.dma_semaphore, #tpu.memory_space<semaphore_mem>>) src(%arg16 : memref<128x128xf32, #tpu.memory_space<vmem>>) dst(%dma_wait3A_289 : memref<10240x128xf32, #tpu.memory_space<vmem_shared>>)
        } else {
        }
        %eq3A_278 = arith.constant 1 : i32
        %eq3A_279 = arith.cmpi eq, %select_n3A_258, %eq3A_278 : i32
        %convert_element_type3A_280 = arith.extui %eq3A_279 : i1 to i32
        %cond3A_281 = arith.constant 0 : i32
        %cond3A_282 = arith.cmpi ne, %convert_element_type3A_280, %cond3A_281 : i32
        scf.if %cond3A_282 {
          %dma_wait3A_283 = arith.constant 1 : i32
          %dma_wait3A_284 = arith.constant 0 : i32
          %dma_wait3A_285 = tpu.memref_slice %arg14[%dma_wait3A_283, %dma_wait3A_284] : memref<2x128xi32, #tpu.memory_space<vmem>> -> memref<1x128xi32, #tpu.memory_space<vmem>>
          %dma_wait3A_286 = tpu.memref_squeeze %dma_wait3A_285 : memref<1x128xi32, #tpu.memory_space<vmem>> -> memref<128xi32, #tpu.memory_space<vmem>>
          %dma_wait3A_287 = arith.constant 0 : i32
          %dma_wait3A_288 = arith.constant 0 : i32
          %dma_wait3A_289 = tpu.memref_slice %arg18[%dma_wait3A_287, %dma_wait3A_288] : memref<10240x128xf32, #tpu.memory_space<vmem_shared>> -> memref<10240x128xf32, #tpu.memory_space<vmem_shared>>
          tpu.wait_indirect_dma semaphore(%arg22 : memref<!tpu.dma_semaphore, #tpu.memory_space<semaphore_mem>>) src(%arg17 : memref<128x128xf32, #tpu.memory_space<vmem>>) dst(%dma_wait3A_289 : memref<10240x128xf32, #tpu.memory_space<vmem_shared>>)
        } else {
        }
      } else {
      }
      %eq3A_263 = arith.constant 1 : i32
      %eq3A_264 = arith.cmpi eq, %select_n3A_258, %eq3A_263 : i32
      %convert_element_type3A_265 = arith.extui %eq3A_264 : i1 to i32
      %cond3A_266 = arith.constant 0 : i32
      %cond3A_267 = arith.cmpi ne, %convert_element_type3A_265, %cond3A_266 : i32
      scf.if %cond3A_267 {
        %dma_wait3A_273 = arith.constant 0 : i32
        %dma_wait3A_274 = arith.constant 0 : i32
        %dma_wait3A_275 = tpu.memref_slice %arg14[%dma_wait3A_273, %dma_wait3A_274] : memref<2x128xi32, #tpu.memory_space<vmem>> -> memref<1x128xi32, #tpu.memory_space<vmem>>
        %dma_wait3A_276 = tpu.memref_squeeze %dma_wait3A_275 : memref<1x128xi32, #tpu.memory_space<vmem>> -> memref<128xi32, #tpu.memory_space<vmem>>
        %dma_wait3A_277 = arith.constant 0 : i32
        %dma_wait3A_278 = arith.constant 0 : i32
        %dma_wait3A_279 = tpu.memref_slice %arg18[%dma_wait3A_277, %dma_wait3A_278] : memref<10240x128xf32, #tpu.memory_space<vmem_shared>> -> memref<10240x128xf32, #tpu.memory_space<vmem_shared>>
        tpu.wait_indirect_dma semaphore(%arg21 : memref<!tpu.dma_semaphore, #tpu.memory_space<semaphore_mem>>) src(%arg16 : memref<128x128xf32, #tpu.memory_space<vmem>>) dst(%dma_wait3A_279 : memref<10240x128xf32, #tpu.memory_space<vmem_shared>>)
      } else {
      }
      %eq3A_268 = arith.constant 0 : i32
      %eq3A_269 = arith.cmpi eq, %select_n3A_258, %eq3A_268 : i32
      %convert_element_type3A_270 = arith.extui %eq3A_269 : i1 to i32
      %cond3A_271 = arith.constant 0 : i32
      %cond3A_272 = arith.cmpi ne, %convert_element_type3A_270, %cond3A_271 : i32
      scf.if %cond3A_272 {
        %dma_wait3A_273 = arith.constant 1 : i32
        %dma_wait3A_274 = arith.constant 0 : i32
        %dma_wait3A_275 = tpu.memref_slice %arg14[%dma_wait3A_273, %dma_wait3A_274] : memref<2x128xi32, #tpu.memory_space<vmem>> -> memref<1x128xi32, #tpu.memory_space<vmem>>
        %dma_wait3A_276 = tpu.memref_squeeze %dma_wait3A_275 : memref<1x128xi32, #tpu.memory_space<vmem>> -> memref<128xi32, #tpu.memory_space<vmem>>
        %dma_wait3A_277 = arith.constant 0 : i32
        %dma_wait3A_278 = arith.constant 0 : i32
        %dma_wait3A_279 = tpu.memref_slice %arg18[%dma_wait3A_277, %dma_wait3A_278] : memref<10240x128xf32, #tpu.memory_space<vmem_shared>> -> memref<10240x128xf32, #tpu.memory_space<vmem_shared>>
        tpu.wait_indirect_dma semaphore(%arg22 : memref<!tpu.dma_semaphore, #tpu.memory_space<semaphore_mem>>) src(%arg17 : memref<128x128xf32, #tpu.memory_space<vmem>>) dst(%dma_wait3A_279 : memref<10240x128xf32, #tpu.memory_space<vmem_shared>>)
      } else {
      }
    }
    %while3A_85 = arith.constant 1 : i32
    scf.for %while3A_94 = %while3A_83 to %while3A_79 step %while3A_85  : i32 {
      %mul3A_95 = arith.constant 16 : i32
      %mul3A_96 = arith.muli %while3A_94, %mul3A_95 : i32
      %add3A_97 = arith.addi %select_n3A_21, %mul3A_96 : i32
      %dma_start3A = arith.constant 0 : i32
      %dma_start3A_98 = tpu.memref_slice %arg5[%add3A_97, %dma_start3A] : memref<2560x128xi32, #tpu.memory_space<hbm>> -> memref<16x128xi32, #tpu.memory_space<hbm>>
      %dma_start3A_99 = arith.constant 0 : i32
      %dma_start3A_100 = tpu.memref_slice %arg5[%add3A_97, %dma_start3A_99] : memref<2560x128xi32, #tpu.memory_space<hbm>> -> memref<16x128xi32, #tpu.memory_space<hbm>>
      tpu.enqueue_dma source(%dma_start3A_100 : memref<16x128xi32, #tpu.memory_space<hbm>>) target(%arg9 : memref<16x128xi32, #tpu.memory_space<vmem>>) target_semaphore(%arg19 : memref<!tpu.dma_semaphore, #tpu.memory_space<semaphore_mem>>)
      %dma_start3A_101 = arith.constant 0 : i32
      %dma_start3A_102 = tpu.memref_slice %arg6[%add3A_97, %dma_start3A_101] : memref<2560x128xi32, #tpu.memory_space<hbm>> -> memref<16x128xi32, #tpu.memory_space<hbm>>
      %dma_start3A_103 = arith.constant 0 : i32
      %dma_start3A_104 = tpu.memref_slice %arg6[%add3A_97, %dma_start3A_103] : memref<2560x128xi32, #tpu.memory_space<hbm>> -> memref<16x128xi32, #tpu.memory_space<hbm>>
      tpu.enqueue_dma source(%dma_start3A_104 : memref<16x128xi32, #tpu.memory_space<hbm>>) target(%arg10 : memref<16x128xi32, #tpu.memory_space<vmem>>) target_semaphore(%arg20 : memref<!tpu.dma_semaphore, #tpu.memory_space<semaphore_mem>>)
      %dma_start3A_105 = arith.constant 0 : i32
      %dma_start3A_106 = tpu.memref_slice %arg7[%add3A_97, %dma_start3A_105] : memref<2560x128xi32, #tpu.memory_space<hbm>> -> memref<16x128xi32, #tpu.memory_space<hbm>>
      %dma_start3A_107 = arith.constant 0 : i32
      %dma_start3A_108 = tpu.memref_slice %arg7[%add3A_97, %dma_start3A_107] : memref<2560x128xi32, #tpu.memory_space<hbm>> -> memref<16x128xi32, #tpu.memory_space<hbm>>
      tpu.enqueue_dma source(%dma_start3A_108 : memref<16x128xi32, #tpu.memory_space<hbm>>) target(%arg11 : memref<16x128xi32, #tpu.memory_space<vmem>>) target_semaphore(%arg21 : memref<!tpu.dma_semaphore, #tpu.memory_space<semaphore_mem>>)
      %dma_wait3A = arith.constant 0 : i32
      %dma_wait3A_109 = tpu.memref_slice %arg5[%add3A_97, %dma_wait3A] : memref<2560x128xi32, #tpu.memory_space<hbm>> -> memref<16x128xi32, #tpu.memory_space<hbm>>
      %dma_wait3A_110 = arith.constant 0 : i32
      %dma_wait3A_111 = tpu.memref_slice %arg5[%add3A_97, %dma_wait3A_110] : memref<2560x128xi32, #tpu.memory_space<hbm>> -> memref<16x128xi32, #tpu.memory_space<hbm>>
      tpu.wait_dma2 semaphore(%arg19 : memref<!tpu.dma_semaphore, #tpu.memory_space<semaphore_mem>>) src(%dma_wait3A_111 : memref<16x128xi32, #tpu.memory_space<hbm>>) dst(%arg9 : memref<16x128xi32, #tpu.memory_space<vmem>>)
      %dma_wait3A_112 = arith.constant 0 : i32
      %dma_wait3A_113 = tpu.memref_slice %arg6[%add3A_97, %dma_wait3A_112] : memref<2560x128xi32, #tpu.memory_space<hbm>> -> memref<16x128xi32, #tpu.memory_space<hbm>>
      %dma_wait3A_114 = arith.constant 0 : i32
      %dma_wait3A_115 = tpu.memref_slice %arg6[%add3A_97, %dma_wait3A_114] : memref<2560x128xi32, #tpu.memory_space<hbm>> -> memref<16x128xi32, #tpu.memory_space<hbm>>
      tpu.wait_dma2 semaphore(%arg20 : memref<!tpu.dma_semaphore, #tpu.memory_space<semaphore_mem>>) src(%dma_wait3A_115 : memref<16x128xi32, #tpu.memory_space<hbm>>) dst(%arg10 : memref<16x128xi32, #tpu.memory_space<vmem>>)
      %dma_wait3A_116 = arith.constant 0 : i32
      %dma_wait3A_117 = tpu.memref_slice %arg7[%add3A_97, %dma_wait3A_116] : memref<2560x128xi32, #tpu.memory_space<hbm>> -> memref<16x128xi32, #tpu.memory_space<hbm>>
      %dma_wait3A_118 = arith.constant 0 : i32
      %dma_wait3A_119 = tpu.memref_slice %arg7[%add3A_97, %dma_wait3A_118] : memref<2560x128xi32, #tpu.memory_space<hbm>> -> memref<16x128xi32, #tpu.memory_space<hbm>>
      tpu.wait_dma2 semaphore(%arg21 : memref<!tpu.dma_semaphore, #tpu.memory_space<semaphore_mem>>) src(%dma_wait3A_119 : memref<16x128xi32, #tpu.memory_space<hbm>>) dst(%arg11 : memref<16x128xi32, #tpu.memory_space<vmem>>)
      %scan3A_120 = arith.constant 0 : i32
      %scan3A_121 = arith.constant 0 : i32
      %scan3A_122 = arith.constant 16 : i32
      %scan3A_123 = arith.addi %scan3A_121, %scan3A_122 : i32
      %scan3A_124 = arith.constant 1 : i32
      %scan3A_125 = scf.for %scan3A_273 = %scan3A_121 to %scan3A_123 step %scan3A_124 iter_args(%scan3A_274 = %scan3A_120) -> (i32)  : i32 {
        %get3A = arith.index_cast %scan3A_273 : i32 to index
        %get3A_275 = arith.constant 0 : index
        %get3A_276 = tpu.vector_load %arg11[%get3A, %get3A_275] {strides = array<i32>} : memref<16x128xi32, #tpu.memory_space<vmem>>, vector<16xi32>,
        %eq3A_277 = arith.constant 6 : i32
        %eq3A_278 = vector.broadcast %eq3A_277 : i32 to vector<16xi32>
        %eq3A_279 = arith.cmpi eq, %get3A_276, %eq3A_278 : vector<16xi32>
        %eq3A_280 = arith.constant 14 : i32
        %eq3A_281 = vector.broadcast %eq3A_280 : i32 to vector<16xi32>
        %eq3A_282 = arith.cmpi eq, %get3A_276, %eq3A_281 : vector<16xi32>
        %or3A = arith.ori %eq3A_279, %eq3A_282 : vector<16xi1>
        %eq3A_283 = arith.constant 30 : i32
        %eq3A_284 = vector.broadcast %eq3A_283 : i32 to vector<16xi32>
        %eq3A_285 = arith.cmpi eq, %get3A_276, %eq3A_284 : vector<16xi32>
        %or3A_286 = arith.ori %or3A, %eq3A_285 : vector<16xi1>
        %get3A_287 = arith.index_cast %scan3A_273 : i32 to index
        %get3A_288 = arith.constant 0 : index
        %get3A_289 = tpu.vector_load %arg9[%get3A_287, %get3A_288] {strides = array<i32>} : memref<16x128xi32, #tpu.memory_space<vmem>>, vector<16xi32>,
        %swap3A_290 = arith.index_cast %scan3A_274 : i32 to index
        %swap3A_291 = tpu.vector_load %arg12[%swap3A_290] masked %or3A_286 {strides = array<i32>} : memref<2192xi32, #tpu.memory_space<vmem>>, vector<16xi32>, vector<16xi1>
        tpu.vector_store %arg12[%swap3A_290], %get3A_289 masked %or3A_286 {strides = array<i32>} : memref<2192xi32, #tpu.memory_space<vmem>>, vector<16xi32>, vector<16xi1>
        %get3A_292 = arith.index_cast %scan3A_273 : i32 to index
        %get3A_293 = arith.constant 0 : index
        %get3A_294 = tpu.vector_load %arg10[%get3A_292, %get3A_293] {strides = array<i32>} : memref<16x128xi32, #tpu.memory_space<vmem>>, vector<16xi32>,
        %swap3A_295 = arith.index_cast %scan3A_274 : i32 to index
        %swap3A_296 = tpu.vector_load %arg13[%swap3A_295] masked %or3A_286 {strides = array<i32>} : memref<2192xi32, #tpu.memory_space<vmem>>, vector<16xi32>, vector<16xi1>
        tpu.vector_store %arg13[%swap3A_295], %get3A_294 masked %or3A_286 {strides = array<i32>} : memref<2192xi32, #tpu.memory_space<vmem>>, vector<16xi32>, vector<16xi1>
        %convert_element_type3A_297 = arith.extui %or3A_286 : vector<16xi1> to vector<16xi32>
        %reduce_sum3A = arith.constant true
        %reduce_sum3A_298 = vector.broadcast %reduce_sum3A : i1 to vector<16xi1>
        %reduce_sum3A_299 = tpu.scan <sum>, %convert_element_type3A_297 masked %reduce_sum3A_298 : vector<16xi32>, vector<16xi1> -> vector<16xi32>
        %reduce_sum3A_300 = vector.extract %reduce_sum3A_299[15] : i32 from vector<16xi32>
        %add3A_301 = arith.addi %scan3A_274, %reduce_sum3A_300 : i32
        %get3A_302 = arith.index_cast %scan3A_273 : i32 to index
        %get3A_303 = arith.constant 16 : index
        %get3A_304 = tpu.vector_load %arg11[%get3A_302, %get3A_303] {strides = array<i32>} : memref<16x128xi32, #tpu.memory_space<vmem>>, vector<16xi32>,
        %eq3A_305 = arith.constant 6 : i32
        %eq3A_306 = vector.broadcast %eq3A_305 : i32 to vector<16xi32>
        %eq3A_307 = arith.cmpi eq, %get3A_304, %eq3A_306 : vector<16xi32>
        %eq3A_308 = arith.constant 14 : i32
        %eq3A_309 = vector.broadcast %eq3A_308 : i32 to vector<16xi32>
        %eq3A_310 = arith.cmpi eq, %get3A_304, %eq3A_309 : vector<16xi32>
        %or3A_311 = arith.ori %eq3A_307, %eq3A_310 : vector<16xi1>
        %eq3A_312 = arith.constant 30 : i32
        %eq3A_313 = vector.broadcast %eq3A_312 : i32 to vector<16xi32>
        %eq3A_314 = arith.cmpi eq, %get3A_304, %eq3A_313 : vector<16xi32>
        %or3A_315 = arith.ori %or3A_311, %eq3A_314 : vector<16xi1>
        %get3A_316 = arith.index_cast %scan3A_273 : i32 to index
        %get3A_317 = arith.constant 16 : index
        %get3A_318 = tpu.vector_load %arg9[%get3A_316, %get3A_317] {strides = array<i32>} : memref<16x128xi32, #tpu.memory_space<vmem>>, vector<16xi32>,
        %swap3A_319 = arith.index_cast %add3A_301 : i32 to index
        %swap3A_320 = tpu.vector_load %arg12[%swap3A_319] masked %or3A_315 {strides = array<i32>} : memref<2192xi32, #tpu.memory_space<vmem>>, vector<16xi32>, vector<16xi1>
        tpu.vector_store %arg12[%swap3A_319], %get3A_318 masked %or3A_315 {strides = array<i32>} : memref<2192xi32, #tpu.memory_space<vmem>>, vector<16xi32>, vector<16xi1>
        %get3A_321 = arith.index_cast %scan3A_273 : i32 to index
        %get3A_322 = arith.constant 16 : index
        %get3A_323 = tpu.vector_load %arg10[%get3A_321, %get3A_322] {strides = array<i32>} : memref<16x128xi32, #tpu.memory_space<vmem>>, vector<16xi32>,
        %swap3A_324 = arith.index_cast %add3A_301 : i32 to index
        %swap3A_325 = tpu.vector_load %arg13[%swap3A_324] masked %or3A_315 {strides = array<i32>} : memref<2192xi32, #tpu.memory_space<vmem>>, vector<16xi32>, vector<16xi1>
        tpu.vector_store %arg13[%swap3A_324], %get3A_323 masked %or3A_315 {strides = array<i32>} : memref<2192xi32, #tpu.memory_space<vmem>>, vector<16xi32>, vector<16xi1>
        %convert_element_type3A_326 = arith.extui %or3A_315 : vector<16xi1> to vector<16xi32>
        %reduce_sum3A_327 = arith.constant true
        %reduce_sum3A_328 = vector.broadcast %reduce_sum3A_327 : i1 to vector<16xi1>
        %reduce_sum3A_329 = tpu.scan <sum>, %convert_element_type3A_326 masked %reduce_sum3A_328 : vector<16xi32>, vector<16xi1> -> vector<16xi32>
        %reduce_sum3A_330 = vector.extract %reduce_sum3A_329[15] : i32 from vector<16xi32>
        %add3A_331 = arith.addi %add3A_301, %reduce_sum3A_330 : i32
        %get3A_332 = arith.index_cast %scan3A_273 : i32 to index
        %get3A_333 = arith.constant 32 : index
        %get3A_334 = tpu.vector_load %arg11[%get3A_332, %get3A_333] {strides = array<i32>} : memref<16x128xi32, #tpu.memory_space<vmem>>, vector<16xi32>,
        %eq3A_335 = arith.constant 6 : i32
        %eq3A_336 = vector.broadcast %eq3A_335 : i32 to vector<16xi32>
        %eq3A_337 = arith.cmpi eq, %get3A_334, %eq3A_336 : vector<16xi32>
        %eq3A_338 = arith.constant 14 : i32
        %eq3A_339 = vector.broadcast %eq3A_338 : i32 to vector<16xi32>
        %eq3A_340 = arith.cmpi eq, %get3A_334, %eq3A_339 : vector<16xi32>
        %or3A_341 = arith.ori %eq3A_337, %eq3A_340 : vector<16xi1>
        %eq3A_342 = arith.constant 30 : i32
        %eq3A_343 = vector.broadcast %eq3A_342 : i32 to vector<16xi32>
        %eq3A_344 = arith.cmpi eq, %get3A_334, %eq3A_343 : vector<16xi32>
        %or3A_345 = arith.ori %or3A_341, %eq3A_344 : vector<16xi1>
        %get3A_346 = arith.index_cast %scan3A_273 : i32 to index
        %get3A_347 = arith.constant 32 : index
        %get3A_348 = tpu.vector_load %arg9[%get3A_346, %get3A_347] {strides = array<i32>} : memref<16x128xi32, #tpu.memory_space<vmem>>, vector<16xi32>,
        %swap3A_349 = arith.index_cast %add3A_331 : i32 to index
        %swap3A_350 = tpu.vector_load %arg12[%swap3A_349] masked %or3A_345 {strides = array<i32>} : memref<2192xi32, #tpu.memory_space<vmem>>, vector<16xi32>, vector<16xi1>
        tpu.vector_store %arg12[%swap3A_349], %get3A_348 masked %or3A_345 {strides = array<i32>} : memref<2192xi32, #tpu.memory_space<vmem>>, vector<16xi32>, vector<16xi1>
        %get3A_351 = arith.index_cast %scan3A_273 : i32 to index
        %get3A_352 = arith.constant 32 : index
        %get3A_353 = tpu.vector_load %arg10[%get3A_351, %get3A_352] {strides = array<i32>} : memref<16x128xi32, #tpu.memory_space<vmem>>, vector<16xi32>,
        %swap3A_354 = arith.index_cast %add3A_331 : i32 to index
        %swap3A_355 = tpu.vector_load %arg13[%swap3A_354] masked %or3A_345 {strides = array<i32>} : memref<2192xi32, #tpu.memory_space<vmem>>, vector<16xi32>, vector<16xi1>
        tpu.vector_store %arg13[%swap3A_354], %get3A_353 masked %or3A_345 {strides = array<i32>} : memref<2192xi32, #tpu.memory_space<vmem>>, vector<16xi32>, vector<16xi1>
        %convert_element_type3A_356 = arith.extui %or3A_345 : vector<16xi1> to vector<16xi32>
        %reduce_sum3A_357 = arith.constant true
        %reduce_sum3A_358 = vector.broadcast %reduce_sum3A_357 : i1 to vector<16xi1>
        %reduce_sum3A_359 = tpu.scan <sum>, %convert_element_type3A_356 masked %reduce_sum3A_358 : vector<16xi32>, vector<16xi1> -> vector<16xi32>
        %reduce_sum3A_360 = vector.extract %reduce_sum3A_359[15] : i32 from vector<16xi32>
        %add3A_361 = arith.addi %add3A_331, %reduce_sum3A_360 : i32
        %get3A_362 = arith.index_cast %scan3A_273 : i32 to index
        %get3A_363 = arith.constant 48 : index
        %get3A_364 = tpu.vector_load %arg11[%get3A_362, %get3A_363] {strides = array<i32>} : memref<16x128xi32, #tpu.memory_space<vmem>>, vector<16xi32>,
        %eq3A_365 = arith.constant 6 : i32
        %eq3A_366 = vector.broadcast %eq3A_365 : i32 to vector<16xi32>
        %eq3A_367 = arith.cmpi eq, %get3A_364, %eq3A_366 : vector<16xi32>
        %eq3A_368 = arith.constant 14 : i32
        %eq3A_369 = vector.broadcast %eq3A_368 : i32 to vector<16xi32>
        %eq3A_370 = arith.cmpi eq, %get3A_364, %eq3A_369 : vector<16xi32>
        %or3A_371 = arith.ori %eq3A_367, %eq3A_370 : vector<16xi1>
        %eq3A_372 = arith.constant 30 : i32
        %eq3A_373 = vector.broadcast %eq3A_372 : i32 to vector<16xi32>
        %eq3A_374 = arith.cmpi eq, %get3A_364, %eq3A_373 : vector<16xi32>
        %or3A_375 = arith.ori %or3A_371, %eq3A_374 : vector<16xi1>
        %get3A_376 = arith.index_cast %scan3A_273 : i32 to index
        %get3A_377 = arith.constant 48 : index
        %get3A_378 = tpu.vector_load %arg9[%get3A_376, %get3A_377] {strides = array<i32>} : memref<16x128xi32, #tpu.memory_space<vmem>>, vector<16xi32>,
        %swap3A_379 = arith.index_cast %add3A_361 : i32 to index
        %swap3A_380 = tpu.vector_load %arg12[%swap3A_379] masked %or3A_375 {strides = array<i32>} : memref<2192xi32, #tpu.memory_space<vmem>>, vector<16xi32>, vector<16xi1>
        tpu.vector_store %arg12[%swap3A_379], %get3A_378 masked %or3A_375 {strides = array<i32>} : memref<2192xi32, #tpu.memory_space<vmem>>, vector<16xi32>, vector<16xi1>
        %get3A_381 = arith.index_cast %scan3A_273 : i32 to index
        %get3A_382 = arith.constant 48 : index
        %get3A_383 = tpu.vector_load %arg10[%get3A_381, %get3A_382] {strides = array<i32>} : memref<16x128xi32, #tpu.memory_space<vmem>>, vector<16xi32>,
        %swap3A_384 = arith.index_cast %add3A_361 : i32 to index
        %swap3A_385 = tpu.vector_load %arg13[%swap3A_384] masked %or3A_375 {strides = array<i32>} : memref<2192xi32, #tpu.memory_space<vmem>>, vector<16xi32>, vector<16xi1>
        tpu.vector_store %arg13[%swap3A_384], %get3A_383 masked %or3A_375 {strides = array<i32>} : memref<2192xi32, #tpu.memory_space<vmem>>, vector<16xi32>, vector<16xi1>
        %convert_element_type3A_386 = arith.extui %or3A_375 : vector<16xi1> to vector<16xi32>
        %reduce_sum3A_387 = arith.constant true
        %reduce_sum3A_388 = vector.broadcast %reduce_sum3A_387 : i1 to vector<16xi1>
        %reduce_sum3A_389 = tpu.scan <sum>, %convert_element_type3A_386 masked %reduce_sum3A_388 : vector<16xi32>, vector<16xi1> -> vector<16xi32>
        %reduce_sum3A_390 = vector.extract %reduce_sum3A_389[15] : i32 from vector<16xi32>
        %add3A_391 = arith.addi %add3A_361, %reduce_sum3A_390 : i32
        %get3A_392 = arith.index_cast %scan3A_273 : i32 to index
        %get3A_393 = arith.constant 64 : index
        %get3A_394 = tpu.vector_load %arg11[%get3A_392, %get3A_393] {strides = array<i32>} : memref<16x128xi32, #tpu.memory_space<vmem>>, vector<16xi32>,
        %eq3A_395 = arith.constant 6 : i32
        %eq3A_396 = vector.broadcast %eq3A_395 : i32 to vector<16xi32>
        %eq3A_397 = arith.cmpi eq, %get3A_394, %eq3A_396 : vector<16xi32>
        %eq3A_398 = arith.constant 14 : i32
        %eq3A_399 = vector.broadcast %eq3A_398 : i32 to vector<16xi32>
        %eq3A_400 = arith.cmpi eq, %get3A_394, %eq3A_399 : vector<16xi32>
        %or3A_401 = arith.ori %eq3A_397, %eq3A_400 : vector<16xi1>
        %eq3A_402 = arith.constant 30 : i32
        %eq3A_403 = vector.broadcast %eq3A_402 : i32 to vector<16xi32>
        %eq3A_404 = arith.cmpi eq, %get3A_394, %eq3A_403 : vector<16xi32>
        %or3A_405 = arith.ori %or3A_401, %eq3A_404 : vector<16xi1>
        %get3A_406 = arith.index_cast %scan3A_273 : i32 to index
        %get3A_407 = arith.constant 64 : index
        %get3A_408 = tpu.vector_load %arg9[%get3A_406, %get3A_407] {strides = array<i32>} : memref<16x128xi32, #tpu.memory_space<vmem>>, vector<16xi32>,
        %swap3A_409 = arith.index_cast %add3A_391 : i32 to index
        %swap3A_410 = tpu.vector_load %arg12[%swap3A_409] masked %or3A_405 {strides = array<i32>} : memref<2192xi32, #tpu.memory_space<vmem>>, vector<16xi32>, vector<16xi1>
        tpu.vector_store %arg12[%swap3A_409], %get3A_408 masked %or3A_405 {strides = array<i32>} : memref<2192xi32, #tpu.memory_space<vmem>>, vector<16xi32>, vector<16xi1>
        %get3A_411 = arith.index_cast %scan3A_273 : i32 to index
        %get3A_412 = arith.constant 64 : index
        %get3A_413 = tpu.vector_load %arg10[%get3A_411, %get3A_412] {strides = array<i32>} : memref<16x128xi32, #tpu.memory_space<vmem>>, vector<16xi32>,
        %swap3A_414 = arith.index_cast %add3A_391 : i32 to index
        %swap3A_415 = tpu.vector_load %arg13[%swap3A_414] masked %or3A_405 {strides = array<i32>} : memref<2192xi32, #tpu.memory_space<vmem>>, vector<16xi32>, vector<16xi1>
        tpu.vector_store %arg13[%swap3A_414], %get3A_413 masked %or3A_405 {strides = array<i32>} : memref<2192xi32, #tpu.memory_space<vmem>>, vector<16xi32>, vector<16xi1>
        %convert_element_type3A_416 = arith.extui %or3A_405 : vector<16xi1> to vector<16xi32>
        %reduce_sum3A_417 = arith.constant true
        %reduce_sum3A_418 = vector.broadcast %reduce_sum3A_417 : i1 to vector<16xi1>
        %reduce_sum3A_419 = tpu.scan <sum>, %convert_element_type3A_416 masked %reduce_sum3A_418 : vector<16xi32>, vector<16xi1> -> vector<16xi32>
        %reduce_sum3A_420 = vector.extract %reduce_sum3A_419[15] : i32 from vector<16xi32>
        %add3A_421 = arith.addi %add3A_391, %reduce_sum3A_420 : i32
        %get3A_422 = arith.index_cast %scan3A_273 : i32 to index
        %get3A_423 = arith.constant 80 : index
        %get3A_424 = tpu.vector_load %arg11[%get3A_422, %get3A_423] {strides = array<i32>} : memref<16x128xi32, #tpu.memory_space<vmem>>, vector<16xi32>,
        %eq3A_425 = arith.constant 6 : i32
        %eq3A_426 = vector.broadcast %eq3A_425 : i32 to vector<16xi32>
        %eq3A_427 = arith.cmpi eq, %get3A_424, %eq3A_426 : vector<16xi32>
        %eq3A_428 = arith.constant 14 : i32
        %eq3A_429 = vector.broadcast %eq3A_428 : i32 to vector<16xi32>
        %eq3A_430 = arith.cmpi eq, %get3A_424, %eq3A_429 : vector<16xi32>
        %or3A_431 = arith.ori %eq3A_427, %eq3A_430 : vector<16xi1>
        %eq3A_432 = arith.constant 30 : i32
        %eq3A_433 = vector.broadcast %eq3A_432 : i32 to vector<16xi32>
        %eq3A_434 = arith.cmpi eq, %get3A_424, %eq3A_433 : vector<16xi32>
        %or3A_435 = arith.ori %or3A_431, %eq3A_434 : vector<16xi1>
        %get3A_436 = arith.index_cast %scan3A_273 : i32 to index
        %get3A_437 = arith.constant 80 : index
        %get3A_438 = tpu.vector_load %arg9[%get3A_436, %get3A_437] {strides = array<i32>} : memref<16x128xi32, #tpu.memory_space<vmem>>, vector<16xi32>,
        %swap3A_439 = arith.index_cast %add3A_421 : i32 to index
        %swap3A_440 = tpu.vector_load %arg12[%swap3A_439] masked %or3A_435 {strides = array<i32>} : memref<2192xi32, #tpu.memory_space<vmem>>, vector<16xi32>, vector<16xi1>
        tpu.vector_store %arg12[%swap3A_439], %get3A_438 masked %or3A_435 {strides = array<i32>} : memref<2192xi32, #tpu.memory_space<vmem>>, vector<16xi32>, vector<16xi1>
        %get3A_441 = arith.index_cast %scan3A_273 : i32 to index
        %get3A_442 = arith.constant 80 : index
        %get3A_443 = tpu.vector_load %arg10[%get3A_441, %get3A_442] {strides = array<i32>} : memref<16x128xi32, #tpu.memory_space<vmem>>, vector<16xi32>,
        %swap3A_444 = arith.index_cast %add3A_421 : i32 to index
        %swap3A_445 = tpu.vector_load %arg13[%swap3A_444] masked %or3A_435 {strides = array<i32>} : memref<2192xi32, #tpu.memory_space<vmem>>, vector<16xi32>, vector<16xi1>
        tpu.vector_store %arg13[%swap3A_444], %get3A_443 masked %or3A_435 {strides = array<i32>} : memref<2192xi32, #tpu.memory_space<vmem>>, vector<16xi32>, vector<16xi1>
        %convert_element_type3A_446 = arith.extui %or3A_435 : vector<16xi1> to vector<16xi32>
        %reduce_sum3A_447 = arith.constant true
        %reduce_sum3A_448 = vector.broadcast %reduce_sum3A_447 : i1 to vector<16xi1>
        %reduce_sum3A_449 = tpu.scan <sum>, %convert_element_type3A_446 masked %reduce_sum3A_448 : vector<16xi32>, vector<16xi1> -> vector<16xi32>
        %reduce_sum3A_450 = vector.extract %reduce_sum3A_449[15] : i32 from vector<16xi32>
        %add3A_451 = arith.addi %add3A_421, %reduce_sum3A_450 : i32
        %get3A_452 = arith.index_cast %scan3A_273 : i32 to index
        %get3A_453 = arith.constant 96 : index
        %get3A_454 = tpu.vector_load %arg11[%get3A_452, %get3A_453] {strides = array<i32>} : memref<16x128xi32, #tpu.memory_space<vmem>>, vector<16xi32>,
        %eq3A_455 = arith.constant 6 : i32
        %eq3A_456 = vector.broadcast %eq3A_455 : i32 to vector<16xi32>
        %eq3A_457 = arith.cmpi eq, %get3A_454, %eq3A_456 : vector<16xi32>
        %eq3A_458 = arith.constant 14 : i32
        %eq3A_459 = vector.broadcast %eq3A_458 : i32 to vector<16xi32>
        %eq3A_460 = arith.cmpi eq, %get3A_454, %eq3A_459 : vector<16xi32>
        %or3A_461 = arith.ori %eq3A_457, %eq3A_460 : vector<16xi1>
        %eq3A_462 = arith.constant 30 : i32
        %eq3A_463 = vector.broadcast %eq3A_462 : i32 to vector<16xi32>
        %eq3A_464 = arith.cmpi eq, %get3A_454, %eq3A_463 : vector<16xi32>
        %or3A_465 = arith.ori %or3A_461, %eq3A_464 : vector<16xi1>
        %get3A_466 = arith.index_cast %scan3A_273 : i32 to index
        %get3A_467 = arith.constant 96 : index
        %get3A_468 = tpu.vector_load %arg9[%get3A_466, %get3A_467] {strides = array<i32>} : memref<16x128xi32, #tpu.memory_space<vmem>>, vector<16xi32>,
        %swap3A_469 = arith.index_cast %add3A_451 : i32 to index
        %swap3A_470 = tpu.vector_load %arg12[%swap3A_469] masked %or3A_465 {strides = array<i32>} : memref<2192xi32, #tpu.memory_space<vmem>>, vector<16xi32>, vector<16xi1>
        tpu.vector_store %arg12[%swap3A_469], %get3A_468 masked %or3A_465 {strides = array<i32>} : memref<2192xi32, #tpu.memory_space<vmem>>, vector<16xi32>, vector<16xi1>
        %get3A_471 = arith.index_cast %scan3A_273 : i32 to index
        %get3A_472 = arith.constant 96 : index
        %get3A_473 = tpu.vector_load %arg10[%get3A_471, %get3A_472] {strides = array<i32>} : memref<16x128xi32, #tpu.memory_space<vmem>>, vector<16xi32>,
        %swap3A_474 = arith.index_cast %add3A_451 : i32 to index
        %swap3A_475 = tpu.vector_load %arg13[%swap3A_474] masked %or3A_465 {strides = array<i32>} : memref<2192xi32, #tpu.memory_space<vmem>>, vector<16xi32>, vector<16xi1>
        tpu.vector_store %arg13[%swap3A_474], %get3A_473 masked %or3A_465 {strides = array<i32>} : memref<2192xi32, #tpu.memory_space<vmem>>, vector<16xi32>, vector<16xi1>
        %convert_element_type3A_476 = arith.extui %or3A_465 : vector<16xi1> to vector<16xi32>
        %reduce_sum3A_477 = arith.constant true
        %reduce_sum3A_478 = vector.broadcast %reduce_sum3A_477 : i1 to vector<16xi1>
        %reduce_sum3A_479 = tpu.scan <sum>, %convert_element_type3A_476 masked %reduce_sum3A_478 : vector<16xi32>, vector<16xi1> -> vector<16xi32>
        %reduce_sum3A_480 = vector.extract %reduce_sum3A_479[15] : i32 from vector<16xi32>
        %add3A_481 = arith.addi %add3A_451, %reduce_sum3A_480 : i32
        %get3A_482 = arith.index_cast %scan3A_273 : i32 to index
        %get3A_483 = arith.constant 112 : index
        %get3A_484 = tpu.vector_load %arg11[%get3A_482, %get3A_483] {strides = array<i32>} : memref<16x128xi32, #tpu.memory_space<vmem>>, vector<16xi32>,
        %eq3A_485 = arith.constant 6 : i32
        %eq3A_486 = vector.broadcast %eq3A_485 : i32 to vector<16xi32>
        %eq3A_487 = arith.cmpi eq, %get3A_484, %eq3A_486 : vector<16xi32>
        %eq3A_488 = arith.constant 14 : i32
        %eq3A_489 = vector.broadcast %eq3A_488 : i32 to vector<16xi32>
        %eq3A_490 = arith.cmpi eq, %get3A_484, %eq3A_489 : vector<16xi32>
        %or3A_491 = arith.ori %eq3A_487, %eq3A_490 : vector<16xi1>
        %eq3A_492 = arith.constant 30 : i32
        %eq3A_493 = vector.broadcast %eq3A_492 : i32 to vector<16xi32>
        %eq3A_494 = arith.cmpi eq, %get3A_484, %eq3A_493 : vector<16xi32>
        %or3A_495 = arith.ori %or3A_491, %eq3A_494 : vector<16xi1>
        %get3A_496 = arith.index_cast %scan3A_273 : i32 to index
        %get3A_497 = arith.constant 112 : index
        %get3A_498 = tpu.vector_load %arg9[%get3A_496, %get3A_497] {strides = array<i32>} : memref<16x128xi32, #tpu.memory_space<vmem>>, vector<16xi32>,
        %swap3A_499 = arith.index_cast %add3A_481 : i32 to index
        %swap3A_500 = tpu.vector_load %arg12[%swap3A_499] masked %or3A_495 {strides = array<i32>} : memref<2192xi32, #tpu.memory_space<vmem>>, vector<16xi32>, vector<16xi1>
        tpu.vector_store %arg12[%swap3A_499], %get3A_498 masked %or3A_495 {strides = array<i32>} : memref<2192xi32, #tpu.memory_space<vmem>>, vector<16xi32>, vector<16xi1>
        %get3A_501 = arith.index_cast %scan3A_273 : i32 to index
        %get3A_502 = arith.constant 112 : index
        %get3A_503 = tpu.vector_load %arg10[%get3A_501, %get3A_502] {strides = array<i32>} : memref<16x128xi32, #tpu.memory_space<vmem>>, vector<16xi32>,
        %swap3A_504 = arith.index_cast %add3A_481 : i32 to index
        %swap3A_505 = tpu.vector_load %arg13[%swap3A_504] masked %or3A_495 {strides = array<i32>} : memref<2192xi32, #tpu.memory_space<vmem>>, vector<16xi32>, vector<16xi1>
        tpu.vector_store %arg13[%swap3A_504], %get3A_503 masked %or3A_495 {strides = array<i32>} : memref<2192xi32, #tpu.memory_space<vmem>>, vector<16xi32>, vector<16xi1>
        %convert_element_type3A_506 = arith.extui %or3A_495 : vector<16xi1> to vector<16xi32>
        %reduce_sum3A_507 = arith.constant true
        %reduce_sum3A_508 = vector.broadcast %reduce_sum3A_507 : i1 to vector<16xi1>
        %reduce_sum3A_509 = tpu.scan <sum>, %convert_element_type3A_506 masked %reduce_sum3A_508 : vector<16xi32>, vector<16xi1> -> vector<16xi32>
        %reduce_sum3A_510 = vector.extract %reduce_sum3A_509[15] : i32 from vector<16xi32>
        %add3A_511 = arith.addi %add3A_481, %reduce_sum3A_510 : i32
        scf.yield %add3A_511 : i32
      }
      %scan3A_126 = arith.constant 16 : i32
      %broadcast_in_dim3A_127 = arith.constant 0 : i32
      %broadcast_in_dim3A_128 = vector.broadcast %broadcast_in_dim3A_127 : i32 to vector<16xi32>
      %add3A_129 = arith.constant 0 : i32
      %add3A_130 = arith.addi %scan3A_125, %add3A_129 : i32
      %swap3A = arith.index_cast %add3A_130 : i32 to index
      %swap3A_131 = tpu.vector_load %arg12[%swap3A] {strides = array<i32>} : memref<2192xi32, #tpu.memory_space<vmem>>, vector<16xi32>,
      tpu.vector_store %arg12[%swap3A], %broadcast_in_dim3A_128 {strides = array<i32>} : memref<2192xi32, #tpu.memory_space<vmem>>, vector<16xi32>,
      %add3A_132 = arith.constant 0 : i32
      %add3A_133 = arith.addi %scan3A_125, %add3A_132 : i32
      %swap3A_134 = arith.index_cast %add3A_133 : i32 to index
      %swap3A_135 = tpu.vector_load %arg13[%swap3A_134] {strides = array<i32>} : memref<2192xi32, #tpu.memory_space<vmem>>, vector<16xi32>,
      tpu.vector_store %arg13[%swap3A_134], %add3A_24 {strides = array<i32>} : memref<2192xi32, #tpu.memory_space<vmem>>, vector<16xi32>,
      %broadcast_in_dim3A_136 = arith.constant 0 : i32
      %broadcast_in_dim3A_137 = vector.broadcast %broadcast_in_dim3A_136 : i32 to vector<16xi32>
      %add3A_138 = arith.constant 16 : i32
      %add3A_139 = arith.addi %scan3A_125, %add3A_138 : i32
      %swap3A_140 = arith.index_cast %add3A_139 : i32 to index
      %swap3A_141 = tpu.vector_load %arg12[%swap3A_140] {strides = array<i32>} : memref<2192xi32, #tpu.memory_space<vmem>>, vector<16xi32>,
      tpu.vector_store %arg12[%swap3A_140], %broadcast_in_dim3A_137 {strides = array<i32>} : memref<2192xi32, #tpu.memory_space<vmem>>, vector<16xi32>,
      %add3A_142 = arith.constant 16 : i32
      %add3A_143 = arith.addi %scan3A_125, %add3A_142 : i32
      %swap3A_144 = arith.index_cast %add3A_143 : i32 to index
      %swap3A_145 = tpu.vector_load %arg13[%swap3A_144] {strides = array<i32>} : memref<2192xi32, #tpu.memory_space<vmem>>, vector<16xi32>,
      tpu.vector_store %arg13[%swap3A_144], %add3A_24 {strides = array<i32>} : memref<2192xi32, #tpu.memory_space<vmem>>, vector<16xi32>,
      %broadcast_in_dim3A_146 = arith.constant 0 : i32
      %broadcast_in_dim3A_147 = vector.broadcast %broadcast_in_dim3A_146 : i32 to vector<16xi32>
      %add3A_148 = arith.constant 32 : i32
      %add3A_149 = arith.addi %scan3A_125, %add3A_148 : i32
      %swap3A_150 = arith.index_cast %add3A_149 : i32 to index
      %swap3A_151 = tpu.vector_load %arg12[%swap3A_150] {strides = array<i32>} : memref<2192xi32, #tpu.memory_space<vmem>>, vector<16xi32>,
      tpu.vector_store %arg12[%swap3A_150], %broadcast_in_dim3A_147 {strides = array<i32>} : memref<2192xi32, #tpu.memory_space<vmem>>, vector<16xi32>,
      %add3A_152 = arith.constant 32 : i32
      %add3A_153 = arith.addi %scan3A_125, %add3A_152 : i32
      %swap3A_154 = arith.index_cast %add3A_153 : i32 to index
      %swap3A_155 = tpu.vector_load %arg13[%swap3A_154] {strides = array<i32>} : memref<2192xi32, #tpu.memory_space<vmem>>, vector<16xi32>,
      tpu.vector_store %arg13[%swap3A_154], %add3A_24 {strides = array<i32>} : memref<2192xi32, #tpu.memory_space<vmem>>, vector<16xi32>,
      %broadcast_in_dim3A_156 = arith.constant 0 : i32
      %broadcast_in_dim3A_157 = vector.broadcast %broadcast_in_dim3A_156 : i32 to vector<16xi32>
      %add3A_158 = arith.constant 48 : i32
      %add3A_159 = arith.addi %scan3A_125, %add3A_158 : i32
      %swap3A_160 = arith.index_cast %add3A_159 : i32 to index
      %swap3A_161 = tpu.vector_load %arg12[%swap3A_160] {strides = array<i32>} : memref<2192xi32, #tpu.memory_space<vmem>>, vector<16xi32>,
      tpu.vector_store %arg12[%swap3A_160], %broadcast_in_dim3A_157 {strides = array<i32>} : memref<2192xi32, #tpu.memory_space<vmem>>, vector<16xi32>,
      %add3A_162 = arith.constant 48 : i32
      %add3A_163 = arith.addi %scan3A_125, %add3A_162 : i32
      %swap3A_164 = arith.index_cast %add3A_163 : i32 to index
      %swap3A_165 = tpu.vector_load %arg13[%swap3A_164] {strides = array<i32>} : memref<2192xi32, #tpu.memory_space<vmem>>, vector<16xi32>,
      tpu.vector_store %arg13[%swap3A_164], %add3A_24 {strides = array<i32>} : memref<2192xi32, #tpu.memory_space<vmem>>, vector<16xi32>,
      %broadcast_in_dim3A_166 = arith.constant 0 : i32
      %broadcast_in_dim3A_167 = vector.broadcast %broadcast_in_dim3A_166 : i32 to vector<16xi32>
      %add3A_168 = arith.constant 64 : i32
      %add3A_169 = arith.addi %scan3A_125, %add3A_168 : i32
      %swap3A_170 = arith.index_cast %add3A_169 : i32 to index
      %swap3A_171 = tpu.vector_load %arg12[%swap3A_170] {strides = array<i32>} : memref<2192xi32, #tpu.memory_space<vmem>>, vector<16xi32>,
      tpu.vector_store %arg12[%swap3A_170], %broadcast_in_dim3A_167 {strides = array<i32>} : memref<2192xi32, #tpu.memory_space<vmem>>, vector<16xi32>,
      %add3A_172 = arith.constant 64 : i32
      %add3A_173 = arith.addi %scan3A_125, %add3A_172 : i32
      %swap3A_174 = arith.index_cast %add3A_173 : i32 to index
      %swap3A_175 = tpu.vector_load %arg13[%swap3A_174] {strides = array<i32>} : memref<2192xi32, #tpu.memory_space<vmem>>, vector<16xi32>,
      tpu.vector_store %arg13[%swap3A_174], %add3A_24 {strides = array<i32>} : memref<2192xi32, #tpu.memory_space<vmem>>, vector<16xi32>,
      %broadcast_in_dim3A_176 = arith.constant 0 : i32
      %broadcast_in_dim3A_177 = vector.broadcast %broadcast_in_dim3A_176 : i32 to vector<16xi32>
      %add3A_178 = arith.constant 80 : i32
      %add3A_179 = arith.addi %scan3A_125, %add3A_178 : i32
      %swap3A_180 = arith.index_cast %add3A_179 : i32 to index
      %swap3A_181 = tpu.vector_load %arg12[%swap3A_180] {strides = array<i32>} : memref<2192xi32, #tpu.memory_space<vmem>>, vector<16xi32>,
      tpu.vector_store %arg12[%swap3A_180], %broadcast_in_dim3A_177 {strides = array<i32>} : memref<2192xi32, #tpu.memory_space<vmem>>, vector<16xi32>,
      %add3A_182 = arith.constant 80 : i32
      %add3A_183 = arith.addi %scan3A_125, %add3A_182 : i32
      %swap3A_184 = arith.index_cast %add3A_183 : i32 to index
      %swap3A_185 = tpu.vector_load %arg13[%swap3A_184] {strides = array<i32>} : memref<2192xi32, #tpu.memory_space<vmem>>, vector<16xi32>,
      tpu.vector_store %arg13[%swap3A_184], %add3A_24 {strides = array<i32>} : memref<2192xi32, #tpu.memory_space<vmem>>, vector<16xi32>,
      %broadcast_in_dim3A_186 = arith.constant 0 : i32
      %broadcast_in_dim3A_187 = vector.broadcast %broadcast_in_dim3A_186 : i32 to vector<16xi32>
      %add3A_188 = arith.constant 96 : i32
      %add3A_189 = arith.addi %scan3A_125, %add3A_188 : i32
      %swap3A_190 = arith.index_cast %add3A_189 : i32 to index
      %swap3A_191 = tpu.vector_load %arg12[%swap3A_190] {strides = array<i32>} : memref<2192xi32, #tpu.memory_space<vmem>>, vector<16xi32>,
      tpu.vector_store %arg12[%swap3A_190], %broadcast_in_dim3A_187 {strides = array<i32>} : memref<2192xi32, #tpu.memory_space<vmem>>, vector<16xi32>,
      %add3A_192 = arith.constant 96 : i32
      %add3A_193 = arith.addi %scan3A_125, %add3A_192 : i32
      %swap3A_194 = arith.index_cast %add3A_193 : i32 to index
      %swap3A_195 = tpu.vector_load %arg13[%swap3A_194] {strides = array<i32>} : memref<2192xi32, #tpu.memory_space<vmem>>, vector<16xi32>,
      tpu.vector_store %arg13[%swap3A_194], %add3A_24 {strides = array<i32>} : memref<2192xi32, #tpu.memory_space<vmem>>, vector<16xi32>,
      %broadcast_in_dim3A_196 = arith.constant 0 : i32
      %broadcast_in_dim3A_197 = vector.broadcast %broadcast_in_dim3A_196 : i32 to vector<16xi32>
      %add3A_198 = arith.constant 112 : i32
      %add3A_199 = arith.addi %scan3A_125, %add3A_198 : i32
      %swap3A_200 = arith.index_cast %add3A_199 : i32 to index
      %swap3A_201 = tpu.vector_load %arg12[%swap3A_200] {strides = array<i32>} : memref<2192xi32, #tpu.memory_space<vmem>>, vector<16xi32>,
      tpu.vector_store %arg12[%swap3A_200], %broadcast_in_dim3A_197 {strides = array<i32>} : memref<2192xi32, #tpu.memory_space<vmem>>, vector<16xi32>,
      %add3A_202 = arith.constant 112 : i32
      %add3A_203 = arith.addi %scan3A_125, %add3A_202 : i32
      %swap3A_204 = arith.index_cast %add3A_203 : i32 to index
      %swap3A_205 = tpu.vector_load %arg13[%swap3A_204] {strides = array<i32>} : memref<2192xi32, #tpu.memory_space<vmem>>, vector<16xi32>,
      tpu.vector_store %arg13[%swap3A_204], %add3A_24 {strides = array<i32>} : memref<2192xi32, #tpu.memory_space<vmem>>, vector<16xi32>,
      %jit3A_206 = arith.constant 128 : i32
      %div3A_207 = arith.divsi %scan3A_125, %jit3A_206 : i32
      %sign3A_208 = arith.constant 0 : i32
      %sign3A_209 = arith.cmpi sgt, %scan3A_125, %sign3A_208 : i32
      %sign3A_210 = arith.extui %sign3A_209 : i1 to i32
      %sign3A_211 = arith.constant 0 : i32
      %sign3A_212 = arith.cmpi slt, %scan3A_125, %sign3A_211 : i32
      %sign3A_213 = arith.extui %sign3A_212 : i1 to i32
      %sign3A_214 = arith.subi %sign3A_210, %sign3A_213 : i32
      %sign3A_215 = arith.constant 0 : i32
      %sign3A_216 = arith.cmpi sgt, %jit3A_206, %sign3A_215 : i32
      %sign3A_217 = arith.extui %sign3A_216 : i1 to i32
      %sign3A_218 = arith.constant 0 : i32
      %sign3A_219 = arith.cmpi slt, %jit3A_206, %sign3A_218 : i32
      %sign3A_220 = arith.extui %sign3A_219 : i1 to i32
      %sign3A_221 = arith.subi %sign3A_217, %sign3A_220 : i32
      %ne3A_222 = arith.cmpi ne, %sign3A_214, %sign3A_221 : i32
      %rem3A_223 = arith.remsi %scan3A_125, %jit3A_206 : i32
      %ne3A_224 = arith.constant 0 : i32
      %ne3A_225 = arith.cmpi ne, %rem3A_223, %ne3A_224 : i32
      %and3A_226 = arith.andi %ne3A_222, %ne3A_225 : i1
      %sub3A_227 = arith.constant 1 : i32
      %sub3A_228 = arith.subi %div3A_207, %sub3A_227 : i32
      %select_n3A_229 = arith.select %and3A_226, %sub3A_228, %div3A_207 : i32
      %add3A_230 = arith.constant 1 : i32
      %add3A_231 = arith.addi %select_n3A_229, %add3A_230 : i32
      %dma_start3A_232 = arith.constant 0 : i32
      %dma_start3A_233 = tpu.memref_slice %arg12[%dma_start3A_232] : memref<2192xi32, #tpu.memory_space<vmem>> -> memref<128xi32, #tpu.memory_space<vmem>>
      %dma_start3A_234 = arith.constant 0 : i32
      %dma_start3A_235 = arith.constant 0 : i32
      %dma_start3A_236 = tpu.memref_slice %arg2[%dma_start3A_234, %dma_start3A_235] : memref<10000x128xf32, #tpu.memory_space<hbm>> -> memref<10000x128xf32, #tpu.memory_space<hbm>>
      tpu.enqueue_indirect_dma source(%dma_start3A_236 : memref<10000x128xf32, #tpu.memory_space<hbm>>) target(%arg16 : memref<128x128xf32, #tpu.memory_space<vmem>>) offsets(%dma_start3A_233 : memref<128xi32, #tpu.memory_space<vmem>>) semaphore(%arg19 : memref<!tpu.dma_semaphore, #tpu.memory_space<semaphore_mem>>)
      %scan3A_237 = arith.constant 0 : i32
      %scan3A_238 = arith.constant 0 : i32
      %scan3A_239 = arith.constant 9 : i32
      %scan3A_240 = arith.addi %scan3A_238, %scan3A_239 : i32
      %scan3A_241 = arith.constant 1 : i32
      scf.for %scan3A_273 = %scan3A_238 to %scan3A_240 step %scan3A_241  : i32 {
        %mul3A_274 = arith.constant 2 : i32
        %mul3A_275 = arith.muli %scan3A_273, %mul3A_274 : i32
        %add3A_276 = arith.constant 0 : i32
        %add3A_277 = arith.addi %mul3A_275, %add3A_276 : i32
        %lt3A_278 = arith.cmpi slt, %add3A_277, %add3A_231 : i32
        %convert_element_type3A_279 = arith.extui %lt3A_278 : i1 to i32
        %cond3A_280 = arith.constant 0 : i32
        %cond3A_281 = arith.cmpi ne, %convert_element_type3A_279, %cond3A_280 : i32
        scf.if %cond3A_281 {
          %add3A_290 = arith.constant 1 : i32
          %add3A_291 = arith.addi %add3A_277, %add3A_290 : i32
          %lt3A_292 = arith.cmpi slt, %add3A_291, %add3A_231 : i32
          %convert_element_type3A_293 = arith.extui %lt3A_292 : i1 to i32
          %cond3A_294 = arith.constant 0 : i32
          %cond3A_295 = arith.cmpi ne, %convert_element_type3A_293, %cond3A_294 : i32
          scf.if %cond3A_295 {
            %ge3A_387 = arith.constant 1 : i32
            %ge3A_388 = arith.cmpi sge, %add3A_277, %ge3A_387 : i32
            %convert_element_type3A_389 = arith.extui %ge3A_388 : i1 to i32
            %cond3A_390 = arith.constant 0 : i32
            %cond3A_391 = arith.cmpi ne, %convert_element_type3A_389, %cond3A_390 : i32
            scf.if %cond3A_391 {
              %dma_wait3A_400 = arith.constant 1 : i32
              %dma_wait3A_401 = arith.constant 0 : i32
              %dma_wait3A_402 = tpu.memref_slice %arg14[%dma_wait3A_400, %dma_wait3A_401] : memref<2x128xi32, #tpu.memory_space<vmem>> -> memref<1x128xi32, #tpu.memory_space<vmem>>
              %dma_wait3A_403 = tpu.memref_squeeze %dma_wait3A_402 : memref<1x128xi32, #tpu.memory_space<vmem>> -> memref<128xi32, #tpu.memory_space<vmem>>
              %dma_wait3A_404 = arith.constant 0 : i32
              %dma_wait3A_405 = arith.constant 0 : i32
              %dma_wait3A_406 = tpu.memref_slice %arg18[%dma_wait3A_404, %dma_wait3A_405] : memref<10240x128xf32, #tpu.memory_space<vmem_shared>> -> memref<10240x128xf32, #tpu.memory_space<vmem_shared>>
              tpu.wait_indirect_dma semaphore(%arg22 : memref<!tpu.dma_semaphore, #tpu.memory_space<semaphore_mem>>) src(%arg17 : memref<128x128xf32, #tpu.memory_space<vmem>>) dst(%dma_wait3A_406 : memref<10240x128xf32, #tpu.memory_space<vmem_shared>>)
            } else {
            }
            %add3A_392 = arith.constant 1 : i32
            %add3A_393 = arith.addi %add3A_277, %add3A_392 : i32
            %mul3A_394 = arith.constant 128 : i32
            %mul3A_395 = arith.muli %add3A_393, %mul3A_394 : i32
            %dma_start3A_396 = tpu.memref_slice %arg12[%mul3A_395] : memref<2192xi32, #tpu.memory_space<vmem>> -> memref<128xi32, #tpu.memory_space<vmem>>
            %dma_start3A_397 = arith.constant 0 : i32
            %dma_start3A_398 = arith.constant 0 : i32
            %dma_start3A_399 = tpu.memref_slice %arg2[%dma_start3A_397, %dma_start3A_398] : memref<10000x128xf32, #tpu.memory_space<hbm>> -> memref<10000x128xf32, #tpu.memory_space<hbm>>
            tpu.enqueue_indirect_dma source(%dma_start3A_399 : memref<10000x128xf32, #tpu.memory_space<hbm>>) target(%arg17 : memref<128x128xf32, #tpu.memory_space<vmem>>) offsets(%dma_start3A_396 : memref<128xi32, #tpu.memory_space<vmem>>) semaphore(%arg20 : memref<!tpu.dma_semaphore, #tpu.memory_space<semaphore_mem>>)
          } else {
          }
          %dma_wait3A_296 = arith.constant 0 : i32
          %dma_wait3A_297 = tpu.memref_slice %arg12[%dma_wait3A_296] : memref<2192xi32, #tpu.memory_space<vmem>> -> memref<128xi32, #tpu.memory_space<vmem>>
          %dma_wait3A_298 = arith.constant 0 : i32
          %dma_wait3A_299 = arith.constant 0 : i32
          %dma_wait3A_300 = tpu.memref_slice %arg2[%dma_wait3A_298, %dma_wait3A_299] : memref<10000x128xf32, #tpu.memory_space<hbm>> -> memref<10000x128xf32, #tpu.memory_space<hbm>>
          tpu.wait_indirect_dma semaphore(%arg19 : memref<!tpu.dma_semaphore, #tpu.memory_space<semaphore_mem>>) src(%dma_wait3A_300 : memref<10000x128xf32, #tpu.memory_space<hbm>>) dst(%arg16 : memref<128x128xf32, #tpu.memory_space<vmem>>)
          %mul3A_301 = arith.constant 128 : i32
          %mul3A_302 = arith.muli %add3A_277, %mul3A_301 : i32
          %add3A_303 = arith.constant 0 : i32
          %add3A_304 = arith.addi %mul3A_302, %add3A_303 : i32
          %get3A = arith.index_cast %add3A_304 : i32 to index
          %get3A_305 = tpu.vector_load %arg13[%get3A] {strides = array<i32>} : memref<2192xi32, #tpu.memory_space<vmem>>, vector<16xi32>,
          %swap3A_306 = arith.constant 0 : i32
          %swap3A_307 = arith.index_cast %swap3A_306 : i32 to index
          %swap3A_308 = arith.constant 0 : index
          %swap3A_309 = tpu.vector_load %arg14[%swap3A_307, %swap3A_308] {strides = array<i32>} : memref<2x128xi32, #tpu.memory_space<vmem>>, vector<16xi32>,
          tpu.vector_store %arg14[%swap3A_307, %swap3A_308], %get3A_305 {strides = array<i32>} : memref<2x128xi32, #tpu.memory_space<vmem>>, vector<16xi32>,
          %mul3A_310 = arith.constant 128 : i32
          %mul3A_311 = arith.muli %add3A_277, %mul3A_310 : i32
          %add3A_312 = arith.constant 16 : i32
          %add3A_313 = arith.addi %mul3A_311, %add3A_312 : i32
          %get3A_314 = arith.index_cast %add3A_313 : i32 to index
          %get3A_315 = tpu.vector_load %arg13[%get3A_314] {strides = array<i32>} : memref<2192xi32, #tpu.memory_space<vmem>>, vector<16xi32>,
          %swap3A_316 = arith.constant 0 : i32
          %swap3A_317 = arith.index_cast %swap3A_316 : i32 to index
          %swap3A_318 = arith.constant 16 : index
          %swap3A_319 = tpu.vector_load %arg14[%swap3A_317, %swap3A_318] {strides = array<i32>} : memref<2x128xi32, #tpu.memory_space<vmem>>, vector<16xi32>,
          tpu.vector_store %arg14[%swap3A_317, %swap3A_318], %get3A_315 {strides = array<i32>} : memref<2x128xi32, #tpu.memory_space<vmem>>, vector<16xi32>,
          %mul3A_320 = arith.constant 128 : i32
          %mul3A_321 = arith.muli %add3A_277, %mul3A_320 : i32
          %add3A_322 = arith.constant 32 : i32
          %add3A_323 = arith.addi %mul3A_321, %add3A_322 : i32
          %get3A_324 = arith.index_cast %add3A_323 : i32 to index
          %get3A_325 = tpu.vector_load %arg13[%get3A_324] {strides = array<i32>} : memref<2192xi32, #tpu.memory_space<vmem>>, vector<16xi32>,
          %swap3A_326 = arith.constant 0 : i32
          %swap3A_327 = arith.index_cast %swap3A_326 : i32 to index
          %swap3A_328 = arith.constant 32 : index
          %swap3A_329 = tpu.vector_load %arg14[%swap3A_327, %swap3A_328] {strides = array<i32>} : memref<2x128xi32, #tpu.memory_space<vmem>>, vector<16xi32>,
          tpu.vector_store %arg14[%swap3A_327, %swap3A_328], %get3A_325 {strides = array<i32>} : memref<2x128xi32, #tpu.memory_space<vmem>>, vector<16xi32>,
          %mul3A_330 = arith.constant 128 : i32
          %mul3A_331 = arith.muli %add3A_277, %mul3A_330 : i32
          %add3A_332 = arith.constant 48 : i32
          %add3A_333 = arith.addi %mul3A_331, %add3A_332 : i32
          %get3A_334 = arith.index_cast %add3A_333 : i32 to index
          %get3A_335 = tpu.vector_load %arg13[%get3A_334] {strides = array<i32>} : memref<2192xi32, #tpu.memory_space<vmem>>, vector<16xi32>,
          %swap3A_336 = arith.constant 0 : i32
          %swap3A_337 = arith.index_cast %swap3A_336 : i32 to index
          %swap3A_338 = arith.constant 48 : index
          %swap3A_339 = tpu.vector_load %arg14[%swap3A_337, %swap3A_338] {strides = array<i32>} : memref<2x128xi32, #tpu.memory_space<vmem>>, vector<16xi32>,
          tpu.vector_store %arg14[%swap3A_337, %swap3A_338], %get3A_335 {strides = array<i32>} : memref<2x128xi32, #tpu.memory_space<vmem>>, vector<16xi32>,
          %mul3A_340 = arith.constant 128 : i32
          %mul3A_341 = arith.muli %add3A_277, %mul3A_340 : i32
          %add3A_342 = arith.constant 64 : i32
          %add3A_343 = arith.addi %mul3A_341, %add3A_342 : i32
          %get3A_344 = arith.index_cast %add3A_343 : i32 to index
          %get3A_345 = tpu.vector_load %arg13[%get3A_344] {strides = array<i32>} : memref<2192xi32, #tpu.memory_space<vmem>>, vector<16xi32>,
          %swap3A_346 = arith.constant 0 : i32
          %swap3A_347 = arith.index_cast %swap3A_346 : i32 to index
          %swap3A_348 = arith.constant 64 : index
          %swap3A_349 = tpu.vector_load %arg14[%swap3A_347, %swap3A_348] {strides = array<i32>} : memref<2x128xi32, #tpu.memory_space<vmem>>, vector<16xi32>,
          tpu.vector_store %arg14[%swap3A_347, %swap3A_348], %get3A_345 {strides = array<i32>} : memref<2x128xi32, #tpu.memory_space<vmem>>, vector<16xi32>,
          %mul3A_350 = arith.constant 128 : i32
          %mul3A_351 = arith.muli %add3A_277, %mul3A_350 : i32
          %add3A_352 = arith.constant 80 : i32
          %add3A_353 = arith.addi %mul3A_351, %add3A_352 : i32
          %get3A_354 = arith.index_cast %add3A_353 : i32 to index
          %get3A_355 = tpu.vector_load %arg13[%get3A_354] {strides = array<i32>} : memref<2192xi32, #tpu.memory_space<vmem>>, vector<16xi32>,
          %swap3A_356 = arith.constant 0 : i32
          %swap3A_357 = arith.index_cast %swap3A_356 : i32 to index
          %swap3A_358 = arith.constant 80 : index
          %swap3A_359 = tpu.vector_load %arg14[%swap3A_357, %swap3A_358] {strides = array<i32>} : memref<2x128xi32, #tpu.memory_space<vmem>>, vector<16xi32>,
          tpu.vector_store %arg14[%swap3A_357, %swap3A_358], %get3A_355 {strides = array<i32>} : memref<2x128xi32, #tpu.memory_space<vmem>>, vector<16xi32>,
          %mul3A_360 = arith.constant 128 : i32
          %mul3A_361 = arith.muli %add3A_277, %mul3A_360 : i32
          %add3A_362 = arith.constant 96 : i32
          %add3A_363 = arith.addi %mul3A_361, %add3A_362 : i32
          %get3A_364 = arith.index_cast %add3A_363 : i32 to index
          %get3A_365 = tpu.vector_load %arg13[%get3A_364] {strides = array<i32>} : memref<2192xi32, #tpu.memory_space<vmem>>, vector<16xi32>,
          %swap3A_366 = arith.constant 0 : i32
          %swap3A_367 = arith.index_cast %swap3A_366 : i32 to index
          %swap3A_368 = arith.constant 96 : index
          %swap3A_369 = tpu.vector_load %arg14[%swap3A_367, %swap3A_368] {strides = array<i32>} : memref<2x128xi32, #tpu.memory_space<vmem>>, vector<16xi32>,
          tpu.vector_store %arg14[%swap3A_367, %swap3A_368], %get3A_365 {strides = array<i32>} : memref<2x128xi32, #tpu.memory_space<vmem>>, vector<16xi32>,
          %mul3A_370 = arith.constant 128 : i32
          %mul3A_371 = arith.muli %add3A_277, %mul3A_370 : i32
          %add3A_372 = arith.constant 112 : i32
          %add3A_373 = arith.addi %mul3A_371, %add3A_372 : i32
          %get3A_374 = arith.index_cast %add3A_373 : i32 to index
          %get3A_375 = tpu.vector_load %arg13[%get3A_374] {strides = array<i32>} : memref<2192xi32, #tpu.memory_space<vmem>>, vector<16xi32>,
          %swap3A_376 = arith.constant 0 : i32
          %swap3A_377 = arith.index_cast %swap3A_376 : i32 to index
          %swap3A_378 = arith.constant 112 : index
          %swap3A_379 = tpu.vector_load %arg14[%swap3A_377, %swap3A_378] {strides = array<i32>} : memref<2x128xi32, #tpu.memory_space<vmem>>, vector<16xi32>,
          tpu.vector_store %arg14[%swap3A_377, %swap3A_378], %get3A_375 {strides = array<i32>} : memref<2x128xi32, #tpu.memory_space<vmem>>, vector<16xi32>,
          %dma_start3A_380 = arith.constant 0 : i32
          %dma_start3A_381 = arith.constant 0 : i32
          %dma_start3A_382 = tpu.memref_slice %arg14[%dma_start3A_380, %dma_start3A_381] : memref<2x128xi32, #tpu.memory_space<vmem>> -> memref<1x128xi32, #tpu.memory_space<vmem>>
          %dma_start3A_383 = tpu.memref_squeeze %dma_start3A_382 : memref<1x128xi32, #tpu.memory_space<vmem>> -> memref<128xi32, #tpu.memory_space<vmem>>
          %dma_start3A_384 = arith.constant 0 : i32
          %dma_start3A_385 = arith.constant 0 : i32
          %dma_start3A_386 = tpu.memref_slice %arg18[%dma_start3A_384, %dma_start3A_385] : memref<10240x128xf32, #tpu.memory_space<vmem_shared>> -> memref<10240x128xf32, #tpu.memory_space<vmem_shared>>
          tpu.enqueue_indirect_dma source(%arg16 : memref<128x128xf32, #tpu.memory_space<vmem>>) target(%dma_start3A_386 : memref<10240x128xf32, #tpu.memory_space<vmem_shared>>) offsets(%dma_start3A_383 : memref<128xi32, #tpu.memory_space<vmem>>) semaphore(%arg21 : memref<!tpu.dma_semaphore, #tpu.memory_space<semaphore_mem>>) {add = true}
        } else {
        }
        %mul3A_282 = arith.constant 2 : i32
        %mul3A_283 = arith.muli %scan3A_273, %mul3A_282 : i32
        %add3A_284 = arith.constant 1 : i32
        %add3A_285 = arith.addi %mul3A_283, %add3A_284 : i32
        %lt3A_286 = arith.cmpi slt, %add3A_285, %add3A_231 : i32
        %convert_element_type3A_287 = arith.extui %lt3A_286 : i1 to i32
        %cond3A_288 = arith.constant 0 : i32
        %cond3A_289 = arith.cmpi ne, %convert_element_type3A_287, %cond3A_288 : i32
        scf.if %cond3A_289 {
          %add3A_290 = arith.constant 1 : i32
          %add3A_291 = arith.addi %add3A_285, %add3A_290 : i32
          %lt3A_292 = arith.cmpi slt, %add3A_291, %add3A_231 : i32
          %convert_element_type3A_293 = arith.extui %lt3A_292 : i1 to i32
          %cond3A_294 = arith.constant 0 : i32
          %cond3A_295 = arith.cmpi ne, %convert_element_type3A_293, %cond3A_294 : i32
          scf.if %cond3A_295 {
            %ge3A_387 = arith.constant 1 : i32
            %ge3A_388 = arith.cmpi sge, %add3A_285, %ge3A_387 : i32
            %convert_element_type3A_389 = arith.extui %ge3A_388 : i1 to i32
            %cond3A_390 = arith.constant 0 : i32
            %cond3A_391 = arith.cmpi ne, %convert_element_type3A_389, %cond3A_390 : i32
            scf.if %cond3A_391 {
              %dma_wait3A_400 = arith.constant 0 : i32
              %dma_wait3A_401 = arith.constant 0 : i32
              %dma_wait3A_402 = tpu.memref_slice %arg14[%dma_wait3A_400, %dma_wait3A_401] : memref<2x128xi32, #tpu.memory_space<vmem>> -> memref<1x128xi32, #tpu.memory_space<vmem>>
              %dma_wait3A_403 = tpu.memref_squeeze %dma_wait3A_402 : memref<1x128xi32, #tpu.memory_space<vmem>> -> memref<128xi32, #tpu.memory_space<vmem>>
              %dma_wait3A_404 = arith.constant 0 : i32
              %dma_wait3A_405 = arith.constant 0 : i32
              %dma_wait3A_406 = tpu.memref_slice %arg18[%dma_wait3A_404, %dma_wait3A_405] : memref<10240x128xf32, #tpu.memory_space<vmem_shared>> -> memref<10240x128xf32, #tpu.memory_space<vmem_shared>>
              tpu.wait_indirect_dma semaphore(%arg21 : memref<!tpu.dma_semaphore, #tpu.memory_space<semaphore_mem>>) src(%arg16 : memref<128x128xf32, #tpu.memory_space<vmem>>) dst(%dma_wait3A_406 : memref<10240x128xf32, #tpu.memory_space<vmem_shared>>)
            } else {
            }
            %add3A_392 = arith.constant 1 : i32
            %add3A_393 = arith.addi %add3A_285, %add3A_392 : i32
            %mul3A_394 = arith.constant 128 : i32
            %mul3A_395 = arith.muli %add3A_393, %mul3A_394 : i32
            %dma_start3A_396 = tpu.memref_slice %arg12[%mul3A_395] : memref<2192xi32, #tpu.memory_space<vmem>> -> memref<128xi32, #tpu.memory_space<vmem>>
            %dma_start3A_397 = arith.constant 0 : i32
            %dma_start3A_398 = arith.constant 0 : i32
            %dma_start3A_399 = tpu.memref_slice %arg2[%dma_start3A_397, %dma_start3A_398] : memref<10000x128xf32, #tpu.memory_space<hbm>> -> memref<10000x128xf32, #tpu.memory_space<hbm>>
            tpu.enqueue_indirect_dma source(%dma_start3A_399 : memref<10000x128xf32, #tpu.memory_space<hbm>>) target(%arg16 : memref<128x128xf32, #tpu.memory_space<vmem>>) offsets(%dma_start3A_396 : memref<128xi32, #tpu.memory_space<vmem>>) semaphore(%arg19 : memref<!tpu.dma_semaphore, #tpu.memory_space<semaphore_mem>>)
          } else {
          }
          %dma_wait3A_296 = arith.constant 0 : i32
          %dma_wait3A_297 = tpu.memref_slice %arg12[%dma_wait3A_296] : memref<2192xi32, #tpu.memory_space<vmem>> -> memref<128xi32, #tpu.memory_space<vmem>>
          %dma_wait3A_298 = arith.constant 0 : i32
          %dma_wait3A_299 = arith.constant 0 : i32
          %dma_wait3A_300 = tpu.memref_slice %arg2[%dma_wait3A_298, %dma_wait3A_299] : memref<10000x128xf32, #tpu.memory_space<hbm>> -> memref<10000x128xf32, #tpu.memory_space<hbm>>
          tpu.wait_indirect_dma semaphore(%arg20 : memref<!tpu.dma_semaphore, #tpu.memory_space<semaphore_mem>>) src(%dma_wait3A_300 : memref<10000x128xf32, #tpu.memory_space<hbm>>) dst(%arg17 : memref<128x128xf32, #tpu.memory_space<vmem>>)
          %mul3A_301 = arith.constant 128 : i32
          %mul3A_302 = arith.muli %add3A_285, %mul3A_301 : i32
          %add3A_303 = arith.constant 0 : i32
          %add3A_304 = arith.addi %mul3A_302, %add3A_303 : i32
          %get3A = arith.index_cast %add3A_304 : i32 to index
          %get3A_305 = tpu.vector_load %arg13[%get3A] {strides = array<i32>} : memref<2192xi32, #tpu.memory_space<vmem>>, vector<16xi32>,
          %swap3A_306 = arith.constant 1 : i32
          %swap3A_307 = arith.index_cast %swap3A_306 : i32 to index
          %swap3A_308 = arith.constant 0 : index
          %swap3A_309 = tpu.vector_load %arg14[%swap3A_307, %swap3A_308] {strides = array<i32>} : memref<2x128xi32, #tpu.memory_space<vmem>>, vector<16xi32>,
          tpu.vector_store %arg14[%swap3A_307, %swap3A_308], %get3A_305 {strides = array<i32>} : memref<2x128xi32, #tpu.memory_space<vmem>>, vector<16xi32>,
          %mul3A_310 = arith.constant 128 : i32
          %mul3A_311 = arith.muli %add3A_285, %mul3A_310 : i32
          %add3A_312 = arith.constant 16 : i32
          %add3A_313 = arith.addi %mul3A_311, %add3A_312 : i32
          %get3A_314 = arith.index_cast %add3A_313 : i32 to index
          %get3A_315 = tpu.vector_load %arg13[%get3A_314] {strides = array<i32>} : memref<2192xi32, #tpu.memory_space<vmem>>, vector<16xi32>,
          %swap3A_316 = arith.constant 1 : i32
          %swap3A_317 = arith.index_cast %swap3A_316 : i32 to index
          %swap3A_318 = arith.constant 16 : index
          %swap3A_319 = tpu.vector_load %arg14[%swap3A_317, %swap3A_318] {strides = array<i32>} : memref<2x128xi32, #tpu.memory_space<vmem>>, vector<16xi32>,
          tpu.vector_store %arg14[%swap3A_317, %swap3A_318], %get3A_315 {strides = array<i32>} : memref<2x128xi32, #tpu.memory_space<vmem>>, vector<16xi32>,
          %mul3A_320 = arith.constant 128 : i32
          %mul3A_321 = arith.muli %add3A_285, %mul3A_320 : i32
          %add3A_322 = arith.constant 32 : i32
          %add3A_323 = arith.addi %mul3A_321, %add3A_322 : i32
          %get3A_324 = arith.index_cast %add3A_323 : i32 to index
          %get3A_325 = tpu.vector_load %arg13[%get3A_324] {strides = array<i32>} : memref<2192xi32, #tpu.memory_space<vmem>>, vector<16xi32>,
          %swap3A_326 = arith.constant 1 : i32
          %swap3A_327 = arith.index_cast %swap3A_326 : i32 to index
          %swap3A_328 = arith.constant 32 : index
          %swap3A_329 = tpu.vector_load %arg14[%swap3A_327, %swap3A_328] {strides = array<i32>} : memref<2x128xi32, #tpu.memory_space<vmem>>, vector<16xi32>,
          tpu.vector_store %arg14[%swap3A_327, %swap3A_328], %get3A_325 {strides = array<i32>} : memref<2x128xi32, #tpu.memory_space<vmem>>, vector<16xi32>,
          %mul3A_330 = arith.constant 128 : i32
          %mul3A_331 = arith.muli %add3A_285, %mul3A_330 : i32
          %add3A_332 = arith.constant 48 : i32
          %add3A_333 = arith.addi %mul3A_331, %add3A_332 : i32
          %get3A_334 = arith.index_cast %add3A_333 : i32 to index
          %get3A_335 = tpu.vector_load %arg13[%get3A_334] {strides = array<i32>} : memref<2192xi32, #tpu.memory_space<vmem>>, vector<16xi32>,
          %swap3A_336 = arith.constant 1 : i32
          %swap3A_337 = arith.index_cast %swap3A_336 : i32 to index
          %swap3A_338 = arith.constant 48 : index
          %swap3A_339 = tpu.vector_load %arg14[%swap3A_337, %swap3A_338] {strides = array<i32>} : memref<2x128xi32, #tpu.memory_space<vmem>>, vector<16xi32>,
          tpu.vector_store %arg14[%swap3A_337, %swap3A_338], %get3A_335 {strides = array<i32>} : memref<2x128xi32, #tpu.memory_space<vmem>>, vector<16xi32>,
          %mul3A_340 = arith.constant 128 : i32
          %mul3A_341 = arith.muli %add3A_285, %mul3A_340 : i32
          %add3A_342 = arith.constant 64 : i32
          %add3A_343 = arith.addi %mul3A_341, %add3A_342 : i32
          %get3A_344 = arith.index_cast %add3A_343 : i32 to index
          %get3A_345 = tpu.vector_load %arg13[%get3A_344] {strides = array<i32>} : memref<2192xi32, #tpu.memory_space<vmem>>, vector<16xi32>,
          %swap3A_346 = arith.constant 1 : i32
          %swap3A_347 = arith.index_cast %swap3A_346 : i32 to index
          %swap3A_348 = arith.constant 64 : index
          %swap3A_349 = tpu.vector_load %arg14[%swap3A_347, %swap3A_348] {strides = array<i32>} : memref<2x128xi32, #tpu.memory_space<vmem>>, vector<16xi32>,
          tpu.vector_store %arg14[%swap3A_347, %swap3A_348], %get3A_345 {strides = array<i32>} : memref<2x128xi32, #tpu.memory_space<vmem>>, vector<16xi32>,
          %mul3A_350 = arith.constant 128 : i32
          %mul3A_351 = arith.muli %add3A_285, %mul3A_350 : i32
          %add3A_352 = arith.constant 80 : i32
          %add3A_353 = arith.addi %mul3A_351, %add3A_352 : i32
          %get3A_354 = arith.index_cast %add3A_353 : i32 to index
          %get3A_355 = tpu.vector_load %arg13[%get3A_354] {strides = array<i32>} : memref<2192xi32, #tpu.memory_space<vmem>>, vector<16xi32>,
          %swap3A_356 = arith.constant 1 : i32
          %swap3A_357 = arith.index_cast %swap3A_356 : i32 to index
          %swap3A_358 = arith.constant 80 : index
          %swap3A_359 = tpu.vector_load %arg14[%swap3A_357, %swap3A_358] {strides = array<i32>} : memref<2x128xi32, #tpu.memory_space<vmem>>, vector<16xi32>,
          tpu.vector_store %arg14[%swap3A_357, %swap3A_358], %get3A_355 {strides = array<i32>} : memref<2x128xi32, #tpu.memory_space<vmem>>, vector<16xi32>,
          %mul3A_360 = arith.constant 128 : i32
          %mul3A_361 = arith.muli %add3A_285, %mul3A_360 : i32
          %add3A_362 = arith.constant 96 : i32
          %add3A_363 = arith.addi %mul3A_361, %add3A_362 : i32
          %get3A_364 = arith.index_cast %add3A_363 : i32 to index
          %get3A_365 = tpu.vector_load %arg13[%get3A_364] {strides = array<i32>} : memref<2192xi32, #tpu.memory_space<vmem>>, vector<16xi32>,
          %swap3A_366 = arith.constant 1 : i32
          %swap3A_367 = arith.index_cast %swap3A_366 : i32 to index
          %swap3A_368 = arith.constant 96 : index
          %swap3A_369 = tpu.vector_load %arg14[%swap3A_367, %swap3A_368] {strides = array<i32>} : memref<2x128xi32, #tpu.memory_space<vmem>>, vector<16xi32>,
          tpu.vector_store %arg14[%swap3A_367, %swap3A_368], %get3A_365 {strides = array<i32>} : memref<2x128xi32, #tpu.memory_space<vmem>>, vector<16xi32>,
          %mul3A_370 = arith.constant 128 : i32
          %mul3A_371 = arith.muli %add3A_285, %mul3A_370 : i32
          %add3A_372 = arith.constant 112 : i32
          %add3A_373 = arith.addi %mul3A_371, %add3A_372 : i32
          %get3A_374 = arith.index_cast %add3A_373 : i32 to index
          %get3A_375 = tpu.vector_load %arg13[%get3A_374] {strides = array<i32>} : memref<2192xi32, #tpu.memory_space<vmem>>, vector<16xi32>,
          %swap3A_376 = arith.constant 1 : i32
          %swap3A_377 = arith.index_cast %swap3A_376 : i32 to index
          %swap3A_378 = arith.constant 112 : index
          %swap3A_379 = tpu.vector_load %arg14[%swap3A_377, %swap3A_378] {strides = array<i32>} : memref<2x128xi32, #tpu.memory_space<vmem>>, vector<16xi32>,
          tpu.vector_store %arg14[%swap3A_377, %swap3A_378], %get3A_375 {strides = array<i32>} : memref<2x128xi32, #tpu.memory_space<vmem>>, vector<16xi32>,
          %dma_start3A_380 = arith.constant 1 : i32
          %dma_start3A_381 = arith.constant 0 : i32
          %dma_start3A_382 = tpu.memref_slice %arg14[%dma_start3A_380, %dma_start3A_381] : memref<2x128xi32, #tpu.memory_space<vmem>> -> memref<1x128xi32, #tpu.memory_space<vmem>>
          %dma_start3A_383 = tpu.memref_squeeze %dma_start3A_382 : memref<1x128xi32, #tpu.memory_space<vmem>> -> memref<128xi32, #tpu.memory_space<vmem>>
          %dma_start3A_384 = arith.constant 0 : i32
          %dma_start3A_385 = arith.constant 0 : i32
          %dma_start3A_386 = tpu.memref_slice %arg18[%dma_start3A_384, %dma_start3A_385] : memref<10240x128xf32, #tpu.memory_space<vmem_shared>> -> memref<10240x128xf32, #tpu.memory_space<vmem_shared>>
          tpu.enqueue_indirect_dma source(%arg17 : memref<128x128xf32, #tpu.memory_space<vmem>>) target(%dma_start3A_386 : memref<10240x128xf32, #tpu.memory_space<vmem_shared>>) offsets(%dma_start3A_383 : memref<128xi32, #tpu.memory_space<vmem>>) semaphore(%arg22 : memref<!tpu.dma_semaphore, #tpu.memory_space<semaphore_mem>>) {add = true}
        } else {
        }
      }
      %scan3A_242 = arith.constant 9 : i32
      %jit3A_243 = arith.constant 2 : i32
      %eq3A_244 = arith.constant 0 : i32
      %eq3A_245 = arith.cmpi eq, %jit3A_243, %eq3A_244 : i32
      %jit3A_246 = arith.constant 1 : i32
      %select_n3A_247 = arith.select %eq3A_245, %jit3A_246, %jit3A_243 : i32
      %rem3A_248 = arith.remsi %add3A_231, %select_n3A_247 : i32
      %ne3A_249 = arith.constant 0 : i32
      %ne3A_250 = arith.cmpi ne, %rem3A_248, %ne3A_249 : i32
      %lt3A_251 = arith.constant 0 : i32
      %lt3A_252 = arith.cmpi slt, %rem3A_248, %lt3A_251 : i32
      %lt3A_253 = arith.constant 0 : i32
      %lt3A_254 = arith.cmpi slt, %select_n3A_247, %lt3A_253 : i32
      %ne3A_255 = arith.xori %lt3A_252, %lt3A_254 : i1
      %and3A_256 = arith.andi %ne3A_255, %ne3A_250 : i1
      %add3A_257 = arith.addi %rem3A_248, %select_n3A_247 : i32
      %select_n3A_258 = arith.select %and3A_256, %add3A_257, %rem3A_248 : i32
      %ge3A = arith.constant 2 : i32
      %ge3A_259 = arith.cmpi sge, %add3A_231, %ge3A : i32
      %convert_element_type3A_260 = arith.extui %ge3A_259 : i1 to i32
      %cond3A_261 = arith.constant 0 : i32
      %cond3A_262 = arith.cmpi ne, %convert_element_type3A_260, %cond3A_261 : i32
      scf.if %cond3A_262 {
        %eq3A_273 = arith.constant 0 : i32
        %eq3A_274 = arith.cmpi eq, %select_n3A_258, %eq3A_273 : i32
        %convert_element_type3A_275 = arith.extui %eq3A_274 : i1 to i32
        %cond3A_276 = arith.constant 0 : i32
        %cond3A_277 = arith.cmpi ne, %convert_element_type3A_275, %cond3A_276 : i32
        scf.if %cond3A_277 {
          %dma_wait3A_283 = arith.constant 0 : i32
          %dma_wait3A_284 = arith.constant 0 : i32
          %dma_wait3A_285 = tpu.memref_slice %arg14[%dma_wait3A_283, %dma_wait3A_284] : memref<2x128xi32, #tpu.memory_space<vmem>> -> memref<1x128xi32, #tpu.memory_space<vmem>>
          %dma_wait3A_286 = tpu.memref_squeeze %dma_wait3A_285 : memref<1x128xi32, #tpu.memory_space<vmem>> -> memref<128xi32, #tpu.memory_space<vmem>>
          %dma_wait3A_287 = arith.constant 0 : i32
          %dma_wait3A_288 = arith.constant 0 : i32
          %dma_wait3A_289 = tpu.memref_slice %arg18[%dma_wait3A_287, %dma_wait3A_288] : memref<10240x128xf32, #tpu.memory_space<vmem_shared>> -> memref<10240x128xf32, #tpu.memory_space<vmem_shared>>
          tpu.wait_indirect_dma semaphore(%arg21 : memref<!tpu.dma_semaphore, #tpu.memory_space<semaphore_mem>>) src(%arg16 : memref<128x128xf32, #tpu.memory_space<vmem>>) dst(%dma_wait3A_289 : memref<10240x128xf32, #tpu.memory_space<vmem_shared>>)
        } else {
        }
        %eq3A_278 = arith.constant 1 : i32
        %eq3A_279 = arith.cmpi eq, %select_n3A_258, %eq3A_278 : i32
        %convert_element_type3A_280 = arith.extui %eq3A_279 : i1 to i32
        %cond3A_281 = arith.constant 0 : i32
        %cond3A_282 = arith.cmpi ne, %convert_element_type3A_280, %cond3A_281 : i32
        scf.if %cond3A_282 {
          %dma_wait3A_283 = arith.constant 1 : i32
          %dma_wait3A_284 = arith.constant 0 : i32
          %dma_wait3A_285 = tpu.memref_slice %arg14[%dma_wait3A_283, %dma_wait3A_284] : memref<2x128xi32, #tpu.memory_space<vmem>> -> memref<1x128xi32, #tpu.memory_space<vmem>>
          %dma_wait3A_286 = tpu.memref_squeeze %dma_wait3A_285 : memref<1x128xi32, #tpu.memory_space<vmem>> -> memref<128xi32, #tpu.memory_space<vmem>>
          %dma_wait3A_287 = arith.constant 0 : i32
          %dma_wait3A_288 = arith.constant 0 : i32
          %dma_wait3A_289 = tpu.memref_slice %arg18[%dma_wait3A_287, %dma_wait3A_288] : memref<10240x128xf32, #tpu.memory_space<vmem_shared>> -> memref<10240x128xf32, #tpu.memory_space<vmem_shared>>
          tpu.wait_indirect_dma semaphore(%arg22 : memref<!tpu.dma_semaphore, #tpu.memory_space<semaphore_mem>>) src(%arg17 : memref<128x128xf32, #tpu.memory_space<vmem>>) dst(%dma_wait3A_289 : memref<10240x128xf32, #tpu.memory_space<vmem_shared>>)
        } else {
        }
      } else {
      }
      %eq3A_263 = arith.constant 1 : i32
      %eq3A_264 = arith.cmpi eq, %select_n3A_258, %eq3A_263 : i32
      %convert_element_type3A_265 = arith.extui %eq3A_264 : i1 to i32
      %cond3A_266 = arith.constant 0 : i32
      %cond3A_267 = arith.cmpi ne, %convert_element_type3A_265, %cond3A_266 : i32
      scf.if %cond3A_267 {
        %dma_wait3A_273 = arith.constant 0 : i32
        %dma_wait3A_274 = arith.constant 0 : i32
        %dma_wait3A_275 = tpu.memref_slice %arg14[%dma_wait3A_273, %dma_wait3A_274] : memref<2x128xi32, #tpu.memory_space<vmem>> -> memref<1x128xi32, #tpu.memory_space<vmem>>
        %dma_wait3A_276 = tpu.memref_squeeze %dma_wait3A_275 : memref<1x128xi32, #tpu.memory_space<vmem>> -> memref<128xi32, #tpu.memory_space<vmem>>
        %dma_wait3A_277 = arith.constant 0 : i32
        %dma_wait3A_278 = arith.constant 0 : i32
        %dma_wait3A_279 = tpu.memref_slice %arg18[%dma_wait3A_277, %dma_wait3A_278] : memref<10240x128xf32, #tpu.memory_space<vmem_shared>> -> memref<10240x128xf32, #tpu.memory_space<vmem_shared>>
        tpu.wait_indirect_dma semaphore(%arg21 : memref<!tpu.dma_semaphore, #tpu.memory_space<semaphore_mem>>) src(%arg16 : memref<128x128xf32, #tpu.memory_space<vmem>>) dst(%dma_wait3A_279 : memref<10240x128xf32, #tpu.memory_space<vmem_shared>>)
      } else {
      }
      %eq3A_268 = arith.constant 0 : i32
      %eq3A_269 = arith.cmpi eq, %select_n3A_258, %eq3A_268 : i32
      %convert_element_type3A_270 = arith.extui %eq3A_269 : i1 to i32
      %cond3A_271 = arith.constant 0 : i32
      %cond3A_272 = arith.cmpi ne, %convert_element_type3A_270, %cond3A_271 : i32
      scf.if %cond3A_272 {
        %dma_wait3A_273 = arith.constant 1 : i32
        %dma_wait3A_274 = arith.constant 0 : i32
        %dma_wait3A_275 = tpu.memref_slice %arg14[%dma_wait3A_273, %dma_wait3A_274] : memref<2x128xi32, #tpu.memory_space<vmem>> -> memref<1x128xi32, #tpu.memory_space<vmem>>
        %dma_wait3A_276 = tpu.memref_squeeze %dma_wait3A_275 : memref<1x128xi32, #tpu.memory_space<vmem>> -> memref<128xi32, #tpu.memory_space<vmem>>
        %dma_wait3A_277 = arith.constant 0 : i32
        %dma_wait3A_278 = arith.constant 0 : i32
        %dma_wait3A_279 = tpu.memref_slice %arg18[%dma_wait3A_277, %dma_wait3A_278] : memref<10240x128xf32, #tpu.memory_space<vmem_shared>> -> memref<10240x128xf32, #tpu.memory_space<vmem_shared>>
        tpu.wait_indirect_dma semaphore(%arg22 : memref<!tpu.dma_semaphore, #tpu.memory_space<semaphore_mem>>) src(%arg17 : memref<128x128xf32, #tpu.memory_space<vmem>>) dst(%dma_wait3A_279 : memref<10240x128xf32, #tpu.memory_space<vmem_shared>>)
      } else {
      }
    }
    %barrier3A_86 = arith.constant 0 : index
    tpu.barrier barrier_id(%barrier3A_86)
    %lt3A = arith.constant 15 : i32
    %lt3A_87 = arith.cmpi slt, %arg1, %lt3A : i32
    %convert_element_type3A = arith.extui %lt3A_87 : i1 to i32
    %cond3A = arith.constant 0 : i32
    %cond3A_88 = arith.cmpi ne, %convert_element_type3A, %cond3A : i32
    scf.if %cond3A_88 {
      %mul3A_94 = arith.constant 632 : i32
      %mul3A_95 = arith.muli %arg1, %mul3A_94 : i32
      %mul3A_96 = arith.constant 632 : i32
      %mul3A_97 = arith.muli %arg1, %mul3A_96 : i32
      "tpu.region"() ({
        %run_scoped3A = tpu.sem_alloc : memref<!tpu.dma_semaphore, #tpu.memory_space<semaphore_mem>>
        %dma_start3A = arith.constant 0 : i32
        %dma_start3A_98 = tpu.memref_slice %arg8[%arg0, %mul3A_97, %dma_start3A] : memref<2x10000x128xf32, #tpu.memory_space<hbm>> -> memref<1x632x128xf32, #tpu.memory_space<hbm>>
        %dma_start3A_99 = tpu.memref_squeeze %dma_start3A_98 : memref<1x632x128xf32, #tpu.memory_space<hbm>> -> memref<632x128xf32, #tpu.memory_space<hbm>>
        %dma_start3A_100 = arith.constant 0 : i32
        %dma_start3A_101 = tpu.memref_slice %arg18[%mul3A_95, %dma_start3A_100] : memref<10240x128xf32, #tpu.memory_space<vmem_shared>> -> memref<632x128xf32, #tpu.memory_space<vmem_shared>>
        tpu.enqueue_dma source(%dma_start3A_101 : memref<632x128xf32, #tpu.memory_space<vmem_shared>>) target(%dma_start3A_99 : memref<632x128xf32, #tpu.memory_space<hbm>>) target_semaphore(%run_scoped3A : memref<!tpu.dma_semaphore, #tpu.memory_space<semaphore_mem>>)
        %dma_wait3A = arith.constant 0 : i32
        %dma_wait3A_102 = tpu.memref_slice %arg8[%arg0, %mul3A_97, %dma_wait3A] : memref<2x10000x128xf32, #tpu.memory_space<hbm>> -> memref<1x632x128xf32, #tpu.memory_space<hbm>>
        %dma_wait3A_103 = tpu.memref_squeeze %dma_wait3A_102 : memref<1x632x128xf32, #tpu.memory_space<hbm>> -> memref<632x128xf32, #tpu.memory_space<hbm>>
        %dma_wait3A_104 = arith.constant 0 : i32
        %dma_wait3A_105 = tpu.memref_slice %arg18[%mul3A_95, %dma_wait3A_104] : memref<10240x128xf32, #tpu.memory_space<vmem_shared>> -> memref<632x128xf32, #tpu.memory_space<vmem_shared>>
        tpu.wait_dma2 semaphore(%run_scoped3A : memref<!tpu.dma_semaphore, #tpu.memory_space<semaphore_mem>>) src(%dma_wait3A_105 : memref<632x128xf32, #tpu.memory_space<vmem_shared>>) dst(%dma_wait3A_103 : memref<632x128xf32, #tpu.memory_space<hbm>>)
        tpu.yield
      }) : () -> ()
    } else {
    }
    %eq3A_89 = arith.constant 15 : i32
    %eq3A_90 = arith.cmpi eq, %arg1, %eq3A_89 : i32
    %convert_element_type3A_91 = arith.extui %eq3A_90 : i1 to i32
    %cond3A_92 = arith.constant 0 : i32
    %cond3A_93 = arith.cmpi ne, %convert_element_type3A_91, %cond3A_92 : i32
    scf.if %cond3A_93 {
      "tpu.region"() ({
        %run_scoped3A = tpu.sem_alloc : memref<!tpu.dma_semaphore, #tpu.memory_space<semaphore_mem>>
        %dma_start3A = arith.constant 9480 : i32
        %dma_start3A_94 = arith.constant 0 : i32
        %dma_start3A_95 = tpu.memref_slice %arg8[%arg0, %dma_start3A, %dma_start3A_94] : memref<2x10000x128xf32, #tpu.memory_space<hbm>> -> memref<1x520x128xf32, #tpu.memory_space<hbm>>
        %dma_start3A_96 = tpu.memref_squeeze %dma_start3A_95 : memref<1x520x128xf32, #tpu.memory_space<hbm>> -> memref<520x128xf32, #tpu.memory_space<hbm>>
        %dma_start3A_97 = arith.constant 9480 : i32
        %dma_start3A_98 = arith.constant 0 : i32
        %dma_start3A_99 = tpu.memref_slice %arg18[%dma_start3A_97, %dma_start3A_98] : memref<10240x128xf32, #tpu.memory_space<vmem_shared>> -> memref<520x128xf32, #tpu.memory_space<vmem_shared>>
        tpu.enqueue_dma source(%dma_start3A_99 : memref<520x128xf32, #tpu.memory_space<vmem_shared>>) target(%dma_start3A_96 : memref<520x128xf32, #tpu.memory_space<hbm>>) target_semaphore(%run_scoped3A : memref<!tpu.dma_semaphore, #tpu.memory_space<semaphore_mem>>)
        %dma_wait3A = arith.constant 9480 : i32
        %dma_wait3A_100 = arith.constant 0 : i32
        %dma_wait3A_101 = tpu.memref_slice %arg8[%arg0, %dma_wait3A, %dma_wait3A_100] : memref<2x10000x128xf32, #tpu.memory_space<hbm>> -> memref<1x520x128xf32, #tpu.memory_space<hbm>>
        %dma_wait3A_102 = tpu.memref_squeeze %dma_wait3A_101 : memref<1x520x128xf32, #tpu.memory_space<hbm>> -> memref<520x128xf32, #tpu.memory_space<hbm>>
        %dma_wait3A_103 = arith.constant 9480 : i32
        %dma_wait3A_104 = arith.constant 0 : i32
        %dma_wait3A_105 = tpu.memref_slice %arg18[%dma_wait3A_103, %dma_wait3A_104] : memref<10240x128xf32, #tpu.memory_space<vmem_shared>> -> memref<520x128xf32, #tpu.memory_space<vmem_shared>>
        tpu.wait_dma2 semaphore(%run_scoped3A : memref<!tpu.dma_semaphore, #tpu.memory_space<semaphore_mem>>) src(%dma_wait3A_105 : memref<520x128xf32, #tpu.memory_space<vmem_shared>>) dst(%dma_wait3A_102 : memref<520x128xf32, #tpu.memory_space<hbm>>)
        tpu.yield
      }) : () -> ()
    } else {
    }
    return
  }
}

module attributes {stable_mosaic.version = 14 : i64} {
  func.func @_elu_body(%arg0: i32, %arg1: memref<1000x128xf32, #tpu.memory_space<vmem>>, %arg2: memref<1x128xf32, #tpu.memory_space<vmem>>, %arg3: memref<1000x128xf32, #tpu.memory_space<vmem>>) attributes {dimension_semantics = [#tpu.dimension_semantics<arbitrary>], iteration_bounds = array<i64: 10>, scalar_prefetch = 0 : i64, scratch_operands = 0 : i64, tpu.core_type = #tpu.core_type<tc>, window_params = [{transform_indices = @transform_0, window_bounds = array<i64: 1000, 128>}, {pipeline_mode = #tpu.pipeline_mode<synchronous>, transform_indices = @transform_1, window_bounds = array<i64: 1, 128>}, {transform_indices = @transform_2, window_bounds = array<i64: 1000, 128>}]} {
    %get3A = arith.constant 0 : index
    %get3A_0 = arith.constant 0 : index
    %get3A_1 = vector.load %arg1[%get3A, %get3A_0] : memref<1000x128xf32, #tpu.memory_space<vmem>>, vector<1000x128xf32>
    %get3A_2 = arith.constant 0 : index
    %get3A_3 = arith.constant 0 : index
    %get3A_4 = vector.load %arg2[%get3A_2, %get3A_3] : memref<1x128xf32, #tpu.memory_space<vmem>>, vector<1x128xf32>
    %mul3A = vector.broadcast %get3A_4 : vector<1x128xf32> to vector<1000x128xf32>
    %mul3A_5 = arith.mulf %get3A_1, %mul3A : vector<1000x128xf32>
    %gt3A = arith.constant 0.000000e+00 : f32
    %gt3A_6 = vector.broadcast %gt3A : f32 to vector<1000x128xf32>
    %gt3A_7 = arith.cmpf ogt, %mul3A_5, %gt3A_6 : vector<1000x128xf32>
    %min3A = arith.constant 0.000000e+00 : f32
    %min3A_8 = vector.broadcast %min3A : f32 to vector<1000x128xf32>
    %min3A_9 = arith.minimumf %mul3A_5, %min3A_8 : vector<1000x128xf32>
    %exp3A = math.exp %min3A_9 : vector<1000x128xf32>
    %sub3A = arith.constant 1.000000e+00 : f32
    %sub3A_10 = vector.broadcast %sub3A : f32 to vector<1000x128xf32>
    %sub3A_11 = arith.subf %exp3A, %sub3A_10 : vector<1000x128xf32>
    %select_n3A = arith.select %gt3A_7, %mul3A_5, %sub3A_11 : vector<1000x128xi1>, vector<1000x128xf32>
    %swap3A = arith.constant 0 : index
    %swap3A_12 = arith.constant 0 : index
    %swap3A_13 = vector.load %arg3[%swap3A, %swap3A_12] : memref<1000x128xf32, #tpu.memory_space<vmem>>, vector<1000x128xf32>
    tpu.vector_store %arg3[%swap3A, %swap3A_12], %select_n3A {strides = array<i32>} : memref<1000x128xf32, #tpu.memory_space<vmem>>, vector<1000x128xf32>,
    return
  }
  func.func @transform_0(%arg0: i32) -> (i32, i32) {
    %c0_i32 = arith.constant 0 : i32
    %c0_i32_0 = arith.constant 0 : i32
    return %arg0, %c0_i32 : i32, i32
  }
  func.func @transform_1(%arg0: i32) -> (i32, i32) {
    %c0_i32 = arith.constant 0 : i32
    %c0_i32_0 = arith.constant 0 : i32
    %c0_i32_1 = arith.constant 0 : i32
    return %c0_i32, %c0_i32_0 : i32, i32
  }
  func.func @transform_2(%arg0: i32) -> (i32, i32) {
    %c0_i32 = arith.constant 0 : i32
    %c0_i32_0 = arith.constant 0 : i32
    return %arg0, %c0_i32 : i32, i32
  }
}

module attributes {stable_mosaic.version = 14 : i64} {
  func.func @_add_body(%arg0: i32, %arg1: memref<2x1000x128xf32, #tpu.memory_space<vmem>>, %arg2: memref<1000x128xf32, #tpu.memory_space<vmem>>) attributes {dimension_semantics = [#tpu.dimension_semantics<arbitrary>], iteration_bounds = array<i64: 10>, scalar_prefetch = 0 : i64, scratch_operands = 0 : i64, tpu.core_type = #tpu.core_type<tc>, window_params = [{transform_indices = @transform_0, window_bounds = array<i64: 2, 1000, 128>}, {transform_indices = @transform_1, window_bounds = array<i64: 1000, 128>}]} {
    %get3A = arith.constant 0 : index
    %get3A_0 = arith.constant 0 : index
    %get3A_1 = arith.constant 0 : index
    %get3A_2 = vector.load %arg1[%get3A, %get3A_0, %get3A_1] : memref<2x1000x128xf32, #tpu.memory_space<vmem>>, vector<1x1000x128xf32>
    %get3A_3 = vector.shape_cast %get3A_2 : vector<1x1000x128xf32> to vector<1000x128xf32>
    %get3A_4 = arith.constant 1 : index
    %get3A_5 = arith.constant 0 : index
    %get3A_6 = arith.constant 0 : index
    %get3A_7 = vector.load %arg1[%get3A_4, %get3A_5, %get3A_6] : memref<2x1000x128xf32, #tpu.memory_space<vmem>>, vector<1x1000x128xf32>
    %get3A_8 = vector.shape_cast %get3A_7 : vector<1x1000x128xf32> to vector<1000x128xf32>
    %add3A = arith.addf %get3A_3, %get3A_8 : vector<1000x128xf32>
    %swap3A = arith.constant 0 : index
    %swap3A_9 = arith.constant 0 : index
    %swap3A_10 = vector.load %arg2[%swap3A, %swap3A_9] : memref<1000x128xf32, #tpu.memory_space<vmem>>, vector<1000x128xf32>
    tpu.vector_store %arg2[%swap3A, %swap3A_9], %add3A {strides = array<i32>} : memref<1000x128xf32, #tpu.memory_space<vmem>>, vector<1000x128xf32>,
    return
  }
  func.func @transform_0(%arg0: i32) -> (i32, i32, i32) {
    %c0_i32 = arith.constant 0 : i32
    %c0_i32_0 = arith.constant 0 : i32
    %c0_i32_1 = arith.constant 0 : i32
    return %c0_i32, %arg0, %c0_i32_0 : i32, i32, i32
  }
  func.func @transform_1(%arg0: i32) -> (i32, i32) {
    %c0_i32 = arith.constant 0 : i32
    %c0_i32_0 = arith.constant 0 : i32
    return %arg0, %c0_i32 : i32, i32
  }
}

</mosaic_0001>

<sc_bundles>
// kernel: kernel.5.cloned.1.call-start
scs
__scs_entry_jumppad:
0x0: {  	(pc) =	sbr.rel $0x88, $3  }
0x1: {  	(tag) =	ssettag $0x0;
	lr =	simm.s32 $0x1  }
0x2: {  	[smem:$0x3F9C] =	sst lr;
	_ =	strace $0xD0000000  }
0x3: {  	_ = 	snop  }
0x4: {  	_ = 	snop  }
0x5: {  	_ = 	snop  }
0x6: {  	_ = 	snop  }
0x7: {  	_ = 	snop  }
__scs_overlays_trampoline_lowered:
0x8: {  	[smem:$0x3FAB] =	sst s0  }
0x9: {  	[smem:$0x3FAC] =	sst s1  }
0xa: {  	[smem:$0x3FAD] =	sst s2  }
0xb: {  	[smem:$0x3FAE] =	sst s3  }
0xc: {  	[smem:$0x3FAF] =	sst s4  }
0xd: {  	[smem:$0x3FB0] =	sst s5  }
0xe: {  	[smem:$0x3FB1] =	sst s6  }
0xf: {  	[smem:$0x3FB2] =	sst s7  }
0x10: {  	[smem:$0x3FB3] =	sst s8  }
0x11: {  	[smem:$0x3FB4] =	sst s9;
	s0 =	simm.s32 @!p0 $0x0  }
0x12: {  	s1 =	sld [smem:$0x3F9A];
	s0 =	simm.s32 @p0 $0x1  }
0x13: {  	[smem:$0x3FB5] =	sst s0;
	s0 =	simm.s32 @!p1 $0x0  }
0x14: {  	s2 =	sld [smem:$0x3F99];
	s0 =	simm.s32 @p1 $0x1  }
0x15: {  	[smem:$0x3FB6] =	sst s0;
	s0 =	simm.s32 @!p2 $0x0  }
0x16: {  	s3 =	sld [smem:$0x3FDB];
	s0 =	simm.s32 @p2 $0x1  }
0x17: {  	s4 =	simm.s32 $0x1BF5;
	[smem:$0x3FB8] =	sst s0  }
0x18: {  	s0 =	sld [smem:$0x3F9B];
	_ =	swait.ge [sflag:s4], $0x0  }
0x19: {  	s7 =	sld [smem:$0x3F9C]  }
0x1a: {  	s8 =	sadd.s32 $0xFFFFE003, lr  }
0x1b: {  	s9 =	sadd.s32 $0xFFFFFEF7, lr;
	s5 =	simm.s32 $0xFFFFFFFF;
	p2 =	slt.u32 s8, $0xFFFFF086  }
0x1c: {  	p1 =	slt.u32 s9, $0xF7A;
	s5 =	simm.s32 @!p2 $0x0  }
0x1d: {  	s5 =	simm.s32 @p1 $0x1;
	p0 =	seq.s32 s7, s2  }
0x1e: {  	s7 =	smul.u32 @!p0 $0xF7A, s2;
	p2 =	seq.s32 @!p0 s5, $0x0  }
0x1f: {  	s9 =	smul.u32 $0xF7A, s1;
	s8 =	simm.s32 @!p0 $0x1BF5;
	p2 =	por !p2, p0  }
0x20: {  	[sflag:s8] =	ssyncset.s32 @!p0 $0xFFFFF086;
	s6 =	sadd.s32 @!p0 s3, s7;
	s7 =	simm.s32 @!p0 $0x108  }
0x21: {  	s3 =	sadd.s32 s3, s9;
	s6 =	sadd.s32 @!p0 $0x88, s6;
	s7 =	simm.s32 @p2 $0x1082  }
0x22: {  	[simem:s7], [sflag:s8] =	dma.local @!p0 [hbm:s6], $0xF7A  }
0x23: {  	s9 =	sor.u32 $0xD0000000, s2;
	s6 =	simm.s32 $0x108;
	_ =	swait.ge @!p0 [sflag:s8], $0x0  }
0x24: {  	s3 =	sadd.s32 $0x88, s3;
	s6 =	simm.s32 @!p1 $0x1082;
	[sflag:s4] =	ssyncset.s32 $0xFFFFF086  }
0x25: {  	[simem:s6], [sflag:s4] =	dma.local [hbm:s3], $0xF7A  }
0x26: {  	[smem:$0x3F9C] =	sst s1;
	(tag) =	ssettag s2;
	_ =	strace s9  }
0x27: {  	s1 =	sld [smem:$0x3FAC]  }
0x28: {  	s2 =	sld [smem:$0x3FAD]  }
0x29: {  	s4 =	sld [smem:$0x3FAF]  }
0x2a: {  	p0 =	seq.s32 s5, $0x0;
	s5 =	sld [smem:$0x3FB0]  }
0x2b: {  	s6 =	sld [smem:$0x3FB1]  }
0x2c: {  	s7 =	sld [smem:$0x3FB2]  }
0x2d: {  	s3 =	simm.s32 $0x108;
	s8 =	sld [smem:$0x3FB3]  }
0x2e: {  	s3 =	simm.s32 @!p0 $0x1082;
	s9 =	sld [smem:$0x3FB4]  }
0x2f: {  	lr =	sadd.s32 s0, s3;
	s0 =	sld [smem:$0x3FAB]  }
0x30: {  	s3 =	sld [smem:$0x3FAE]  }
0x31: {  	[smem:$0x3FB7] =	sst s10  }
0x32: {  	s10 =	sld [smem:$0x3FB5];
	_ =	sdelay $0x3  }
0x33: {  	p0 =	seq.s32 s10, $0x1;
	s10 =	sld [smem:$0x3FB7];
	_ =	sdelay $0x3  }
0x34: {  	[smem:$0x3FB7] =	sst s10  }
0x35: {  	s10 =	sld [smem:$0x3FB6];
	_ =	sdelay $0x3  }
0x36: {  	p1 =	seq.s32 s10, $0x1;
	s10 =	sld [smem:$0x3FB7];
	_ =	sdelay $0x3  }
0x37: {  	[smem:$0x3FB7] =	sst s10  }
0x38: {  	s10 =	sld [smem:$0x3FB8]  }
0x39: {  	_ = 	snop;
	(pc) =	sbr.ind lr, $3  }
0x3a: {  	_ = 	snop  }
0x3b: {  	_ = 	snop  }
0x3c: {  	p2 =	seq.s32 s10, $0x1;
	s10 =	sld [smem:$0x3FB7]  }
0x3d: {  	_ =	shalt  }
0x3e: {  	_ =	shalt  }
0x3f: {  	_ =	shalt  }
0x40: {  	_ =	shalt  }
0x41: {  	_ =	shalt  }
0x42: {  	_ =	shalt  }
0x43: {  	_ =	shalt  }
0x44: {  	_ =	shalt  }
0x45: {  	_ =	shalt  }
0x46: {  	_ =	shalt  }
0x47: {  	_ =	shalt  }
0x48: {  	_ =	shalt  }
0x49: {  	_ =	shalt  }
0x4a: {  	_ =	shalt  }
0x4b: {  	_ =	shalt  }
0x4c: {  	_ =	shalt  }
0x4d: {  	_ =	shalt  }
0x4e: {  	_ =	shalt  }
0x4f: {  	_ =	shalt  }
0x50: {  	_ =	shalt  }
0x51: {  	_ =	shalt  }
0x52: {  	_ =	shalt  }
0x53: {  	_ =	shalt  }
0x54: {  	_ =	shalt  }
0x55: {  	_ =	shalt  }
0x56: {  	_ =	shalt  }
0x57: {  	_ =	shalt  }
0x58: {  	_ =	shalt  }
0x59: {  	_ =	shalt  }
0x5a: {  	_ =	shalt  }
0x5b: {  	_ =	shalt  }
0x5c: {  	_ =	shalt  }
0x5d: {  	_ =	shalt  }
0x5e: {  	_ =	shalt  }
0x5f: {  	_ =	shalt  }
0x60: {  	_ =	shalt  }
0x61: {  	_ =	shalt  }
0x62: {  	_ =	shalt  }
0x63: {  	_ =	shalt  }
0x64: {  	_ =	shalt  }
0x65: {  	_ =	shalt  }
0x66: {  	_ =	shalt  }
0x67: {  	_ =	shalt  }
0x68: {  	_ =	shalt  }
0x69: {  	_ =	shalt  }
0x6a: {  	_ =	shalt  }
0x6b: {  	_ =	shalt  }
0x6c: {  	_ =	shalt  }
0x6d: {  	_ =	shalt  }
0x6e: {  	_ =	shalt  }
0x6f: {  	_ =	shalt  }
0x70: {  	_ =	shalt  }
0x71: {  	_ =	shalt  }
0x72: {  	_ =	shalt  }
0x73: {  	_ =	shalt  }
0x74: {  	_ =	shalt  }
0x75: {  	_ =	shalt  }
0x76: {  	_ =	shalt  }
0x77: {  	_ =	shalt  }
0x78: {  	_ =	shalt  }
0x79: {  	_ =	shalt  }
0x7a: {  	_ =	shalt  }
0x7b: {  	_ =	shalt  }
0x7c: {  	_ =	shalt  }
0x7d: {  	_ =	shalt  }
0x7e: {  	_ =	shalt  }
0x7f: {  	_ =	shalt  }
0x80: {  	_ =	shalt  }
0x81: {  	_ =	shalt  }
0x82: {  	_ =	shalt  }
0x83: {  	_ =	shalt  }
0x84: {  	_ =	shalt  }
0x85: {  	_ =	shalt  }
0x86: {  	_ =	shalt  }
0x87: {  	_ =	shalt  }
.Lfunc_end0:
.L_simem_size_0:
called_computation_lowered:
.L_overlay_start_0:
0x88: {  	s2 =	sld [smem:$0x3FD9]  }
0x89: {  	s3 =	sld [smem:$0x3FFE];
	_ =	sdelay $0x1  }
0x8a: {  	s1 =	srdreg.scid  }
0x8b: {  	s0 =	sand.u32 $0x1, s1  }
0x8c: {  	s17 =	sshll.u32 s0, $0xA;
	s2 =	sadd.s32 s3, s2  }
0x8d: {  	s2 =	sadd.s32 s2, s17  }
0x8e: {  	[smem:$0x3FC3] =	sst s2  }
0x8f: {  	_ = 	snop  }
0x90: {  	s2 =	sld [smem:$0x3FD0];
	(tm) =	ssettm $0x1  }
0x91: {  	s18 =	sld [smem:$0x3FFB];
	_ =	sdelay $0x3  }
0x92: {  	_ =	strace s18  }
0x93: {  	s3 =	sld [smem:$0x3FFC];
	_ =	sdelay $0x3  }
0x94: {  	_ =	strace s3  }
0x95: {  	s3 =	sld [smem:$0x3FFD];
	_ =	sdelay $0x3  }
0x96: {  	_ =	strace s3  }
0x97: {  	_ =	strace $0x8FFFFFFF  }
0x98: {  	s19 =	sld [smem:$0x3FDB];
	_ =	sdelay $0x1  }
0x99: {  	s4 =	simm.s32 $_scs_section_size  }
0x9a: {  	s5 =	simm.s32 $_size__tile_overlayer_lowered;
	s6 =	simm.s32 $_tile_overlayer_lowered  }
0x9b: {  	s22 =	simm.s32 $0x1BFF;
	s21 =	sshll.u32 s6, $0x1;
	s3 =	sadd.s32 s4, s19  }
0x9c: {  	s7 =	simm.s32 $0x0;
	s20 =	sshll.u32 s5, $0x1;
	s5 =	sadd.s32 s21, s3  }
0x9d: {  	[timem:s7], [sflag:s22] =	dma.local [hbm:s5], s20  }
0x9e: {  	_ =	swait.ge [sflag:s22], s20  }
0x9f: {  	s4 =	ssub.s32 $0x0, s20;
	[sflag:s22] =	ssyncset.done $0x0  }
0xa0: {  	[sflag:s22] =	ssyncadd.s32 s4;
	_ =	sdelay $0x1  }
0xa1: {  	s23 =	simm.s32 $0x1B8B  }
0xa2: {  	_ =	swait.ge [sflag:s23], $0x1  }
0xa3: {  	[sflag:s23] =	ssyncset.done $0x0  }
0xa4: {  	s25 =	simm.s32 $0x1B8E;
	s24 =	sld [smem:$0x3FFE];
	[sflag:s23] =	ssyncadd.s32 $0xFFFFFFFF  }
0xa5: {  	s26 =	simm.s32 $execute0_lowered;
	[smem:$0x3FD2] =	sst s25  }
0xa6: {  	s5 =	sshll.u32 s26, $0x1;
	_ =	strace $0x80000046;
	[dreg:$0x1] =	wrdreg $0xFFFFFFFF  }
0xa7: {  	s28 =	simm.s32 $_size_execute0_lowered;
	s3 =	sadd.s32 s3, s5;
	[dreg:$0x0] =	wrdreg $0x0  }
0xa8: {  	s5 =	sshll.u32 s28, $0x1;
	[dreg:$0x2] =	wrdreg s3  }
0xa9: {  	[dreg:$0x3] =	wrdreg s5  }
0xaa: {  	[dreg:$0x4] =	wrdreg $0xC0  }
0xab: {  	_ =	task [dreg:s7], $0x5FFFF  }
0xac: {  	[dreg:$0x1] =	wrdreg $0xFFFFFFFF  }
0xad: {  	[dreg:$0x0] =	wrdreg $0x60  }
0xae: {  	[dreg:$0x2] =	wrdreg s2  }
0xaf: {  	[dreg:$0x3] =	wrdreg s24  }
0xb0: {  	[dreg:$0x4] =	wrdreg $0xAB800  }
0xb1: {  	[dreg:$0x5] =	wrdreg $0x9  }
0xb2: {  	_ =	task.clear_ibuf [dreg:s7], $0x6FFFF;
	_ =	strace $0x90000046  }
0xb3: {  	s29 =	simm.s32 $0x9;
	_ =	strace $0x80000048  }
0xb4: {  	_ =	swait.ge [sflag:s29], $0x1  }
0xb5: {  	[sflag:s29] =	ssyncadd.s32 $0xFFFFFFFF  }
0xb6: {  	_ =	strace $0x90000048  }
0xb7: {  	_ =	sfence  }
0xb8: {  	s30 =	sld [smem:$0x0];
	_ =	sdelay $0x2  }
0xb9: {  	s31 =	sshll.u32 s1, $0xD;
	s1 =	sshrl.u32 s1, $0x2  }
0xba: {  	s3 =	sand.u32 $0x4000, s31;
	s1 =	sadd.s32 s1, s30  }
0xbb: {  	s0 =	sor.u32 s3, s0;
	s1 =	sshll.u32 s1, $0x11  }
0xbc: {  	s0 =	sor.u32 s1, s0  }
0xbd: {  	s0 =	sadd.s32 $0x8F2B, s0  }
0xbe: {  	[sflag:s0] =	ssyncadd.remote.s32 $0x1  }
0xbf: {  	_ =	sfence.sel $0xFFFF  }
0xc0: {  	[dreg:$0x0] =	wrdreg $0xFFFFFFFF;
	(pc) =	sbr.abs _section_cstart, $3  }
0xc1: {  	[dreg:$0x1] =	wrdreg $0xFFFFFFFF  }
0xc2: {  	_ =	task.clear_ibuf [dreg:s7], $0x2FFFF;
	_ =	strace $0x9FFFFFFF  }
0xc3: {  	(tm) =	ssettm $0x7FFFFFFF  }
tec
execute0_lowered:
.L_overlay_start_1:
0x0: {  	(tag) =	ssettag $0x1  }
0x1: {  	s1 =	rddreg [dreg:$0x0]  }
0x2: {  	s0 =	rddreg [dreg:$0x1]  }
0x3: {  	s2 =	rddreg [dreg:$0x2];
	s4 =	simm.s32 $0x0  }
0x4: {  	s15 =	srdreg.scid;
	s6 =	stileid.u32;
	s28 =	simm.s32 $0x2  }
0x5: {  	s29 =	simm.s32 $0x3;
	s30 =	simm.s32 $0x80;
	s31 =	simm.s32 $0x6B80  }
0x6: {  	[smem:$0x7FF] =	sst s4;
	s3 =	sadd.s32 $0x14800, s0;
	s5 =	sadd.s32 $0xA800, s0  }
0x7: {  	s16 =	sadd.s32 $0x28800, s0;
	s8 =	sadd.s32 $0x1E800, s0;
	s9 =	sadd.s32 $0x800, s0  }
0x8: {  	s11 =	smul.u32 $0x50000, s6;
	s0 =	sadd.s32 $0x32800, s0;
	s12 =	sshll.u32 s6, $0x4  }
0x9: {  	s18 =	smul.u32 $0x13C00, s6;
	_ =	strace $0x80000047;
	[dreg:$0x5] =	wrdreg s3  }
0xa: {  	s14 =	smul.u32 $0x4F000, s6;
	[dreg:$0x6] =	wrdreg s5;
	s3 =	sand.u32 $0x1, s15  }
0xb: {  	[dreg:$0x7] =	wrdreg s16;
	s17 =	ssub.s32 $0x2, s3;
	s11 =	sshrl.u32 s11, $0x2  }
0xc: {  	s13 =	smul.u32 $0x138800, s3;
	p0 =	seq.s32 s3, $0x0;
	s3 =	sor.u32 $0x900, s12  }
0xd: {  	s22 =	sshrl.u32 s14, $0x2;
	s10 =	sshrl.u32 s17, $0x1;
	s7 =	sadd.s32 s11, s2  }
0xe: {  	s11 =	simm.s32 $0x9;
	s5 =	ssub.s32 s17, s10;
	s10 =	smul.u32 $0x90, s6  }
0xf: {  	s11 =	simm.s32 @!p0 $0x1;
	s23 =	sadd.s32 $0x4000, s7;
	[dreg:$0x8] =	wrdreg s7  }
0x10: {  	s19 =	sadd.s32 s18, s13;
	s24 =	sadd.s32 $0x8000, s7;
	[dreg:$0xc] =	wrdreg s23  }
0x11: {  	s21 =	sshrl.u32 s13, $0x3;
	s25 =	sadd.s32 $0xC000, s7;
	[dreg:$0xd] =	wrdreg s24  }
0x12: {  	s26 =	sadd.s32 $0x10000, s7;
	s20 =	sshrl.u32 s19, $0x3;
	[dreg:$0xe] =	wrdreg s25  }
0x13: {  	s5 =	smax.u32 s5, $0x1;
	[dreg:$0xf] =	wrdreg s26;
	s23 =	simm.s32 $0x1000  }
0x14: {  	s26 =	simm.s32 $0x1;
	s3 =	smov.u32 @p0 s10;
	[dreg:$0xb] =	wrdreg s5  }
0x15: {  	s12 =	sshll.u32 s3, $0x7;
	s3 =	sadd.s32 s0, s20;
	s0 =	sadd.s32 s0, s21  }
.Ltmp0:
0x16: {  	p0 =	seq.s32 s6, $0xF;
	s0 =	sadd.s32 $0x25080, s0;
	(pc) =	sbr.rel .LBB2_1-.Ltmp0, $4  }
0x17: {  	s5 =	simm.s32 $0x4;
	[dreg:$0xa] =	wrdreg s0;
	s0 =	sadd.s32 $0x128400, s2  }
0x18: {  	v0 =	vmov s6;
	[dreg:$0x9] =	wrdreg s3;
	s3 =	sadd.s32 s22, s2;
	s0 =	sshrl.u32 @p0 s0, $0x3  }
0x19: {  	v1 =	vimm.f32 $0.0e+00;
	v0 =	vor.u32 $0x2710, v0;
	s20 =	simm.s32 $0x2B80;
	[dreg:$0x10] =	wrdreg s0;
	s0 =	sshrl.u32 @!p0 s3, $0x3  }
0x1a: {  	v2 =	vimm.f32 $1.000000000e+00;
	v3 =	vimm.s32 $0x0;
	v0 =	vbroadcast v0, $0x0;
	s22 =	simm.s32 $0x800;
	[dreg:$0x11] =	wrdreg s0;
	s0 =	simm.s32 $0x2B00  }
.LBB2_26:
0x1b: {  	[bflag:$0x0] =	sbarrier.arrive $0xFFFF  }
0x1c: {  	s4 =	rddreg [dreg:$0xa]  }
0x1d: {  	s3 =	simm.s32 @p0 $0x1FC5;
	s6 =	rddreg [dreg:$0x10]  }
0x1e: {  	[hbm:s4], [sflag:s3] =	dma.local @p0 [spmem:s6], $0x2080  }
0x1f: {  	s3 =	simm.s32 @p0 $0x5  }
0x20: {  	s4 =	stileid.u32;
	_ =	swait.ge @p0 [sflag:s3], $0x2080  }
0x21: {  	s4 =	sshll.u32 @!p0 s4, $0x6;
	[sflag:s3] =	ssyncset.done @p0 $0x0;
	s6 =	rddreg [dreg:$0x11]  }
0x22: {  	[sflag:s3] =	ssyncadd.s32 @p0 $0xFFFFDF80;
	s3 =	sor.u32 @!p0 $0x1C05, s4;
	s4 =	rddreg [dreg:$0x9]  }
0x23: {  	[hbm:s4], [sflag:s3] =	dma.local @!p0 [spmem:s6], $0x2780  }
0x24: {  	s3 =	simm.s32 @!p0 $0x5  }
0x25: {  	_ =	swait.ge @!p0 [sflag:s3], $0x2780  }
0x26: {  	s24 =	rddreg [dreg:$0x4]  }
0x27: {  	s25 =	rddreg [dreg:$0xb];
	s4 =	sadd.s32 $0x1, s24  }
0x28: {  	p1 =	sne.s32 s4, s25  }
.Ltmp1:
0x29: {  	_ = 	snop;
	(pc) =	sbr.rel @!p1 .LBB2_27-.Ltmp1, $3  }
0x2a: {  	_ =	sdelay $0x1  }
0x2b: {  	[sflag:s3] =	ssyncset.done @!p0 $0x0  }
0x2c: {  	[sflag:s3] =	ssyncadd.s32 @!p0 $0xFFFFD880  }
.LBB2_1:
0x2d: {  	s3 =	simm.s32 $0x0;
	s10 =	simm.s32 $0x200  }
.LBB2_2:
0x2e: {  	p1 =	sne.s32 s10, $0xFE00;
	[tilespmem:s3+$0x2BF0] =	vst v1  }
0x2f: {  	[tilespmem:s3+$0x2B80] =	vst v1  }
0x30: {  	[tilespmem:s3+$0x2B90] =	vst v1  }
.Ltmp2:
0x31: {  	[tilespmem:s3+$0x2BA0] =	vst v1;
	(pc) =	sbr.rel @p1 .LBB2_2-.Ltmp2, $4  }
0x32: {  	[tilespmem:s3+$0x2BB0] =	vst v1  }
0x33: {  	[tilespmem:s3+$0x2BC0] =	vst v1  }
0x34: {  	[tilespmem:s3+$0x2BD0] =	vst v1  }
0x35: {  	[tilespmem:s3+$0x2BE0] =	vst v1;
	s3 =	sshra.s32 s10, $0x2;
	s10 =	sadd.s32 $0x200, s10  }
0x36: {  	[tilespmem:s3+$0x2BF0] =	vst v1  }
0x37: {  	[tilespmem:s3+$0x2B80] =	vst v1  }
0x38: {  	[tilespmem:s3+$0x2B90] =	vst v1  }
0x39: {  	[tilespmem:s3+$0x2BA0] =	vst v1  }
0x3a: {  	[tilespmem:s3+$0x2BB0] =	vst v1  }
0x3b: {  	[tilespmem:s3+$0x2BC0] =	vst v1  }
0x3c: {  	[tilespmem:s3+$0x2BD0] =	vst v1  }
0x3d: {  	[tilespmem:s3+$0x2BE0] =	vst v1;
	s18 =	rddreg [dreg:$0x8];
	s6 =	simm.s32 $0x5  }
0x3e: {  	[spmem:s18] =	stream.linear.scatter [tilespmem:s20], [sflag:$0x5], $0x4000, $0x38;
	[tilespmem:$0x1EB80] =	vst v63  }
0x3f: {  	_ =	swait.ge [sflag:s6], $0x4000  }
0x40: {  	[sflag:s6] =	ssyncset.done $0x0  }
0x41: {  	s19 =	rddreg [dreg:$0xc];
	[sflag:s6] =	ssyncadd.s32 $0xFFFFC000  }
0x42: {  	[spmem:s19] =	stream.linear.scatter [tilespmem:s20], [sflag:$0x5], $0x4000, $0x38;
	[tilespmem:$0x1EB80] =	vst v63  }
0x43: {  	_ =	swait.ge [sflag:s6], $0x4000  }
0x44: {  	[sflag:s6] =	ssyncset.done $0x0  }
0x45: {  	s21 =	rddreg [dreg:$0xd];
	[sflag:s6] =	ssyncadd.s32 $0xFFFFC000  }
0x46: {  	[spmem:s21] =	stream.linear.scatter [tilespmem:s20], [sflag:$0x5], $0x4000, $0x38;
	[tilespmem:$0x1EB80] =	vst v63  }
0x47: {  	_ =	swait.ge [sflag:s6], $0x4000  }
0x48: {  	[sflag:s6] =	ssyncset.done $0x0  }
0x49: {  	s24 =	rddreg [dreg:$0xe];
	[sflag:s6] =	ssyncadd.s32 $0xFFFFC000  }
0x4a: {  	[spmem:s24] =	stream.linear.scatter [tilespmem:s20], [sflag:$0x5], $0x4000, $0x38;
	[tilespmem:$0x1EB80] =	vst v63  }
0x4b: {  	_ =	swait.ge [sflag:s6], $0x4000  }
0x4c: {  	[sflag:s6] =	ssyncset.done $0x0  }
0x4d: {  	s25 =	rddreg [dreg:$0xf];
	[sflag:s6] =	ssyncadd.s32 $0xFFFFC000  }
0x4e: {  	[spmem:s25] =	stream.linear.scatter [tilespmem:s20], [sflag:$0x5], $0x4000, $0x38;
	[tilespmem:$0x1EB80] =	vst v63  }
0x4f: {  	_ =	swait.ge [sflag:s6], $0x4000  }
0x50: {  	[sflag:s6] =	ssyncset.done $0x0  }
0x51: {  	[sflag:s6] =	ssyncadd.s32 $0xFFFFC000  }
0x52: {  	s16 =	simm.s32 $0x0;
	s17 =	simm.s32 $0x0;
	[bflag:$0x0] =	sbarrier.arrive $0xFFFF  }
.LBB2_4:
0x53: {  	s3 =	sshll.u32 s17, $0xB  }
0x54: {  	s3 =	sadd.s32 s12, s3  }
0x55: {  	s6 =	rddreg [dreg:$0x5];
	s3 =	sshrl.u32 s3, $0x3  }
0x56: {  	s24 =	rddreg [dreg:$0x6];
	s10 =	sadd.s32 s6, s3  }
0x57: {  	[tilespmem:s16], [sflag:$0x1] =	stream.linear.gather [hbm4b:s10+s16], $0x800, $0x38;
	[tilespmem:$0x1EB80] =	vst v63  }
0x58: {  	s25 =	sadd.s32 s24, s3  }
0x59: {  	[tilespmem:s22], [sflag:$0x2] =	stream.linear.gather [hbm4b:s25+s16], $0x800, $0x38;
	[tilespmem:$0x1EB80] =	vst v63  }
0x5a: {  	s3 =	sadd.s32 s9, s3  }
0x5b: {  	[tilespmem:s23], [sflag:$0x3] =	stream.linear.gather [hbm4b:s3+s16], $0x800, $0x38;
	[tilespmem:$0x1EB80] =	vst v63  }
0x5c: {  	_ =	swait.ge [sflag:s26], $0x800  }
0x5d: {  	[sflag:s26] =	ssyncset.done $0x0  }
0x5e: {  	[sflag:s26] =	ssyncadd.s32 $0xFFFFF800  }
0x5f: {  	_ =	swait.ge [sflag:s28], $0x800  }
0x60: {  	[sflag:s28] =	ssyncset.done $0x0  }
0x61: {  	[sflag:s28] =	ssyncadd.s32 $0xFFFFF800  }
0x62: {  	_ =	swait.ge [sflag:s29], $0x800  }
0x63: {  	[sflag:s29] =	ssyncset.done $0x0  }
0x64: {  	s15 =	simm.s32 $0x0;
	[sflag:s29] =	ssyncadd.s32 $0xFFFFF800  }
0x65: {  	[tilespmem:s20], [sflag:$0x1] =	stream.indirect.gather [hbm4b:s1+s30], $0x80, s16, s30, $0xb8;
	[tilespmem:$0x1EB80] =	vst v63  }
.LBB2_5:
0x66: {  	p1 =	seq.s32 s15, $0x0  }
0x67: {  	s3 =	simm.s32 @!p1 $0x4  }
0x68: {  	s10 =	sshllo.u32 s15, $0x1;
	_ =	swait.ge @!p1 [sflag:s3], $0x4000  }
0x69: {  	s18 =	sshll.u32 s10, $0x7;
	[sflag:s3] =	ssyncset.done @!p1 $0x0  }
0x6a: {  	s24 =	sand.u32 $0x3FFFFF80, s18;
	[sflag:s3] =	ssyncadd.s32 @!p1 $0xFFFFC000  }
0x6b: {  	[tilespmem:s31], [sflag:$0x2] =	stream.indirect.gather [hbm4b:s1+s30], $0x80, s24, s30, $0xb8;
	[tilespmem:$0x1EB80] =	vst v63  }
0x6c: {  	_ =	swait.ge [sflag:s26], $0x4000  }
0x6d: {  	[sflag:s26] =	ssyncset.done $0x0  }
0x6e: {  	s3 =	sshll.u32 s15, $0x8;
	[sflag:s26] =	ssyncadd.s32 $0xFFFFC000  }
0x6f: {  	v4 =	vld [tilespmem:s3+$0x1000];
	_ =	sdelay $0x4  }
0x70: {  	vm0 =	vlt.u32 v4, $0x5  }
0x71: {  	v4 =	vsel vm0, $0x40000000, v2  }
0x72: {  	[tilespmem:$0x2B00] =	vst v4  }
0x73: {  	v4 =	vld [tilespmem:s3+$0x1010];
	_ =	sdelay $0x4  }
0x74: {  	vm9 =	vlt.u32 v4, $0x5  }
0x75: {  	v4 =	vsel vm9, $0x40000000, v2  }
0x76: {  	[tilespmem:$0x2B10] =	vst v4  }
0x77: {  	v4 =	vld [tilespmem:s3+$0x1020];
	_ =	sdelay $0x4  }
0x78: {  	vm10 =	vlt.u32 v4, $0x5  }
0x79: {  	v4 =	vsel vm10, $0x40000000, v2  }
0x7a: {  	[tilespmem:$0x2B20] =	vst v4  }
0x7b: {  	v4 =	vld [tilespmem:s3+$0x1030];
	_ =	sdelay $0x4  }
0x7c: {  	vm11 =	vlt.u32 v4, $0x5  }
0x7d: {  	v4 =	vsel vm11, $0x40000000, v2  }
0x7e: {  	[tilespmem:$0x2B30] =	vst v4  }
0x7f: {  	v4 =	vld [tilespmem:s3+$0x1040];
	_ =	sdelay $0x4  }
0x80: {  	vm12 =	vlt.u32 v4, $0x5  }
0x81: {  	v4 =	vsel vm12, $0x40000000, v2  }
0x82: {  	[tilespmem:$0x2B40] =	vst v4  }
0x83: {  	v4 =	vld [tilespmem:s3+$0x1050];
	_ =	sdelay $0x4  }
0x84: {  	vm13 =	vlt.u32 v4, $0x5  }
0x85: {  	v4 =	vsel vm13, $0x40000000, v2  }
0x86: {  	[tilespmem:$0x2B50] =	vst v4  }
0x87: {  	v4 =	vld [tilespmem:s3+$0x1060];
	_ =	sdelay $0x4  }
0x88: {  	vm14 =	vlt.u32 v4, $0x5  }
0x89: {  	v4 =	vsel vm14, $0x40000000, v2  }
0x8a: {  	[tilespmem:$0x2B60] =	vst v4  }
0x8b: {  	v4 =	vld [tilespmem:s3+$0x1070];
	_ =	sdelay $0x4  }
0x8c: {  	s25 =	simm.s32 $0x0;
	vm15 =	vlt.u32 v4, $0x5  }
0x8d: {  	v5 =	vmov s25;
	v4 =	vsel vm15, $0x40000000, v2  }
0x8e: {  	s10 =	simm.s32 $0x2BC0;
	[tilespmem:$0x2B70] =	vst v4  }
0x8f: {  	v8 =	vld [tilespmem:s10+$0x30]  }
0x90: {  	v11 =	vld [tilespmem:s10+$0x10]  }
0x91: {  	v9 =	vld [tilespmem:s10+$0xFFFFFFC0]  }
0x92: {  	v5 =	vld.idx.msk [tilespmem:v5+s0+$0x0], $0xffff  }
0x93: {  	v13 =	vld [tilespmem:s10+$0xFFFFFFE0]  }
0x94: {  	v4 =	vld [tilespmem:s10+$0xFFFFFFF0]  }
0x95: {  	v6 =	vld [tilespmem:s10+$0x20]  }
0x96: {  	v7 =	vld [tilespmem:s10+$0xFFFFFFD0]  }
0x97: {  	v12 =	vmul.f32 v8, v5;
	v8 =	vld [tilespmem:s10+$0x0]  }
0x98: {  	v10 =	vmul.f32 v9, v5  }
0x99: {  	s13 =	simm.s32 $0x1;
	s14 =	simm.s32 $0x2BC0;
	v9 =	vmul.f32 v13, v5;
	v11 =	vmul.f32 v11, v5  }
.LBB2_6:
0x9a: {  	p1 =	sne.s32 s13, $0x7F  }
0x9b: {  	v7 =	vmul.f32 v7, v5;
	v6 =	vmul.f32 v6, v5;
	[tilespmem:s10+$0x30] =	vst v12;
	s14 =	sadd.s32 $0x80, s14;
	s19 =	smov.u32 s13;
	s13 =	sadd.s32 $0x1, s13  }
0x9c: {  	[tilespmem:s10+$0xFFFFFFC0] =	vst v10;
	v10 =	vmul.f32 v4, v5;
	v5 =	vmul.f32 v8, v5  }
0x9d: {  	[tilespmem:s10+$0x10] =	vst v11  }
0x9e: {  	v8 =	vmov s19;
	[tilespmem:s10+$0xFFFFFFE0] =	vst v9  }
0x9f: {  	v4 =	vld [tilespmem:s14+$0xFFFFFFF0];
	[tilespmem:s10+$0xFFFFFFF0] =	vst v10  }
0xa0: {  	v9 =	vld [tilespmem:s14+$0x30];
	[tilespmem:s10+$0x0] =	vst v5  }
0xa1: {  	v11 =	vld [tilespmem:s14+$0x10];
	[tilespmem:s10+$0x20] =	vst v6  }
0xa2: {  	v10 =	vld [tilespmem:s14+$0xFFFFFFC0];
	[tilespmem:s10+$0xFFFFFFD0] =	vst v7;
	s10 =	smov.u32 s14  }
0xa3: {  	v5 =	vld.idx.msk [tilespmem:v8+s0+$0x0], $0xffff  }
0xa4: {  	v13 =	vld [tilespmem:s14+$0xFFFFFFE0]  }
0xa5: {  	v6 =	vld [tilespmem:s14+$0x20]  }
.Ltmp3:
0xa6: {  	v7 =	vld [tilespmem:s14+$0xFFFFFFD0];
	(pc) =	sbr.rel @p1 .LBB2_6-.Ltmp3, $3  }
0xa7: {  	v8 =	vld [tilespmem:s14+$0x0];
	_ =	sdelay $0x1  }
0xa8: {  	v10 =	vmul.f32 v10, v5;
	v12 =	vmul.f32 v9, v5  }
0xa9: {  	v11 =	vmul.f32 v11, v5;
	v9 =	vmul.f32 v13, v5  }
0xaa: {  	[tilespmem:s10+$0x30] =	vst v12  }
0xab: {  	[tilespmem:s10+$0xFFFFFFC0] =	vst v10  }
0xac: {  	v4 =	vmul.f32 v4, v5;
	[tilespmem:s10+$0x10] =	vst v11  }
0xad: {  	v6 =	vmul.f32 v6, v5;
	[tilespmem:s10+$0xFFFFFFE0] =	vst v9  }
0xae: {  	v8 =	vmul.f32 v8, v5;
	[tilespmem:s10+$0xFFFFFFF0] =	vst v4  }
0xaf: {  	v4 =	vmul.f32 v7, v5;
	[tilespmem:s10+$0x20] =	vst v6  }
0xb0: {  	[tilespmem:s10+$0x0] =	vst v8  }
0xb1: {  	s3 =	sadd.s32 $0x800, s3;
	p1 =	seq.s32 s15, $0x7;
	[tilespmem:s10+$0xFFFFFFD0] =	vst v4  }
0xb2: {  	[spmem:s2] =	stream.indirect.scatter.add.f32 [tilespmem:s20], [sflag:$0x3], $0x80, s3, s30, $0xb8;
	[tilespmem:$0x1EB80] =	vst v63  }
0xb3: {  	s3 =	simm.s32 @!p1 $0x3  }
0xb4: {  	_ =	swait.ge @!p1 [sflag:s3], $0x4000  }
0xb5: {  	s10 =	sshll.u32 @!p1 s15, $0x8;
	[sflag:s3] =	ssyncset.done @!p1 $0x0  }
0xb6: {  	[sflag:s3] =	ssyncadd.s32 @!p1 $0xFFFFC000;
	s3 =	sand.u32 @!p1 $0x3FFFFF00, s10  }
0xb7: {  	s13 =	simm.s32 @!p1 $0x2B80;
	s10 =	simm.s32 @!p1 $0x80;
	s3 =	sadd.s32 @!p1 $0x100, s3  }
0xb8: {  	[tilespmem:s13], [sflag:$0x1] =	stream.indirect.gather @!p1 [hbm4b:s1+s10], $0x80, s3, s10, $0xb8;
	[tilespmem:$0x1EB80] =	vst v63  }
0xb9: {  	_ =	swait.ge [sflag:s28], $0x4000  }
0xba: {  	[sflag:s28] =	ssyncset.done $0x0  }
0xbb: {  	[sflag:s28] =	ssyncadd.s32 $0xFFFFC000  }
0xbc: {  	v4 =	vld [tilespmem:s18+$0x1000];
	_ =	sdelay $0x4  }
0xbd: {  	vm0 =	vlt.u32 v4, $0x5  }
0xbe: {  	v4 =	vsel vm0, $0x40000000, v2  }
0xbf: {  	[tilespmem:$0x2B00] =	vst v4  }
0xc0: {  	v4 =	vld [tilespmem:s18+$0x1010];
	_ =	sdelay $0x4  }
0xc1: {  	vm9 =	vlt.u32 v4, $0x5  }
0xc2: {  	v4 =	vsel vm9, $0x40000000, v2  }
0xc3: {  	[tilespmem:$0x2B10] =	vst v4  }
0xc4: {  	v4 =	vld [tilespmem:s18+$0x1020];
	_ =	sdelay $0x4  }
0xc5: {  	vm10 =	vlt.u32 v4, $0x5  }
0xc6: {  	v4 =	vsel vm10, $0x40000000, v2  }
0xc7: {  	[tilespmem:$0x2B20] =	vst v4  }
0xc8: {  	v4 =	vld [tilespmem:s18+$0x1030];
	_ =	sdelay $0x4  }
0xc9: {  	vm11 =	vlt.u32 v4, $0x5  }
0xca: {  	v4 =	vsel vm11, $0x40000000, v2  }
0xcb: {  	[tilespmem:$0x2B30] =	vst v4  }
0xcc: {  	v4 =	vld [tilespmem:s18+$0x1040];
	_ =	sdelay $0x4  }
0xcd: {  	vm12 =	vlt.u32 v4, $0x5  }
0xce: {  	v4 =	vsel vm12, $0x40000000, v2  }
0xcf: {  	[tilespmem:$0x2B40] =	vst v4  }
0xd0: {  	v4 =	vld [tilespmem:s18+$0x1050];
	_ =	sdelay $0x4  }
0xd1: {  	vm13 =	vlt.u32 v4, $0x5  }
0xd2: {  	v4 =	vsel vm13, $0x40000000, v2  }
0xd3: {  	[tilespmem:$0x2B50] =	vst v4  }
0xd4: {  	v4 =	vld [tilespmem:s18+$0x1060];
	_ =	sdelay $0x4  }
0xd5: {  	vm14 =	vlt.u32 v4, $0x5  }
0xd6: {  	v4 =	vsel vm14, $0x40000000, v2  }
0xd7: {  	[tilespmem:$0x2B60] =	vst v4  }
0xd8: {  	v4 =	vld [tilespmem:s18+$0x1070];
	_ =	sdelay $0x4  }
0xd9: {  	s25 =	simm.s32 $0x0;
	vm15 =	vlt.u32 v4, $0x5  }
0xda: {  	v5 =	vmov s25;
	v4 =	vsel vm15, $0x40000000, v2  }
0xdb: {  	s3 =	simm.s32 $0x6BC0;
	[tilespmem:$0x2B70] =	vst v4  }
0xdc: {  	v8 =	vld [tilespmem:s3+$0x30]  }
0xdd: {  	v11 =	vld [tilespmem:s3+$0x10]  }
0xde: {  	v9 =	vld [tilespmem:s3+$0xFFFFFFC0]  }
0xdf: {  	v5 =	vld.idx.msk [tilespmem:v5+s0+$0x0], $0xffff  }
0xe0: {  	v13 =	vld [tilespmem:s3+$0xFFFFFFE0]  }
0xe1: {  	v4 =	vld [tilespmem:s3+$0xFFFFFFF0]  }
0xe2: {  	v6 =	vld [tilespmem:s3+$0x20]  }
0xe3: {  	v7 =	vld [tilespmem:s3+$0xFFFFFFD0]  }
0xe4: {  	v12 =	vmul.f32 v8, v5;
	v8 =	vld [tilespmem:s3+$0x0]  }
0xe5: {  	v10 =	vmul.f32 v9, v5  }
0xe6: {  	s10 =	simm.s32 $0x1;
	s13 =	simm.s32 $0x6BC0;
	v9 =	vmul.f32 v13, v5;
	v11 =	vmul.f32 v11, v5  }
.LBB2_8:
0xe7: {  	p1 =	sne.s32 s10, $0x7F  }
0xe8: {  	v7 =	vmul.f32 v7, v5;
	v6 =	vmul.f32 v6, v5;
	[tilespmem:s3+$0x30] =	vst v12;
	s13 =	sadd.s32 $0x80, s13;
	s14 =	smov.u32 s10;
	s10 =	sadd.s32 $0x1, s10  }
0xe9: {  	[tilespmem:s3+$0xFFFFFFC0] =	vst v10;
	v10 =	vmul.f32 v4, v5;
	v5 =	vmul.f32 v8, v5  }
0xea: {  	[tilespmem:s3+$0x10] =	vst v11  }
0xeb: {  	v8 =	vmov s14;
	[tilespmem:s3+$0xFFFFFFE0] =	vst v9  }
0xec: {  	v4 =	vld [tilespmem:s13+$0xFFFFFFF0];
	[tilespmem:s3+$0xFFFFFFF0] =	vst v10  }
0xed: {  	v9 =	vld [tilespmem:s13+$0x30];
	[tilespmem:s3+$0x0] =	vst v5  }
0xee: {  	v11 =	vld [tilespmem:s13+$0x10];
	[tilespmem:s3+$0x20] =	vst v6  }
0xef: {  	v10 =	vld [tilespmem:s13+$0xFFFFFFC0];
	[tilespmem:s3+$0xFFFFFFD0] =	vst v7;
	s3 =	smov.u32 s13  }
0xf0: {  	v5 =	vld.idx.msk [tilespmem:v8+s0+$0x0], $0xffff  }
0xf1: {  	v13 =	vld [tilespmem:s13+$0xFFFFFFE0]  }
0xf2: {  	v6 =	vld [tilespmem:s13+$0x20]  }
.Ltmp4:
0xf3: {  	v7 =	vld [tilespmem:s13+$0xFFFFFFD0];
	(pc) =	sbr.rel @p1 .LBB2_8-.Ltmp4, $3  }
0xf4: {  	v8 =	vld [tilespmem:s13+$0x0];
	_ =	sdelay $0x1  }
0xf5: {  	v10 =	vmul.f32 v10, v5;
	v12 =	vmul.f32 v9, v5  }
0xf6: {  	v11 =	vmul.f32 v11, v5;
	v9 =	vmul.f32 v13, v5  }
0xf7: {  	[tilespmem:s3+$0x30] =	vst v12  }
0xf8: {  	[tilespmem:s3+$0xFFFFFFC0] =	vst v10  }
0xf9: {  	v4 =	vmul.f32 v4, v5;
	s15 =	sadd.s32 $0x1, s15;
	[tilespmem:s3+$0x10] =	vst v11  }
0xfa: {  	v6 =	vmul.f32 v6, v5;
	[tilespmem:s3+$0xFFFFFFE0] =	vst v9;
	p1 =	sne.s32 s15, $0x8  }
.Ltmp5:
0xfb: {  	v8 =	vmul.f32 v8, v5;
	[tilespmem:s3+$0xFFFFFFF0] =	vst v4;
	(pc) =	sbr.rel @p1 .LBB2_5-.Ltmp5, $4  }
0xfc: {  	v4 =	vmul.f32 v7, v5;
	[tilespmem:s3+$0x20] =	vst v6  }
0xfd: {  	[tilespmem:s3+$0x0] =	vst v8  }
0xfe: {  	s25 =	sadd.s32 $0x800, s18;
	[tilespmem:s3+$0xFFFFFFD0] =	vst v4  }
0xff: {  	[spmem:s2] =	stream.indirect.scatter.add.f32 [tilespmem:s31], [sflag:$0x4], $0x80, s25, s30, $0xb8;
	[tilespmem:$0x1EB80] =	vst v63  }
0x100: {  	s17 =	sadd.s32 $0x1, s17  }
0x101: {  	_ =	swait.ge [sflag:s29], $0x4000;
	p1 =	sne.s32 s17, s11  }
.Ltmp6:
0x102: {  	[sflag:s29] =	ssyncset.done $0x0;
	(pc) =	sbr.rel @p1 .LBB2_4-.Ltmp6, $4  }
0x103: {  	[sflag:s29] =	ssyncadd.s32 $0xFFFFC000  }
0x104: {  	_ =	swait.ge [sflag:s5], $0x4000  }
0x105: {  	[sflag:s5] =	ssyncset.done $0x0  }
0x106: {  	s15 =	simm.s32 $0x0;
	[sflag:s5] =	ssyncadd.s32 $0xFFFFC000  }
.Ltmp7:
0x107: {  	(pc) =	sbr.rel .LBB2_12-.Ltmp7, $2  }
0x108: {  	_ =	sdelay $0x2  }
0x109: {  	[dreg:$0x4] =	wrdreg s4;
	s16 =	simm.s32 $0x0  }
.LBB2_21:
0x10a: {  	_ =	swait.ge [sflag:s29], $0x4000  }
0x10b: {  	[sflag:s29] =	ssyncset.done $0x0  }
0x10c: {  	[sflag:s29] =	ssyncadd.s32 $0xFFFFC000  }
.LBB2_24:
0x10d: {  	s3 =	simm.s32 $0x4  }
.LBB2_25:
0x10e: {  	s16 =	sadd.s32 $0x1, s16  }
0x10f: {  	p1 =	sne.s32 s16, s11  }
.Ltmp8:
0x110: {  	_ = 	snop;
	(pc) =	sbr.rel @!p1 .LBB2_26-.Ltmp8, $4  }
0x111: {  	_ = 	snop  }
0x112: {  	_ =	swait.ge [sflag:s3], $0x4000  }
0x113: {  	[sflag:s3] =	ssyncset.done $0x0  }
0x114: {  	[sflag:s3] =	ssyncadd.s32 $0xFFFFC000  }
.LBB2_12:
0x115: {  	s3 =	sshll.u32 s16, $0xB  }
0x116: {  	s3 =	sadd.s32 s12, s3  }
0x117: {  	s4 =	rddreg [dreg:$0x7];
	s3 =	sshrl.u32 s3, $0x3  }
0x118: {  	s10 =	sadd.s32 s4, s3  }
0x119: {  	[tilespmem:s15], [sflag:$0x1] =	stream.linear.gather [hbm4b:s10+s15], $0x800, $0x38;
	[tilespmem:$0x1EB80] =	vst v63  }
0x11a: {  	s13 =	sadd.s32 s8, s3  }
0x11b: {  	[tilespmem:s22], [sflag:$0x2] =	stream.linear.gather [hbm4b:s13+s15], $0x800, $0x38;
	[tilespmem:$0x1EB80] =	vst v63  }
0x11c: {  	s3 =	sadd.s32 s9, s3  }
0x11d: {  	[tilespmem:s23], [sflag:$0x3] =	stream.linear.gather [hbm4b:s3+s15], $0x800, $0x38;
	[tilespmem:$0x1EB80] =	vst v63  }
0x11e: {  	_ =	swait.ge [sflag:s26], $0x800  }
0x11f: {  	[sflag:s26] =	ssyncset.done $0x0  }
0x120: {  	[sflag:s26] =	ssyncadd.s32 $0xFFFFF800  }
0x121: {  	_ =	swait.ge [sflag:s28], $0x800  }
0x122: {  	[sflag:s28] =	ssyncset.done $0x0  }
0x123: {  	[sflag:s28] =	ssyncadd.s32 $0xFFFFF800  }
0x124: {  	_ =	swait.ge [sflag:s29], $0x800  }
0x125: {  	[sflag:s29] =	ssyncset.done $0x0  }
0x126: {  	s14 =	simm.s32 $0x0;
	[sflag:s29] =	ssyncadd.s32 $0xFFFFF800  }
0x127: {  	v4 =	vld [tilespmem:s14+$0x1000];
	_ =	sdelay $0x2  }
0x128: {  	v5 =	vld [tilespmem:s14+$0x0];
	_ =	sdelay $0x1  }
0x129: {  	v6 =	vand.u32 $0xFFFFFFF7, v4  }
0x12a: {  	vm1 =	veq.s32 v4, $0x1E;
	vm0 =	veq.s32 v6, $0x6  }
0x12b: {  	vm0 =	vmor vm1, vm0  }
0x12c: {  	[tilespmem:s15+$0x1800] =	vst.msk vm0, v5;
	v4 =	vsel vm0, $0x1, v3  }
0x12d: {  	v5 =	vld [tilespmem:s14+$0x800];
	(xrf0) =	vadd.scan.msk.s32 $0xffff, v4;
	_ =	sdelay $0x4  }
0x12e: {  	[tilespmem:s15+$0x2100] =	vst.msk vm0, v5  }
0x12f: {  	v4 =	vld [tilespmem:s14+$0x1010];
	v5, _, _ =	vpop (xrf0)  }
0x130: {  	(v2sf) =	vpush v5, $0xF;
	_ =	sdelay $0x3  }
0x131: {  	v5 =	vand.u32 $0xFFFFFFF7, v4  }
0x132: {  	vm1 =	veq.s32 v4, $0x1E;
	vm0 =	veq.s32 v5, $0x6  }
0x133: {  	vm0 =	vmor vm1, vm0  }
0x134: {  	v4 =	vsel vm0, $0x1, v3  }
0x135: {  	(xrf0) =	vadd.scan.msk.s32 $0xffff, v4;
	_ =	sdelay $0x3  }
0x136: {  	v4 =	vld [tilespmem:s14+$0x10];
	_ =	sdelay $0x1  }
0x137: {  	v5, _, _ =	vpop (xrf0)  }
0x138: {  	s17 =	spop (v2sf);
	(v2sf) =	vpush v5, $0xF  }
0x139: {  	s10 =	sadd.s32 $0x0, s17  }
0x13a: {  	[tilespmem:s10+$0x1800] =	vst.msk vm0, v4  }
0x13b: {  	v4 =	vld [tilespmem:s14+$0x810];
	_ =	sdelay $0x4  }
0x13c: {  	[tilespmem:s10+$0x2100] =	vst.msk vm0, v4  }
0x13d: {  	v4 =	vld [tilespmem:s14+$0x1020];
	_ =	sdelay $0x2  }
0x13e: {  	v5 =	vld [tilespmem:s14+$0x20];
	_ =	sdelay $0x1  }
0x13f: {  	v6 =	vand.u32 $0xFFFFFFF7, v4  }
0x140: {  	vm1 =	veq.s32 v4, $0x1E;
	vm0 =	veq.s32 v6, $0x6;
	s13 =	spop (v2sf)  }
0x141: {  	s10 =	sadd.s32 s10, s13;
	vm0 =	vmor vm1, vm0  }
0x142: {  	[tilespmem:s10+$0x1800] =	vst.msk vm0, v5;
	v4 =	vsel vm0, $0x1, v3  }
0x143: {  	v5 =	vld [tilespmem:s14+$0x820];
	(xrf0) =	vadd.scan.msk.s32 $0xffff, v4;
	_ =	sdelay $0x4  }
0x144: {  	[tilespmem:s10+$0x2100] =	vst.msk vm0, v5  }
0x145: {  	v4 =	vld [tilespmem:s14+$0x1030];
	v5, _, _ =	vpop (xrf0)  }
0x146: {  	(v2sf) =	vpush v5, $0xF;
	_ =	sdelay $0x3  }
0x147: {  	v5 =	vand.u32 $0xFFFFFFF7, v4  }
0x148: {  	vm1 =	veq.s32 v4, $0x1E;
	vm0 =	veq.s32 v5, $0x6  }
0x149: {  	vm0 =	vmor vm1, vm0  }
0x14a: {  	v4 =	vsel vm0, $0x1, v3  }
0x14b: {  	(xrf0) =	vadd.scan.msk.s32 $0xffff, v4;
	_ =	sdelay $0x3  }
0x14c: {  	v4 =	vld [tilespmem:s14+$0x30];
	_ =	sdelay $0x1  }
0x14d: {  	v5, _, _ =	vpop (xrf0)  }
0x14e: {  	s18 =	spop (v2sf);
	(v2sf) =	vpush v5, $0xF  }
0x14f: {  	s10 =	sadd.s32 s10, s18  }
0x150: {  	[tilespmem:s10+$0x1800] =	vst.msk vm0, v4  }
0x151: {  	v4 =	vld [tilespmem:s14+$0x830];
	_ =	sdelay $0x4  }
0x152: {  	[tilespmem:s10+$0x2100] =	vst.msk vm0, v4  }
0x153: {  	v4 =	vld [tilespmem:s14+$0x1040];
	_ =	sdelay $0x2  }
0x154: {  	v5 =	vld [tilespmem:s14+$0x40];
	_ =	sdelay $0x1  }
0x155: {  	v6 =	vand.u32 $0xFFFFFFF7, v4  }
0x156: {  	vm1 =	veq.s32 v4, $0x1E;
	vm0 =	veq.s32 v6, $0x6;
	s19 =	spop (v2sf)  }
0x157: {  	s10 =	sadd.s32 s10, s19;
	vm0 =	vmor vm1, vm0  }
0x158: {  	[tilespmem:s10+$0x1800] =	vst.msk vm0, v5;
	v4 =	vsel vm0, $0x1, v3  }
0x159: {  	v5 =	vld [tilespmem:s14+$0x840];
	(xrf0) =	vadd.scan.msk.s32 $0xffff, v4;
	_ =	sdelay $0x4  }
0x15a: {  	[tilespmem:s10+$0x2100] =	vst.msk vm0, v5  }
0x15b: {  	v4 =	vld [tilespmem:s14+$0x1050];
	v5, _, _ =	vpop (xrf0)  }
0x15c: {  	(v2sf) =	vpush v5, $0xF;
	_ =	sdelay $0x3  }
0x15d: {  	v5 =	vand.u32 $0xFFFFFFF7, v4  }
0x15e: {  	vm1 =	veq.s32 v4, $0x1E;
	vm0 =	veq.s32 v5, $0x6  }
0x15f: {  	vm0 =	vmor vm1, vm0  }
0x160: {  	v4 =	vsel vm0, $0x1, v3  }
0x161: {  	(xrf0) =	vadd.scan.msk.s32 $0xffff, v4;
	_ =	sdelay $0x3  }
0x162: {  	v4 =	vld [tilespmem:s14+$0x50];
	_ =	sdelay $0x1  }
0x163: {  	v5, _, _ =	vpop (xrf0)  }
0x164: {  	s21 =	spop (v2sf);
	(v2sf) =	vpush v5, $0xF  }
0x165: {  	s10 =	sadd.s32 s10, s21  }
0x166: {  	[tilespmem:s10+$0x1800] =	vst.msk vm0, v4  }
0x167: {  	v4 =	vld [tilespmem:s14+$0x850];
	_ =	sdelay $0x4  }
0x168: {  	[tilespmem:s10+$0x2100] =	vst.msk vm0, v4  }
0x169: {  	v4 =	vld [tilespmem:s14+$0x1060];
	_ =	sdelay $0x2  }
0x16a: {  	v5 =	vld [tilespmem:s14+$0x60];
	_ =	sdelay $0x1  }
0x16b: {  	v6 =	vand.u32 $0xFFFFFFF7, v4  }
0x16c: {  	vm1 =	veq.s32 v4, $0x1E;
	vm0 =	veq.s32 v6, $0x6;
	s24 =	spop (v2sf)  }
0x16d: {  	s10 =	sadd.s32 s10, s24;
	vm0 =	vmor vm1, vm0  }
0x16e: {  	[tilespmem:s10+$0x1800] =	vst.msk vm0, v5;
	v4 =	vsel vm0, $0x1, v3  }
0x16f: {  	v5 =	vld [tilespmem:s14+$0x860];
	(xrf0) =	vadd.scan.msk.s32 $0xffff, v4;
	_ =	sdelay $0x4  }
0x170: {  	[tilespmem:s10+$0x2100] =	vst.msk vm0, v5  }
0x171: {  	v4 =	vld [tilespmem:s14+$0x1070];
	v5, _, _ =	vpop (xrf0)  }
0x172: {  	(v2sf) =	vpush v5, $0xF;
	_ =	sdelay $0x3  }
0x173: {  	v5 =	vand.u32 $0xFFFFFFF7, v4  }
0x174: {  	vm1 =	veq.s32 v4, $0x1E;
	vm0 =	veq.s32 v5, $0x6  }
0x175: {  	vm0 =	vmor vm1, vm0  }
0x176: {  	v4 =	vsel vm0, $0x1, v3  }
0x177: {  	(xrf0) =	vadd.scan.msk.s32 $0xffff, v4;
	_ =	sdelay $0x3  }
0x178: {  	v4 =	vld [tilespmem:s14+$0x70];
	_ =	sdelay $0x1  }
0x179: {  	v5, _, _ =	vpop (xrf0)  }
0x17a: {  	s25 =	spop (v2sf);
	(v2sf) =	vpush v5, $0xF  }
0x17b: {  	s10 =	sadd.s32 s10, s25  }
0x17c: {  	[tilespmem:s10+$0x1800] =	vst.msk vm0, v4  }
0x17d: {  	v4 =	vld [tilespmem:s14+$0x870];
	_ =	sdelay $0x4  }
0x17e: {  	s17 =	simm.s32 $0x80;
	[tilespmem:s10+$0x2100] =	vst.msk vm0, v4  }
0x17f: {  	v5 =	vld [tilespmem:s17+$0x1000];
	_ =	sdelay $0x3  }
0x180: {  	v4 =	vld [tilespmem:s17+$0x0]  }
0x181: {  	v6 =	vand.u32 $0xFFFFFFF7, v5  }
0x182: {  	s18 =	simm.s32 $0x400;
	vm1 =	veq.s32 v5, $0x1E;
	vm0 =	veq.s32 v6, $0x6;
	s3 =	spop (v2sf)  }
.LBB2_13:
0x183: {  	p1 =	sne.s32 s18, $0x1E00  }
0x184: {  	vm0 =	vmor vm1, vm0;
	s3 =	sadd.s32 s10, s3;
	s19 =	smov.u32 s18;
	s18 =	sadd.s32 $0x200, s18  }
0x185: {  	[tilespmem:s3+$0x1800] =	vst.msk vm0, v4;
	v4 =	vsel vm0, $0x1, v3  }
0x186: {  	v5 =	vld [tilespmem:s17+$0x800];
	(xrf0) =	vadd.scan.msk.s32 $0xffff, v4;
	_ =	sdelay $0x4  }
0x187: {  	[tilespmem:s3+$0x2100] =	vst.msk vm0, v5  }
0x188: {  	v4 =	vld [tilespmem:s17+$0x1010];
	v5, _, _ =	vpop (xrf0)  }
0x189: {  	(v2sf) =	vpush v5, $0xF;
	_ =	sdelay $0x3  }
0x18a: {  	v5 =	vand.u32 $0xFFFFFFF7, v4  }
0x18b: {  	vm1 =	veq.s32 v4, $0x1E;
	vm0 =	veq.s32 v5, $0x6  }
0x18c: {  	vm0 =	vmor vm1, vm0  }
0x18d: {  	v4 =	vsel vm0, $0x1, v3  }
0x18e: {  	(xrf0) =	vadd.scan.msk.s32 $0xffff, v4;
	_ =	sdelay $0x3  }
0x18f: {  	v4 =	vld [tilespmem:s17+$0x10];
	_ =	sdelay $0x1  }
0x190: {  	v5, _, _ =	vpop (xrf0)  }
0x191: {  	s10 =	spop (v2sf);
	(v2sf) =	vpush v5, $0xF  }
0x192: {  	s3 =	sadd.s32 s3, s10  }
0x193: {  	[tilespmem:s3+$0x1800] =	vst.msk vm0, v4  }
0x194: {  	v4 =	vld [tilespmem:s17+$0x810];
	_ =	sdelay $0x4  }
0x195: {  	[tilespmem:s3+$0x2100] =	vst.msk vm0, v4  }
0x196: {  	v4 =	vld [tilespmem:s17+$0x1020];
	_ =	sdelay $0x2  }
0x197: {  	v5 =	vld [tilespmem:s17+$0x20];
	_ =	sdelay $0x1  }
0x198: {  	v6 =	vand.u32 $0xFFFFFFF7, v4  }
0x199: {  	vm1 =	veq.s32 v4, $0x1E;
	vm0 =	veq.s32 v6, $0x6;
	s10 =	spop (v2sf)  }
0x19a: {  	s3 =	sadd.s32 s3, s10;
	vm0 =	vmor vm1, vm0  }
0x19b: {  	[tilespmem:s3+$0x1800] =	vst.msk vm0, v5;
	v4 =	vsel vm0, $0x1, v3  }
0x19c: {  	v5 =	vld [tilespmem:s17+$0x820];
	(xrf0) =	vadd.scan.msk.s32 $0xffff, v4;
	_ =	sdelay $0x4  }
0x19d: {  	[tilespmem:s3+$0x2100] =	vst.msk vm0, v5  }
0x19e: {  	v4 =	vld [tilespmem:s17+$0x1030];
	v5, _, _ =	vpop (xrf0)  }
0x19f: {  	(v2sf) =	vpush v5, $0xF;
	_ =	sdelay $0x3  }
0x1a0: {  	v5 =	vand.u32 $0xFFFFFFF7, v4  }
0x1a1: {  	vm1 =	veq.s32 v4, $0x1E;
	vm0 =	veq.s32 v5, $0x6  }
0x1a2: {  	vm0 =	vmor vm1, vm0  }
0x1a3: {  	v4 =	vsel vm0, $0x1, v3  }
0x1a4: {  	(xrf0) =	vadd.scan.msk.s32 $0xffff, v4;
	_ =	sdelay $0x3  }
0x1a5: {  	v4 =	vld [tilespmem:s17+$0x30];
	_ =	sdelay $0x1  }
0x1a6: {  	v5, _, _ =	vpop (xrf0)  }
0x1a7: {  	s10 =	spop (v2sf);
	(v2sf) =	vpush v5, $0xF  }
0x1a8: {  	s3 =	sadd.s32 s3, s10  }
0x1a9: {  	[tilespmem:s3+$0x1800] =	vst.msk vm0, v4  }
0x1aa: {  	v4 =	vld [tilespmem:s17+$0x830];
	_ =	sdelay $0x4  }
0x1ab: {  	[tilespmem:s3+$0x2100] =	vst.msk vm0, v4  }
0x1ac: {  	v4 =	vld [tilespmem:s17+$0x1040];
	_ =	sdelay $0x2  }
0x1ad: {  	v5 =	vld [tilespmem:s17+$0x40];
	_ =	sdelay $0x1  }
0x1ae: {  	v6 =	vand.u32 $0xFFFFFFF7, v4  }
0x1af: {  	vm1 =	veq.s32 v4, $0x1E;
	vm0 =	veq.s32 v6, $0x6;
	s10 =	spop (v2sf)  }
0x1b0: {  	s3 =	sadd.s32 s3, s10;
	vm0 =	vmor vm1, vm0  }
0x1b1: {  	[tilespmem:s3+$0x1800] =	vst.msk vm0, v5;
	v4 =	vsel vm0, $0x1, v3  }
0x1b2: {  	v5 =	vld [tilespmem:s17+$0x840];
	(xrf0) =	vadd.scan.msk.s32 $0xffff, v4;
	_ =	sdelay $0x4  }
0x1b3: {  	[tilespmem:s3+$0x2100] =	vst.msk vm0, v5  }
0x1b4: {  	v4 =	vld [tilespmem:s17+$0x1050];
	v5, _, _ =	vpop (xrf0)  }
0x1b5: {  	v6 =	vld [tilespmem:s17+$0x50];
	(v2sf) =	vpush v5, $0xF;
	_ =	sdelay $0x3  }
0x1b6: {  	v5 =	vand.u32 $0xFFFFFFF7, v4  }
0x1b7: {  	vm1 =	veq.s32 v4, $0x1E;
	vm0 =	veq.s32 v5, $0x6  }
0x1b8: {  	vm0 =	vmor vm1, vm0  }
0x1b9: {  	v4 =	vsel vm0, $0x1, v3  }
0x1ba: {  	(xrf0) =	vadd.scan.msk.s32 $0xffff, v4;
	_ =	sdelay $0x5  }
0x1bb: {  	v4, _, _ =	vpop (xrf0)  }
0x1bc: {  	s10 =	spop (v2sf);
	(v2sf) =	vpush v4, $0xF  }
0x1bd: {  	s3 =	sadd.s32 s3, s10  }
0x1be: {  	[tilespmem:s3+$0x1800] =	vst.msk vm0, v6  }
0x1bf: {  	v4 =	vld [tilespmem:s17+$0x850];
	_ =	sdelay $0x4  }
0x1c0: {  	[tilespmem:s3+$0x2100] =	vst.msk vm0, v4  }
0x1c1: {  	v4 =	vld [tilespmem:s17+$0x1060]  }
0x1c2: {  	v5 =	vld [tilespmem:s17+$0x60];
	_ =	sdelay $0x3  }
0x1c3: {  	v6 =	vand.u32 $0xFFFFFFF7, v4  }
0x1c4: {  	vm1 =	veq.s32 v4, $0x1E;
	vm0 =	veq.s32 v6, $0x6;
	s10 =	spop (v2sf)  }
0x1c5: {  	s3 =	sadd.s32 s3, s10;
	vm0 =	vmor vm1, vm0  }
0x1c6: {  	[tilespmem:s3+$0x1800] =	vst.msk vm0, v5;
	v4 =	vsel vm0, $0x1, v3  }
0x1c7: {  	v5 =	vld [tilespmem:s17+$0x860];
	(xrf0) =	vadd.scan.msk.s32 $0xffff, v4;
	_ =	sdelay $0x4  }
0x1c8: {  	[tilespmem:s3+$0x2100] =	vst.msk vm0, v5  }
0x1c9: {  	v4 =	vld [tilespmem:s17+$0x1070];
	v5, _, _ =	vpop (xrf0)  }
0x1ca: {  	v6 =	vld [tilespmem:s17+$0x70];
	(v2sf) =	vpush v5, $0xF;
	_ =	sdelay $0x3  }
0x1cb: {  	v5 =	vand.u32 $0xFFFFFFF7, v4  }
0x1cc: {  	vm1 =	veq.s32 v4, $0x1E;
	vm0 =	veq.s32 v5, $0x6  }
0x1cd: {  	vm0 =	vmor vm1, vm0  }
0x1ce: {  	v4 =	vsel vm0, $0x1, v3  }
0x1cf: {  	(xrf0) =	vadd.scan.msk.s32 $0xffff, v4;
	_ =	sdelay $0x5  }
0x1d0: {  	v4, _, _ =	vpop (xrf0)  }
0x1d1: {  	s10 =	spop (v2sf);
	(v2sf) =	vpush v4, $0xF  }
0x1d2: {  	s10 =	sadd.s32 s3, s10  }
0x1d3: {  	[tilespmem:s10+$0x1800] =	vst.msk vm0, v6  }
0x1d4: {  	v4 =	vld [tilespmem:s17+$0x870];
	_ =	sdelay $0x4  }
0x1d5: {  	s17 =	sshra.s32 s19, $0x2;
	[tilespmem:s10+$0x2100] =	vst.msk vm0, v4  }
0x1d6: {  	v5 =	vld [tilespmem:s17+$0x1000];
	_ =	sdelay $0x1  }
.Ltmp9:
0x1d7: {  	(pc) =	sbr.rel @p1 .LBB2_13-.Ltmp9, $3  }
0x1d8: {  	v4 =	vld [tilespmem:s17+$0x0];
	_ =	sdelay $0x1  }
0x1d9: {  	v6 =	vand.u32 $0xFFFFFFF7, v5  }
0x1da: {  	vm1 =	veq.s32 v5, $0x1E;
	vm0 =	veq.s32 v6, $0x6;
	s3 =	spop (v2sf)  }
0x1db: {  	vm0 =	vmor vm1, vm0;
	s3 =	sadd.s32 s10, s3  }
0x1dc: {  	[tilespmem:s3+$0x1800] =	vst.msk vm0, v4;
	v4 =	vsel vm0, $0x1, v3  }
0x1dd: {  	v5 =	vld [tilespmem:s17+$0x800];
	(xrf0) =	vadd.scan.msk.s32 $0xffff, v4;
	_ =	sdelay $0x4  }
0x1de: {  	[tilespmem:s3+$0x2100] =	vst.msk vm0, v5  }
0x1df: {  	v4 =	vld [tilespmem:s17+$0x1010];
	v5, _, _ =	vpop (xrf0)  }
0x1e0: {  	(v2sf) =	vpush v5, $0xF;
	_ =	sdelay $0x3  }
0x1e1: {  	v5 =	vand.u32 $0xFFFFFFF7, v4  }
0x1e2: {  	vm15 =	veq.s32 v4, $0x1E;
	vm14 =	veq.s32 v5, $0x6  }
0x1e3: {  	vm0 =	vmor vm15, vm14  }
0x1e4: {  	v4 =	vsel vm0, $0x1, v3  }
0x1e5: {  	(xrf0) =	vadd.scan.msk.s32 $0xffff, v4;
	_ =	sdelay $0x3  }
0x1e6: {  	v4 =	vld [tilespmem:s17+$0x10];
	_ =	sdelay $0x1  }
0x1e7: {  	v5, _, _ =	vpop (xrf0)  }
0x1e8: {  	s4 =	spop (v2sf);
	(v2sf) =	vpush v5, $0xF  }
0x1e9: {  	s3 =	sadd.s32 s3, s4  }
0x1ea: {  	[tilespmem:s3+$0x1800] =	vst.msk vm0, v4  }
0x1eb: {  	v4 =	vld [tilespmem:s17+$0x810];
	_ =	sdelay $0x4  }
0x1ec: {  	[tilespmem:s3+$0x2100] =	vst.msk vm0, v4  }
0x1ed: {  	v4 =	vld [tilespmem:s17+$0x1020];
	_ =	sdelay $0x2  }
0x1ee: {  	v5 =	vld [tilespmem:s17+$0x20];
	_ =	sdelay $0x1  }
0x1ef: {  	v6 =	vand.u32 $0xFFFFFFF7, v4  }
0x1f0: {  	vm5 =	veq.s32 v4, $0x1E;
	vm4 =	veq.s32 v6, $0x6;
	s6 =	spop (v2sf)  }
0x1f1: {  	s3 =	sadd.s32 s3, s6;
	vm0 =	vmor vm5, vm4  }
0x1f2: {  	[tilespmem:s3+$0x1800] =	vst.msk vm0, v5;
	v4 =	vsel vm0, $0x1, v3  }
0x1f3: {  	v5 =	vld [tilespmem:s17+$0x820];
	(xrf0) =	vadd.scan.msk.s32 $0xffff, v4;
	_ =	sdelay $0x4  }
0x1f4: {  	[tilespmem:s3+$0x2100] =	vst.msk vm0, v5  }
0x1f5: {  	v4 =	vld [tilespmem:s17+$0x1030];
	v5, _, _ =	vpop (xrf0)  }
0x1f6: {  	(v2sf) =	vpush v5, $0xF;
	_ =	sdelay $0x3  }
0x1f7: {  	v5 =	vand.u32 $0xFFFFFFF7, v4  }
0x1f8: {  	vm7 =	veq.s32 v4, $0x1E;
	vm6 =	veq.s32 v5, $0x6  }
0x1f9: {  	vm0 =	vmor vm7, vm6  }
0x1fa: {  	v4 =	vsel vm0, $0x1, v3  }
0x1fb: {  	(xrf0) =	vadd.scan.msk.s32 $0xffff, v4;
	_ =	sdelay $0x3  }
0x1fc: {  	v4 =	vld [tilespmem:s17+$0x30];
	_ =	sdelay $0x1  }
0x1fd: {  	v5, _, _ =	vpop (xrf0)  }
0x1fe: {  	s7 =	spop (v2sf);
	(v2sf) =	vpush v5, $0xF  }
0x1ff: {  	s3 =	sadd.s32 s3, s7  }
0x200: {  	[tilespmem:s3+$0x1800] =	vst.msk vm0, v4  }
0x201: {  	v4 =	vld [tilespmem:s17+$0x830];
	_ =	sdelay $0x4  }
0x202: {  	[tilespmem:s3+$0x2100] =	vst.msk vm0, v4  }
0x203: {  	v4 =	vld [tilespmem:s17+$0x1040];
	_ =	sdelay $0x2  }
0x204: {  	v5 =	vld [tilespmem:s17+$0x40];
	_ =	sdelay $0x1  }
0x205: {  	v62 =	vand.u32 $0xFFFFFFF7, v4  }
0x206: {  	vm9 =	veq.s32 v4, $0x1E;
	vm8 =	veq.s32 v62, $0x6;
	s13 =	spop (v2sf)  }
0x207: {  	s3 =	sadd.s32 s3, s13;
	vm0 =	vmor vm9, vm8  }
0x208: {  	[tilespmem:s3+$0x1800] =	vst.msk vm0, v5;
	v4 =	vsel vm0, $0x1, v3  }
0x209: {  	v5 =	vld [tilespmem:s17+$0x840];
	(xrf0) =	vadd.scan.msk.s32 $0xffff, v4;
	_ =	sdelay $0x4  }
0x20a: {  	[tilespmem:s3+$0x2100] =	vst.msk vm0, v5  }
0x20b: {  	v4 =	vld [tilespmem:s17+$0x1050];
	v5, _, _ =	vpop (xrf0)  }
0x20c: {  	(v2sf) =	vpush v5, $0xF;
	_ =	sdelay $0x3  }
0x20d: {  	v5 =	vand.u32 $0xFFFFFFF7, v4  }
0x20e: {  	vm11 =	veq.s32 v4, $0x1E;
	vm10 =	veq.s32 v5, $0x6  }
0x20f: {  	vm0 =	vmor vm11, vm10  }
0x210: {  	v4 =	vsel vm0, $0x1, v3  }
0x211: {  	(xrf0) =	vadd.scan.msk.s32 $0xffff, v4;
	_ =	sdelay $0x3  }
0x212: {  	v4 =	vld [tilespmem:s17+$0x50];
	_ =	sdelay $0x1  }
0x213: {  	v5, _, _ =	vpop (xrf0)  }
0x214: {  	s14 =	spop (v2sf);
	(v2sf) =	vpush v5, $0xF  }
0x215: {  	s3 =	sadd.s32 s3, s14  }
0x216: {  	[tilespmem:s3+$0x1800] =	vst.msk vm0, v4  }
0x217: {  	v4 =	vld [tilespmem:s17+$0x850];
	_ =	sdelay $0x4  }
0x218: {  	[tilespmem:s3+$0x2100] =	vst.msk vm0, v4  }
0x219: {  	v4 =	vld [tilespmem:s17+$0x1060];
	_ =	sdelay $0x2  }
0x21a: {  	v5 =	vld [tilespmem:s17+$0x60];
	_ =	sdelay $0x1  }
0x21b: {  	v63 =	vand.u32 $0xFFFFFFF7, v4  }
0x21c: {  	vm13 =	veq.s32 v4, $0x1E;
	vm12 =	veq.s32 v63, $0x6;
	s18 =	spop (v2sf)  }
0x21d: {  	s3 =	sadd.s32 s3, s18;
	vm0 =	vmor vm13, vm12  }
0x21e: {  	[tilespmem:s3+$0x1800] =	vst.msk vm0, v5  }
0x21f: {  	v4 =	vld [tilespmem:s17+$0x860];
	_ =	sdelay $0x4  }
0x220: {  	[tilespmem:s3+$0x2100] =	vst.msk vm0, v4  }
0x221: {  	v4 =	vld [tilespmem:s17+$0x1070]  }
0x222: {  	v5 =	vsel vm0, $0x1, v3  }
0x223: {  	(xrf0) =	vadd.scan.msk.s32 $0xffff, v5;
	_ =	sdelay $0x2  }
0x224: {  	v5 =	vand.u32 $0xFFFFFFF7, v4  }
0x225: {  	vm15 =	veq.s32 v4, $0x1E;
	vm14 =	veq.s32 v5, $0x6  }
0x226: {  	vm0 =	vmor vm15, vm14  }
0x227: {  	v4, _, _ =	vpop (xrf0);
	v5 =	vsel vm0, $0x1, v3  }
0x228: {  	(v2sf) =	vpush v4, $0xF;
	(xrf0) =	vadd.scan.msk.s32 $0xffff, v5;
	_ =	sdelay $0x5  }
0x229: {  	v4, _, _ =	vpop (xrf0)  }
0x22a: {  	(v2sf) =	vpush v4, $0xF;
	_ =	sdelay $0x4  }
0x22b: {  	v4 =	vld [tilespmem:s17+$0x70];
	_ =	sdelay $0x2  }
0x22c: {  	s19 =	spop (v2sf)  }
0x22d: {  	s3 =	sadd.s32 s3, s19  }
0x22e: {  	[tilespmem:s3+$0x1800] =	vst.msk vm0, v4  }
0x22f: {  	v4 =	vld [tilespmem:s17+$0x870];
	_ =	sdelay $0x3  }
0x230: {  	s21 =	spop (v2sf)  }
0x231: {  	[tilespmem:s3+$0x2100] =	vst.msk vm0, v4;
	s3 =	sadd.s32 s3, s21  }
0x232: {  	[tilespmem:s3+$0x1800] =	vst v3  }
0x233: {  	[tilespmem:s3+$0x2100] =	vst v0  }
0x234: {  	[tilespmem:s3+$0x1810] =	vst v3  }
0x235: {  	[tilespmem:s3+$0x2110] =	vst v0  }
0x236: {  	[tilespmem:s3+$0x1820] =	vst v3  }
0x237: {  	[tilespmem:s3+$0x2120] =	vst v0;
	s10 =	sand.u32 $0x7F, s3  }
0x238: {  	[tilespmem:s3+$0x1830] =	vst v3;
	s13 =	sshra.s32 s3, $0x1F;
	p1 =	slt.s32 s3, $0x1;
	p2 =	sne.s32 s10, $0x0  }
0x239: {  	[tilespmem:s3+$0x2130] =	vst v0;
	s24 =	sshrl.u32 s13, $0x19;
	p1 =	por !p1, !p2  }
0x23a: {  	[tilespmem:s3+$0x1840] =	vst v3;
	s13 =	simm.s32 $0x1;
	s10 =	sadd.s32 s24, s3;
	p1 =	por !p1, !p1  }
0x23b: {  	[tilespmem:s3+$0x2140] =	vst v0;
	s10 =	sshra.s32 s10, $0x7;
	s13 =	simm.s32 @!p1 $0x0  }
0x23c: {  	[tilespmem:s3+$0x1850] =	vst v3;
	s17 =	ssub.s32 s10, s13  }
0x23d: {  	[tilespmem:s3+$0x2150] =	vst v0;
	p1 =	slt.s32 s17, $0x0  }
.Ltmp10:
0x23e: {  	[tilespmem:s3+$0x1860] =	vst v3;
	(pc) =	sbr.rel @p1 .LBB2_15-.Ltmp10, $4  }
0x23f: {  	[tilespmem:s3+$0x2160] =	vst v0  }
0x240: {  	[tilespmem:s3+$0x1870] =	vst v3  }
0x241: {  	s25 =	simm.s32 $0x1800;
	[tilespmem:s3+$0x2170] =	vst v0  }
0x242: {  	[tilespmem:s20], [sflag:$0x1] =	stream.indirect.gather [hbm4b:s1+s30], $0x80, s25, s30, $0xb8;
	[tilespmem:$0x1EB80] =	vst v63  }
0x243: {  	p2 =	seq.s32 s17, $0x0  }
0x244: {  	s3 =	simm.s32 @!p2 $0x80;
	s10 =	simm.s32 @!p2 $0x1880;
	s13 =	simm.s32 @!p2 $0x6B80  }
0x245: {  	[tilespmem:s13], [sflag:$0x2] =	stream.indirect.gather @!p2 [hbm4b:s1+s3], $0x80, s10, s3, $0xb8;
	[tilespmem:$0x1EB80] =	vst v63  }
0x246: {  	_ =	swait.ge [sflag:s26], $0x4000  }
0x247: {  	[sflag:s26] =	ssyncset.done $0x0  }
0x248: {  	[sflag:s26] =	ssyncadd.s32 $0xFFFFC000  }
0x249: {  	v4 =	vld [tilespmem:$0x2100]  }
0x24a: {  	v5 =	vld [tilespmem:$0x2110]  }
0x24b: {  	v6 =	vld [tilespmem:$0x2120]  }
0x24c: {  	v7 =	vld [tilespmem:$0x2130]  }
0x24d: {  	v8 =	vld [tilespmem:$0x2140]  }
0x24e: {  	v63 =	vld [tilespmem:$0x2170];
	[tilespmem:$0x2A00] =	vst v4  }
0x24f: {  	v4 =	vld [tilespmem:$0x2150];
	[tilespmem:$0x2A10] =	vst v5  }
0x250: {  	v5 =	vld [tilespmem:$0x2160];
	[tilespmem:$0x2A20] =	vst v6  }
0x251: {  	[tilespmem:$0x2A30] =	vst v7  }
0x252: {  	[tilespmem:$0x2A40] =	vst v8  }
0x253: {  	p1 =	seq.s32 @!p2 s17, $0x1;
	[tilespmem:$0x2A70] =	vst v63  }
0x254: {  	p1 =	por p1, p2;
	[tilespmem:$0x2A50] =	vst v4  }
0x255: {  	s4 =	simm.s32 $0x2A00;
	s10 =	simm.s32 @!p1 $0x3;
	[tilespmem:$0x2A60] =	vst v5  }
0x256: {  	[spmem:s2] =	stream.indirect.scatter.add.f32 [tilespmem:s20], [sflag:$0x3], $0x80, s4, s30, $0xb8;
	[tilespmem:$0x1EB80] =	vst v63  }
0x257: {  	_ =	swait.ge @!p1 [sflag:s10], $0x4000  }
0x258: {  	s14 =	simm.s32 @!p1 $0x1900;
	[sflag:s10] =	ssyncset.done @!p1 $0x0  }
0x259: {  	s18 =	simm.s32 @!p1 $0x2B80;
	[sflag:s10] =	ssyncadd.s32 @!p1 $0xFFFFC000;
	s10 =	simm.s32 @!p1 $0x80  }
0x25a: {  	[tilespmem:s18], [sflag:$0x1] =	stream.indirect.gather @!p1 [hbm4b:s1+s10], $0x80, s14, s10, $0xb8;
	[tilespmem:$0x1EB80] =	vst v63  }
0x25b: {  	s10 =	simm.s32 @!p2 $0x2  }
0x25c: {  	_ =	swait.ge @!p2 [sflag:s10], $0x4000  }
0x25d: {  	[sflag:s10] =	ssyncset.done @!p2 $0x0  }
0x25e: {  	[sflag:s10] =	ssyncadd.s32 @!p2 $0xFFFFC000  }
0x25f: {  	v4 =	vld @!p2 [tilespmem:$0x2180]  }
0x260: {  	v5 =	vld @!p2 [tilespmem:$0x2190]  }
0x261: {  	v6 =	vld @!p2 [tilespmem:$0x21A0]  }
0x262: {  	v7 =	vld @!p2 [tilespmem:$0x21B0]  }
0x263: {  	v8 =	vld @!p2 [tilespmem:$0x21C0]  }
0x264: {  	[tilespmem:$0x2A80] =	vst @!p2 v4;
	v4 =	vld @!p2 [tilespmem:$0x21D0]  }
0x265: {  	[tilespmem:$0x2A90] =	vst @!p2 v5;
	v5 =	vld @!p2 [tilespmem:$0x21E0]  }
0x266: {  	[tilespmem:$0x2AA0] =	vst @!p2 v6;
	v6 =	vld @!p2 [tilespmem:$0x21F0]  }
0x267: {  	[tilespmem:$0x2AB0] =	vst @!p2 v7  }
.Ltmp11:
0x268: {  	[tilespmem:$0x2AC0] =	vst @!p2 v8;
	(pc) =	sbr.rel .LBB2_17-.Ltmp11, $4  }
0x269: {  	[tilespmem:$0x2AD0] =	vst @!p2 v4  }
0x26a: {  	p3 =	por @!p2 $0x1, $0x1;
	p1 =	por $0x0, $0x0;
	[tilespmem:$0x2AE0] =	vst @!p2 v5  }
0x26b: {  	p1 =	por @!p2 p3, p3;
	s10 =	simm.s32 @!p2 $0x2A80;
	[tilespmem:$0x2AF0] =	vst @!p2 v6  }
0x26c: {  	[spmem:s2] =	stream.indirect.scatter.add.f32 @!p2 [tilespmem:s13], [sflag:$0x4], $0x80, s10, s3, $0xb8;
	[tilespmem:$0x1EB80] =	vst v63  }
.LBB2_15:
0x26d: {  	p1 =	por $0x0, $0x0  }
.LBB2_17:
0x26e: {  	p2 =	slt.s32 s17, $0x2  }
0x26f: {  	p3 =	sle.u32 @!p2 s17, $0x2  }
0x270: {  	p3 =	por p3, p2  }
0x271: {  	s3 =	simm.s32 @!p3 $0x4  }
0x272: {  	_ =	swait.ge @!p3 [sflag:s3], $0x4000  }
0x273: {  	s13 =	simm.s32 @!p2 $0x1;
	s10 =	simm.s32 @!p3 $0x6B80;
	[sflag:s3] =	ssyncset.done @!p3 $0x0  }
0x274: {  	s14 =	simm.s32 @!p3 $0x1980;
	s18 =	simm.s32 @!p3 $0x80;
	[sflag:s3] =	ssyncadd.s32 @!p3 $0xFFFFC000  }
0x275: {  	[tilespmem:s10], [sflag:$0x2] =	stream.indirect.gather @!p3 [hbm4b:s1+s18], $0x80, s14, s18, $0xb8;
	[tilespmem:$0x1EB80] =	vst v63  }
0x276: {  	_ =	swait.ge @!p2 [sflag:s13], $0x4000  }
0x277: {  	[sflag:s13] =	ssyncset.done @!p2 $0x0  }
0x278: {  	s18 =	simm.s32 $0x22F0;
	[sflag:s13] =	ssyncadd.s32 @!p2 $0xFFFFC000  }
0x279: {  	v4 =	vld @!p2 [tilespmem:s18+$0xFFFFFF10];
	_ =	sdelay $0x4  }
0x27a: {  	[tilespmem:$0x2A00] =	vst @!p2 v4  }
0x27b: {  	v4 =	vld @!p2 [tilespmem:s18+$0xFFFFFF20];
	_ =	sdelay $0x4  }
0x27c: {  	[tilespmem:$0x2A10] =	vst @!p2 v4  }
0x27d: {  	v4 =	vld @!p2 [tilespmem:s18+$0xFFFFFF30];
	_ =	sdelay $0x4  }
0x27e: {  	[tilespmem:$0x2A20] =	vst @!p2 v4  }
0x27f: {  	v4 =	vld @!p2 [tilespmem:s18+$0xFFFFFF40];
	_ =	sdelay $0x4  }
0x280: {  	[tilespmem:$0x2A30] =	vst @!p2 v4  }
0x281: {  	v4 =	vld @!p2 [tilespmem:s18+$0xFFFFFF50];
	_ =	sdelay $0x4  }
0x282: {  	[tilespmem:$0x2A40] =	vst @!p2 v4  }
0x283: {  	v4 =	vld @!p2 [tilespmem:s18+$0xFFFFFF60];
	_ =	sdelay $0x4  }
0x284: {  	[tilespmem:$0x2A50] =	vst @!p2 v4  }
0x285: {  	v4 =	vld @!p2 [tilespmem:s18+$0xFFFFFF70];
	_ =	sdelay $0x4  }
0x286: {  	[tilespmem:$0x2A60] =	vst @!p2 v4  }
0x287: {  	v4 =	vld @!p2 [tilespmem:s18+$0xFFFFFF80];
	_ =	sdelay $0x1  }
0x288: {  	p4 =	sle.s32 s17, $0x2  }
0x289: {  	p3 =	slt.s32 @!p4 s17, $0x4  }
0x28a: {  	s3 =	simm.s32 @!p2 $0x2A00;
	p3 =	por p3, p4  }
0x28b: {  	s10 =	simm.s32 @!p2 $0x2B80;
	s14 =	simm.s32 @!p3 $0x3;
	s13 =	simm.s32 @!p2 $0x80;
	[tilespmem:$0x2A70] =	vst @!p2 v4  }
0x28c: {  	[spmem:s2] =	stream.indirect.scatter.add.f32 @!p2 [tilespmem:s10], [sflag:$0x3], $0x80, s3, s13, $0xb8;
	[tilespmem:$0x1EB80] =	vst v63  }
0x28d: {  	_ =	swait.ge @!p3 [sflag:s14], $0x4000  }
0x28e: {  	s3 =	simm.s32 $0x1A00;
	s10 =	simm.s32 @!p3 $0x80;
	[sflag:s14] =	ssyncset.done @!p3 $0x0  }
0x28f: {  	s13 =	simm.s32 @!p3 $0x2B80;
	[sflag:s14] =	ssyncadd.s32 @!p3 $0xFFFFC000;
	s14 =	simm.s32 @!p4 $0x2  }
0x290: {  	[tilespmem:s13], [sflag:$0x1] =	stream.indirect.gather @!p3 [hbm4b:s1+s10], $0x80, s3, s10, $0xb8;
	[tilespmem:$0x1EB80] =	vst v63  }
0x291: {  	_ =	swait.ge @!p4 [sflag:s14], $0x4000  }
0x292: {  	[sflag:s14] =	ssyncset.done @!p4 $0x0  }
0x293: {  	[sflag:s14] =	ssyncadd.s32 @!p4 $0xFFFFC000  }
0x294: {  	v4 =	vld @!p4 [tilespmem:s18+$0xFFFFFF90];
	_ =	sdelay $0x4  }
0x295: {  	[tilespmem:$0x2A80] =	vst @!p4 v4  }
0x296: {  	v4 =	vld @!p4 [tilespmem:s18+$0xFFFFFFA0];
	_ =	sdelay $0x4  }
0x297: {  	[tilespmem:$0x2A90] =	vst @!p4 v4  }
0x298: {  	v4 =	vld @!p4 [tilespmem:s18+$0xFFFFFFB0];
	_ =	sdelay $0x4  }
0x299: {  	[tilespmem:$0x2AA0] =	vst @!p4 v4  }
0x29a: {  	v4 =	vld @!p4 [tilespmem:s18+$0xFFFFFFC0];
	_ =	sdelay $0x4  }
0x29b: {  	[tilespmem:$0x2AB0] =	vst @!p4 v4  }
0x29c: {  	v4 =	vld @!p4 [tilespmem:s18+$0xFFFFFFD0];
	_ =	sdelay $0x4  }
0x29d: {  	[tilespmem:$0x2AC0] =	vst @!p4 v4  }
0x29e: {  	v4 =	vld @!p4 [tilespmem:s18+$0xFFFFFFE0];
	_ =	sdelay $0x4  }
0x29f: {  	[tilespmem:$0x2AD0] =	vst @!p4 v4  }
0x2a0: {  	v4 =	vld @!p4 [tilespmem:s18+$0xFFFFFFF0];
	_ =	sdelay $0x4  }
0x2a1: {  	s24 =	simm.s32 $0x6;
	[tilespmem:$0x2AE0] =	vst @!p4 v4  }
0x2a2: {  	s25 =	simm.s32 $0x8;
	s19 =	simm.s32 $0x1B00;
	p3 =	slt.s32 s17, $0x4;
	v4 =	vld @!p4 [tilespmem:s18+$0x0]  }
0x2a3: {  	s21 =	simm.s32 @!p4 $0x2A80;
	s3 =	simm.s32 @!p4 $0x80;
	p2 =	sle.u32 @!p3 s17, $0x4  }
0x2a4: {  	s10 =	simm.s32 $0x4;
	p5 =	por p2, p3;
	s14 =	simm.s32 @!p4 $0x6B80  }
.LBB2_18:
0x2a5: {  	s4 =	simm.s32 @!p5 $0x4  }
0x2a6: {  	s18 =	sadd.s32 $0x100, s18;
	s13 =	smov.u32 s25;
	s25 =	sadd.s32 $0x2, s25  }
0x2a7: {  	p2 =	sne.s32 s25, $0x14;
	[tilespmem:$0x2AF0] =	vst @!p4 v4  }
0x2a8: {  	[spmem:s2] =	stream.indirect.scatter.add.f32 @!p4 [tilespmem:s14], [sflag:$0x4], $0x80, s21, s3, $0xb8;
	[tilespmem:$0x1EB80] =	vst v63  }
0x2a9: {  	s3 =	simm.s32 @!p5 $0x6B80;
	s14 =	simm.s32 @!p3 $0x1;
	_ =	swait.ge @!p5 [sflag:s4], $0x4000  }
0x2aa: {  	s6 =	simm.s32 @!p5 $0x80;
	s21 =	sadd.s32 @!p5 $0xFFFFFF80, s19;
	[sflag:s4] =	ssyncset.done @!p5 $0x0  }
0x2ab: {  	[sflag:s4] =	ssyncadd.s32 @!p5 $0xFFFFC000  }
0x2ac: {  	[tilespmem:s3], [sflag:$0x2] =	stream.indirect.gather @!p5 [hbm4b:s1+s6], $0x80, s21, s6, $0xb8;
	[tilespmem:$0x1EB80] =	vst v63  }
0x2ad: {  	_ =	swait.ge @!p3 [sflag:s14], $0x4000  }
0x2ae: {  	[sflag:s14] =	ssyncset.done @!p3 $0x0  }
0x2af: {  	[sflag:s14] =	ssyncadd.s32 @!p3 $0xFFFFC000  }
0x2b0: {  	v4 =	vld @!p3 [tilespmem:s18+$0xFFFFFF10];
	_ =	sdelay $0x4  }
0x2b1: {  	[tilespmem:$0x2A00] =	vst @!p3 v4  }
0x2b2: {  	v4 =	vld @!p3 [tilespmem:s18+$0xFFFFFF20];
	_ =	sdelay $0x4  }
0x2b3: {  	[tilespmem:$0x2A10] =	vst @!p3 v4  }
0x2b4: {  	v4 =	vld @!p3 [tilespmem:s18+$0xFFFFFF30];
	_ =	sdelay $0x4  }
0x2b5: {  	[tilespmem:$0x2A20] =	vst @!p3 v4  }
0x2b6: {  	v4 =	vld @!p3 [tilespmem:s18+$0xFFFFFF40];
	_ =	sdelay $0x4  }
0x2b7: {  	[tilespmem:$0x2A30] =	vst @!p3 v4  }
0x2b8: {  	v4 =	vld @!p3 [tilespmem:s18+$0xFFFFFF50];
	_ =	sdelay $0x4  }
0x2b9: {  	[tilespmem:$0x2A40] =	vst @!p3 v4  }
0x2ba: {  	v4 =	vld @!p3 [tilespmem:s18+$0xFFFFFF60];
	_ =	sdelay $0x4  }
0x2bb: {  	[tilespmem:$0x2A50] =	vst @!p3 v4  }
0x2bc: {  	v4 =	vld @!p3 [tilespmem:s18+$0xFFFFFF70];
	_ =	sdelay $0x4  }
0x2bd: {  	[tilespmem:$0x2A60] =	vst @!p3 v4  }
0x2be: {  	v4 =	vld @!p3 [tilespmem:s18+$0xFFFFFF80];
	_ =	sdelay $0x1  }
0x2bf: {  	p4 =	sge.s32 s10, s17;
	s4 =	simm.s32 @!p3 $0x2A00;
	s6 =	simm.s32 @!p3 $0x2B80  }
0x2c0: {  	p5 =	sgt.s32 @!p4 s24, s17;
	s3 =	simm.s32 @!p4 $0x80;
	s21 =	simm.s32 @!p4 $0x2A80  }
0x2c1: {  	s10 =	simm.s32 @!p3 $0x80;
	p5 =	por p5, p4;
	s14 =	simm.s32 @!p4 $0x6B80  }
0x2c2: {  	s24 =	smov.u32 s13;
	s7 =	simm.s32 @!p5 $0x3;
	[tilespmem:$0x2A70] =	vst @!p3 v4  }
0x2c3: {  	[spmem:s2] =	stream.indirect.scatter.add.f32 @!p3 [tilespmem:s6], [sflag:$0x3], $0x80, s4, s10, $0xb8;
	[tilespmem:$0x1EB80] =	vst v63  }
0x2c4: {  	_ =	swait.ge @!p5 [sflag:s7], $0x4000  }
0x2c5: {  	s4 =	simm.s32 @!p5 $0x80;
	s6 =	simm.s32 @!p5 $0x2B80;
	[sflag:s7] =	ssyncset.done @!p5 $0x0  }
0x2c6: {  	[sflag:s7] =	ssyncadd.s32 @!p5 $0xFFFFC000;
	s7 =	simm.s32 @!p4 $0x2  }
0x2c7: {  	[tilespmem:s6], [sflag:$0x1] =	stream.indirect.gather @!p5 [hbm4b:s1+s4], $0x80, s19, s4, $0xb8;
	[tilespmem:$0x1EB80] =	vst v63  }
0x2c8: {  	_ =	swait.ge @!p4 [sflag:s7], $0x4000  }
0x2c9: {  	[sflag:s7] =	ssyncset.done @!p4 $0x0  }
0x2ca: {  	[sflag:s7] =	ssyncadd.s32 @!p4 $0xFFFFC000  }
0x2cb: {  	v4 =	vld @!p4 [tilespmem:s18+$0xFFFFFF90];
	_ =	sdelay $0x4  }
0x2cc: {  	[tilespmem:$0x2A80] =	vst @!p4 v4  }
0x2cd: {  	v4 =	vld @!p4 [tilespmem:s18+$0xFFFFFFA0];
	_ =	sdelay $0x4  }
0x2ce: {  	[tilespmem:$0x2A90] =	vst @!p4 v4  }
0x2cf: {  	v4 =	vld @!p4 [tilespmem:s18+$0xFFFFFFB0];
	_ =	sdelay $0x4  }
0x2d0: {  	[tilespmem:$0x2AA0] =	vst @!p4 v4  }
0x2d1: {  	v4 =	vld @!p4 [tilespmem:s18+$0xFFFFFFC0];
	_ =	sdelay $0x4  }
0x2d2: {  	[tilespmem:$0x2AB0] =	vst @!p4 v4  }
0x2d3: {  	v4 =	vld @!p4 [tilespmem:s18+$0xFFFFFFD0];
	_ =	sdelay $0x4  }
0x2d4: {  	[tilespmem:$0x2AC0] =	vst @!p4 v4  }
0x2d5: {  	v4 =	vld @!p4 [tilespmem:s18+$0xFFFFFFE0];
	_ =	sdelay $0x4  }
0x2d6: {  	[tilespmem:$0x2AD0] =	vst @!p4 v4  }
0x2d7: {  	v4 =	vld @!p4 [tilespmem:s18+$0xFFFFFFF0];
	_ =	sdelay $0x4  }
.Ltmp12:
0x2d8: {  	[tilespmem:$0x2AE0] =	vst @!p4 v4;
	(pc) =	sbr.rel @p2 .LBB2_18-.Ltmp12, $4  }
0x2d9: {  	s10 =	sadd.s32 $0xFFFFFFFE, s24;
	v4 =	vld @!p4 [tilespmem:s18+$0x0]  }
0x2da: {  	p3 =	sgt.s32 s10, s17  }
0x2db: {  	p5 =	sge.u32 @!p3 s10, s17  }
0x2dc: {  	s19 =	sadd.s32 $0x100, s19;
	p5 =	por p5, p3  }
0x2dd: {  	_ = 	snop  }
0x2de: {  	s4 =	simm.s32 @!p5 $0x4;
	[tilespmem:$0x2AF0] =	vst @!p4 v4  }
0x2df: {  	[spmem:s2] =	stream.indirect.scatter.add.f32 @!p4 [tilespmem:s14], [sflag:$0x4], $0x80, s21, s3, $0xb8;
	[tilespmem:$0x1EB80] =	vst v63  }
0x2e0: {  	_ =	swait.ge @!p5 [sflag:s4], $0x4000  }
0x2e1: {  	s6 =	simm.s32 @!p3 $0x1;
	s7 =	sadd.s32 @!p5 $0xFFFFFF80, s19;
	[sflag:s4] =	ssyncset.done @!p5 $0x0  }
0x2e2: {  	s13 =	simm.s32 @!p5 $0x80;
	s3 =	simm.s32 @!p5 $0x6B80;
	[sflag:s4] =	ssyncadd.s32 @!p5 $0xFFFFC000  }
0x2e3: {  	[tilespmem:s3], [sflag:$0x2] =	stream.indirect.gather @!p5 [hbm4b:s1+s13], $0x80, s7, s13, $0xb8;
	[tilespmem:$0x1EB80] =	vst v63  }
0x2e4: {  	_ =	swait.ge @!p3 [sflag:s6], $0x4000  }
0x2e5: {  	[sflag:s6] =	ssyncset.done @!p3 $0x0  }
0x2e6: {  	s3 =	sadd.s32 $0x100, s18;
	[sflag:s6] =	ssyncadd.s32 @!p3 $0xFFFFC000  }
0x2e7: {  	v4 =	vld @!p3 [tilespmem:s3+$0xFFFFFF10];
	_ =	sdelay $0x4  }
0x2e8: {  	[tilespmem:$0x2A00] =	vst @!p3 v4  }
0x2e9: {  	v4 =	vld @!p3 [tilespmem:s3+$0xFFFFFF20];
	_ =	sdelay $0x4  }
0x2ea: {  	[tilespmem:$0x2A10] =	vst @!p3 v4  }
0x2eb: {  	v4 =	vld @!p3 [tilespmem:s3+$0xFFFFFF30];
	_ =	sdelay $0x4  }
0x2ec: {  	[tilespmem:$0x2A20] =	vst @!p3 v4  }
0x2ed: {  	v4 =	vld @!p3 [tilespmem:s3+$0xFFFFFF40];
	_ =	sdelay $0x4  }
0x2ee: {  	[tilespmem:$0x2A30] =	vst @!p3 v4  }
0x2ef: {  	v4 =	vld @!p3 [tilespmem:s3+$0xFFFFFF50];
	_ =	sdelay $0x4  }
0x2f0: {  	[tilespmem:$0x2A40] =	vst @!p3 v4  }
0x2f1: {  	v4 =	vld @!p3 [tilespmem:s3+$0xFFFFFF60];
	_ =	sdelay $0x4  }
0x2f2: {  	[tilespmem:$0x2A50] =	vst @!p3 v4  }
0x2f3: {  	v4 =	vld @!p3 [tilespmem:s3+$0xFFFFFF70];
	_ =	sdelay $0x4  }
0x2f4: {  	[tilespmem:$0x2A60] =	vst @!p3 v4  }
0x2f5: {  	v4 =	vld @!p3 [tilespmem:s3+$0xFFFFFF80]  }
0x2f6: {  	p2 =	sge.s32 s10, s17  }
0x2f7: {  	p4 =	sgt.s32 @!p2 s24, s17  }
0x2f8: {  	p4 =	por p4, p2  }
0x2f9: {  	s10 =	simm.s32 @!p4 $0x3  }
0x2fa: {  	s4 =	simm.s32 @!p3 $0x2A00;
	s7 =	simm.s32 @!p3 $0x80;
	s6 =	simm.s32 @!p3 $0x2B80;
	[tilespmem:$0x2A70] =	vst @!p3 v4  }
0x2fb: {  	[spmem:s2] =	stream.indirect.scatter.add.f32 @!p3 [tilespmem:s6], [sflag:$0x3], $0x80, s4, s7, $0xb8;
	[tilespmem:$0x1EB80] =	vst v63  }
0x2fc: {  	_ =	swait.ge @!p4 [sflag:s10], $0x4000  }
0x2fd: {  	s4 =	simm.s32 @!p4 $0x80;
	[sflag:s10] =	ssyncset.done @!p4 $0x0  }
0x2fe: {  	s6 =	simm.s32 @!p4 $0x2B80;
	s7 =	simm.s32 @!p2 $0x2;
	[sflag:s10] =	ssyncadd.s32 @!p4 $0xFFFFC000  }
0x2ff: {  	[tilespmem:s6], [sflag:$0x1] =	stream.indirect.gather @!p4 [hbm4b:s1+s4], $0x80, s19, s4, $0xb8;
	[tilespmem:$0x1EB80] =	vst v63  }
0x300: {  	_ =	swait.ge @!p2 [sflag:s7], $0x4000  }
0x301: {  	[sflag:s7] =	ssyncset.done @!p2 $0x0  }
0x302: {  	[sflag:s7] =	ssyncadd.s32 @!p2 $0xFFFFC000  }
0x303: {  	v4 =	vld @!p2 [tilespmem:s3+$0xFFFFFF90];
	_ =	sdelay $0x4  }
0x304: {  	[tilespmem:$0x2A80] =	vst @!p2 v4  }
0x305: {  	v4 =	vld @!p2 [tilespmem:s3+$0xFFFFFFA0];
	_ =	sdelay $0x4  }
0x306: {  	[tilespmem:$0x2A90] =	vst @!p2 v4  }
0x307: {  	v4 =	vld @!p2 [tilespmem:s3+$0xFFFFFFB0];
	_ =	sdelay $0x4  }
0x308: {  	[tilespmem:$0x2AA0] =	vst @!p2 v4  }
0x309: {  	v4 =	vld @!p2 [tilespmem:s3+$0xFFFFFFC0];
	_ =	sdelay $0x4  }
0x30a: {  	[tilespmem:$0x2AB0] =	vst @!p2 v4  }
0x30b: {  	v4 =	vld @!p2 [tilespmem:s3+$0xFFFFFFD0];
	_ =	sdelay $0x4  }
0x30c: {  	[tilespmem:$0x2AC0] =	vst @!p2 v4  }
0x30d: {  	v4 =	vld @!p2 [tilespmem:s3+$0xFFFFFFE0];
	_ =	sdelay $0x4  }
0x30e: {  	[tilespmem:$0x2AD0] =	vst @!p2 v4  }
0x30f: {  	v4 =	vld @!p2 [tilespmem:s3+$0xFFFFFFF0];
	_ =	sdelay $0x4  }
0x310: {  	[tilespmem:$0x2AE0] =	vst @!p2 v4  }
0x311: {  	v4 =	vld @!p2 [tilespmem:s3+$0x0];
	_ =	sdelay $0x2  }
.Ltmp13:
0x312: {  	_ = 	snop;
	(pc) =	sbr.rel @!p1 .LBB2_23-.Ltmp13, $4  }
0x313: {  	s25 =	sand.u32 $0x1, s17  }
0x314: {  	s4 =	simm.s32 @!p2 $0x2A80;
	s6 =	simm.s32 @!p2 $0x6B80;
	s3 =	simm.s32 @!p2 $0x80;
	[tilespmem:$0x2AF0] =	vst @!p2 v4  }
0x315: {  	[spmem:s2] =	stream.indirect.scatter.add.f32 @!p2 [tilespmem:s6], [sflag:$0x4], $0x80, s4, s3, $0xb8;
	[tilespmem:$0x1EB80] =	vst v63  }
0x316: {  	p2 =	seq.s32 s25, $0x1  }
.Ltmp14:
0x317: {  	(pc) =	sbr.rel @p2 .LBB2_21-.Ltmp14, $1  }
0x318: {  	_ =	sdelay $0x3  }
.Ltmp15:
0x319: {  	(pc) =	sbr.rel .LBB2_25-.Ltmp15, $4  }
0x31a: {  	_ = 	snop  }
0x31b: {  	_ =	swait.ge [sflag:s5], $0x4000  }
0x31c: {  	[sflag:s5] =	ssyncset.done $0x0  }
0x31d: {  	s3 =	simm.s32 $0x3;
	[sflag:s5] =	ssyncadd.s32 $0xFFFFC000  }
.LBB2_23:
.Ltmp16:
0x31e: {  	(pc) =	sbr.rel @!p2 .LBB2_25-.Ltmp16, $4  }
.Ltmp17:
0x31f: {  	(pc) =	sbr.rel @p2 .LBB2_24-.Ltmp17, $4  }
0x320: {  	_ = 	snop  }
0x321: {  	_ = 	snop  }
0x322: {  	s3 =	simm.s32 $0x3  }
0x323: {  	_ = 	snop  }
.LBB2_27:
0x324: {  	_ =	sfence.sel $0x180000  }
0x325: {  	[bflag:$0x0] =	sbarrier.arrive $0xFFFF  }
0x326: {  	_ =	strace $0x90000047  }
0x327: {  	s0 =	stileid.u32;
	[bflag:$0x2] =	sbarrier.arrive $0xFFFF  }
0x328: {  	p0 =	sne.s32 s0, $0x0;
	s0 =	rddreg [dreg:$0x3]  }
0x329: {  	s0 =	sadd.s32 @!p0 $0x100000, s0  }
0x32a: {  	[sflag:s0] =	ssyncadd.tile.s32 @!p0 $0x1;
	_ =	shalt  }
.Lfunc_end2:
_tile_overlayer_lowered:
.L_overlay_start_2:
0x32b: {  	(tag) =	ssettag $0x2  }
0x32c: {  	s0 =	rddreg [dreg:$0x0];
	s2 =	stileid.u32  }
0x32d: {  	s1 =	rddreg [dreg:$0x1];
	p0 =	sne.s32 s2, $0x0  }
0x32e: {  	s3 =	rddreg [dreg:$0x2];
	[bflag:$0x3] =	sbarrier.arrive $0xFFFF;
	s2 =	simm.s32 @!p0 $0x1C05  }
0x32f: {  	[timem:s3], [sflag:s2] =	dma.local @!p0 [hbm:s0], s1  }
0x330: {  	s0 =	simm.s32 @!p0 $0x5  }
0x331: {  	_ =	swait.ge @!p0 [sflag:s0], s1  }
0x332: {  	s1 =	ssub.s32 @!p0 $0x0, s1;
	[sflag:s0] =	ssyncset.done @!p0 $0x0  }
0x333: {  	[sflag:s0] =	ssyncadd.s32 @!p0 s1  }
0x334: {  	[bflag:$0x3] =	sbarrier.arrive $0xFFFF  }
0x335: {  	_ =	shalt  }

</sc_bundles>
